<compile_context>
chip_gen: v7x
topology: tpu7x:2x2x1
jax: 0.10.2.dev20260603
libtpu: 0.0.44.dev20260713+nightly
codegen_flags: <defaults>
</compile_context>

<pallas_src>
import functools

import jax
import jax.numpy as jnp
from jax import lax
from jax.experimental import pallas as pl
from jax.experimental.pallas import tpu as pltpu
from jax.experimental.pallas import tpu_sc as plsc

D_MODEL = 1024
D_INNER = 4096
N_EXPERTS = 8
TOP_K = 2

N_TOK = 8192
_GM = 512
_BM = 512
_NB = (N_TOK * TOP_K + N_EXPERTS * (_BM - 1) + _BM - 1) // _BM
_NSLOT = _NB * _BM
_NW = 32


def _cumsum0(a):
    n = a.shape[0]
    k = 1
    while k < n:
        a = a + jnp.pad(a, ((k, 0), (0, 0)))[:n]
        k *= 2
    return a


def _pack_pair(a, b):
    au = lax.bitcast_convert_type(a, jnp.uint32)
    bu = lax.bitcast_convert_type(b, jnp.uint32)
    ar = (au + 0x8000) >> 16
    br = (bu + 0x8000) & jnp.uint32(0xFFFF0000)
    return lax.bitcast_convert_type(ar | br, jnp.int32)


def _unpack_pair(w):
    wu = lax.bitcast_convert_type(w, jnp.uint32)
    lo = lax.bitcast_convert_type(wu << 16, jnp.float32)
    hi = lax.bitcast_convert_type(wu & jnp.uint32(0xFFFF0000), jnp.float32)
    return lo, hi


def _gating_body(x_ref, wg_ref, bg_ref,
                 top2_ref, var_ref, xp_ref, pos_ref, cnt_ref,
                 sum_ref, sq_ref, run_ref):
    i = pl.program_id(0)
    nt = pl.num_programs(0)
    x = x_ref[...]
    xp_ref[...] = _pack_pair(x[:, :D_MODEL // 2], x[:, D_MODEL // 2:])
    logits = jnp.dot(x, wg_ref[...], preferred_element_type=jnp.float32)
    logits = logits + bg_ref[...]
    m = jnp.max(logits, axis=1, keepdims=True)
    e = jnp.exp(logits - m)
    p = e / jnp.sum(e, axis=1, keepdims=True)
    col = jax.lax.broadcasted_iota(jnp.int32, p.shape, 1)
    p1 = jnp.max(p, axis=1, keepdims=True)
    i1 = jnp.min(jnp.where(p == p1, col, N_EXPERTS), axis=1, keepdims=True)
    pm = jnp.where(col == i1, -jnp.inf, p)
    p2 = jnp.max(pm, axis=1, keepdims=True)
    i2 = jnp.min(jnp.where(pm == p2, col, N_EXPERTS), axis=1, keepdims=True)
    top2_ref[...] = jnp.concatenate([i1, i2], axis=1)

    @pl.when(i == 0)
    def _():
        sum_ref[...] = jnp.zeros_like(sum_ref)
        sq_ref[...] = jnp.zeros_like(sq_ref)
        run_ref[...] = jnp.zeros_like(run_ref)

    sum_ref[...] += jnp.sum(p, axis=0, keepdims=True)
    sq_ref[...] += jnp.sum(p * p, axis=0, keepdims=True)

    oh = (col == i1).astype(jnp.int32) + (col == i2).astype(jnp.int32)
    cum = _cumsum0(oh)
    base = run_ref[...] + (cum - oh)
    pos0 = jnp.sum(jnp.where(col == i1, base, 0), axis=1, keepdims=True)
    pos1 = jnp.sum(jnp.where(col == i2, base, 0), axis=1, keepdims=True)
    pos_ref[...] = jnp.concatenate([pos0, pos1], axis=1)
    run_ref[...] += jnp.sum(oh, axis=0, keepdims=True)

    @pl.when(i == nt - 1)
    def _():
        n = nt * _GM
        mean = sum_ref[...] / n
        var_ref[...] = (sq_ref[...] - n * mean * mean) / (n - 1)
        cnt_ref[...] = run_ref[...]


def _gating(flat, Wg, bg):
    grid = (N_TOK // _GM,)
    return pl.pallas_call(
        _gating_body,
        grid=grid,
        in_specs=[
            pl.BlockSpec((_GM, D_MODEL), lambda i: (i, 0)),
            pl.BlockSpec((D_MODEL, N_EXPERTS), lambda i: (0, 0)),
            pl.BlockSpec((1, N_EXPERTS), lambda i: (0, 0)),
        ],
        out_specs=[
            pl.BlockSpec((_GM, TOP_K), lambda i: (i, 0)),
            pl.BlockSpec((1, N_EXPERTS), lambda i: (0, 0)),
            pl.BlockSpec((_GM, D_MODEL // 2), lambda i: (i, 0)),
            pl.BlockSpec((_GM, TOP_K), lambda i: (i, 0)),
            pl.BlockSpec((1, N_EXPERTS), lambda i: (0, 0)),
        ],
        out_shape=[
            jax.ShapeDtypeStruct((N_TOK, TOP_K), jnp.int32),
            jax.ShapeDtypeStruct((1, N_EXPERTS), jnp.float32),
            jax.ShapeDtypeStruct((N_TOK, D_MODEL // 2), jnp.int32),
            jax.ShapeDtypeStruct((N_TOK, TOP_K), jnp.int32),
            jax.ShapeDtypeStruct((1, N_EXPERTS), jnp.int32),
        ],
        scratch_shapes=[
            pltpu.VMEM((1, N_EXPERTS), jnp.float32),
            pltpu.VMEM((1, N_EXPERTS), jnp.float32),
            pltpu.VMEM((1, N_EXPERTS), jnp.int32),
        ],
    )(flat, Wg, bg.reshape(1, N_EXPERTS))


_CH2 = 64
_CH4 = 8


@functools.cache
def _make_dispatch_scatter():
    mesh = plsc.VectorSubcoreMesh(core_axis_name="c", subcore_axis_name="s")

    nchunk = N_TOK // 16 // _CH2

    @functools.partial(
        pl.kernel,
        mesh=mesh,
        out_type=jax.ShapeDtypeStruct((_NSLOT, D_MODEL // 2), jnp.int32),
        scratch_types=[
            pltpu.VMEM((_CH2,), jnp.int32),
            pltpu.VMEM((_CH2,), jnp.int32),
            pltpu.VMEM((_CH2, D_MODEL // 2), jnp.int32),
            pltpu.VMEM((_CH2, D_MODEL // 2), jnp.int32),
            pltpu.SemaphoreType.DMA,
            pltpu.SemaphoreType.DMA,
        ],
    )
    def k(flat_hbm, dest_hbm, xs_hbm, didx0_v, didx1_v, rows0_v, rows1_v,
          sem0, sem1):
        c = lax.axis_index("c")
        s = lax.axis_index("s")
        wid = s * 2 + c
        half = wid // 16
        seg = wid % 16
        base = seg * (N_TOK // 16)
        didx = (didx0_v, didx1_v)
        rows = (rows0_v, rows1_v)
        sems = (sem0, sem1)
        hs = [None, None]

        def load(j, r):
            off = base + j * _CH2
            pltpu.sync_copy(flat_hbm.at[pl.ds(off, _CH2)], rows[r])
            pltpu.sync_copy(dest_hbm.at[pl.ds(half * N_TOK + off, _CH2)],
                            didx[r])

        load(0, 0)
        for j in range(nchunk):
            r = j % 2
            hs[r] = pltpu.async_copy(rows[r], xs_hbm.at[didx[r]], sems[r])
            if j + 1 < nchunk:
                if hs[1 - r] is not None:
                    hs[1 - r].wait()
                load(j + 1, 1 - r)
        hs[(nchunk - 1) % 2].wait()
        if hs[nchunk % 2] is not None:
            hs[nchunk % 2].wait()

    return k


def _wcast_body(w_ref, o_ref):
    o_ref[...] = w_ref[...].astype(jnp.bfloat16)


def _wcast(We):
    return pl.pallas_call(
        _wcast_body,
        grid=(N_EXPERTS * 2,),
        in_specs=[pl.BlockSpec((1, D_MODEL // 2, D_INNER),
                               lambda i: (i // 2, i % 2, 0))],
        out_specs=pl.BlockSpec((1, D_MODEL // 2, D_INNER),
                               lambda i: (i // 2, i % 2, 0)),
        out_shape=jax.ShapeDtypeStruct((N_EXPERTS, D_MODEL, D_INNER),
                                       jnp.bfloat16),
    )(We)


def _gmm_body(be_map_ref, xs_ref, w_ref, b_ref, ys_ref):
    xlo, xhi = _unpack_pair(xs_ref[...])
    xbf = jnp.concatenate([xlo, xhi], axis=1).astype(jnp.bfloat16)
    acc = jnp.dot(xbf, w_ref[0], preferred_element_type=jnp.float32)
    acc = acc + b_ref[0]
    ys_ref[...] = _pack_pair(acc[:, :D_INNER // 2], acc[:, D_INNER // 2:])


def _gmm(block_expert, xs, We_bf, be):
    grid_spec = pltpu.PrefetchScalarGridSpec(
        num_scalar_prefetch=1,
        grid=(_NB,),
        in_specs=[
            pl.BlockSpec((_BM, D_MODEL // 2), lambda b, bm: (b, 0)),
            pl.BlockSpec((1, D_MODEL, D_INNER), lambda b, bm: (bm[b], 0, 0)),
            pl.BlockSpec((1, 1, D_INNER), lambda b, bm: (bm[b], 0, 0)),
        ],
        out_specs=pl.BlockSpec((_BM, D_INNER // 2), lambda b, bm: (b, 0)),
    )
    return pl.pallas_call(
        _gmm_body,
        grid_spec=grid_spec,
        out_shape=jax.ShapeDtypeStruct((_NSLOT, D_INNER // 2), jnp.int32),
        compiler_params=pltpu.CompilerParams(
            dimension_semantics=("arbitrary",),
        ),
    )(block_expert, xs, We_bf, be.reshape(N_EXPERTS, 1, D_INNER))


@functools.cache
def _make_pair_gather():
    mesh = plsc.VectorSubcoreMesh(core_axis_name="c", subcore_axis_name="s")
    per_w = N_TOK // _NW
    chunks = [24] * 10 + [16]
    cmax = max(chunks)

    @functools.partial(
        pl.kernel,
        mesh=mesh,
        out_type=[
            jax.ShapeDtypeStruct((N_TOK, D_INNER // 2), jnp.int32),
            jax.ShapeDtypeStruct((N_TOK, D_INNER // 2), jnp.int32),
        ],
        scratch_types=[
            pltpu.VMEM((cmax,), jnp.int32),
            pltpu.VMEM((cmax,), jnp.int32),
            pltpu.VMEM((cmax,), jnp.int32),
            pltpu.VMEM((cmax,), jnp.int32),
            pltpu.VMEM((cmax, D_INNER // 2), jnp.int32),
            pltpu.VMEM((cmax, D_INNER // 2), jnp.int32),
            pltpu.SemaphoreType.DMA,
            pltpu.SemaphoreType.DMA,
        ],
    )
    def k(ys_hbm, dest_hbm, y0_hbm, y1_hbm,
          idx0_v, idx0b_v, idx1_v, idx1b_v, b0_v, b1_v, sg, sw):
        c = lax.axis_index("c")
        s = lax.axis_index("s")
        wid = s * 2 + c
        base = wid * per_w
        off = 0
        hw = None
        for ch in chunks:
            o = base + off
            pltpu.sync_copy(dest_hbm.at[pl.ds(o, ch)],
                            idx0_v.at[pl.ds(0, ch)])
            pltpu.sync_copy(dest_hbm.at[pl.ds(N_TOK + o, ch)],
                            idx1_v.at[pl.ds(0, ch)])
            if hw is not None:
                hw[0].wait()
                hw[1].wait()
            cp0 = pltpu.async_copy(ys_hbm.at[idx0_v.at[pl.ds(0, ch)]],
                                   b0_v.at[pl.ds(0, ch)], sg)
            cp1 = pltpu.async_copy(ys_hbm.at[idx1_v.at[pl.ds(0, ch)]],
                                   b1_v.at[pl.ds(0, ch)], sg)
            cp0.wait()
            cp1.wait()
            hw = (
                pltpu.async_copy(b0_v.at[pl.ds(0, ch)],
                                 y0_hbm.at[pl.ds(o, ch)], sw),
                pltpu.async_copy(b1_v.at[pl.ds(0, ch)],
                                 y1_hbm.at[pl.ds(o, ch)], sw),
            )
            off += ch
        hw[0].wait()
        hw[1].wait()

    return k


def _combine_body(y0_ref, y1_ref, out_ref):
    lo0, hi0 = _unpack_pair(y0_ref[...])
    lo1, hi1 = _unpack_pair(y1_ref[...])
    out_ref[...] = jnp.concatenate(
        [lo0 + lo1, hi0 + hi1], axis=1) * (1.0 / TOP_K)


def _combine(y0, y1):
    bm = 512
    return pl.pallas_call(
        _combine_body,
        grid=(N_TOK // bm,),
        in_specs=[
            pl.BlockSpec((bm, D_INNER // 2), lambda i: (i, 0)),
            pl.BlockSpec((bm, D_INNER // 2), lambda i: (i, 0)),
        ],
        out_specs=pl.BlockSpec((bm, D_INNER), lambda i: (i, 0)),
        out_shape=jax.ShapeDtypeStruct((N_TOK, D_INNER), jnp.float32),
    )(y0, y1)


def kernel(sequences, We, be, Wg, bg):
    N, P, D = sequences.shape
    flat = sequences.reshape(-1, D)
    top2, var, flat_p, pos, counts = _gating(flat, Wg, bg)

    counts = counts.reshape(N_EXPERTS)
    padded = ((counts + _BM - 1) // _BM) * _BM
    cum = jnp.cumsum(padded)
    pstart = cum - padded
    dest = pstart[top2] + pos
    dest_flat = dest.T.reshape(-1)
    starts = jnp.arange(_NB, dtype=jnp.int32) * _BM
    block_expert = jnp.minimum(
        jnp.sum((starts[:, None] >= cum[None, :]).astype(jnp.int32), axis=1),
        N_EXPERTS - 1).astype(jnp.int32)

    We_bf = _wcast(We)
    xs = _make_dispatch_scatter()(flat_p, dest_flat)
    ys = _gmm(block_expert, xs, We_bf, be)
    y0, y1 = _make_pair_gather()(ys, dest_flat)
    out = _combine(y0, y1)
    return (out.reshape(N, P, -1), var.reshape(N_EXPERTS))

# --- scband reference (transcript-rebuilt; emitter-appended) ---
"""Pipeline reference for scband-sparse-mo-e-10720238371033 (READ-ONLY COPY).

The authoritative reference and input builder live on the scoring server;
editing this copy changes nothing except your own understanding.
"""

import jax, jax.numpy as jnp
import numpy as np

D_MODEL = 1024
D_INNER = 4096
N_EXPERTS = 8
TOP_K = 2


def setup_inputs(seed: int = 0) -> dict:
    key = jax.random.key(seed)
    k1, k2, k3, k4 = jax.random.split(key, 4)
    sequences = jax.random.normal(k1, (4, 2048, D_MODEL), dtype=jnp.float32)
    # expert weights: xavier_uniform init, bias zeros (per reset_parameters)
    bound = float(np.sqrt(6.0 / (D_MODEL + D_INNER)))
    We = jax.random.uniform(k2, (N_EXPERTS, D_MODEL, D_INNER), minval=-bound, maxval=bound, dtype=jnp.float32)
    be = jnp.zeros((N_EXPERTS, D_INNER), dtype=jnp.float32)
    # gating linear: default nn.Linear init ~ U(-1/sqrt(fan_in), 1/sqrt(fan_in))
    gb = float(1.0 / np.sqrt(D_MODEL))
    Wg = jax.random.uniform(k3, (D_MODEL, N_EXPERTS), minval=-gb, maxval=gb, dtype=jnp.float32)
    bg = jax.random.uniform(k4, (N_EXPERTS,), minval=-gb, maxval=gb, dtype=jnp.float32)
    return {"sequences": sequences, "We": We, "be": be, "Wg": Wg, "bg": bg}


def reference(sequences, We, be, Wg, bg):
    N, P, D = sequences.shape
    flat = sequences.reshape(-1, D)
    logits = flat @ Wg + bg
    gating_scores = jax.nn.softmax(logits, axis=-1)
    _, top_k_indices = jax.lax.top_k(gating_scores, TOP_K)
    output = jnp.zeros((N * P, D_INNER), dtype=jnp.float32)
    for i in range(N_EXPERTS):
        # tokens routed to expert i (any of the top-k slots equals i)
        mask = jnp.any(top_k_indices == i, axis=1)
        expert_out = flat @ We[i] + be[i]
        # output[mask] += expert(flat[mask])  <=>  masked add over all rows
        output = output + jnp.where(mask[:, None], expert_out, 0.0)
    # module is freshly constructed -> training mode -> variances computed
    gating_variances = jnp.var(gating_scores, axis=0, ddof=1)
    output = output / TOP_K
    return (output.reshape(N, P, -1), gating_variances)

if __name__ == "__main__":
    import jax
    _d = setup_inputs()
    print(jax.jit(kernel)(*tuple(_d.values())))

</pallas_src>

<mosaic_0001>
#map = affine_map<(d0, d1) -> (0, 0)>
#map1 = affine_map<(d0, d1) -> (0)>
module attributes {stable_mosaic.version = 14 : i64} {
  func.func @k(%arg0: i32, %arg1: i32, %arg2: memref<20480x2048xi32, #tpu.memory_space<hbm>>, %arg3: memref<16384xi32, #tpu.memory_space<hbm>>, %arg4: memref<8192x2048xi32, #tpu.memory_space<hbm>>, %arg5: memref<8192x2048xi32, #tpu.memory_space<hbm>>, %arg6: memref<24xi32, #tpu.memory_space<vmem>>, %arg7: memref<24xi32, #tpu.memory_space<vmem>>, %arg8: memref<24xi32, #tpu.memory_space<vmem>>, %arg9: memref<24xi32, #tpu.memory_space<vmem>>, %arg10: memref<24x2048xi32, #tpu.memory_space<vmem>>, %arg11: memref<24x2048xi32, #tpu.memory_space<vmem>>, %arg12: memref<!tpu.dma_semaphore, #tpu.memory_space<semaphore_mem>>, %arg13: memref<!tpu.dma_semaphore, #tpu.memory_space<semaphore_mem>>) attributes {dimension_semantics = [#tpu.dimension_semantics<core_parallel>, #tpu.dimension_semantics<subcore_parallel>], iteration_bounds = array<i64: 2, 16>, scalar_prefetch = 0 : i64, scratch_operands = 8 : i64, tpu.core_type = #tpu.core_type<sc_vector_subcore>, window_params = [{transform_indices = #map}, {transform_indices = #map1}, {transform_indices = #map}, {transform_indices = #map}]} {
    %mul3A = arith.constant 2 : i32
    %mul3A_0 = arith.muli %arg1, %mul3A : i32
    %add3A = arith.addi %mul3A_0, %arg0 : i32
    %mul3A_1 = arith.constant 256 : i32
    %mul3A_2 = arith.muli %add3A, %mul3A_1 : i32
    %add3A_3 = arith.constant 0 : i32
    %add3A_4 = arith.addi %mul3A_2, %add3A_3 : i32
    "tpu.region"() ({
      %run_scoped3A = tpu.sem_alloc : memref<!tpu.dma_semaphore, #tpu.memory_space<semaphore_mem>>
      %dma_start3A_837 = arith.constant 0 : i32
      %dma_start3A_838 = tpu.memref_slice %arg6[%dma_start3A_837] : memref<24xi32, #tpu.memory_space<vmem>> -> memref<24xi32, #tpu.memory_space<vmem>>
      %dma_start3A_839 = tpu.memref_slice %arg3[%add3A_4] : memref<16384xi32, #tpu.memory_space<hbm>> -> memref<24xi32, #tpu.memory_space<hbm>>
      %dma_start3A_840 = arith.constant 0 : i32
      %dma_start3A_841 = tpu.memref_slice %arg6[%dma_start3A_840] : memref<24xi32, #tpu.memory_space<vmem>> -> memref<24xi32, #tpu.memory_space<vmem>>
      %dma_start3A_842 = tpu.memref_slice %arg3[%add3A_4] : memref<16384xi32, #tpu.memory_space<hbm>> -> memref<24xi32, #tpu.memory_space<hbm>>
      tpu.enqueue_dma source(%dma_start3A_842 : memref<24xi32, #tpu.memory_space<hbm>>) target(%dma_start3A_841 : memref<24xi32, #tpu.memory_space<vmem>>) target_semaphore(%run_scoped3A : memref<!tpu.dma_semaphore, #tpu.memory_space<semaphore_mem>>)
      %dma_wait3A_843 = arith.constant 0 : i32
      %dma_wait3A_844 = tpu.memref_slice %arg6[%dma_wait3A_843] : memref<24xi32, #tpu.memory_space<vmem>> -> memref<24xi32, #tpu.memory_space<vmem>>
      %dma_wait3A_845 = tpu.memref_slice %arg3[%add3A_4] : memref<16384xi32, #tpu.memory_space<hbm>> -> memref<24xi32, #tpu.memory_space<hbm>>
      %dma_wait3A_846 = arith.constant 0 : i32
      %dma_wait3A_847 = tpu.memref_slice %arg6[%dma_wait3A_846] : memref<24xi32, #tpu.memory_space<vmem>> -> memref<24xi32, #tpu.memory_space<vmem>>
      %dma_wait3A_848 = tpu.memref_slice %arg3[%add3A_4] : memref<16384xi32, #tpu.memory_space<hbm>> -> memref<24xi32, #tpu.memory_space<hbm>>
      tpu.wait_dma2 semaphore(%run_scoped3A : memref<!tpu.dma_semaphore, #tpu.memory_space<semaphore_mem>>) src(%dma_wait3A_848 : memref<24xi32, #tpu.memory_space<hbm>>) dst(%dma_wait3A_847 : memref<24xi32, #tpu.memory_space<vmem>>)
      tpu.yield
    }) : () -> ()
    %add3A_5 = arith.constant 8192 : i32
    %add3A_6 = arith.addi %add3A_5, %add3A_4 : i32
    "tpu.region"() ({
      %run_scoped3A = tpu.sem_alloc : memref<!tpu.dma_semaphore, #tpu.memory_space<semaphore_mem>>
      %dma_start3A_837 = arith.constant 0 : i32
      %dma_start3A_838 = tpu.memref_slice %arg8[%dma_start3A_837] : memref<24xi32, #tpu.memory_space<vmem>> -> memref<24xi32, #tpu.memory_space<vmem>>
      %dma_start3A_839 = tpu.memref_slice %arg3[%add3A_6] : memref<16384xi32, #tpu.memory_space<hbm>> -> memref<24xi32, #tpu.memory_space<hbm>>
      %dma_start3A_840 = arith.constant 0 : i32
      %dma_start3A_841 = tpu.memref_slice %arg8[%dma_start3A_840] : memref<24xi32, #tpu.memory_space<vmem>> -> memref<24xi32, #tpu.memory_space<vmem>>
      %dma_start3A_842 = tpu.memref_slice %arg3[%add3A_6] : memref<16384xi32, #tpu.memory_space<hbm>> -> memref<24xi32, #tpu.memory_space<hbm>>
      tpu.enqueue_dma source(%dma_start3A_842 : memref<24xi32, #tpu.memory_space<hbm>>) target(%dma_start3A_841 : memref<24xi32, #tpu.memory_space<vmem>>) target_semaphore(%run_scoped3A : memref<!tpu.dma_semaphore, #tpu.memory_space<semaphore_mem>>)
      %dma_wait3A_843 = arith.constant 0 : i32
      %dma_wait3A_844 = tpu.memref_slice %arg8[%dma_wait3A_843] : memref<24xi32, #tpu.memory_space<vmem>> -> memref<24xi32, #tpu.memory_space<vmem>>
      %dma_wait3A_845 = tpu.memref_slice %arg3[%add3A_6] : memref<16384xi32, #tpu.memory_space<hbm>> -> memref<24xi32, #tpu.memory_space<hbm>>
      %dma_wait3A_846 = arith.constant 0 : i32
      %dma_wait3A_847 = tpu.memref_slice %arg8[%dma_wait3A_846] : memref<24xi32, #tpu.memory_space<vmem>> -> memref<24xi32, #tpu.memory_space<vmem>>
      %dma_wait3A_848 = tpu.memref_slice %arg3[%add3A_6] : memref<16384xi32, #tpu.memory_space<hbm>> -> memref<24xi32, #tpu.memory_space<hbm>>
      tpu.wait_dma2 semaphore(%run_scoped3A : memref<!tpu.dma_semaphore, #tpu.memory_space<semaphore_mem>>) src(%dma_wait3A_848 : memref<24xi32, #tpu.memory_space<hbm>>) dst(%dma_wait3A_847 : memref<24xi32, #tpu.memory_space<vmem>>)
      tpu.yield
    }) : () -> ()
    %dma_start3A = arith.constant 0 : i32
    %dma_start3A_7 = arith.constant 0 : i32
    %dma_start3A_8 = tpu.memref_slice %arg10[%dma_start3A, %dma_start3A_7] : memref<24x2048xi32, #tpu.memory_space<vmem>> -> memref<24x2048xi32, #tpu.memory_space<vmem>>
    %dma_start3A_9 = arith.constant 0 : i32
    %dma_start3A_10 = tpu.memref_slice %arg6[%dma_start3A_9] : memref<24xi32, #tpu.memory_space<vmem>> -> memref<24xi32, #tpu.memory_space<vmem>>
    %dma_start3A_11 = arith.constant 0 : i32
    %dma_start3A_12 = arith.constant 0 : i32
    %dma_start3A_13 = tpu.memref_slice %arg2[%dma_start3A_11, %dma_start3A_12] : memref<20480x2048xi32, #tpu.memory_space<hbm>> -> memref<20480x2048xi32, #tpu.memory_space<hbm>>
    tpu.enqueue_indirect_dma source(%dma_start3A_13 : memref<20480x2048xi32, #tpu.memory_space<hbm>>) target(%dma_start3A_8 : memref<24x2048xi32, #tpu.memory_space<vmem>>) offsets(%dma_start3A_10 : memref<24xi32, #tpu.memory_space<vmem>>) semaphore(%arg12 : memref<!tpu.dma_semaphore, #tpu.memory_space<semaphore_mem>>)
    %dma_start3A_14 = arith.constant 0 : i32
    %dma_start3A_15 = arith.constant 0 : i32
    %dma_start3A_16 = tpu.memref_slice %arg11[%dma_start3A_14, %dma_start3A_15] : memref<24x2048xi32, #tpu.memory_space<vmem>> -> memref<24x2048xi32, #tpu.memory_space<vmem>>
    %dma_start3A_17 = arith.constant 0 : i32
    %dma_start3A_18 = tpu.memref_slice %arg8[%dma_start3A_17] : memref<24xi32, #tpu.memory_space<vmem>> -> memref<24xi32, #tpu.memory_space<vmem>>
    %dma_start3A_19 = arith.constant 0 : i32
    %dma_start3A_20 = arith.constant 0 : i32
    %dma_start3A_21 = tpu.memref_slice %arg2[%dma_start3A_19, %dma_start3A_20] : memref<20480x2048xi32, #tpu.memory_space<hbm>> -> memref<20480x2048xi32, #tpu.memory_space<hbm>>
    tpu.enqueue_indirect_dma source(%dma_start3A_21 : memref<20480x2048xi32, #tpu.memory_space<hbm>>) target(%dma_start3A_16 : memref<24x2048xi32, #tpu.memory_space<vmem>>) offsets(%dma_start3A_18 : memref<24xi32, #tpu.memory_space<vmem>>) semaphore(%arg12 : memref<!tpu.dma_semaphore, #tpu.memory_space<semaphore_mem>>)
    %dma_wait3A = arith.constant 0 : i32
    %dma_wait3A_22 = arith.constant 0 : i32
    %dma_wait3A_23 = tpu.memref_slice %arg10[%dma_wait3A, %dma_wait3A_22] : memref<24x2048xi32, #tpu.memory_space<vmem>> -> memref<24x2048xi32, #tpu.memory_space<vmem>>
    %dma_wait3A_24 = arith.constant 0 : i32
    %dma_wait3A_25 = tpu.memref_slice %arg6[%dma_wait3A_24] : memref<24xi32, #tpu.memory_space<vmem>> -> memref<24xi32, #tpu.memory_space<vmem>>
    %dma_wait3A_26 = arith.constant 0 : i32
    %dma_wait3A_27 = arith.constant 0 : i32
    %dma_wait3A_28 = tpu.memref_slice %arg2[%dma_wait3A_26, %dma_wait3A_27] : memref<20480x2048xi32, #tpu.memory_space<hbm>> -> memref<20480x2048xi32, #tpu.memory_space<hbm>>
    tpu.wait_indirect_dma semaphore(%arg12 : memref<!tpu.dma_semaphore, #tpu.memory_space<semaphore_mem>>) src(%dma_wait3A_28 : memref<20480x2048xi32, #tpu.memory_space<hbm>>) dst(%dma_wait3A_23 : memref<24x2048xi32, #tpu.memory_space<vmem>>)
    %dma_wait3A_29 = arith.constant 0 : i32
    %dma_wait3A_30 = arith.constant 0 : i32
    %dma_wait3A_31 = tpu.memref_slice %arg11[%dma_wait3A_29, %dma_wait3A_30] : memref<24x2048xi32, #tpu.memory_space<vmem>> -> memref<24x2048xi32, #tpu.memory_space<vmem>>
    %dma_wait3A_32 = arith.constant 0 : i32
    %dma_wait3A_33 = tpu.memref_slice %arg8[%dma_wait3A_32] : memref<24xi32, #tpu.memory_space<vmem>> -> memref<24xi32, #tpu.memory_space<vmem>>
    %dma_wait3A_34 = arith.constant 0 : i32
    %dma_wait3A_35 = arith.constant 0 : i32
    %dma_wait3A_36 = tpu.memref_slice %arg2[%dma_wait3A_34, %dma_wait3A_35] : memref<20480x2048xi32, #tpu.memory_space<hbm>> -> memref<20480x2048xi32, #tpu.memory_space<hbm>>
    tpu.wait_indirect_dma semaphore(%arg12 : memref<!tpu.dma_semaphore, #tpu.memory_space<semaphore_mem>>) src(%dma_wait3A_36 : memref<20480x2048xi32, #tpu.memory_space<hbm>>) dst(%dma_wait3A_31 : memref<24x2048xi32, #tpu.memory_space<vmem>>)
    %dma_start3A_37 = arith.constant 0 : i32
    %dma_start3A_38 = arith.constant 0 : i32
    %dma_start3A_39 = tpu.memref_slice %arg10[%dma_start3A_37, %dma_start3A_38] : memref<24x2048xi32, #tpu.memory_space<vmem>> -> memref<24x2048xi32, #tpu.memory_space<vmem>>
    %dma_start3A_40 = arith.constant 0 : i32
    %dma_start3A_41 = tpu.memref_slice %arg4[%add3A_4, %dma_start3A_40] : memref<8192x2048xi32, #tpu.memory_space<hbm>> -> memref<24x2048xi32, #tpu.memory_space<hbm>>
    %dma_start3A_42 = arith.constant 0 : i32
    %dma_start3A_43 = tpu.memref_slice %arg4[%add3A_4, %dma_start3A_42] : memref<8192x2048xi32, #tpu.memory_space<hbm>> -> memref<24x2048xi32, #tpu.memory_space<hbm>>
    %dma_start3A_44 = arith.constant 0 : i32
    %dma_start3A_45 = arith.constant 0 : i32
    %dma_start3A_46 = tpu.memref_slice %arg10[%dma_start3A_44, %dma_start3A_45] : memref<24x2048xi32, #tpu.memory_space<vmem>> -> memref<24x2048xi32, #tpu.memory_space<vmem>>
    tpu.enqueue_dma source(%dma_start3A_46 : memref<24x2048xi32, #tpu.memory_space<vmem>>) target(%dma_start3A_43 : memref<24x2048xi32, #tpu.memory_space<hbm>>) target_semaphore(%arg13 : memref<!tpu.dma_semaphore, #tpu.memory_space<semaphore_mem>>)
    %dma_start3A_47 = arith.constant 0 : i32
    %dma_start3A_48 = arith.constant 0 : i32
    %dma_start3A_49 = tpu.memref_slice %arg11[%dma_start3A_47, %dma_start3A_48] : memref<24x2048xi32, #tpu.memory_space<vmem>> -> memref<24x2048xi32, #tpu.memory_space<vmem>>
    %dma_start3A_50 = arith.constant 0 : i32
    %dma_start3A_51 = tpu.memref_slice %arg5[%add3A_4, %dma_start3A_50] : memref<8192x2048xi32, #tpu.memory_space<hbm>> -> memref<24x2048xi32, #tpu.memory_space<hbm>>
    %dma_start3A_52 = arith.constant 0 : i32
    %dma_start3A_53 = tpu.memref_slice %arg5[%add3A_4, %dma_start3A_52] : memref<8192x2048xi32, #tpu.memory_space<hbm>> -> memref<24x2048xi32, #tpu.memory_space<hbm>>
    %dma_start3A_54 = arith.constant 0 : i32
    %dma_start3A_55 = arith.constant 0 : i32
    %dma_start3A_56 = tpu.memref_slice %arg11[%dma_start3A_54, %dma_start3A_55] : memref<24x2048xi32, #tpu.memory_space<vmem>> -> memref<24x2048xi32, #tpu.memory_space<vmem>>
    tpu.enqueue_dma source(%dma_start3A_56 : memref<24x2048xi32, #tpu.memory_space<vmem>>) target(%dma_start3A_53 : memref<24x2048xi32, #tpu.memory_space<hbm>>) target_semaphore(%arg13 : memref<!tpu.dma_semaphore, #tpu.memory_space<semaphore_mem>>)
    %add3A_57 = arith.constant 24 : i32
    %add3A_58 = arith.addi %mul3A_2, %add3A_57 : i32
    "tpu.region"() ({
      %run_scoped3A = tpu.sem_alloc : memref<!tpu.dma_semaphore, #tpu.memory_space<semaphore_mem>>
      %dma_start3A_837 = arith.constant 0 : i32
      %dma_start3A_838 = tpu.memref_slice %arg6[%dma_start3A_837] : memref<24xi32, #tpu.memory_space<vmem>> -> memref<24xi32, #tpu.memory_space<vmem>>
      %dma_start3A_839 = tpu.memref_slice %arg3[%add3A_58] : memref<16384xi32, #tpu.memory_space<hbm>> -> memref<24xi32, #tpu.memory_space<hbm>>
      %dma_start3A_840 = arith.constant 0 : i32
      %dma_start3A_841 = tpu.memref_slice %arg6[%dma_start3A_840] : memref<24xi32, #tpu.memory_space<vmem>> -> memref<24xi32, #tpu.memory_space<vmem>>
      %dma_start3A_842 = tpu.memref_slice %arg3[%add3A_58] : memref<16384xi32, #tpu.memory_space<hbm>> -> memref<24xi32, #tpu.memory_space<hbm>>
      tpu.enqueue_dma source(%dma_start3A_842 : memref<24xi32, #tpu.memory_space<hbm>>) target(%dma_start3A_841 : memref<24xi32, #tpu.memory_space<vmem>>) target_semaphore(%run_scoped3A : memref<!tpu.dma_semaphore, #tpu.memory_space<semaphore_mem>>)
      %dma_wait3A_843 = arith.constant 0 : i32
      %dma_wait3A_844 = tpu.memref_slice %arg6[%dma_wait3A_843] : memref<24xi32, #tpu.memory_space<vmem>> -> memref<24xi32, #tpu.memory_space<vmem>>
      %dma_wait3A_845 = tpu.memref_slice %arg3[%add3A_58] : memref<16384xi32, #tpu.memory_space<hbm>> -> memref<24xi32, #tpu.memory_space<hbm>>
      %dma_wait3A_846 = arith.constant 0 : i32
      %dma_wait3A_847 = tpu.memref_slice %arg6[%dma_wait3A_846] : memref<24xi32, #tpu.memory_space<vmem>> -> memref<24xi32, #tpu.memory_space<vmem>>
      %dma_wait3A_848 = tpu.memref_slice %arg3[%add3A_58] : memref<16384xi32, #tpu.memory_space<hbm>> -> memref<24xi32, #tpu.memory_space<hbm>>
      tpu.wait_dma2 semaphore(%run_scoped3A : memref<!tpu.dma_semaphore, #tpu.memory_space<semaphore_mem>>) src(%dma_wait3A_848 : memref<24xi32, #tpu.memory_space<hbm>>) dst(%dma_wait3A_847 : memref<24xi32, #tpu.memory_space<vmem>>)
      tpu.yield
    }) : () -> ()
    %add3A_59 = arith.constant 8192 : i32
    %add3A_60 = arith.addi %add3A_59, %add3A_58 : i32
    "tpu.region"() ({
      %run_scoped3A = tpu.sem_alloc : memref<!tpu.dma_semaphore, #tpu.memory_space<semaphore_mem>>
      %dma_start3A_837 = arith.constant 0 : i32
      %dma_start3A_838 = tpu.memref_slice %arg8[%dma_start3A_837] : memref<24xi32, #tpu.memory_space<vmem>> -> memref<24xi32, #tpu.memory_space<vmem>>
      %dma_start3A_839 = tpu.memref_slice %arg3[%add3A_60] : memref<16384xi32, #tpu.memory_space<hbm>> -> memref<24xi32, #tpu.memory_space<hbm>>
      %dma_start3A_840 = arith.constant 0 : i32
      %dma_start3A_841 = tpu.memref_slice %arg8[%dma_start3A_840] : memref<24xi32, #tpu.memory_space<vmem>> -> memref<24xi32, #tpu.memory_space<vmem>>
      %dma_start3A_842 = tpu.memref_slice %arg3[%add3A_60] : memref<16384xi32, #tpu.memory_space<hbm>> -> memref<24xi32, #tpu.memory_space<hbm>>
      tpu.enqueue_dma source(%dma_start3A_842 : memref<24xi32, #tpu.memory_space<hbm>>) target(%dma_start3A_841 : memref<24xi32, #tpu.memory_space<vmem>>) target_semaphore(%run_scoped3A : memref<!tpu.dma_semaphore, #tpu.memory_space<semaphore_mem>>)
      %dma_wait3A_843 = arith.constant 0 : i32
      %dma_wait3A_844 = tpu.memref_slice %arg8[%dma_wait3A_843] : memref<24xi32, #tpu.memory_space<vmem>> -> memref<24xi32, #tpu.memory_space<vmem>>
      %dma_wait3A_845 = tpu.memref_slice %arg3[%add3A_60] : memref<16384xi32, #tpu.memory_space<hbm>> -> memref<24xi32, #tpu.memory_space<hbm>>
      %dma_wait3A_846 = arith.constant 0 : i32
      %dma_wait3A_847 = tpu.memref_slice %arg8[%dma_wait3A_846] : memref<24xi32, #tpu.memory_space<vmem>> -> memref<24xi32, #tpu.memory_space<vmem>>
      %dma_wait3A_848 = tpu.memref_slice %arg3[%add3A_60] : memref<16384xi32, #tpu.memory_space<hbm>> -> memref<24xi32, #tpu.memory_space<hbm>>
      tpu.wait_dma2 semaphore(%run_scoped3A : memref<!tpu.dma_semaphore, #tpu.memory_space<semaphore_mem>>) src(%dma_wait3A_848 : memref<24xi32, #tpu.memory_space<hbm>>) dst(%dma_wait3A_847 : memref<24xi32, #tpu.memory_space<vmem>>)
      tpu.yield
    }) : () -> ()
    %dma_wait3A_61 = arith.constant 0 : i32
    %dma_wait3A_62 = arith.constant 0 : i32
    %dma_wait3A_63 = tpu.memref_slice %arg10[%dma_wait3A_61, %dma_wait3A_62] : memref<24x2048xi32, #tpu.memory_space<vmem>> -> memref<24x2048xi32, #tpu.memory_space<vmem>>
    %dma_wait3A_64 = arith.constant 0 : i32
    %dma_wait3A_65 = tpu.memref_slice %arg4[%add3A_4, %dma_wait3A_64] : memref<8192x2048xi32, #tpu.memory_space<hbm>> -> memref<24x2048xi32, #tpu.memory_space<hbm>>
    %dma_wait3A_66 = arith.constant 0 : i32
    %dma_wait3A_67 = tpu.memref_slice %arg4[%add3A_4, %dma_wait3A_66] : memref<8192x2048xi32, #tpu.memory_space<hbm>> -> memref<24x2048xi32, #tpu.memory_space<hbm>>
    %dma_wait3A_68 = arith.constant 0 : i32
    %dma_wait3A_69 = arith.constant 0 : i32
    %dma_wait3A_70 = tpu.memref_slice %arg10[%dma_wait3A_68, %dma_wait3A_69] : memref<24x2048xi32, #tpu.memory_space<vmem>> -> memref<24x2048xi32, #tpu.memory_space<vmem>>
    tpu.wait_dma2 semaphore(%arg13 : memref<!tpu.dma_semaphore, #tpu.memory_space<semaphore_mem>>) src(%dma_wait3A_70 : memref<24x2048xi32, #tpu.memory_space<vmem>>) dst(%dma_wait3A_67 : memref<24x2048xi32, #tpu.memory_space<hbm>>)
    %dma_wait3A_71 = arith.constant 0 : i32
    %dma_wait3A_72 = arith.constant 0 : i32
    %dma_wait3A_73 = tpu.memref_slice %arg11[%dma_wait3A_71, %dma_wait3A_72] : memref<24x2048xi32, #tpu.memory_space<vmem>> -> memref<24x2048xi32, #tpu.memory_space<vmem>>
    %dma_wait3A_74 = arith.constant 0 : i32
    %dma_wait3A_75 = tpu.memref_slice %arg5[%add3A_4, %dma_wait3A_74] : memref<8192x2048xi32, #tpu.memory_space<hbm>> -> memref<24x2048xi32, #tpu.memory_space<hbm>>
    %dma_wait3A_76 = arith.constant 0 : i32
    %dma_wait3A_77 = tpu.memref_slice %arg5[%add3A_4, %dma_wait3A_76] : memref<8192x2048xi32, #tpu.memory_space<hbm>> -> memref<24x2048xi32, #tpu.memory_space<hbm>>
    %dma_wait3A_78 = arith.constant 0 : i32
    %dma_wait3A_79 = arith.constant 0 : i32
    %dma_wait3A_80 = tpu.memref_slice %arg11[%dma_wait3A_78, %dma_wait3A_79] : memref<24x2048xi32, #tpu.memory_space<vmem>> -> memref<24x2048xi32, #tpu.memory_space<vmem>>
    tpu.wait_dma2 semaphore(%arg13 : memref<!tpu.dma_semaphore, #tpu.memory_space<semaphore_mem>>) src(%dma_wait3A_80 : memref<24x2048xi32, #tpu.memory_space<vmem>>) dst(%dma_wait3A_77 : memref<24x2048xi32, #tpu.memory_space<hbm>>)
    %dma_start3A_81 = arith.constant 0 : i32
    %dma_start3A_82 = arith.constant 0 : i32
    %dma_start3A_83 = tpu.memref_slice %arg10[%dma_start3A_81, %dma_start3A_82] : memref<24x2048xi32, #tpu.memory_space<vmem>> -> memref<24x2048xi32, #tpu.memory_space<vmem>>
    %dma_start3A_84 = arith.constant 0 : i32
    %dma_start3A_85 = tpu.memref_slice %arg6[%dma_start3A_84] : memref<24xi32, #tpu.memory_space<vmem>> -> memref<24xi32, #tpu.memory_space<vmem>>
    %dma_start3A_86 = arith.constant 0 : i32
    %dma_start3A_87 = arith.constant 0 : i32
    %dma_start3A_88 = tpu.memref_slice %arg2[%dma_start3A_86, %dma_start3A_87] : memref<20480x2048xi32, #tpu.memory_space<hbm>> -> memref<20480x2048xi32, #tpu.memory_space<hbm>>
    tpu.enqueue_indirect_dma source(%dma_start3A_88 : memref<20480x2048xi32, #tpu.memory_space<hbm>>) target(%dma_start3A_83 : memref<24x2048xi32, #tpu.memory_space<vmem>>) offsets(%dma_start3A_85 : memref<24xi32, #tpu.memory_space<vmem>>) semaphore(%arg12 : memref<!tpu.dma_semaphore, #tpu.memory_space<semaphore_mem>>)
    %dma_start3A_89 = arith.constant 0 : i32
    %dma_start3A_90 = arith.constant 0 : i32
    %dma_start3A_91 = tpu.memref_slice %arg11[%dma_start3A_89, %dma_start3A_90] : memref<24x2048xi32, #tpu.memory_space<vmem>> -> memref<24x2048xi32, #tpu.memory_space<vmem>>
    %dma_start3A_92 = arith.constant 0 : i32
    %dma_start3A_93 = tpu.memref_slice %arg8[%dma_start3A_92] : memref<24xi32, #tpu.memory_space<vmem>> -> memref<24xi32, #tpu.memory_space<vmem>>
    %dma_start3A_94 = arith.constant 0 : i32
    %dma_start3A_95 = arith.constant 0 : i32
    %dma_start3A_96 = tpu.memref_slice %arg2[%dma_start3A_94, %dma_start3A_95] : memref<20480x2048xi32, #tpu.memory_space<hbm>> -> memref<20480x2048xi32, #tpu.memory_space<hbm>>
    tpu.enqueue_indirect_dma source(%dma_start3A_96 : memref<20480x2048xi32, #tpu.memory_space<hbm>>) target(%dma_start3A_91 : memref<24x2048xi32, #tpu.memory_space<vmem>>) offsets(%dma_start3A_93 : memref<24xi32, #tpu.memory_space<vmem>>) semaphore(%arg12 : memref<!tpu.dma_semaphore, #tpu.memory_space<semaphore_mem>>)
    %dma_wait3A_97 = arith.constant 0 : i32
    %dma_wait3A_98 = arith.constant 0 : i32
    %dma_wait3A_99 = tpu.memref_slice %arg10[%dma_wait3A_97, %dma_wait3A_98] : memref<24x2048xi32, #tpu.memory_space<vmem>> -> memref<24x2048xi32, #tpu.memory_space<vmem>>
    %dma_wait3A_100 = arith.constant 0 : i32
    %dma_wait3A_101 = tpu.memref_slice %arg6[%dma_wait3A_100] : memref<24xi32, #tpu.memory_space<vmem>> -> memref<24xi32, #tpu.memory_space<vmem>>
    %dma_wait3A_102 = arith.constant 0 : i32
    %dma_wait3A_103 = arith.constant 0 : i32
    %dma_wait3A_104 = tpu.memref_slice %arg2[%dma_wait3A_102, %dma_wait3A_103] : memref<20480x2048xi32, #tpu.memory_space<hbm>> -> memref<20480x2048xi32, #tpu.memory_space<hbm>>
    tpu.wait_indirect_dma semaphore(%arg12 : memref<!tpu.dma_semaphore, #tpu.memory_space<semaphore_mem>>) src(%dma_wait3A_104 : memref<20480x2048xi32, #tpu.memory_space<hbm>>) dst(%dma_wait3A_99 : memref<24x2048xi32, #tpu.memory_space<vmem>>)
    %dma_wait3A_105 = arith.constant 0 : i32
    %dma_wait3A_106 = arith.constant 0 : i32
    %dma_wait3A_107 = tpu.memref_slice %arg11[%dma_wait3A_105, %dma_wait3A_106] : memref<24x2048xi32, #tpu.memory_space<vmem>> -> memref<24x2048xi32, #tpu.memory_space<vmem>>
    %dma_wait3A_108 = arith.constant 0 : i32
    %dma_wait3A_109 = tpu.memref_slice %arg8[%dma_wait3A_108] : memref<24xi32, #tpu.memory_space<vmem>> -> memref<24xi32, #tpu.memory_space<vmem>>
    %dma_wait3A_110 = arith.constant 0 : i32
    %dma_wait3A_111 = arith.constant 0 : i32
    %dma_wait3A_112 = tpu.memref_slice %arg2[%dma_wait3A_110, %dma_wait3A_111] : memref<20480x2048xi32, #tpu.memory_space<hbm>> -> memref<20480x2048xi32, #tpu.memory_space<hbm>>
    tpu.wait_indirect_dma semaphore(%arg12 : memref<!tpu.dma_semaphore, #tpu.memory_space<semaphore_mem>>) src(%dma_wait3A_112 : memref<20480x2048xi32, #tpu.memory_space<hbm>>) dst(%dma_wait3A_107 : memref<24x2048xi32, #tpu.memory_space<vmem>>)
    %dma_start3A_113 = arith.constant 0 : i32
    %dma_start3A_114 = arith.constant 0 : i32
    %dma_start3A_115 = tpu.memref_slice %arg10[%dma_start3A_113, %dma_start3A_114] : memref<24x2048xi32, #tpu.memory_space<vmem>> -> memref<24x2048xi32, #tpu.memory_space<vmem>>
    %dma_start3A_116 = arith.constant 0 : i32
    %dma_start3A_117 = tpu.memref_slice %arg4[%add3A_58, %dma_start3A_116] : memref<8192x2048xi32, #tpu.memory_space<hbm>> -> memref<24x2048xi32, #tpu.memory_space<hbm>>
    %dma_start3A_118 = arith.constant 0 : i32
    %dma_start3A_119 = tpu.memref_slice %arg4[%add3A_58, %dma_start3A_118] : memref<8192x2048xi32, #tpu.memory_space<hbm>> -> memref<24x2048xi32, #tpu.memory_space<hbm>>
    %dma_start3A_120 = arith.constant 0 : i32
    %dma_start3A_121 = arith.constant 0 : i32
    %dma_start3A_122 = tpu.memref_slice %arg10[%dma_start3A_120, %dma_start3A_121] : memref<24x2048xi32, #tpu.memory_space<vmem>> -> memref<24x2048xi32, #tpu.memory_space<vmem>>
    tpu.enqueue_dma source(%dma_start3A_122 : memref<24x2048xi32, #tpu.memory_space<vmem>>) target(%dma_start3A_119 : memref<24x2048xi32, #tpu.memory_space<hbm>>) target_semaphore(%arg13 : memref<!tpu.dma_semaphore, #tpu.memory_space<semaphore_mem>>)
    %dma_start3A_123 = arith.constant 0 : i32
    %dma_start3A_124 = arith.constant 0 : i32
    %dma_start3A_125 = tpu.memref_slice %arg11[%dma_start3A_123, %dma_start3A_124] : memref<24x2048xi32, #tpu.memory_space<vmem>> -> memref<24x2048xi32, #tpu.memory_space<vmem>>
    %dma_start3A_126 = arith.constant 0 : i32
    %dma_start3A_127 = tpu.memref_slice %arg5[%add3A_58, %dma_start3A_126] : memref<8192x2048xi32, #tpu.memory_space<hbm>> -> memref<24x2048xi32, #tpu.memory_space<hbm>>
    %dma_start3A_128 = arith.constant 0 : i32
    %dma_start3A_129 = tpu.memref_slice %arg5[%add3A_58, %dma_start3A_128] : memref<8192x2048xi32, #tpu.memory_space<hbm>> -> memref<24x2048xi32, #tpu.memory_space<hbm>>
    %dma_start3A_130 = arith.constant 0 : i32
    %dma_start3A_131 = arith.constant 0 : i32
    %dma_start3A_132 = tpu.memref_slice %arg11[%dma_start3A_130, %dma_start3A_131] : memref<24x2048xi32, #tpu.memory_space<vmem>> -> memref<24x2048xi32, #tpu.memory_space<vmem>>
    tpu.enqueue_dma source(%dma_start3A_132 : memref<24x2048xi32, #tpu.memory_space<vmem>>) target(%dma_start3A_129 : memref<24x2048xi32, #tpu.memory_space<hbm>>) target_semaphore(%arg13 : memref<!tpu.dma_semaphore, #tpu.memory_space<semaphore_mem>>)
    %add3A_133 = arith.constant 48 : i32
    %add3A_134 = arith.addi %mul3A_2, %add3A_133 : i32
    "tpu.region"() ({
      %run_scoped3A = tpu.sem_alloc : memref<!tpu.dma_semaphore, #tpu.memory_space<semaphore_mem>>
      %dma_start3A_837 = arith.constant 0 : i32
      %dma_start3A_838 = tpu.memref_slice %arg6[%dma_start3A_837] : memref<24xi32, #tpu.memory_space<vmem>> -> memref<24xi32, #tpu.memory_space<vmem>>
      %dma_start3A_839 = tpu.memref_slice %arg3[%add3A_134] : memref<16384xi32, #tpu.memory_space<hbm>> -> memref<24xi32, #tpu.memory_space<hbm>>
      %dma_start3A_840 = arith.constant 0 : i32
      %dma_start3A_841 = tpu.memref_slice %arg6[%dma_start3A_840] : memref<24xi32, #tpu.memory_space<vmem>> -> memref<24xi32, #tpu.memory_space<vmem>>
      %dma_start3A_842 = tpu.memref_slice %arg3[%add3A_134] : memref<16384xi32, #tpu.memory_space<hbm>> -> memref<24xi32, #tpu.memory_space<hbm>>
      tpu.enqueue_dma source(%dma_start3A_842 : memref<24xi32, #tpu.memory_space<hbm>>) target(%dma_start3A_841 : memref<24xi32, #tpu.memory_space<vmem>>) target_semaphore(%run_scoped3A : memref<!tpu.dma_semaphore, #tpu.memory_space<semaphore_mem>>)
      %dma_wait3A_843 = arith.constant 0 : i32
      %dma_wait3A_844 = tpu.memref_slice %arg6[%dma_wait3A_843] : memref<24xi32, #tpu.memory_space<vmem>> -> memref<24xi32, #tpu.memory_space<vmem>>
      %dma_wait3A_845 = tpu.memref_slice %arg3[%add3A_134] : memref<16384xi32, #tpu.memory_space<hbm>> -> memref<24xi32, #tpu.memory_space<hbm>>
      %dma_wait3A_846 = arith.constant 0 : i32
      %dma_wait3A_847 = tpu.memref_slice %arg6[%dma_wait3A_846] : memref<24xi32, #tpu.memory_space<vmem>> -> memref<24xi32, #tpu.memory_space<vmem>>
      %dma_wait3A_848 = tpu.memref_slice %arg3[%add3A_134] : memref<16384xi32, #tpu.memory_space<hbm>> -> memref<24xi32, #tpu.memory_space<hbm>>
      tpu.wait_dma2 semaphore(%run_scoped3A : memref<!tpu.dma_semaphore, #tpu.memory_space<semaphore_mem>>) src(%dma_wait3A_848 : memref<24xi32, #tpu.memory_space<hbm>>) dst(%dma_wait3A_847 : memref<24xi32, #tpu.memory_space<vmem>>)
      tpu.yield
    }) : () -> ()
    %add3A_135 = arith.constant 8192 : i32
    %add3A_136 = arith.addi %add3A_135, %add3A_134 : i32
    "tpu.region"() ({
      %run_scoped3A = tpu.sem_alloc : memref<!tpu.dma_semaphore, #tpu.memory_space<semaphore_mem>>
      %dma_start3A_837 = arith.constant 0 : i32
      %dma_start3A_838 = tpu.memref_slice %arg8[%dma_start3A_837] : memref<24xi32, #tpu.memory_space<vmem>> -> memref<24xi32, #tpu.memory_space<vmem>>
      %dma_start3A_839 = tpu.memref_slice %arg3[%add3A_136] : memref<16384xi32, #tpu.memory_space<hbm>> -> memref<24xi32, #tpu.memory_space<hbm>>
      %dma_start3A_840 = arith.constant 0 : i32
      %dma_start3A_841 = tpu.memref_slice %arg8[%dma_start3A_840] : memref<24xi32, #tpu.memory_space<vmem>> -> memref<24xi32, #tpu.memory_space<vmem>>
      %dma_start3A_842 = tpu.memref_slice %arg3[%add3A_136] : memref<16384xi32, #tpu.memory_space<hbm>> -> memref<24xi32, #tpu.memory_space<hbm>>
      tpu.enqueue_dma source(%dma_start3A_842 : memref<24xi32, #tpu.memory_space<hbm>>) target(%dma_start3A_841 : memref<24xi32, #tpu.memory_space<vmem>>) target_semaphore(%run_scoped3A : memref<!tpu.dma_semaphore, #tpu.memory_space<semaphore_mem>>)
      %dma_wait3A_843 = arith.constant 0 : i32
      %dma_wait3A_844 = tpu.memref_slice %arg8[%dma_wait3A_843] : memref<24xi32, #tpu.memory_space<vmem>> -> memref<24xi32, #tpu.memory_space<vmem>>
      %dma_wait3A_845 = tpu.memref_slice %arg3[%add3A_136] : memref<16384xi32, #tpu.memory_space<hbm>> -> memref<24xi32, #tpu.memory_space<hbm>>
      %dma_wait3A_846 = arith.constant 0 : i32
      %dma_wait3A_847 = tpu.memref_slice %arg8[%dma_wait3A_846] : memref<24xi32, #tpu.memory_space<vmem>> -> memref<24xi32, #tpu.memory_space<vmem>>
      %dma_wait3A_848 = tpu.memref_slice %arg3[%add3A_136] : memref<16384xi32, #tpu.memory_space<hbm>> -> memref<24xi32, #tpu.memory_space<hbm>>
      tpu.wait_dma2 semaphore(%run_scoped3A : memref<!tpu.dma_semaphore, #tpu.memory_space<semaphore_mem>>) src(%dma_wait3A_848 : memref<24xi32, #tpu.memory_space<hbm>>) dst(%dma_wait3A_847 : memref<24xi32, #tpu.memory_space<vmem>>)
      tpu.yield
    }) : () -> ()
    %dma_wait3A_137 = arith.constant 0 : i32
    %dma_wait3A_138 = arith.constant 0 : i32
    %dma_wait3A_139 = tpu.memref_slice %arg10[%dma_wait3A_137, %dma_wait3A_138] : memref<24x2048xi32, #tpu.memory_space<vmem>> -> memref<24x2048xi32, #tpu.memory_space<vmem>>
    %dma_wait3A_140 = arith.constant 0 : i32
    %dma_wait3A_141 = tpu.memref_slice %arg4[%add3A_58, %dma_wait3A_140] : memref<8192x2048xi32, #tpu.memory_space<hbm>> -> memref<24x2048xi32, #tpu.memory_space<hbm>>
    %dma_wait3A_142 = arith.constant 0 : i32
    %dma_wait3A_143 = tpu.memref_slice %arg4[%add3A_58, %dma_wait3A_142] : memref<8192x2048xi32, #tpu.memory_space<hbm>> -> memref<24x2048xi32, #tpu.memory_space<hbm>>
    %dma_wait3A_144 = arith.constant 0 : i32
    %dma_wait3A_145 = arith.constant 0 : i32
    %dma_wait3A_146 = tpu.memref_slice %arg10[%dma_wait3A_144, %dma_wait3A_145] : memref<24x2048xi32, #tpu.memory_space<vmem>> -> memref<24x2048xi32, #tpu.memory_space<vmem>>
    tpu.wait_dma2 semaphore(%arg13 : memref<!tpu.dma_semaphore, #tpu.memory_space<semaphore_mem>>) src(%dma_wait3A_146 : memref<24x2048xi32, #tpu.memory_space<vmem>>) dst(%dma_wait3A_143 : memref<24x2048xi32, #tpu.memory_space<hbm>>)
    %dma_wait3A_147 = arith.constant 0 : i32
    %dma_wait3A_148 = arith.constant 0 : i32
    %dma_wait3A_149 = tpu.memref_slice %arg11[%dma_wait3A_147, %dma_wait3A_148] : memref<24x2048xi32, #tpu.memory_space<vmem>> -> memref<24x2048xi32, #tpu.memory_space<vmem>>
    %dma_wait3A_150 = arith.constant 0 : i32
    %dma_wait3A_151 = tpu.memref_slice %arg5[%add3A_58, %dma_wait3A_150] : memref<8192x2048xi32, #tpu.memory_space<hbm>> -> memref<24x2048xi32, #tpu.memory_space<hbm>>
    %dma_wait3A_152 = arith.constant 0 : i32
    %dma_wait3A_153 = tpu.memref_slice %arg5[%add3A_58, %dma_wait3A_152] : memref<8192x2048xi32, #tpu.memory_space<hbm>> -> memref<24x2048xi32, #tpu.memory_space<hbm>>
    %dma_wait3A_154 = arith.constant 0 : i32
    %dma_wait3A_155 = arith.constant 0 : i32
    %dma_wait3A_156 = tpu.memref_slice %arg11[%dma_wait3A_154, %dma_wait3A_155] : memref<24x2048xi32, #tpu.memory_space<vmem>> -> memref<24x2048xi32, #tpu.memory_space<vmem>>
    tpu.wait_dma2 semaphore(%arg13 : memref<!tpu.dma_semaphore, #tpu.memory_space<semaphore_mem>>) src(%dma_wait3A_156 : memref<24x2048xi32, #tpu.memory_space<vmem>>) dst(%dma_wait3A_153 : memref<24x2048xi32, #tpu.memory_space<hbm>>)
    %dma_start3A_157 = arith.constant 0 : i32
    %dma_start3A_158 = arith.constant 0 : i32
    %dma_start3A_159 = tpu.memref_slice %arg10[%dma_start3A_157, %dma_start3A_158] : memref<24x2048xi32, #tpu.memory_space<vmem>> -> memref<24x2048xi32, #tpu.memory_space<vmem>>
    %dma_start3A_160 = arith.constant 0 : i32
    %dma_start3A_161 = tpu.memref_slice %arg6[%dma_start3A_160] : memref<24xi32, #tpu.memory_space<vmem>> -> memref<24xi32, #tpu.memory_space<vmem>>
    %dma_start3A_162 = arith.constant 0 : i32
    %dma_start3A_163 = arith.constant 0 : i32
    %dma_start3A_164 = tpu.memref_slice %arg2[%dma_start3A_162, %dma_start3A_163] : memref<20480x2048xi32, #tpu.memory_space<hbm>> -> memref<20480x2048xi32, #tpu.memory_space<hbm>>
    tpu.enqueue_indirect_dma source(%dma_start3A_164 : memref<20480x2048xi32, #tpu.memory_space<hbm>>) target(%dma_start3A_159 : memref<24x2048xi32, #tpu.memory_space<vmem>>) offsets(%dma_start3A_161 : memref<24xi32, #tpu.memory_space<vmem>>) semaphore(%arg12 : memref<!tpu.dma_semaphore, #tpu.memory_space<semaphore_mem>>)
    %dma_start3A_165 = arith.constant 0 : i32
    %dma_start3A_166 = arith.constant 0 : i32
    %dma_start3A_167 = tpu.memref_slice %arg11[%dma_start3A_165, %dma_start3A_166] : memref<24x2048xi32, #tpu.memory_space<vmem>> -> memref<24x2048xi32, #tpu.memory_space<vmem>>
    %dma_start3A_168 = arith.constant 0 : i32
    %dma_start3A_169 = tpu.memref_slice %arg8[%dma_start3A_168] : memref<24xi32, #tpu.memory_space<vmem>> -> memref<24xi32, #tpu.memory_space<vmem>>
    %dma_start3A_170 = arith.constant 0 : i32
    %dma_start3A_171 = arith.constant 0 : i32
    %dma_start3A_172 = tpu.memref_slice %arg2[%dma_start3A_170, %dma_start3A_171] : memref<20480x2048xi32, #tpu.memory_space<hbm>> -> memref<20480x2048xi32, #tpu.memory_space<hbm>>
    tpu.enqueue_indirect_dma source(%dma_start3A_172 : memref<20480x2048xi32, #tpu.memory_space<hbm>>) target(%dma_start3A_167 : memref<24x2048xi32, #tpu.memory_space<vmem>>) offsets(%dma_start3A_169 : memref<24xi32, #tpu.memory_space<vmem>>) semaphore(%arg12 : memref<!tpu.dma_semaphore, #tpu.memory_space<semaphore_mem>>)
    %dma_wait3A_173 = arith.constant 0 : i32
    %dma_wait3A_174 = arith.constant 0 : i32
    %dma_wait3A_175 = tpu.memref_slice %arg10[%dma_wait3A_173, %dma_wait3A_174] : memref<24x2048xi32, #tpu.memory_space<vmem>> -> memref<24x2048xi32, #tpu.memory_space<vmem>>
    %dma_wait3A_176 = arith.constant 0 : i32
    %dma_wait3A_177 = tpu.memref_slice %arg6[%dma_wait3A_176] : memref<24xi32, #tpu.memory_space<vmem>> -> memref<24xi32, #tpu.memory_space<vmem>>
    %dma_wait3A_178 = arith.constant 0 : i32
    %dma_wait3A_179 = arith.constant 0 : i32
    %dma_wait3A_180 = tpu.memref_slice %arg2[%dma_wait3A_178, %dma_wait3A_179] : memref<20480x2048xi32, #tpu.memory_space<hbm>> -> memref<20480x2048xi32, #tpu.memory_space<hbm>>
    tpu.wait_indirect_dma semaphore(%arg12 : memref<!tpu.dma_semaphore, #tpu.memory_space<semaphore_mem>>) src(%dma_wait3A_180 : memref<20480x2048xi32, #tpu.memory_space<hbm>>) dst(%dma_wait3A_175 : memref<24x2048xi32, #tpu.memory_space<vmem>>)
    %dma_wait3A_181 = arith.constant 0 : i32
    %dma_wait3A_182 = arith.constant 0 : i32
    %dma_wait3A_183 = tpu.memref_slice %arg11[%dma_wait3A_181, %dma_wait3A_182] : memref<24x2048xi32, #tpu.memory_space<vmem>> -> memref<24x2048xi32, #tpu.memory_space<vmem>>
    %dma_wait3A_184 = arith.constant 0 : i32
    %dma_wait3A_185 = tpu.memref_slice %arg8[%dma_wait3A_184] : memref<24xi32, #tpu.memory_space<vmem>> -> memref<24xi32, #tpu.memory_space<vmem>>
    %dma_wait3A_186 = arith.constant 0 : i32
    %dma_wait3A_187 = arith.constant 0 : i32
    %dma_wait3A_188 = tpu.memref_slice %arg2[%dma_wait3A_186, %dma_wait3A_187] : memref<20480x2048xi32, #tpu.memory_space<hbm>> -> memref<20480x2048xi32, #tpu.memory_space<hbm>>
    tpu.wait_indirect_dma semaphore(%arg12 : memref<!tpu.dma_semaphore, #tpu.memory_space<semaphore_mem>>) src(%dma_wait3A_188 : memref<20480x2048xi32, #tpu.memory_space<hbm>>) dst(%dma_wait3A_183 : memref<24x2048xi32, #tpu.memory_space<vmem>>)
    %dma_start3A_189 = arith.constant 0 : i32
    %dma_start3A_190 = arith.constant 0 : i32
    %dma_start3A_191 = tpu.memref_slice %arg10[%dma_start3A_189, %dma_start3A_190] : memref<24x2048xi32, #tpu.memory_space<vmem>> -> memref<24x2048xi32, #tpu.memory_space<vmem>>
    %dma_start3A_192 = arith.constant 0 : i32
    %dma_start3A_193 = tpu.memref_slice %arg4[%add3A_134, %dma_start3A_192] : memref<8192x2048xi32, #tpu.memory_space<hbm>> -> memref<24x2048xi32, #tpu.memory_space<hbm>>
    %dma_start3A_194 = arith.constant 0 : i32
    %dma_start3A_195 = tpu.memref_slice %arg4[%add3A_134, %dma_start3A_194] : memref<8192x2048xi32, #tpu.memory_space<hbm>> -> memref<24x2048xi32, #tpu.memory_space<hbm>>
    %dma_start3A_196 = arith.constant 0 : i32
    %dma_start3A_197 = arith.constant 0 : i32
    %dma_start3A_198 = tpu.memref_slice %arg10[%dma_start3A_196, %dma_start3A_197] : memref<24x2048xi32, #tpu.memory_space<vmem>> -> memref<24x2048xi32, #tpu.memory_space<vmem>>
    tpu.enqueue_dma source(%dma_start3A_198 : memref<24x2048xi32, #tpu.memory_space<vmem>>) target(%dma_start3A_195 : memref<24x2048xi32, #tpu.memory_space<hbm>>) target_semaphore(%arg13 : memref<!tpu.dma_semaphore, #tpu.memory_space<semaphore_mem>>)
    %dma_start3A_199 = arith.constant 0 : i32
    %dma_start3A_200 = arith.constant 0 : i32
    %dma_start3A_201 = tpu.memref_slice %arg11[%dma_start3A_199, %dma_start3A_200] : memref<24x2048xi32, #tpu.memory_space<vmem>> -> memref<24x2048xi32, #tpu.memory_space<vmem>>
    %dma_start3A_202 = arith.constant 0 : i32
    %dma_start3A_203 = tpu.memref_slice %arg5[%add3A_134, %dma_start3A_202] : memref<8192x2048xi32, #tpu.memory_space<hbm>> -> memref<24x2048xi32, #tpu.memory_space<hbm>>
    %dma_start3A_204 = arith.constant 0 : i32
    %dma_start3A_205 = tpu.memref_slice %arg5[%add3A_134, %dma_start3A_204] : memref<8192x2048xi32, #tpu.memory_space<hbm>> -> memref<24x2048xi32, #tpu.memory_space<hbm>>
    %dma_start3A_206 = arith.constant 0 : i32
    %dma_start3A_207 = arith.constant 0 : i32
    %dma_start3A_208 = tpu.memref_slice %arg11[%dma_start3A_206, %dma_start3A_207] : memref<24x2048xi32, #tpu.memory_space<vmem>> -> memref<24x2048xi32, #tpu.memory_space<vmem>>
    tpu.enqueue_dma source(%dma_start3A_208 : memref<24x2048xi32, #tpu.memory_space<vmem>>) target(%dma_start3A_205 : memref<24x2048xi32, #tpu.memory_space<hbm>>) target_semaphore(%arg13 : memref<!tpu.dma_semaphore, #tpu.memory_space<semaphore_mem>>)
    %add3A_209 = arith.constant 72 : i32
    %add3A_210 = arith.addi %mul3A_2, %add3A_209 : i32
    "tpu.region"() ({
      %run_scoped3A = tpu.sem_alloc : memref<!tpu.dma_semaphore, #tpu.memory_space<semaphore_mem>>
      %dma_start3A_837 = arith.constant 0 : i32
      %dma_start3A_838 = tpu.memref_slice %arg6[%dma_start3A_837] : memref<24xi32, #tpu.memory_space<vmem>> -> memref<24xi32, #tpu.memory_space<vmem>>
      %dma_start3A_839 = tpu.memref_slice %arg3[%add3A_210] : memref<16384xi32, #tpu.memory_space<hbm>> -> memref<24xi32, #tpu.memory_space<hbm>>
      %dma_start3A_840 = arith.constant 0 : i32
      %dma_start3A_841 = tpu.memref_slice %arg6[%dma_start3A_840] : memref<24xi32, #tpu.memory_space<vmem>> -> memref<24xi32, #tpu.memory_space<vmem>>
      %dma_start3A_842 = tpu.memref_slice %arg3[%add3A_210] : memref<16384xi32, #tpu.memory_space<hbm>> -> memref<24xi32, #tpu.memory_space<hbm>>
      tpu.enqueue_dma source(%dma_start3A_842 : memref<24xi32, #tpu.memory_space<hbm>>) target(%dma_start3A_841 : memref<24xi32, #tpu.memory_space<vmem>>) target_semaphore(%run_scoped3A : memref<!tpu.dma_semaphore, #tpu.memory_space<semaphore_mem>>)
      %dma_wait3A_843 = arith.constant 0 : i32
      %dma_wait3A_844 = tpu.memref_slice %arg6[%dma_wait3A_843] : memref<24xi32, #tpu.memory_space<vmem>> -> memref<24xi32, #tpu.memory_space<vmem>>
      %dma_wait3A_845 = tpu.memref_slice %arg3[%add3A_210] : memref<16384xi32, #tpu.memory_space<hbm>> -> memref<24xi32, #tpu.memory_space<hbm>>
      %dma_wait3A_846 = arith.constant 0 : i32
      %dma_wait3A_847 = tpu.memref_slice %arg6[%dma_wait3A_846] : memref<24xi32, #tpu.memory_space<vmem>> -> memref<24xi32, #tpu.memory_space<vmem>>
      %dma_wait3A_848 = tpu.memref_slice %arg3[%add3A_210] : memref<16384xi32, #tpu.memory_space<hbm>> -> memref<24xi32, #tpu.memory_space<hbm>>
      tpu.wait_dma2 semaphore(%run_scoped3A : memref<!tpu.dma_semaphore, #tpu.memory_space<semaphore_mem>>) src(%dma_wait3A_848 : memref<24xi32, #tpu.memory_space<hbm>>) dst(%dma_wait3A_847 : memref<24xi32, #tpu.memory_space<vmem>>)
      tpu.yield
    }) : () -> ()
    %add3A_211 = arith.constant 8192 : i32
    %add3A_212 = arith.addi %add3A_211, %add3A_210 : i32
    "tpu.region"() ({
      %run_scoped3A = tpu.sem_alloc : memref<!tpu.dma_semaphore, #tpu.memory_space<semaphore_mem>>
      %dma_start3A_837 = arith.constant 0 : i32
      %dma_start3A_838 = tpu.memref_slice %arg8[%dma_start3A_837] : memref<24xi32, #tpu.memory_space<vmem>> -> memref<24xi32, #tpu.memory_space<vmem>>
      %dma_start3A_839 = tpu.memref_slice %arg3[%add3A_212] : memref<16384xi32, #tpu.memory_space<hbm>> -> memref<24xi32, #tpu.memory_space<hbm>>
      %dma_start3A_840 = arith.constant 0 : i32
      %dma_start3A_841 = tpu.memref_slice %arg8[%dma_start3A_840] : memref<24xi32, #tpu.memory_space<vmem>> -> memref<24xi32, #tpu.memory_space<vmem>>
      %dma_start3A_842 = tpu.memref_slice %arg3[%add3A_212] : memref<16384xi32, #tpu.memory_space<hbm>> -> memref<24xi32, #tpu.memory_space<hbm>>
      tpu.enqueue_dma source(%dma_start3A_842 : memref<24xi32, #tpu.memory_space<hbm>>) target(%dma_start3A_841 : memref<24xi32, #tpu.memory_space<vmem>>) target_semaphore(%run_scoped3A : memref<!tpu.dma_semaphore, #tpu.memory_space<semaphore_mem>>)
      %dma_wait3A_843 = arith.constant 0 : i32
      %dma_wait3A_844 = tpu.memref_slice %arg8[%dma_wait3A_843] : memref<24xi32, #tpu.memory_space<vmem>> -> memref<24xi32, #tpu.memory_space<vmem>>
      %dma_wait3A_845 = tpu.memref_slice %arg3[%add3A_212] : memref<16384xi32, #tpu.memory_space<hbm>> -> memref<24xi32, #tpu.memory_space<hbm>>
      %dma_wait3A_846 = arith.constant 0 : i32
      %dma_wait3A_847 = tpu.memref_slice %arg8[%dma_wait3A_846] : memref<24xi32, #tpu.memory_space<vmem>> -> memref<24xi32, #tpu.memory_space<vmem>>
      %dma_wait3A_848 = tpu.memref_slice %arg3[%add3A_212] : memref<16384xi32, #tpu.memory_space<hbm>> -> memref<24xi32, #tpu.memory_space<hbm>>
      tpu.wait_dma2 semaphore(%run_scoped3A : memref<!tpu.dma_semaphore, #tpu.memory_space<semaphore_mem>>) src(%dma_wait3A_848 : memref<24xi32, #tpu.memory_space<hbm>>) dst(%dma_wait3A_847 : memref<24xi32, #tpu.memory_space<vmem>>)
      tpu.yield
    }) : () -> ()
    %dma_wait3A_213 = arith.constant 0 : i32
    %dma_wait3A_214 = arith.constant 0 : i32
    %dma_wait3A_215 = tpu.memref_slice %arg10[%dma_wait3A_213, %dma_wait3A_214] : memref<24x2048xi32, #tpu.memory_space<vmem>> -> memref<24x2048xi32, #tpu.memory_space<vmem>>
    %dma_wait3A_216 = arith.constant 0 : i32
    %dma_wait3A_217 = tpu.memref_slice %arg4[%add3A_134, %dma_wait3A_216] : memref<8192x2048xi32, #tpu.memory_space<hbm>> -> memref<24x2048xi32, #tpu.memory_space<hbm>>
    %dma_wait3A_218 = arith.constant 0 : i32
    %dma_wait3A_219 = tpu.memref_slice %arg4[%add3A_134, %dma_wait3A_218] : memref<8192x2048xi32, #tpu.memory_space<hbm>> -> memref<24x2048xi32, #tpu.memory_space<hbm>>
    %dma_wait3A_220 = arith.constant 0 : i32
    %dma_wait3A_221 = arith.constant 0 : i32
    %dma_wait3A_222 = tpu.memref_slice %arg10[%dma_wait3A_220, %dma_wait3A_221] : memref<24x2048xi32, #tpu.memory_space<vmem>> -> memref<24x2048xi32, #tpu.memory_space<vmem>>
    tpu.wait_dma2 semaphore(%arg13 : memref<!tpu.dma_semaphore, #tpu.memory_space<semaphore_mem>>) src(%dma_wait3A_222 : memref<24x2048xi32, #tpu.memory_space<vmem>>) dst(%dma_wait3A_219 : memref<24x2048xi32, #tpu.memory_space<hbm>>)
    %dma_wait3A_223 = arith.constant 0 : i32
    %dma_wait3A_224 = arith.constant 0 : i32
    %dma_wait3A_225 = tpu.memref_slice %arg11[%dma_wait3A_223, %dma_wait3A_224] : memref<24x2048xi32, #tpu.memory_space<vmem>> -> memref<24x2048xi32, #tpu.memory_space<vmem>>
    %dma_wait3A_226 = arith.constant 0 : i32
    %dma_wait3A_227 = tpu.memref_slice %arg5[%add3A_134, %dma_wait3A_226] : memref<8192x2048xi32, #tpu.memory_space<hbm>> -> memref<24x2048xi32, #tpu.memory_space<hbm>>
    %dma_wait3A_228 = arith.constant 0 : i32
    %dma_wait3A_229 = tpu.memref_slice %arg5[%add3A_134, %dma_wait3A_228] : memref<8192x2048xi32, #tpu.memory_space<hbm>> -> memref<24x2048xi32, #tpu.memory_space<hbm>>
    %dma_wait3A_230 = arith.constant 0 : i32
    %dma_wait3A_231 = arith.constant 0 : i32
    %dma_wait3A_232 = tpu.memref_slice %arg11[%dma_wait3A_230, %dma_wait3A_231] : memref<24x2048xi32, #tpu.memory_space<vmem>> -> memref<24x2048xi32, #tpu.memory_space<vmem>>
    tpu.wait_dma2 semaphore(%arg13 : memref<!tpu.dma_semaphore, #tpu.memory_space<semaphore_mem>>) src(%dma_wait3A_232 : memref<24x2048xi32, #tpu.memory_space<vmem>>) dst(%dma_wait3A_229 : memref<24x2048xi32, #tpu.memory_space<hbm>>)
    %dma_start3A_233 = arith.constant 0 : i32
    %dma_start3A_234 = arith.constant 0 : i32
    %dma_start3A_235 = tpu.memref_slice %arg10[%dma_start3A_233, %dma_start3A_234] : memref<24x2048xi32, #tpu.memory_space<vmem>> -> memref<24x2048xi32, #tpu.memory_space<vmem>>
    %dma_start3A_236 = arith.constant 0 : i32
    %dma_start3A_237 = tpu.memref_slice %arg6[%dma_start3A_236] : memref<24xi32, #tpu.memory_space<vmem>> -> memref<24xi32, #tpu.memory_space<vmem>>
    %dma_start3A_238 = arith.constant 0 : i32
    %dma_start3A_239 = arith.constant 0 : i32
    %dma_start3A_240 = tpu.memref_slice %arg2[%dma_start3A_238, %dma_start3A_239] : memref<20480x2048xi32, #tpu.memory_space<hbm>> -> memref<20480x2048xi32, #tpu.memory_space<hbm>>
    tpu.enqueue_indirect_dma source(%dma_start3A_240 : memref<20480x2048xi32, #tpu.memory_space<hbm>>) target(%dma_start3A_235 : memref<24x2048xi32, #tpu.memory_space<vmem>>) offsets(%dma_start3A_237 : memref<24xi32, #tpu.memory_space<vmem>>) semaphore(%arg12 : memref<!tpu.dma_semaphore, #tpu.memory_space<semaphore_mem>>)
    %dma_start3A_241 = arith.constant 0 : i32
    %dma_start3A_242 = arith.constant 0 : i32
    %dma_start3A_243 = tpu.memref_slice %arg11[%dma_start3A_241, %dma_start3A_242] : memref<24x2048xi32, #tpu.memory_space<vmem>> -> memref<24x2048xi32, #tpu.memory_space<vmem>>
    %dma_start3A_244 = arith.constant 0 : i32
    %dma_start3A_245 = tpu.memref_slice %arg8[%dma_start3A_244] : memref<24xi32, #tpu.memory_space<vmem>> -> memref<24xi32, #tpu.memory_space<vmem>>
    %dma_start3A_246 = arith.constant 0 : i32
    %dma_start3A_247 = arith.constant 0 : i32
    %dma_start3A_248 = tpu.memref_slice %arg2[%dma_start3A_246, %dma_start3A_247] : memref<20480x2048xi32, #tpu.memory_space<hbm>> -> memref<20480x2048xi32, #tpu.memory_space<hbm>>
    tpu.enqueue_indirect_dma source(%dma_start3A_248 : memref<20480x2048xi32, #tpu.memory_space<hbm>>) target(%dma_start3A_243 : memref<24x2048xi32, #tpu.memory_space<vmem>>) offsets(%dma_start3A_245 : memref<24xi32, #tpu.memory_space<vmem>>) semaphore(%arg12 : memref<!tpu.dma_semaphore, #tpu.memory_space<semaphore_mem>>)
    %dma_wait3A_249 = arith.constant 0 : i32
    %dma_wait3A_250 = arith.constant 0 : i32
    %dma_wait3A_251 = tpu.memref_slice %arg10[%dma_wait3A_249, %dma_wait3A_250] : memref<24x2048xi32, #tpu.memory_space<vmem>> -> memref<24x2048xi32, #tpu.memory_space<vmem>>
    %dma_wait3A_252 = arith.constant 0 : i32
    %dma_wait3A_253 = tpu.memref_slice %arg6[%dma_wait3A_252] : memref<24xi32, #tpu.memory_space<vmem>> -> memref<24xi32, #tpu.memory_space<vmem>>
    %dma_wait3A_254 = arith.constant 0 : i32
    %dma_wait3A_255 = arith.constant 0 : i32
    %dma_wait3A_256 = tpu.memref_slice %arg2[%dma_wait3A_254, %dma_wait3A_255] : memref<20480x2048xi32, #tpu.memory_space<hbm>> -> memref<20480x2048xi32, #tpu.memory_space<hbm>>
    tpu.wait_indirect_dma semaphore(%arg12 : memref<!tpu.dma_semaphore, #tpu.memory_space<semaphore_mem>>) src(%dma_wait3A_256 : memref<20480x2048xi32, #tpu.memory_space<hbm>>) dst(%dma_wait3A_251 : memref<24x2048xi32, #tpu.memory_space<vmem>>)
    %dma_wait3A_257 = arith.constant 0 : i32
    %dma_wait3A_258 = arith.constant 0 : i32
    %dma_wait3A_259 = tpu.memref_slice %arg11[%dma_wait3A_257, %dma_wait3A_258] : memref<24x2048xi32, #tpu.memory_space<vmem>> -> memref<24x2048xi32, #tpu.memory_space<vmem>>
    %dma_wait3A_260 = arith.constant 0 : i32
    %dma_wait3A_261 = tpu.memref_slice %arg8[%dma_wait3A_260] : memref<24xi32, #tpu.memory_space<vmem>> -> memref<24xi32, #tpu.memory_space<vmem>>
    %dma_wait3A_262 = arith.constant 0 : i32
    %dma_wait3A_263 = arith.constant 0 : i32
    %dma_wait3A_264 = tpu.memref_slice %arg2[%dma_wait3A_262, %dma_wait3A_263] : memref<20480x2048xi32, #tpu.memory_space<hbm>> -> memref<20480x2048xi32, #tpu.memory_space<hbm>>
    tpu.wait_indirect_dma semaphore(%arg12 : memref<!tpu.dma_semaphore, #tpu.memory_space<semaphore_mem>>) src(%dma_wait3A_264 : memref<20480x2048xi32, #tpu.memory_space<hbm>>) dst(%dma_wait3A_259 : memref<24x2048xi32, #tpu.memory_space<vmem>>)
    %dma_start3A_265 = arith.constant 0 : i32
    %dma_start3A_266 = arith.constant 0 : i32
    %dma_start3A_267 = tpu.memref_slice %arg10[%dma_start3A_265, %dma_start3A_266] : memref<24x2048xi32, #tpu.memory_space<vmem>> -> memref<24x2048xi32, #tpu.memory_space<vmem>>
    %dma_start3A_268 = arith.constant 0 : i32
    %dma_start3A_269 = tpu.memref_slice %arg4[%add3A_210, %dma_start3A_268] : memref<8192x2048xi32, #tpu.memory_space<hbm>> -> memref<24x2048xi32, #tpu.memory_space<hbm>>
    %dma_start3A_270 = arith.constant 0 : i32
    %dma_start3A_271 = tpu.memref_slice %arg4[%add3A_210, %dma_start3A_270] : memref<8192x2048xi32, #tpu.memory_space<hbm>> -> memref<24x2048xi32, #tpu.memory_space<hbm>>
    %dma_start3A_272 = arith.constant 0 : i32
    %dma_start3A_273 = arith.constant 0 : i32
    %dma_start3A_274 = tpu.memref_slice %arg10[%dma_start3A_272, %dma_start3A_273] : memref<24x2048xi32, #tpu.memory_space<vmem>> -> memref<24x2048xi32, #tpu.memory_space<vmem>>
    tpu.enqueue_dma source(%dma_start3A_274 : memref<24x2048xi32, #tpu.memory_space<vmem>>) target(%dma_start3A_271 : memref<24x2048xi32, #tpu.memory_space<hbm>>) target_semaphore(%arg13 : memref<!tpu.dma_semaphore, #tpu.memory_space<semaphore_mem>>)
    %dma_start3A_275 = arith.constant 0 : i32
    %dma_start3A_276 = arith.constant 0 : i32
    %dma_start3A_277 = tpu.memref_slice %arg11[%dma_start3A_275, %dma_start3A_276] : memref<24x2048xi32, #tpu.memory_space<vmem>> -> memref<24x2048xi32, #tpu.memory_space<vmem>>
    %dma_start3A_278 = arith.constant 0 : i32
    %dma_start3A_279 = tpu.memref_slice %arg5[%add3A_210, %dma_start3A_278] : memref<8192x2048xi32, #tpu.memory_space<hbm>> -> memref<24x2048xi32, #tpu.memory_space<hbm>>
    %dma_start3A_280 = arith.constant 0 : i32
    %dma_start3A_281 = tpu.memref_slice %arg5[%add3A_210, %dma_start3A_280] : memref<8192x2048xi32, #tpu.memory_space<hbm>> -> memref<24x2048xi32, #tpu.memory_space<hbm>>
    %dma_start3A_282 = arith.constant 0 : i32
    %dma_start3A_283 = arith.constant 0 : i32
    %dma_start3A_284 = tpu.memref_slice %arg11[%dma_start3A_282, %dma_start3A_283] : memref<24x2048xi32, #tpu.memory_space<vmem>> -> memref<24x2048xi32, #tpu.memory_space<vmem>>
    tpu.enqueue_dma source(%dma_start3A_284 : memref<24x2048xi32, #tpu.memory_space<vmem>>) target(%dma_start3A_281 : memref<24x2048xi32, #tpu.memory_space<hbm>>) target_semaphore(%arg13 : memref<!tpu.dma_semaphore, #tpu.memory_space<semaphore_mem>>)
    %add3A_285 = arith.constant 96 : i32
    %add3A_286 = arith.addi %mul3A_2, %add3A_285 : i32
    "tpu.region"() ({
      %run_scoped3A = tpu.sem_alloc : memref<!tpu.dma_semaphore, #tpu.memory_space<semaphore_mem>>
      %dma_start3A_837 = arith.constant 0 : i32
      %dma_start3A_838 = tpu.memref_slice %arg6[%dma_start3A_837] : memref<24xi32, #tpu.memory_space<vmem>> -> memref<24xi32, #tpu.memory_space<vmem>>
      %dma_start3A_839 = tpu.memref_slice %arg3[%add3A_286] : memref<16384xi32, #tpu.memory_space<hbm>> -> memref<24xi32, #tpu.memory_space<hbm>>
      %dma_start3A_840 = arith.constant 0 : i32
      %dma_start3A_841 = tpu.memref_slice %arg6[%dma_start3A_840] : memref<24xi32, #tpu.memory_space<vmem>> -> memref<24xi32, #tpu.memory_space<vmem>>
      %dma_start3A_842 = tpu.memref_slice %arg3[%add3A_286] : memref<16384xi32, #tpu.memory_space<hbm>> -> memref<24xi32, #tpu.memory_space<hbm>>
      tpu.enqueue_dma source(%dma_start3A_842 : memref<24xi32, #tpu.memory_space<hbm>>) target(%dma_start3A_841 : memref<24xi32, #tpu.memory_space<vmem>>) target_semaphore(%run_scoped3A : memref<!tpu.dma_semaphore, #tpu.memory_space<semaphore_mem>>)
      %dma_wait3A_843 = arith.constant 0 : i32
      %dma_wait3A_844 = tpu.memref_slice %arg6[%dma_wait3A_843] : memref<24xi32, #tpu.memory_space<vmem>> -> memref<24xi32, #tpu.memory_space<vmem>>
      %dma_wait3A_845 = tpu.memref_slice %arg3[%add3A_286] : memref<16384xi32, #tpu.memory_space<hbm>> -> memref<24xi32, #tpu.memory_space<hbm>>
      %dma_wait3A_846 = arith.constant 0 : i32
      %dma_wait3A_847 = tpu.memref_slice %arg6[%dma_wait3A_846] : memref<24xi32, #tpu.memory_space<vmem>> -> memref<24xi32, #tpu.memory_space<vmem>>
      %dma_wait3A_848 = tpu.memref_slice %arg3[%add3A_286] : memref<16384xi32, #tpu.memory_space<hbm>> -> memref<24xi32, #tpu.memory_space<hbm>>
      tpu.wait_dma2 semaphore(%run_scoped3A : memref<!tpu.dma_semaphore, #tpu.memory_space<semaphore_mem>>) src(%dma_wait3A_848 : memref<24xi32, #tpu.memory_space<hbm>>) dst(%dma_wait3A_847 : memref<24xi32, #tpu.memory_space<vmem>>)
      tpu.yield
    }) : () -> ()
    %add3A_287 = arith.constant 8192 : i32
    %add3A_288 = arith.addi %add3A_287, %add3A_286 : i32
    "tpu.region"() ({
      %run_scoped3A = tpu.sem_alloc : memref<!tpu.dma_semaphore, #tpu.memory_space<semaphore_mem>>
      %dma_start3A_837 = arith.constant 0 : i32
      %dma_start3A_838 = tpu.memref_slice %arg8[%dma_start3A_837] : memref<24xi32, #tpu.memory_space<vmem>> -> memref<24xi32, #tpu.memory_space<vmem>>
      %dma_start3A_839 = tpu.memref_slice %arg3[%add3A_288] : memref<16384xi32, #tpu.memory_space<hbm>> -> memref<24xi32, #tpu.memory_space<hbm>>
      %dma_start3A_840 = arith.constant 0 : i32
      %dma_start3A_841 = tpu.memref_slice %arg8[%dma_start3A_840] : memref<24xi32, #tpu.memory_space<vmem>> -> memref<24xi32, #tpu.memory_space<vmem>>
      %dma_start3A_842 = tpu.memref_slice %arg3[%add3A_288] : memref<16384xi32, #tpu.memory_space<hbm>> -> memref<24xi32, #tpu.memory_space<hbm>>
      tpu.enqueue_dma source(%dma_start3A_842 : memref<24xi32, #tpu.memory_space<hbm>>) target(%dma_start3A_841 : memref<24xi32, #tpu.memory_space<vmem>>) target_semaphore(%run_scoped3A : memref<!tpu.dma_semaphore, #tpu.memory_space<semaphore_mem>>)
      %dma_wait3A_843 = arith.constant 0 : i32
      %dma_wait3A_844 = tpu.memref_slice %arg8[%dma_wait3A_843] : memref<24xi32, #tpu.memory_space<vmem>> -> memref<24xi32, #tpu.memory_space<vmem>>
      %dma_wait3A_845 = tpu.memref_slice %arg3[%add3A_288] : memref<16384xi32, #tpu.memory_space<hbm>> -> memref<24xi32, #tpu.memory_space<hbm>>
      %dma_wait3A_846 = arith.constant 0 : i32
      %dma_wait3A_847 = tpu.memref_slice %arg8[%dma_wait3A_846] : memref<24xi32, #tpu.memory_space<vmem>> -> memref<24xi32, #tpu.memory_space<vmem>>
      %dma_wait3A_848 = tpu.memref_slice %arg3[%add3A_288] : memref<16384xi32, #tpu.memory_space<hbm>> -> memref<24xi32, #tpu.memory_space<hbm>>
      tpu.wait_dma2 semaphore(%run_scoped3A : memref<!tpu.dma_semaphore, #tpu.memory_space<semaphore_mem>>) src(%dma_wait3A_848 : memref<24xi32, #tpu.memory_space<hbm>>) dst(%dma_wait3A_847 : memref<24xi32, #tpu.memory_space<vmem>>)
      tpu.yield
    }) : () -> ()
    %dma_wait3A_289 = arith.constant 0 : i32
    %dma_wait3A_290 = arith.constant 0 : i32
    %dma_wait3A_291 = tpu.memref_slice %arg10[%dma_wait3A_289, %dma_wait3A_290] : memref<24x2048xi32, #tpu.memory_space<vmem>> -> memref<24x2048xi32, #tpu.memory_space<vmem>>
    %dma_wait3A_292 = arith.constant 0 : i32
    %dma_wait3A_293 = tpu.memref_slice %arg4[%add3A_210, %dma_wait3A_292] : memref<8192x2048xi32, #tpu.memory_space<hbm>> -> memref<24x2048xi32, #tpu.memory_space<hbm>>
    %dma_wait3A_294 = arith.constant 0 : i32
    %dma_wait3A_295 = tpu.memref_slice %arg4[%add3A_210, %dma_wait3A_294] : memref<8192x2048xi32, #tpu.memory_space<hbm>> -> memref<24x2048xi32, #tpu.memory_space<hbm>>
    %dma_wait3A_296 = arith.constant 0 : i32
    %dma_wait3A_297 = arith.constant 0 : i32
    %dma_wait3A_298 = tpu.memref_slice %arg10[%dma_wait3A_296, %dma_wait3A_297] : memref<24x2048xi32, #tpu.memory_space<vmem>> -> memref<24x2048xi32, #tpu.memory_space<vmem>>
    tpu.wait_dma2 semaphore(%arg13 : memref<!tpu.dma_semaphore, #tpu.memory_space<semaphore_mem>>) src(%dma_wait3A_298 : memref<24x2048xi32, #tpu.memory_space<vmem>>) dst(%dma_wait3A_295 : memref<24x2048xi32, #tpu.memory_space<hbm>>)
    %dma_wait3A_299 = arith.constant 0 : i32
    %dma_wait3A_300 = arith.constant 0 : i32
    %dma_wait3A_301 = tpu.memref_slice %arg11[%dma_wait3A_299, %dma_wait3A_300] : memref<24x2048xi32, #tpu.memory_space<vmem>> -> memref<24x2048xi32, #tpu.memory_space<vmem>>
    %dma_wait3A_302 = arith.constant 0 : i32
    %dma_wait3A_303 = tpu.memref_slice %arg5[%add3A_210, %dma_wait3A_302] : memref<8192x2048xi32, #tpu.memory_space<hbm>> -> memref<24x2048xi32, #tpu.memory_space<hbm>>
    %dma_wait3A_304 = arith.constant 0 : i32
    %dma_wait3A_305 = tpu.memref_slice %arg5[%add3A_210, %dma_wait3A_304] : memref<8192x2048xi32, #tpu.memory_space<hbm>> -> memref<24x2048xi32, #tpu.memory_space<hbm>>
    %dma_wait3A_306 = arith.constant 0 : i32
    %dma_wait3A_307 = arith.constant 0 : i32
    %dma_wait3A_308 = tpu.memref_slice %arg11[%dma_wait3A_306, %dma_wait3A_307] : memref<24x2048xi32, #tpu.memory_space<vmem>> -> memref<24x2048xi32, #tpu.memory_space<vmem>>
    tpu.wait_dma2 semaphore(%arg13 : memref<!tpu.dma_semaphore, #tpu.memory_space<semaphore_mem>>) src(%dma_wait3A_308 : memref<24x2048xi32, #tpu.memory_space<vmem>>) dst(%dma_wait3A_305 : memref<24x2048xi32, #tpu.memory_space<hbm>>)
    %dma_start3A_309 = arith.constant 0 : i32
    %dma_start3A_310 = arith.constant 0 : i32
    %dma_start3A_311 = tpu.memref_slice %arg10[%dma_start3A_309, %dma_start3A_310] : memref<24x2048xi32, #tpu.memory_space<vmem>> -> memref<24x2048xi32, #tpu.memory_space<vmem>>
    %dma_start3A_312 = arith.constant 0 : i32
    %dma_start3A_313 = tpu.memref_slice %arg6[%dma_start3A_312] : memref<24xi32, #tpu.memory_space<vmem>> -> memref<24xi32, #tpu.memory_space<vmem>>
    %dma_start3A_314 = arith.constant 0 : i32
    %dma_start3A_315 = arith.constant 0 : i32
    %dma_start3A_316 = tpu.memref_slice %arg2[%dma_start3A_314, %dma_start3A_315] : memref<20480x2048xi32, #tpu.memory_space<hbm>> -> memref<20480x2048xi32, #tpu.memory_space<hbm>>
    tpu.enqueue_indirect_dma source(%dma_start3A_316 : memref<20480x2048xi32, #tpu.memory_space<hbm>>) target(%dma_start3A_311 : memref<24x2048xi32, #tpu.memory_space<vmem>>) offsets(%dma_start3A_313 : memref<24xi32, #tpu.memory_space<vmem>>) semaphore(%arg12 : memref<!tpu.dma_semaphore, #tpu.memory_space<semaphore_mem>>)
    %dma_start3A_317 = arith.constant 0 : i32
    %dma_start3A_318 = arith.constant 0 : i32
    %dma_start3A_319 = tpu.memref_slice %arg11[%dma_start3A_317, %dma_start3A_318] : memref<24x2048xi32, #tpu.memory_space<vmem>> -> memref<24x2048xi32, #tpu.memory_space<vmem>>
    %dma_start3A_320 = arith.constant 0 : i32
    %dma_start3A_321 = tpu.memref_slice %arg8[%dma_start3A_320] : memref<24xi32, #tpu.memory_space<vmem>> -> memref<24xi32, #tpu.memory_space<vmem>>
    %dma_start3A_322 = arith.constant 0 : i32
    %dma_start3A_323 = arith.constant 0 : i32
    %dma_start3A_324 = tpu.memref_slice %arg2[%dma_start3A_322, %dma_start3A_323] : memref<20480x2048xi32, #tpu.memory_space<hbm>> -> memref<20480x2048xi32, #tpu.memory_space<hbm>>
    tpu.enqueue_indirect_dma source(%dma_start3A_324 : memref<20480x2048xi32, #tpu.memory_space<hbm>>) target(%dma_start3A_319 : memref<24x2048xi32, #tpu.memory_space<vmem>>) offsets(%dma_start3A_321 : memref<24xi32, #tpu.memory_space<vmem>>) semaphore(%arg12 : memref<!tpu.dma_semaphore, #tpu.memory_space<semaphore_mem>>)
    %dma_wait3A_325 = arith.constant 0 : i32
    %dma_wait3A_326 = arith.constant 0 : i32
    %dma_wait3A_327 = tpu.memref_slice %arg10[%dma_wait3A_325, %dma_wait3A_326] : memref<24x2048xi32, #tpu.memory_space<vmem>> -> memref<24x2048xi32, #tpu.memory_space<vmem>>
    %dma_wait3A_328 = arith.constant 0 : i32
    %dma_wait3A_329 = tpu.memref_slice %arg6[%dma_wait3A_328] : memref<24xi32, #tpu.memory_space<vmem>> -> memref<24xi32, #tpu.memory_space<vmem>>
    %dma_wait3A_330 = arith.constant 0 : i32
    %dma_wait3A_331 = arith.constant 0 : i32
    %dma_wait3A_332 = tpu.memref_slice %arg2[%dma_wait3A_330, %dma_wait3A_331] : memref<20480x2048xi32, #tpu.memory_space<hbm>> -> memref<20480x2048xi32, #tpu.memory_space<hbm>>
    tpu.wait_indirect_dma semaphore(%arg12 : memref<!tpu.dma_semaphore, #tpu.memory_space<semaphore_mem>>) src(%dma_wait3A_332 : memref<20480x2048xi32, #tpu.memory_space<hbm>>) dst(%dma_wait3A_327 : memref<24x2048xi32, #tpu.memory_space<vmem>>)
    %dma_wait3A_333 = arith.constant 0 : i32
    %dma_wait3A_334 = arith.constant 0 : i32
    %dma_wait3A_335 = tpu.memref_slice %arg11[%dma_wait3A_333, %dma_wait3A_334] : memref<24x2048xi32, #tpu.memory_space<vmem>> -> memref<24x2048xi32, #tpu.memory_space<vmem>>
    %dma_wait3A_336 = arith.constant 0 : i32
    %dma_wait3A_337 = tpu.memref_slice %arg8[%dma_wait3A_336] : memref<24xi32, #tpu.memory_space<vmem>> -> memref<24xi32, #tpu.memory_space<vmem>>
    %dma_wait3A_338 = arith.constant 0 : i32
    %dma_wait3A_339 = arith.constant 0 : i32
    %dma_wait3A_340 = tpu.memref_slice %arg2[%dma_wait3A_338, %dma_wait3A_339] : memref<20480x2048xi32, #tpu.memory_space<hbm>> -> memref<20480x2048xi32, #tpu.memory_space<hbm>>
    tpu.wait_indirect_dma semaphore(%arg12 : memref<!tpu.dma_semaphore, #tpu.memory_space<semaphore_mem>>) src(%dma_wait3A_340 : memref<20480x2048xi32, #tpu.memory_space<hbm>>) dst(%dma_wait3A_335 : memref<24x2048xi32, #tpu.memory_space<vmem>>)
    %dma_start3A_341 = arith.constant 0 : i32
    %dma_start3A_342 = arith.constant 0 : i32
    %dma_start3A_343 = tpu.memref_slice %arg10[%dma_start3A_341, %dma_start3A_342] : memref<24x2048xi32, #tpu.memory_space<vmem>> -> memref<24x2048xi32, #tpu.memory_space<vmem>>
    %dma_start3A_344 = arith.constant 0 : i32
    %dma_start3A_345 = tpu.memref_slice %arg4[%add3A_286, %dma_start3A_344] : memref<8192x2048xi32, #tpu.memory_space<hbm>> -> memref<24x2048xi32, #tpu.memory_space<hbm>>
    %dma_start3A_346 = arith.constant 0 : i32
    %dma_start3A_347 = tpu.memref_slice %arg4[%add3A_286, %dma_start3A_346] : memref<8192x2048xi32, #tpu.memory_space<hbm>> -> memref<24x2048xi32, #tpu.memory_space<hbm>>
    %dma_start3A_348 = arith.constant 0 : i32
    %dma_start3A_349 = arith.constant 0 : i32
    %dma_start3A_350 = tpu.memref_slice %arg10[%dma_start3A_348, %dma_start3A_349] : memref<24x2048xi32, #tpu.memory_space<vmem>> -> memref<24x2048xi32, #tpu.memory_space<vmem>>
    tpu.enqueue_dma source(%dma_start3A_350 : memref<24x2048xi32, #tpu.memory_space<vmem>>) target(%dma_start3A_347 : memref<24x2048xi32, #tpu.memory_space<hbm>>) target_semaphore(%arg13 : memref<!tpu.dma_semaphore, #tpu.memory_space<semaphore_mem>>)
    %dma_start3A_351 = arith.constant 0 : i32
    %dma_start3A_352 = arith.constant 0 : i32
    %dma_start3A_353 = tpu.memref_slice %arg11[%dma_start3A_351, %dma_start3A_352] : memref<24x2048xi32, #tpu.memory_space<vmem>> -> memref<24x2048xi32, #tpu.memory_space<vmem>>
    %dma_start3A_354 = arith.constant 0 : i32
    %dma_start3A_355 = tpu.memref_slice %arg5[%add3A_286, %dma_start3A_354] : memref<8192x2048xi32, #tpu.memory_space<hbm>> -> memref<24x2048xi32, #tpu.memory_space<hbm>>
    %dma_start3A_356 = arith.constant 0 : i32
    %dma_start3A_357 = tpu.memref_slice %arg5[%add3A_286, %dma_start3A_356] : memref<8192x2048xi32, #tpu.memory_space<hbm>> -> memref<24x2048xi32, #tpu.memory_space<hbm>>
    %dma_start3A_358 = arith.constant 0 : i32
    %dma_start3A_359 = arith.constant 0 : i32
    %dma_start3A_360 = tpu.memref_slice %arg11[%dma_start3A_358, %dma_start3A_359] : memref<24x2048xi32, #tpu.memory_space<vmem>> -> memref<24x2048xi32, #tpu.memory_space<vmem>>
    tpu.enqueue_dma source(%dma_start3A_360 : memref<24x2048xi32, #tpu.memory_space<vmem>>) target(%dma_start3A_357 : memref<24x2048xi32, #tpu.memory_space<hbm>>) target_semaphore(%arg13 : memref<!tpu.dma_semaphore, #tpu.memory_space<semaphore_mem>>)
    %add3A_361 = arith.constant 120 : i32
    %add3A_362 = arith.addi %mul3A_2, %add3A_361 : i32
    "tpu.region"() ({
      %run_scoped3A = tpu.sem_alloc : memref<!tpu.dma_semaphore, #tpu.memory_space<semaphore_mem>>
      %dma_start3A_837 = arith.constant 0 : i32
      %dma_start3A_838 = tpu.memref_slice %arg6[%dma_start3A_837] : memref<24xi32, #tpu.memory_space<vmem>> -> memref<24xi32, #tpu.memory_space<vmem>>
      %dma_start3A_839 = tpu.memref_slice %arg3[%add3A_362] : memref<16384xi32, #tpu.memory_space<hbm>> -> memref<24xi32, #tpu.memory_space<hbm>>
      %dma_start3A_840 = arith.constant 0 : i32
      %dma_start3A_841 = tpu.memref_slice %arg6[%dma_start3A_840] : memref<24xi32, #tpu.memory_space<vmem>> -> memref<24xi32, #tpu.memory_space<vmem>>
      %dma_start3A_842 = tpu.memref_slice %arg3[%add3A_362] : memref<16384xi32, #tpu.memory_space<hbm>> -> memref<24xi32, #tpu.memory_space<hbm>>
      tpu.enqueue_dma source(%dma_start3A_842 : memref<24xi32, #tpu.memory_space<hbm>>) target(%dma_start3A_841 : memref<24xi32, #tpu.memory_space<vmem>>) target_semaphore(%run_scoped3A : memref<!tpu.dma_semaphore, #tpu.memory_space<semaphore_mem>>)
      %dma_wait3A_843 = arith.constant 0 : i32
      %dma_wait3A_844 = tpu.memref_slice %arg6[%dma_wait3A_843] : memref<24xi32, #tpu.memory_space<vmem>> -> memref<24xi32, #tpu.memory_space<vmem>>
      %dma_wait3A_845 = tpu.memref_slice %arg3[%add3A_362] : memref<16384xi32, #tpu.memory_space<hbm>> -> memref<24xi32, #tpu.memory_space<hbm>>
      %dma_wait3A_846 = arith.constant 0 : i32
      %dma_wait3A_847 = tpu.memref_slice %arg6[%dma_wait3A_846] : memref<24xi32, #tpu.memory_space<vmem>> -> memref<24xi32, #tpu.memory_space<vmem>>
      %dma_wait3A_848 = tpu.memref_slice %arg3[%add3A_362] : memref<16384xi32, #tpu.memory_space<hbm>> -> memref<24xi32, #tpu.memory_space<hbm>>
      tpu.wait_dma2 semaphore(%run_scoped3A : memref<!tpu.dma_semaphore, #tpu.memory_space<semaphore_mem>>) src(%dma_wait3A_848 : memref<24xi32, #tpu.memory_space<hbm>>) dst(%dma_wait3A_847 : memref<24xi32, #tpu.memory_space<vmem>>)
      tpu.yield
    }) : () -> ()
    %add3A_363 = arith.constant 8192 : i32
    %add3A_364 = arith.addi %add3A_363, %add3A_362 : i32
    "tpu.region"() ({
      %run_scoped3A = tpu.sem_alloc : memref<!tpu.dma_semaphore, #tpu.memory_space<semaphore_mem>>
      %dma_start3A_837 = arith.constant 0 : i32
      %dma_start3A_838 = tpu.memref_slice %arg8[%dma_start3A_837] : memref<24xi32, #tpu.memory_space<vmem>> -> memref<24xi32, #tpu.memory_space<vmem>>
      %dma_start3A_839 = tpu.memref_slice %arg3[%add3A_364] : memref<16384xi32, #tpu.memory_space<hbm>> -> memref<24xi32, #tpu.memory_space<hbm>>
      %dma_start3A_840 = arith.constant 0 : i32
      %dma_start3A_841 = tpu.memref_slice %arg8[%dma_start3A_840] : memref<24xi32, #tpu.memory_space<vmem>> -> memref<24xi32, #tpu.memory_space<vmem>>
      %dma_start3A_842 = tpu.memref_slice %arg3[%add3A_364] : memref<16384xi32, #tpu.memory_space<hbm>> -> memref<24xi32, #tpu.memory_space<hbm>>
      tpu.enqueue_dma source(%dma_start3A_842 : memref<24xi32, #tpu.memory_space<hbm>>) target(%dma_start3A_841 : memref<24xi32, #tpu.memory_space<vmem>>) target_semaphore(%run_scoped3A : memref<!tpu.dma_semaphore, #tpu.memory_space<semaphore_mem>>)
      %dma_wait3A_843 = arith.constant 0 : i32
      %dma_wait3A_844 = tpu.memref_slice %arg8[%dma_wait3A_843] : memref<24xi32, #tpu.memory_space<vmem>> -> memref<24xi32, #tpu.memory_space<vmem>>
      %dma_wait3A_845 = tpu.memref_slice %arg3[%add3A_364] : memref<16384xi32, #tpu.memory_space<hbm>> -> memref<24xi32, #tpu.memory_space<hbm>>
      %dma_wait3A_846 = arith.constant 0 : i32
      %dma_wait3A_847 = tpu.memref_slice %arg8[%dma_wait3A_846] : memref<24xi32, #tpu.memory_space<vmem>> -> memref<24xi32, #tpu.memory_space<vmem>>
      %dma_wait3A_848 = tpu.memref_slice %arg3[%add3A_364] : memref<16384xi32, #tpu.memory_space<hbm>> -> memref<24xi32, #tpu.memory_space<hbm>>
      tpu.wait_dma2 semaphore(%run_scoped3A : memref<!tpu.dma_semaphore, #tpu.memory_space<semaphore_mem>>) src(%dma_wait3A_848 : memref<24xi32, #tpu.memory_space<hbm>>) dst(%dma_wait3A_847 : memref<24xi32, #tpu.memory_space<vmem>>)
      tpu.yield
    }) : () -> ()
    %dma_wait3A_365 = arith.constant 0 : i32
    %dma_wait3A_366 = arith.constant 0 : i32
    %dma_wait3A_367 = tpu.memref_slice %arg10[%dma_wait3A_365, %dma_wait3A_366] : memref<24x2048xi32, #tpu.memory_space<vmem>> -> memref<24x2048xi32, #tpu.memory_space<vmem>>
    %dma_wait3A_368 = arith.constant 0 : i32
    %dma_wait3A_369 = tpu.memref_slice %arg4[%add3A_286, %dma_wait3A_368] : memref<8192x2048xi32, #tpu.memory_space<hbm>> -> memref<24x2048xi32, #tpu.memory_space<hbm>>
    %dma_wait3A_370 = arith.constant 0 : i32
    %dma_wait3A_371 = tpu.memref_slice %arg4[%add3A_286, %dma_wait3A_370] : memref<8192x2048xi32, #tpu.memory_space<hbm>> -> memref<24x2048xi32, #tpu.memory_space<hbm>>
    %dma_wait3A_372 = arith.constant 0 : i32
    %dma_wait3A_373 = arith.constant 0 : i32
    %dma_wait3A_374 = tpu.memref_slice %arg10[%dma_wait3A_372, %dma_wait3A_373] : memref<24x2048xi32, #tpu.memory_space<vmem>> -> memref<24x2048xi32, #tpu.memory_space<vmem>>
    tpu.wait_dma2 semaphore(%arg13 : memref<!tpu.dma_semaphore, #tpu.memory_space<semaphore_mem>>) src(%dma_wait3A_374 : memref<24x2048xi32, #tpu.memory_space<vmem>>) dst(%dma_wait3A_371 : memref<24x2048xi32, #tpu.memory_space<hbm>>)
    %dma_wait3A_375 = arith.constant 0 : i32
    %dma_wait3A_376 = arith.constant 0 : i32
    %dma_wait3A_377 = tpu.memref_slice %arg11[%dma_wait3A_375, %dma_wait3A_376] : memref<24x2048xi32, #tpu.memory_space<vmem>> -> memref<24x2048xi32, #tpu.memory_space<vmem>>
    %dma_wait3A_378 = arith.constant 0 : i32
    %dma_wait3A_379 = tpu.memref_slice %arg5[%add3A_286, %dma_wait3A_378] : memref<8192x2048xi32, #tpu.memory_space<hbm>> -> memref<24x2048xi32, #tpu.memory_space<hbm>>
    %dma_wait3A_380 = arith.constant 0 : i32
    %dma_wait3A_381 = tpu.memref_slice %arg5[%add3A_286, %dma_wait3A_380] : memref<8192x2048xi32, #tpu.memory_space<hbm>> -> memref<24x2048xi32, #tpu.memory_space<hbm>>
    %dma_wait3A_382 = arith.constant 0 : i32
    %dma_wait3A_383 = arith.constant 0 : i32
    %dma_wait3A_384 = tpu.memref_slice %arg11[%dma_wait3A_382, %dma_wait3A_383] : memref<24x2048xi32, #tpu.memory_space<vmem>> -> memref<24x2048xi32, #tpu.memory_space<vmem>>
    tpu.wait_dma2 semaphore(%arg13 : memref<!tpu.dma_semaphore, #tpu.memory_space<semaphore_mem>>) src(%dma_wait3A_384 : memref<24x2048xi32, #tpu.memory_space<vmem>>) dst(%dma_wait3A_381 : memref<24x2048xi32, #tpu.memory_space<hbm>>)
    %dma_start3A_385 = arith.constant 0 : i32
    %dma_start3A_386 = arith.constant 0 : i32
    %dma_start3A_387 = tpu.memref_slice %arg10[%dma_start3A_385, %dma_start3A_386] : memref<24x2048xi32, #tpu.memory_space<vmem>> -> memref<24x2048xi32, #tpu.memory_space<vmem>>
    %dma_start3A_388 = arith.constant 0 : i32
    %dma_start3A_389 = tpu.memref_slice %arg6[%dma_start3A_388] : memref<24xi32, #tpu.memory_space<vmem>> -> memref<24xi32, #tpu.memory_space<vmem>>
    %dma_start3A_390 = arith.constant 0 : i32
    %dma_start3A_391 = arith.constant 0 : i32
    %dma_start3A_392 = tpu.memref_slice %arg2[%dma_start3A_390, %dma_start3A_391] : memref<20480x2048xi32, #tpu.memory_space<hbm>> -> memref<20480x2048xi32, #tpu.memory_space<hbm>>
    tpu.enqueue_indirect_dma source(%dma_start3A_392 : memref<20480x2048xi32, #tpu.memory_space<hbm>>) target(%dma_start3A_387 : memref<24x2048xi32, #tpu.memory_space<vmem>>) offsets(%dma_start3A_389 : memref<24xi32, #tpu.memory_space<vmem>>) semaphore(%arg12 : memref<!tpu.dma_semaphore, #tpu.memory_space<semaphore_mem>>)
    %dma_start3A_393 = arith.constant 0 : i32
    %dma_start3A_394 = arith.constant 0 : i32
    %dma_start3A_395 = tpu.memref_slice %arg11[%dma_start3A_393, %dma_start3A_394] : memref<24x2048xi32, #tpu.memory_space<vmem>> -> memref<24x2048xi32, #tpu.memory_space<vmem>>
    %dma_start3A_396 = arith.constant 0 : i32
    %dma_start3A_397 = tpu.memref_slice %arg8[%dma_start3A_396] : memref<24xi32, #tpu.memory_space<vmem>> -> memref<24xi32, #tpu.memory_space<vmem>>
    %dma_start3A_398 = arith.constant 0 : i32
    %dma_start3A_399 = arith.constant 0 : i32
    %dma_start3A_400 = tpu.memref_slice %arg2[%dma_start3A_398, %dma_start3A_399] : memref<20480x2048xi32, #tpu.memory_space<hbm>> -> memref<20480x2048xi32, #tpu.memory_space<hbm>>
    tpu.enqueue_indirect_dma source(%dma_start3A_400 : memref<20480x2048xi32, #tpu.memory_space<hbm>>) target(%dma_start3A_395 : memref<24x2048xi32, #tpu.memory_space<vmem>>) offsets(%dma_start3A_397 : memref<24xi32, #tpu.memory_space<vmem>>) semaphore(%arg12 : memref<!tpu.dma_semaphore, #tpu.memory_space<semaphore_mem>>)
    %dma_wait3A_401 = arith.constant 0 : i32
    %dma_wait3A_402 = arith.constant 0 : i32
    %dma_wait3A_403 = tpu.memref_slice %arg10[%dma_wait3A_401, %dma_wait3A_402] : memref<24x2048xi32, #tpu.memory_space<vmem>> -> memref<24x2048xi32, #tpu.memory_space<vmem>>
    %dma_wait3A_404 = arith.constant 0 : i32
    %dma_wait3A_405 = tpu.memref_slice %arg6[%dma_wait3A_404] : memref<24xi32, #tpu.memory_space<vmem>> -> memref<24xi32, #tpu.memory_space<vmem>>
    %dma_wait3A_406 = arith.constant 0 : i32
    %dma_wait3A_407 = arith.constant 0 : i32
    %dma_wait3A_408 = tpu.memref_slice %arg2[%dma_wait3A_406, %dma_wait3A_407] : memref<20480x2048xi32, #tpu.memory_space<hbm>> -> memref<20480x2048xi32, #tpu.memory_space<hbm>>
    tpu.wait_indirect_dma semaphore(%arg12 : memref<!tpu.dma_semaphore, #tpu.memory_space<semaphore_mem>>) src(%dma_wait3A_408 : memref<20480x2048xi32, #tpu.memory_space<hbm>>) dst(%dma_wait3A_403 : memref<24x2048xi32, #tpu.memory_space<vmem>>)
    %dma_wait3A_409 = arith.constant 0 : i32
    %dma_wait3A_410 = arith.constant 0 : i32
    %dma_wait3A_411 = tpu.memref_slice %arg11[%dma_wait3A_409, %dma_wait3A_410] : memref<24x2048xi32, #tpu.memory_space<vmem>> -> memref<24x2048xi32, #tpu.memory_space<vmem>>
    %dma_wait3A_412 = arith.constant 0 : i32
    %dma_wait3A_413 = tpu.memref_slice %arg8[%dma_wait3A_412] : memref<24xi32, #tpu.memory_space<vmem>> -> memref<24xi32, #tpu.memory_space<vmem>>
    %dma_wait3A_414 = arith.constant 0 : i32
    %dma_wait3A_415 = arith.constant 0 : i32
    %dma_wait3A_416 = tpu.memref_slice %arg2[%dma_wait3A_414, %dma_wait3A_415] : memref<20480x2048xi32, #tpu.memory_space<hbm>> -> memref<20480x2048xi32, #tpu.memory_space<hbm>>
    tpu.wait_indirect_dma semaphore(%arg12 : memref<!tpu.dma_semaphore, #tpu.memory_space<semaphore_mem>>) src(%dma_wait3A_416 : memref<20480x2048xi32, #tpu.memory_space<hbm>>) dst(%dma_wait3A_411 : memref<24x2048xi32, #tpu.memory_space<vmem>>)
    %dma_start3A_417 = arith.constant 0 : i32
    %dma_start3A_418 = arith.constant 0 : i32
    %dma_start3A_419 = tpu.memref_slice %arg10[%dma_start3A_417, %dma_start3A_418] : memref<24x2048xi32, #tpu.memory_space<vmem>> -> memref<24x2048xi32, #tpu.memory_space<vmem>>
    %dma_start3A_420 = arith.constant 0 : i32
    %dma_start3A_421 = tpu.memref_slice %arg4[%add3A_362, %dma_start3A_420] : memref<8192x2048xi32, #tpu.memory_space<hbm>> -> memref<24x2048xi32, #tpu.memory_space<hbm>>
    %dma_start3A_422 = arith.constant 0 : i32
    %dma_start3A_423 = tpu.memref_slice %arg4[%add3A_362, %dma_start3A_422] : memref<8192x2048xi32, #tpu.memory_space<hbm>> -> memref<24x2048xi32, #tpu.memory_space<hbm>>
    %dma_start3A_424 = arith.constant 0 : i32
    %dma_start3A_425 = arith.constant 0 : i32
    %dma_start3A_426 = tpu.memref_slice %arg10[%dma_start3A_424, %dma_start3A_425] : memref<24x2048xi32, #tpu.memory_space<vmem>> -> memref<24x2048xi32, #tpu.memory_space<vmem>>
    tpu.enqueue_dma source(%dma_start3A_426 : memref<24x2048xi32, #tpu.memory_space<vmem>>) target(%dma_start3A_423 : memref<24x2048xi32, #tpu.memory_space<hbm>>) target_semaphore(%arg13 : memref<!tpu.dma_semaphore, #tpu.memory_space<semaphore_mem>>)
    %dma_start3A_427 = arith.constant 0 : i32
    %dma_start3A_428 = arith.constant 0 : i32
    %dma_start3A_429 = tpu.memref_slice %arg11[%dma_start3A_427, %dma_start3A_428] : memref<24x2048xi32, #tpu.memory_space<vmem>> -> memref<24x2048xi32, #tpu.memory_space<vmem>>
    %dma_start3A_430 = arith.constant 0 : i32
    %dma_start3A_431 = tpu.memref_slice %arg5[%add3A_362, %dma_start3A_430] : memref<8192x2048xi32, #tpu.memory_space<hbm>> -> memref<24x2048xi32, #tpu.memory_space<hbm>>
    %dma_start3A_432 = arith.constant 0 : i32
    %dma_start3A_433 = tpu.memref_slice %arg5[%add3A_362, %dma_start3A_432] : memref<8192x2048xi32, #tpu.memory_space<hbm>> -> memref<24x2048xi32, #tpu.memory_space<hbm>>
    %dma_start3A_434 = arith.constant 0 : i32
    %dma_start3A_435 = arith.constant 0 : i32
    %dma_start3A_436 = tpu.memref_slice %arg11[%dma_start3A_434, %dma_start3A_435] : memref<24x2048xi32, #tpu.memory_space<vmem>> -> memref<24x2048xi32, #tpu.memory_space<vmem>>
    tpu.enqueue_dma source(%dma_start3A_436 : memref<24x2048xi32, #tpu.memory_space<vmem>>) target(%dma_start3A_433 : memref<24x2048xi32, #tpu.memory_space<hbm>>) target_semaphore(%arg13 : memref<!tpu.dma_semaphore, #tpu.memory_space<semaphore_mem>>)
    %add3A_437 = arith.constant 144 : i32
    %add3A_438 = arith.addi %mul3A_2, %add3A_437 : i32
    "tpu.region"() ({
      %run_scoped3A = tpu.sem_alloc : memref<!tpu.dma_semaphore, #tpu.memory_space<semaphore_mem>>
      %dma_start3A_837 = arith.constant 0 : i32
      %dma_start3A_838 = tpu.memref_slice %arg6[%dma_start3A_837] : memref<24xi32, #tpu.memory_space<vmem>> -> memref<24xi32, #tpu.memory_space<vmem>>
      %dma_start3A_839 = tpu.memref_slice %arg3[%add3A_438] : memref<16384xi32, #tpu.memory_space<hbm>> -> memref<24xi32, #tpu.memory_space<hbm>>
      %dma_start3A_840 = arith.constant 0 : i32
      %dma_start3A_841 = tpu.memref_slice %arg6[%dma_start3A_840] : memref<24xi32, #tpu.memory_space<vmem>> -> memref<24xi32, #tpu.memory_space<vmem>>
      %dma_start3A_842 = tpu.memref_slice %arg3[%add3A_438] : memref<16384xi32, #tpu.memory_space<hbm>> -> memref<24xi32, #tpu.memory_space<hbm>>
      tpu.enqueue_dma source(%dma_start3A_842 : memref<24xi32, #tpu.memory_space<hbm>>) target(%dma_start3A_841 : memref<24xi32, #tpu.memory_space<vmem>>) target_semaphore(%run_scoped3A : memref<!tpu.dma_semaphore, #tpu.memory_space<semaphore_mem>>)
      %dma_wait3A_843 = arith.constant 0 : i32
      %dma_wait3A_844 = tpu.memref_slice %arg6[%dma_wait3A_843] : memref<24xi32, #tpu.memory_space<vmem>> -> memref<24xi32, #tpu.memory_space<vmem>>
      %dma_wait3A_845 = tpu.memref_slice %arg3[%add3A_438] : memref<16384xi32, #tpu.memory_space<hbm>> -> memref<24xi32, #tpu.memory_space<hbm>>
      %dma_wait3A_846 = arith.constant 0 : i32
      %dma_wait3A_847 = tpu.memref_slice %arg6[%dma_wait3A_846] : memref<24xi32, #tpu.memory_space<vmem>> -> memref<24xi32, #tpu.memory_space<vmem>>
      %dma_wait3A_848 = tpu.memref_slice %arg3[%add3A_438] : memref<16384xi32, #tpu.memory_space<hbm>> -> memref<24xi32, #tpu.memory_space<hbm>>
      tpu.wait_dma2 semaphore(%run_scoped3A : memref<!tpu.dma_semaphore, #tpu.memory_space<semaphore_mem>>) src(%dma_wait3A_848 : memref<24xi32, #tpu.memory_space<hbm>>) dst(%dma_wait3A_847 : memref<24xi32, #tpu.memory_space<vmem>>)
      tpu.yield
    }) : () -> ()
    %add3A_439 = arith.constant 8192 : i32
    %add3A_440 = arith.addi %add3A_439, %add3A_438 : i32
    "tpu.region"() ({
      %run_scoped3A = tpu.sem_alloc : memref<!tpu.dma_semaphore, #tpu.memory_space<semaphore_mem>>
      %dma_start3A_837 = arith.constant 0 : i32
      %dma_start3A_838 = tpu.memref_slice %arg8[%dma_start3A_837] : memref<24xi32, #tpu.memory_space<vmem>> -> memref<24xi32, #tpu.memory_space<vmem>>
      %dma_start3A_839 = tpu.memref_slice %arg3[%add3A_440] : memref<16384xi32, #tpu.memory_space<hbm>> -> memref<24xi32, #tpu.memory_space<hbm>>
      %dma_start3A_840 = arith.constant 0 : i32
      %dma_start3A_841 = tpu.memref_slice %arg8[%dma_start3A_840] : memref<24xi32, #tpu.memory_space<vmem>> -> memref<24xi32, #tpu.memory_space<vmem>>
      %dma_start3A_842 = tpu.memref_slice %arg3[%add3A_440] : memref<16384xi32, #tpu.memory_space<hbm>> -> memref<24xi32, #tpu.memory_space<hbm>>
      tpu.enqueue_dma source(%dma_start3A_842 : memref<24xi32, #tpu.memory_space<hbm>>) target(%dma_start3A_841 : memref<24xi32, #tpu.memory_space<vmem>>) target_semaphore(%run_scoped3A : memref<!tpu.dma_semaphore, #tpu.memory_space<semaphore_mem>>)
      %dma_wait3A_843 = arith.constant 0 : i32
      %dma_wait3A_844 = tpu.memref_slice %arg8[%dma_wait3A_843] : memref<24xi32, #tpu.memory_space<vmem>> -> memref<24xi32, #tpu.memory_space<vmem>>
      %dma_wait3A_845 = tpu.memref_slice %arg3[%add3A_440] : memref<16384xi32, #tpu.memory_space<hbm>> -> memref<24xi32, #tpu.memory_space<hbm>>
      %dma_wait3A_846 = arith.constant 0 : i32
      %dma_wait3A_847 = tpu.memref_slice %arg8[%dma_wait3A_846] : memref<24xi32, #tpu.memory_space<vmem>> -> memref<24xi32, #tpu.memory_space<vmem>>
      %dma_wait3A_848 = tpu.memref_slice %arg3[%add3A_440] : memref<16384xi32, #tpu.memory_space<hbm>> -> memref<24xi32, #tpu.memory_space<hbm>>
      tpu.wait_dma2 semaphore(%run_scoped3A : memref<!tpu.dma_semaphore, #tpu.memory_space<semaphore_mem>>) src(%dma_wait3A_848 : memref<24xi32, #tpu.memory_space<hbm>>) dst(%dma_wait3A_847 : memref<24xi32, #tpu.memory_space<vmem>>)
      tpu.yield
    }) : () -> ()
    %dma_wait3A_441 = arith.constant 0 : i32
    %dma_wait3A_442 = arith.constant 0 : i32
    %dma_wait3A_443 = tpu.memref_slice %arg10[%dma_wait3A_441, %dma_wait3A_442] : memref<24x2048xi32, #tpu.memory_space<vmem>> -> memref<24x2048xi32, #tpu.memory_space<vmem>>
    %dma_wait3A_444 = arith.constant 0 : i32
    %dma_wait3A_445 = tpu.memref_slice %arg4[%add3A_362, %dma_wait3A_444] : memref<8192x2048xi32, #tpu.memory_space<hbm>> -> memref<24x2048xi32, #tpu.memory_space<hbm>>
    %dma_wait3A_446 = arith.constant 0 : i32
    %dma_wait3A_447 = tpu.memref_slice %arg4[%add3A_362, %dma_wait3A_446] : memref<8192x2048xi32, #tpu.memory_space<hbm>> -> memref<24x2048xi32, #tpu.memory_space<hbm>>
    %dma_wait3A_448 = arith.constant 0 : i32
    %dma_wait3A_449 = arith.constant 0 : i32
    %dma_wait3A_450 = tpu.memref_slice %arg10[%dma_wait3A_448, %dma_wait3A_449] : memref<24x2048xi32, #tpu.memory_space<vmem>> -> memref<24x2048xi32, #tpu.memory_space<vmem>>
    tpu.wait_dma2 semaphore(%arg13 : memref<!tpu.dma_semaphore, #tpu.memory_space<semaphore_mem>>) src(%dma_wait3A_450 : memref<24x2048xi32, #tpu.memory_space<vmem>>) dst(%dma_wait3A_447 : memref<24x2048xi32, #tpu.memory_space<hbm>>)
    %dma_wait3A_451 = arith.constant 0 : i32
    %dma_wait3A_452 = arith.constant 0 : i32
    %dma_wait3A_453 = tpu.memref_slice %arg11[%dma_wait3A_451, %dma_wait3A_452] : memref<24x2048xi32, #tpu.memory_space<vmem>> -> memref<24x2048xi32, #tpu.memory_space<vmem>>
    %dma_wait3A_454 = arith.constant 0 : i32
    %dma_wait3A_455 = tpu.memref_slice %arg5[%add3A_362, %dma_wait3A_454] : memref<8192x2048xi32, #tpu.memory_space<hbm>> -> memref<24x2048xi32, #tpu.memory_space<hbm>>
    %dma_wait3A_456 = arith.constant 0 : i32
    %dma_wait3A_457 = tpu.memref_slice %arg5[%add3A_362, %dma_wait3A_456] : memref<8192x2048xi32, #tpu.memory_space<hbm>> -> memref<24x2048xi32, #tpu.memory_space<hbm>>
    %dma_wait3A_458 = arith.constant 0 : i32
    %dma_wait3A_459 = arith.constant 0 : i32
    %dma_wait3A_460 = tpu.memref_slice %arg11[%dma_wait3A_458, %dma_wait3A_459] : memref<24x2048xi32, #tpu.memory_space<vmem>> -> memref<24x2048xi32, #tpu.memory_space<vmem>>
    tpu.wait_dma2 semaphore(%arg13 : memref<!tpu.dma_semaphore, #tpu.memory_space<semaphore_mem>>) src(%dma_wait3A_460 : memref<24x2048xi32, #tpu.memory_space<vmem>>) dst(%dma_wait3A_457 : memref<24x2048xi32, #tpu.memory_space<hbm>>)
    %dma_start3A_461 = arith.constant 0 : i32
    %dma_start3A_462 = arith.constant 0 : i32
    %dma_start3A_463 = tpu.memref_slice %arg10[%dma_start3A_461, %dma_start3A_462] : memref<24x2048xi32, #tpu.memory_space<vmem>> -> memref<24x2048xi32, #tpu.memory_space<vmem>>
    %dma_start3A_464 = arith.constant 0 : i32
    %dma_start3A_465 = tpu.memref_slice %arg6[%dma_start3A_464] : memref<24xi32, #tpu.memory_space<vmem>> -> memref<24xi32, #tpu.memory_space<vmem>>
    %dma_start3A_466 = arith.constant 0 : i32
    %dma_start3A_467 = arith.constant 0 : i32
    %dma_start3A_468 = tpu.memref_slice %arg2[%dma_start3A_466, %dma_start3A_467] : memref<20480x2048xi32, #tpu.memory_space<hbm>> -> memref<20480x2048xi32, #tpu.memory_space<hbm>>
    tpu.enqueue_indirect_dma source(%dma_start3A_468 : memref<20480x2048xi32, #tpu.memory_space<hbm>>) target(%dma_start3A_463 : memref<24x2048xi32, #tpu.memory_space<vmem>>) offsets(%dma_start3A_465 : memref<24xi32, #tpu.memory_space<vmem>>) semaphore(%arg12 : memref<!tpu.dma_semaphore, #tpu.memory_space<semaphore_mem>>)
    %dma_start3A_469 = arith.constant 0 : i32
    %dma_start3A_470 = arith.constant 0 : i32
    %dma_start3A_471 = tpu.memref_slice %arg11[%dma_start3A_469, %dma_start3A_470] : memref<24x2048xi32, #tpu.memory_space<vmem>> -> memref<24x2048xi32, #tpu.memory_space<vmem>>
    %dma_start3A_472 = arith.constant 0 : i32
    %dma_start3A_473 = tpu.memref_slice %arg8[%dma_start3A_472] : memref<24xi32, #tpu.memory_space<vmem>> -> memref<24xi32, #tpu.memory_space<vmem>>
    %dma_start3A_474 = arith.constant 0 : i32
    %dma_start3A_475 = arith.constant 0 : i32
    %dma_start3A_476 = tpu.memref_slice %arg2[%dma_start3A_474, %dma_start3A_475] : memref<20480x2048xi32, #tpu.memory_space<hbm>> -> memref<20480x2048xi32, #tpu.memory_space<hbm>>
    tpu.enqueue_indirect_dma source(%dma_start3A_476 : memref<20480x2048xi32, #tpu.memory_space<hbm>>) target(%dma_start3A_471 : memref<24x2048xi32, #tpu.memory_space<vmem>>) offsets(%dma_start3A_473 : memref<24xi32, #tpu.memory_space<vmem>>) semaphore(%arg12 : memref<!tpu.dma_semaphore, #tpu.memory_space<semaphore_mem>>)
    %dma_wait3A_477 = arith.constant 0 : i32
    %dma_wait3A_478 = arith.constant 0 : i32
    %dma_wait3A_479 = tpu.memref_slice %arg10[%dma_wait3A_477, %dma_wait3A_478] : memref<24x2048xi32, #tpu.memory_space<vmem>> -> memref<24x2048xi32, #tpu.memory_space<vmem>>
    %dma_wait3A_480 = arith.constant 0 : i32
    %dma_wait3A_481 = tpu.memref_slice %arg6[%dma_wait3A_480] : memref<24xi32, #tpu.memory_space<vmem>> -> memref<24xi32, #tpu.memory_space<vmem>>
    %dma_wait3A_482 = arith.constant 0 : i32
    %dma_wait3A_483 = arith.constant 0 : i32
    %dma_wait3A_484 = tpu.memref_slice %arg2[%dma_wait3A_482, %dma_wait3A_483] : memref<20480x2048xi32, #tpu.memory_space<hbm>> -> memref<20480x2048xi32, #tpu.memory_space<hbm>>
    tpu.wait_indirect_dma semaphore(%arg12 : memref<!tpu.dma_semaphore, #tpu.memory_space<semaphore_mem>>) src(%dma_wait3A_484 : memref<20480x2048xi32, #tpu.memory_space<hbm>>) dst(%dma_wait3A_479 : memref<24x2048xi32, #tpu.memory_space<vmem>>)
    %dma_wait3A_485 = arith.constant 0 : i32
    %dma_wait3A_486 = arith.constant 0 : i32
    %dma_wait3A_487 = tpu.memref_slice %arg11[%dma_wait3A_485, %dma_wait3A_486] : memref<24x2048xi32, #tpu.memory_space<vmem>> -> memref<24x2048xi32, #tpu.memory_space<vmem>>
    %dma_wait3A_488 = arith.constant 0 : i32
    %dma_wait3A_489 = tpu.memref_slice %arg8[%dma_wait3A_488] : memref<24xi32, #tpu.memory_space<vmem>> -> memref<24xi32, #tpu.memory_space<vmem>>
    %dma_wait3A_490 = arith.constant 0 : i32
    %dma_wait3A_491 = arith.constant 0 : i32
    %dma_wait3A_492 = tpu.memref_slice %arg2[%dma_wait3A_490, %dma_wait3A_491] : memref<20480x2048xi32, #tpu.memory_space<hbm>> -> memref<20480x2048xi32, #tpu.memory_space<hbm>>
    tpu.wait_indirect_dma semaphore(%arg12 : memref<!tpu.dma_semaphore, #tpu.memory_space<semaphore_mem>>) src(%dma_wait3A_492 : memref<20480x2048xi32, #tpu.memory_space<hbm>>) dst(%dma_wait3A_487 : memref<24x2048xi32, #tpu.memory_space<vmem>>)
    %dma_start3A_493 = arith.constant 0 : i32
    %dma_start3A_494 = arith.constant 0 : i32
    %dma_start3A_495 = tpu.memref_slice %arg10[%dma_start3A_493, %dma_start3A_494] : memref<24x2048xi32, #tpu.memory_space<vmem>> -> memref<24x2048xi32, #tpu.memory_space<vmem>>
    %dma_start3A_496 = arith.constant 0 : i32
    %dma_start3A_497 = tpu.memref_slice %arg4[%add3A_438, %dma_start3A_496] : memref<8192x2048xi32, #tpu.memory_space<hbm>> -> memref<24x2048xi32, #tpu.memory_space<hbm>>
    %dma_start3A_498 = arith.constant 0 : i32
    %dma_start3A_499 = tpu.memref_slice %arg4[%add3A_438, %dma_start3A_498] : memref<8192x2048xi32, #tpu.memory_space<hbm>> -> memref<24x2048xi32, #tpu.memory_space<hbm>>
    %dma_start3A_500 = arith.constant 0 : i32
    %dma_start3A_501 = arith.constant 0 : i32
    %dma_start3A_502 = tpu.memref_slice %arg10[%dma_start3A_500, %dma_start3A_501] : memref<24x2048xi32, #tpu.memory_space<vmem>> -> memref<24x2048xi32, #tpu.memory_space<vmem>>
    tpu.enqueue_dma source(%dma_start3A_502 : memref<24x2048xi32, #tpu.memory_space<vmem>>) target(%dma_start3A_499 : memref<24x2048xi32, #tpu.memory_space<hbm>>) target_semaphore(%arg13 : memref<!tpu.dma_semaphore, #tpu.memory_space<semaphore_mem>>)
    %dma_start3A_503 = arith.constant 0 : i32
    %dma_start3A_504 = arith.constant 0 : i32
    %dma_start3A_505 = tpu.memref_slice %arg11[%dma_start3A_503, %dma_start3A_504] : memref<24x2048xi32, #tpu.memory_space<vmem>> -> memref<24x2048xi32, #tpu.memory_space<vmem>>
    %dma_start3A_506 = arith.constant 0 : i32
    %dma_start3A_507 = tpu.memref_slice %arg5[%add3A_438, %dma_start3A_506] : memref<8192x2048xi32, #tpu.memory_space<hbm>> -> memref<24x2048xi32, #tpu.memory_space<hbm>>
    %dma_start3A_508 = arith.constant 0 : i32
    %dma_start3A_509 = tpu.memref_slice %arg5[%add3A_438, %dma_start3A_508] : memref<8192x2048xi32, #tpu.memory_space<hbm>> -> memref<24x2048xi32, #tpu.memory_space<hbm>>
    %dma_start3A_510 = arith.constant 0 : i32
    %dma_start3A_511 = arith.constant 0 : i32
    %dma_start3A_512 = tpu.memref_slice %arg11[%dma_start3A_510, %dma_start3A_511] : memref<24x2048xi32, #tpu.memory_space<vmem>> -> memref<24x2048xi32, #tpu.memory_space<vmem>>
    tpu.enqueue_dma source(%dma_start3A_512 : memref<24x2048xi32, #tpu.memory_space<vmem>>) target(%dma_start3A_509 : memref<24x2048xi32, #tpu.memory_space<hbm>>) target_semaphore(%arg13 : memref<!tpu.dma_semaphore, #tpu.memory_space<semaphore_mem>>)
    %add3A_513 = arith.constant 168 : i32
    %add3A_514 = arith.addi %mul3A_2, %add3A_513 : i32
    "tpu.region"() ({
      %run_scoped3A = tpu.sem_alloc : memref<!tpu.dma_semaphore, #tpu.memory_space<semaphore_mem>>
      %dma_start3A_837 = arith.constant 0 : i32
      %dma_start3A_838 = tpu.memref_slice %arg6[%dma_start3A_837] : memref<24xi32, #tpu.memory_space<vmem>> -> memref<24xi32, #tpu.memory_space<vmem>>
      %dma_start3A_839 = tpu.memref_slice %arg3[%add3A_514] : memref<16384xi32, #tpu.memory_space<hbm>> -> memref<24xi32, #tpu.memory_space<hbm>>
      %dma_start3A_840 = arith.constant 0 : i32
      %dma_start3A_841 = tpu.memref_slice %arg6[%dma_start3A_840] : memref<24xi32, #tpu.memory_space<vmem>> -> memref<24xi32, #tpu.memory_space<vmem>>
      %dma_start3A_842 = tpu.memref_slice %arg3[%add3A_514] : memref<16384xi32, #tpu.memory_space<hbm>> -> memref<24xi32, #tpu.memory_space<hbm>>
      tpu.enqueue_dma source(%dma_start3A_842 : memref<24xi32, #tpu.memory_space<hbm>>) target(%dma_start3A_841 : memref<24xi32, #tpu.memory_space<vmem>>) target_semaphore(%run_scoped3A : memref<!tpu.dma_semaphore, #tpu.memory_space<semaphore_mem>>)
      %dma_wait3A_843 = arith.constant 0 : i32
      %dma_wait3A_844 = tpu.memref_slice %arg6[%dma_wait3A_843] : memref<24xi32, #tpu.memory_space<vmem>> -> memref<24xi32, #tpu.memory_space<vmem>>
      %dma_wait3A_845 = tpu.memref_slice %arg3[%add3A_514] : memref<16384xi32, #tpu.memory_space<hbm>> -> memref<24xi32, #tpu.memory_space<hbm>>
      %dma_wait3A_846 = arith.constant 0 : i32
      %dma_wait3A_847 = tpu.memref_slice %arg6[%dma_wait3A_846] : memref<24xi32, #tpu.memory_space<vmem>> -> memref<24xi32, #tpu.memory_space<vmem>>
      %dma_wait3A_848 = tpu.memref_slice %arg3[%add3A_514] : memref<16384xi32, #tpu.memory_space<hbm>> -> memref<24xi32, #tpu.memory_space<hbm>>
      tpu.wait_dma2 semaphore(%run_scoped3A : memref<!tpu.dma_semaphore, #tpu.memory_space<semaphore_mem>>) src(%dma_wait3A_848 : memref<24xi32, #tpu.memory_space<hbm>>) dst(%dma_wait3A_847 : memref<24xi32, #tpu.memory_space<vmem>>)
      tpu.yield
    }) : () -> ()
    %add3A_515 = arith.constant 8192 : i32
    %add3A_516 = arith.addi %add3A_515, %add3A_514 : i32
    "tpu.region"() ({
      %run_scoped3A = tpu.sem_alloc : memref<!tpu.dma_semaphore, #tpu.memory_space<semaphore_mem>>
      %dma_start3A_837 = arith.constant 0 : i32
      %dma_start3A_838 = tpu.memref_slice %arg8[%dma_start3A_837] : memref<24xi32, #tpu.memory_space<vmem>> -> memref<24xi32, #tpu.memory_space<vmem>>
      %dma_start3A_839 = tpu.memref_slice %arg3[%add3A_516] : memref<16384xi32, #tpu.memory_space<hbm>> -> memref<24xi32, #tpu.memory_space<hbm>>
      %dma_start3A_840 = arith.constant 0 : i32
      %dma_start3A_841 = tpu.memref_slice %arg8[%dma_start3A_840] : memref<24xi32, #tpu.memory_space<vmem>> -> memref<24xi32, #tpu.memory_space<vmem>>
      %dma_start3A_842 = tpu.memref_slice %arg3[%add3A_516] : memref<16384xi32, #tpu.memory_space<hbm>> -> memref<24xi32, #tpu.memory_space<hbm>>
      tpu.enqueue_dma source(%dma_start3A_842 : memref<24xi32, #tpu.memory_space<hbm>>) target(%dma_start3A_841 : memref<24xi32, #tpu.memory_space<vmem>>) target_semaphore(%run_scoped3A : memref<!tpu.dma_semaphore, #tpu.memory_space<semaphore_mem>>)
      %dma_wait3A_843 = arith.constant 0 : i32
      %dma_wait3A_844 = tpu.memref_slice %arg8[%dma_wait3A_843] : memref<24xi32, #tpu.memory_space<vmem>> -> memref<24xi32, #tpu.memory_space<vmem>>
      %dma_wait3A_845 = tpu.memref_slice %arg3[%add3A_516] : memref<16384xi32, #tpu.memory_space<hbm>> -> memref<24xi32, #tpu.memory_space<hbm>>
      %dma_wait3A_846 = arith.constant 0 : i32
      %dma_wait3A_847 = tpu.memref_slice %arg8[%dma_wait3A_846] : memref<24xi32, #tpu.memory_space<vmem>> -> memref<24xi32, #tpu.memory_space<vmem>>
      %dma_wait3A_848 = tpu.memref_slice %arg3[%add3A_516] : memref<16384xi32, #tpu.memory_space<hbm>> -> memref<24xi32, #tpu.memory_space<hbm>>
      tpu.wait_dma2 semaphore(%run_scoped3A : memref<!tpu.dma_semaphore, #tpu.memory_space<semaphore_mem>>) src(%dma_wait3A_848 : memref<24xi32, #tpu.memory_space<hbm>>) dst(%dma_wait3A_847 : memref<24xi32, #tpu.memory_space<vmem>>)
      tpu.yield
    }) : () -> ()
    %dma_wait3A_517 = arith.constant 0 : i32
    %dma_wait3A_518 = arith.constant 0 : i32
    %dma_wait3A_519 = tpu.memref_slice %arg10[%dma_wait3A_517, %dma_wait3A_518] : memref<24x2048xi32, #tpu.memory_space<vmem>> -> memref<24x2048xi32, #tpu.memory_space<vmem>>
    %dma_wait3A_520 = arith.constant 0 : i32
    %dma_wait3A_521 = tpu.memref_slice %arg4[%add3A_438, %dma_wait3A_520] : memref<8192x2048xi32, #tpu.memory_space<hbm>> -> memref<24x2048xi32, #tpu.memory_space<hbm>>
    %dma_wait3A_522 = arith.constant 0 : i32
    %dma_wait3A_523 = tpu.memref_slice %arg4[%add3A_438, %dma_wait3A_522] : memref<8192x2048xi32, #tpu.memory_space<hbm>> -> memref<24x2048xi32, #tpu.memory_space<hbm>>
    %dma_wait3A_524 = arith.constant 0 : i32
    %dma_wait3A_525 = arith.constant 0 : i32
    %dma_wait3A_526 = tpu.memref_slice %arg10[%dma_wait3A_524, %dma_wait3A_525] : memref<24x2048xi32, #tpu.memory_space<vmem>> -> memref<24x2048xi32, #tpu.memory_space<vmem>>
    tpu.wait_dma2 semaphore(%arg13 : memref<!tpu.dma_semaphore, #tpu.memory_space<semaphore_mem>>) src(%dma_wait3A_526 : memref<24x2048xi32, #tpu.memory_space<vmem>>) dst(%dma_wait3A_523 : memref<24x2048xi32, #tpu.memory_space<hbm>>)
    %dma_wait3A_527 = arith.constant 0 : i32
    %dma_wait3A_528 = arith.constant 0 : i32
    %dma_wait3A_529 = tpu.memref_slice %arg11[%dma_wait3A_527, %dma_wait3A_528] : memref<24x2048xi32, #tpu.memory_space<vmem>> -> memref<24x2048xi32, #tpu.memory_space<vmem>>
    %dma_wait3A_530 = arith.constant 0 : i32
    %dma_wait3A_531 = tpu.memref_slice %arg5[%add3A_438, %dma_wait3A_530] : memref<8192x2048xi32, #tpu.memory_space<hbm>> -> memref<24x2048xi32, #tpu.memory_space<hbm>>
    %dma_wait3A_532 = arith.constant 0 : i32
    %dma_wait3A_533 = tpu.memref_slice %arg5[%add3A_438, %dma_wait3A_532] : memref<8192x2048xi32, #tpu.memory_space<hbm>> -> memref<24x2048xi32, #tpu.memory_space<hbm>>
    %dma_wait3A_534 = arith.constant 0 : i32
    %dma_wait3A_535 = arith.constant 0 : i32
    %dma_wait3A_536 = tpu.memref_slice %arg11[%dma_wait3A_534, %dma_wait3A_535] : memref<24x2048xi32, #tpu.memory_space<vmem>> -> memref<24x2048xi32, #tpu.memory_space<vmem>>
    tpu.wait_dma2 semaphore(%arg13 : memref<!tpu.dma_semaphore, #tpu.memory_space<semaphore_mem>>) src(%dma_wait3A_536 : memref<24x2048xi32, #tpu.memory_space<vmem>>) dst(%dma_wait3A_533 : memref<24x2048xi32, #tpu.memory_space<hbm>>)
    %dma_start3A_537 = arith.constant 0 : i32
    %dma_start3A_538 = arith.constant 0 : i32
    %dma_start3A_539 = tpu.memref_slice %arg10[%dma_start3A_537, %dma_start3A_538] : memref<24x2048xi32, #tpu.memory_space<vmem>> -> memref<24x2048xi32, #tpu.memory_space<vmem>>
    %dma_start3A_540 = arith.constant 0 : i32
    %dma_start3A_541 = tpu.memref_slice %arg6[%dma_start3A_540] : memref<24xi32, #tpu.memory_space<vmem>> -> memref<24xi32, #tpu.memory_space<vmem>>
    %dma_start3A_542 = arith.constant 0 : i32
    %dma_start3A_543 = arith.constant 0 : i32
    %dma_start3A_544 = tpu.memref_slice %arg2[%dma_start3A_542, %dma_start3A_543] : memref<20480x2048xi32, #tpu.memory_space<hbm>> -> memref<20480x2048xi32, #tpu.memory_space<hbm>>
    tpu.enqueue_indirect_dma source(%dma_start3A_544 : memref<20480x2048xi32, #tpu.memory_space<hbm>>) target(%dma_start3A_539 : memref<24x2048xi32, #tpu.memory_space<vmem>>) offsets(%dma_start3A_541 : memref<24xi32, #tpu.memory_space<vmem>>) semaphore(%arg12 : memref<!tpu.dma_semaphore, #tpu.memory_space<semaphore_mem>>)
    %dma_start3A_545 = arith.constant 0 : i32
    %dma_start3A_546 = arith.constant 0 : i32
    %dma_start3A_547 = tpu.memref_slice %arg11[%dma_start3A_545, %dma_start3A_546] : memref<24x2048xi32, #tpu.memory_space<vmem>> -> memref<24x2048xi32, #tpu.memory_space<vmem>>
    %dma_start3A_548 = arith.constant 0 : i32
    %dma_start3A_549 = tpu.memref_slice %arg8[%dma_start3A_548] : memref<24xi32, #tpu.memory_space<vmem>> -> memref<24xi32, #tpu.memory_space<vmem>>
    %dma_start3A_550 = arith.constant 0 : i32
    %dma_start3A_551 = arith.constant 0 : i32
    %dma_start3A_552 = tpu.memref_slice %arg2[%dma_start3A_550, %dma_start3A_551] : memref<20480x2048xi32, #tpu.memory_space<hbm>> -> memref<20480x2048xi32, #tpu.memory_space<hbm>>
    tpu.enqueue_indirect_dma source(%dma_start3A_552 : memref<20480x2048xi32, #tpu.memory_space<hbm>>) target(%dma_start3A_547 : memref<24x2048xi32, #tpu.memory_space<vmem>>) offsets(%dma_start3A_549 : memref<24xi32, #tpu.memory_space<vmem>>) semaphore(%arg12 : memref<!tpu.dma_semaphore, #tpu.memory_space<semaphore_mem>>)
    %dma_wait3A_553 = arith.constant 0 : i32
    %dma_wait3A_554 = arith.constant 0 : i32
    %dma_wait3A_555 = tpu.memref_slice %arg10[%dma_wait3A_553, %dma_wait3A_554] : memref<24x2048xi32, #tpu.memory_space<vmem>> -> memref<24x2048xi32, #tpu.memory_space<vmem>>
    %dma_wait3A_556 = arith.constant 0 : i32
    %dma_wait3A_557 = tpu.memref_slice %arg6[%dma_wait3A_556] : memref<24xi32, #tpu.memory_space<vmem>> -> memref<24xi32, #tpu.memory_space<vmem>>
    %dma_wait3A_558 = arith.constant 0 : i32
    %dma_wait3A_559 = arith.constant 0 : i32
    %dma_wait3A_560 = tpu.memref_slice %arg2[%dma_wait3A_558, %dma_wait3A_559] : memref<20480x2048xi32, #tpu.memory_space<hbm>> -> memref<20480x2048xi32, #tpu.memory_space<hbm>>
    tpu.wait_indirect_dma semaphore(%arg12 : memref<!tpu.dma_semaphore, #tpu.memory_space<semaphore_mem>>) src(%dma_wait3A_560 : memref<20480x2048xi32, #tpu.memory_space<hbm>>) dst(%dma_wait3A_555 : memref<24x2048xi32, #tpu.memory_space<vmem>>)
    %dma_wait3A_561 = arith.constant 0 : i32
    %dma_wait3A_562 = arith.constant 0 : i32
    %dma_wait3A_563 = tpu.memref_slice %arg11[%dma_wait3A_561, %dma_wait3A_562] : memref<24x2048xi32, #tpu.memory_space<vmem>> -> memref<24x2048xi32, #tpu.memory_space<vmem>>
    %dma_wait3A_564 = arith.constant 0 : i32
    %dma_wait3A_565 = tpu.memref_slice %arg8[%dma_wait3A_564] : memref<24xi32, #tpu.memory_space<vmem>> -> memref<24xi32, #tpu.memory_space<vmem>>
    %dma_wait3A_566 = arith.constant 0 : i32
    %dma_wait3A_567 = arith.constant 0 : i32
    %dma_wait3A_568 = tpu.memref_slice %arg2[%dma_wait3A_566, %dma_wait3A_567] : memref<20480x2048xi32, #tpu.memory_space<hbm>> -> memref<20480x2048xi32, #tpu.memory_space<hbm>>
    tpu.wait_indirect_dma semaphore(%arg12 : memref<!tpu.dma_semaphore, #tpu.memory_space<semaphore_mem>>) src(%dma_wait3A_568 : memref<20480x2048xi32, #tpu.memory_space<hbm>>) dst(%dma_wait3A_563 : memref<24x2048xi32, #tpu.memory_space<vmem>>)
    %dma_start3A_569 = arith.constant 0 : i32
    %dma_start3A_570 = arith.constant 0 : i32
    %dma_start3A_571 = tpu.memref_slice %arg10[%dma_start3A_569, %dma_start3A_570] : memref<24x2048xi32, #tpu.memory_space<vmem>> -> memref<24x2048xi32, #tpu.memory_space<vmem>>
    %dma_start3A_572 = arith.constant 0 : i32
    %dma_start3A_573 = tpu.memref_slice %arg4[%add3A_514, %dma_start3A_572] : memref<8192x2048xi32, #tpu.memory_space<hbm>> -> memref<24x2048xi32, #tpu.memory_space<hbm>>
    %dma_start3A_574 = arith.constant 0 : i32
    %dma_start3A_575 = tpu.memref_slice %arg4[%add3A_514, %dma_start3A_574] : memref<8192x2048xi32, #tpu.memory_space<hbm>> -> memref<24x2048xi32, #tpu.memory_space<hbm>>
    %dma_start3A_576 = arith.constant 0 : i32
    %dma_start3A_577 = arith.constant 0 : i32
    %dma_start3A_578 = tpu.memref_slice %arg10[%dma_start3A_576, %dma_start3A_577] : memref<24x2048xi32, #tpu.memory_space<vmem>> -> memref<24x2048xi32, #tpu.memory_space<vmem>>
    tpu.enqueue_dma source(%dma_start3A_578 : memref<24x2048xi32, #tpu.memory_space<vmem>>) target(%dma_start3A_575 : memref<24x2048xi32, #tpu.memory_space<hbm>>) target_semaphore(%arg13 : memref<!tpu.dma_semaphore, #tpu.memory_space<semaphore_mem>>)
    %dma_start3A_579 = arith.constant 0 : i32
    %dma_start3A_580 = arith.constant 0 : i32
    %dma_start3A_581 = tpu.memref_slice %arg11[%dma_start3A_579, %dma_start3A_580] : memref<24x2048xi32, #tpu.memory_space<vmem>> -> memref<24x2048xi32, #tpu.memory_space<vmem>>
    %dma_start3A_582 = arith.constant 0 : i32
    %dma_start3A_583 = tpu.memref_slice %arg5[%add3A_514, %dma_start3A_582] : memref<8192x2048xi32, #tpu.memory_space<hbm>> -> memref<24x2048xi32, #tpu.memory_space<hbm>>
    %dma_start3A_584 = arith.constant 0 : i32
    %dma_start3A_585 = tpu.memref_slice %arg5[%add3A_514, %dma_start3A_584] : memref<8192x2048xi32, #tpu.memory_space<hbm>> -> memref<24x2048xi32, #tpu.memory_space<hbm>>
    %dma_start3A_586 = arith.constant 0 : i32
    %dma_start3A_587 = arith.constant 0 : i32
    %dma_start3A_588 = tpu.memref_slice %arg11[%dma_start3A_586, %dma_start3A_587] : memref<24x2048xi32, #tpu.memory_space<vmem>> -> memref<24x2048xi32, #tpu.memory_space<vmem>>
    tpu.enqueue_dma source(%dma_start3A_588 : memref<24x2048xi32, #tpu.memory_space<vmem>>) target(%dma_start3A_585 : memref<24x2048xi32, #tpu.memory_space<hbm>>) target_semaphore(%arg13 : memref<!tpu.dma_semaphore, #tpu.memory_space<semaphore_mem>>)
    %add3A_589 = arith.constant 192 : i32
    %add3A_590 = arith.addi %mul3A_2, %add3A_589 : i32
    "tpu.region"() ({
      %run_scoped3A = tpu.sem_alloc : memref<!tpu.dma_semaphore, #tpu.memory_space<semaphore_mem>>
      %dma_start3A_837 = arith.constant 0 : i32
      %dma_start3A_838 = tpu.memref_slice %arg6[%dma_start3A_837] : memref<24xi32, #tpu.memory_space<vmem>> -> memref<24xi32, #tpu.memory_space<vmem>>
      %dma_start3A_839 = tpu.memref_slice %arg3[%add3A_590] : memref<16384xi32, #tpu.memory_space<hbm>> -> memref<24xi32, #tpu.memory_space<hbm>>
      %dma_start3A_840 = arith.constant 0 : i32
      %dma_start3A_841 = tpu.memref_slice %arg6[%dma_start3A_840] : memref<24xi32, #tpu.memory_space<vmem>> -> memref<24xi32, #tpu.memory_space<vmem>>
      %dma_start3A_842 = tpu.memref_slice %arg3[%add3A_590] : memref<16384xi32, #tpu.memory_space<hbm>> -> memref<24xi32, #tpu.memory_space<hbm>>
      tpu.enqueue_dma source(%dma_start3A_842 : memref<24xi32, #tpu.memory_space<hbm>>) target(%dma_start3A_841 : memref<24xi32, #tpu.memory_space<vmem>>) target_semaphore(%run_scoped3A : memref<!tpu.dma_semaphore, #tpu.memory_space<semaphore_mem>>)
      %dma_wait3A_843 = arith.constant 0 : i32
      %dma_wait3A_844 = tpu.memref_slice %arg6[%dma_wait3A_843] : memref<24xi32, #tpu.memory_space<vmem>> -> memref<24xi32, #tpu.memory_space<vmem>>
      %dma_wait3A_845 = tpu.memref_slice %arg3[%add3A_590] : memref<16384xi32, #tpu.memory_space<hbm>> -> memref<24xi32, #tpu.memory_space<hbm>>
      %dma_wait3A_846 = arith.constant 0 : i32
      %dma_wait3A_847 = tpu.memref_slice %arg6[%dma_wait3A_846] : memref<24xi32, #tpu.memory_space<vmem>> -> memref<24xi32, #tpu.memory_space<vmem>>
      %dma_wait3A_848 = tpu.memref_slice %arg3[%add3A_590] : memref<16384xi32, #tpu.memory_space<hbm>> -> memref<24xi32, #tpu.memory_space<hbm>>
      tpu.wait_dma2 semaphore(%run_scoped3A : memref<!tpu.dma_semaphore, #tpu.memory_space<semaphore_mem>>) src(%dma_wait3A_848 : memref<24xi32, #tpu.memory_space<hbm>>) dst(%dma_wait3A_847 : memref<24xi32, #tpu.memory_space<vmem>>)
      tpu.yield
    }) : () -> ()
    %add3A_591 = arith.constant 8192 : i32
    %add3A_592 = arith.addi %add3A_591, %add3A_590 : i32
    "tpu.region"() ({
      %run_scoped3A = tpu.sem_alloc : memref<!tpu.dma_semaphore, #tpu.memory_space<semaphore_mem>>
      %dma_start3A_837 = arith.constant 0 : i32
      %dma_start3A_838 = tpu.memref_slice %arg8[%dma_start3A_837] : memref<24xi32, #tpu.memory_space<vmem>> -> memref<24xi32, #tpu.memory_space<vmem>>
      %dma_start3A_839 = tpu.memref_slice %arg3[%add3A_592] : memref<16384xi32, #tpu.memory_space<hbm>> -> memref<24xi32, #tpu.memory_space<hbm>>
      %dma_start3A_840 = arith.constant 0 : i32
      %dma_start3A_841 = tpu.memref_slice %arg8[%dma_start3A_840] : memref<24xi32, #tpu.memory_space<vmem>> -> memref<24xi32, #tpu.memory_space<vmem>>
      %dma_start3A_842 = tpu.memref_slice %arg3[%add3A_592] : memref<16384xi32, #tpu.memory_space<hbm>> -> memref<24xi32, #tpu.memory_space<hbm>>
      tpu.enqueue_dma source(%dma_start3A_842 : memref<24xi32, #tpu.memory_space<hbm>>) target(%dma_start3A_841 : memref<24xi32, #tpu.memory_space<vmem>>) target_semaphore(%run_scoped3A : memref<!tpu.dma_semaphore, #tpu.memory_space<semaphore_mem>>)
      %dma_wait3A_843 = arith.constant 0 : i32
      %dma_wait3A_844 = tpu.memref_slice %arg8[%dma_wait3A_843] : memref<24xi32, #tpu.memory_space<vmem>> -> memref<24xi32, #tpu.memory_space<vmem>>
      %dma_wait3A_845 = tpu.memref_slice %arg3[%add3A_592] : memref<16384xi32, #tpu.memory_space<hbm>> -> memref<24xi32, #tpu.memory_space<hbm>>
      %dma_wait3A_846 = arith.constant 0 : i32
      %dma_wait3A_847 = tpu.memref_slice %arg8[%dma_wait3A_846] : memref<24xi32, #tpu.memory_space<vmem>> -> memref<24xi32, #tpu.memory_space<vmem>>
      %dma_wait3A_848 = tpu.memref_slice %arg3[%add3A_592] : memref<16384xi32, #tpu.memory_space<hbm>> -> memref<24xi32, #tpu.memory_space<hbm>>
      tpu.wait_dma2 semaphore(%run_scoped3A : memref<!tpu.dma_semaphore, #tpu.memory_space<semaphore_mem>>) src(%dma_wait3A_848 : memref<24xi32, #tpu.memory_space<hbm>>) dst(%dma_wait3A_847 : memref<24xi32, #tpu.memory_space<vmem>>)
      tpu.yield
    }) : () -> ()
    %dma_wait3A_593 = arith.constant 0 : i32
    %dma_wait3A_594 = arith.constant 0 : i32
    %dma_wait3A_595 = tpu.memref_slice %arg10[%dma_wait3A_593, %dma_wait3A_594] : memref<24x2048xi32, #tpu.memory_space<vmem>> -> memref<24x2048xi32, #tpu.memory_space<vmem>>
    %dma_wait3A_596 = arith.constant 0 : i32
    %dma_wait3A_597 = tpu.memref_slice %arg4[%add3A_514, %dma_wait3A_596] : memref<8192x2048xi32, #tpu.memory_space<hbm>> -> memref<24x2048xi32, #tpu.memory_space<hbm>>
    %dma_wait3A_598 = arith.constant 0 : i32
    %dma_wait3A_599 = tpu.memref_slice %arg4[%add3A_514, %dma_wait3A_598] : memref<8192x2048xi32, #tpu.memory_space<hbm>> -> memref<24x2048xi32, #tpu.memory_space<hbm>>
    %dma_wait3A_600 = arith.constant 0 : i32
    %dma_wait3A_601 = arith.constant 0 : i32
    %dma_wait3A_602 = tpu.memref_slice %arg10[%dma_wait3A_600, %dma_wait3A_601] : memref<24x2048xi32, #tpu.memory_space<vmem>> -> memref<24x2048xi32, #tpu.memory_space<vmem>>
    tpu.wait_dma2 semaphore(%arg13 : memref<!tpu.dma_semaphore, #tpu.memory_space<semaphore_mem>>) src(%dma_wait3A_602 : memref<24x2048xi32, #tpu.memory_space<vmem>>) dst(%dma_wait3A_599 : memref<24x2048xi32, #tpu.memory_space<hbm>>)
    %dma_wait3A_603 = arith.constant 0 : i32
    %dma_wait3A_604 = arith.constant 0 : i32
    %dma_wait3A_605 = tpu.memref_slice %arg11[%dma_wait3A_603, %dma_wait3A_604] : memref<24x2048xi32, #tpu.memory_space<vmem>> -> memref<24x2048xi32, #tpu.memory_space<vmem>>
    %dma_wait3A_606 = arith.constant 0 : i32
    %dma_wait3A_607 = tpu.memref_slice %arg5[%add3A_514, %dma_wait3A_606] : memref<8192x2048xi32, #tpu.memory_space<hbm>> -> memref<24x2048xi32, #tpu.memory_space<hbm>>
    %dma_wait3A_608 = arith.constant 0 : i32
    %dma_wait3A_609 = tpu.memref_slice %arg5[%add3A_514, %dma_wait3A_608] : memref<8192x2048xi32, #tpu.memory_space<hbm>> -> memref<24x2048xi32, #tpu.memory_space<hbm>>
    %dma_wait3A_610 = arith.constant 0 : i32
    %dma_wait3A_611 = arith.constant 0 : i32
    %dma_wait3A_612 = tpu.memref_slice %arg11[%dma_wait3A_610, %dma_wait3A_611] : memref<24x2048xi32, #tpu.memory_space<vmem>> -> memref<24x2048xi32, #tpu.memory_space<vmem>>
    tpu.wait_dma2 semaphore(%arg13 : memref<!tpu.dma_semaphore, #tpu.memory_space<semaphore_mem>>) src(%dma_wait3A_612 : memref<24x2048xi32, #tpu.memory_space<vmem>>) dst(%dma_wait3A_609 : memref<24x2048xi32, #tpu.memory_space<hbm>>)
    %dma_start3A_613 = arith.constant 0 : i32
    %dma_start3A_614 = arith.constant 0 : i32
    %dma_start3A_615 = tpu.memref_slice %arg10[%dma_start3A_613, %dma_start3A_614] : memref<24x2048xi32, #tpu.memory_space<vmem>> -> memref<24x2048xi32, #tpu.memory_space<vmem>>
    %dma_start3A_616 = arith.constant 0 : i32
    %dma_start3A_617 = tpu.memref_slice %arg6[%dma_start3A_616] : memref<24xi32, #tpu.memory_space<vmem>> -> memref<24xi32, #tpu.memory_space<vmem>>
    %dma_start3A_618 = arith.constant 0 : i32
    %dma_start3A_619 = arith.constant 0 : i32
    %dma_start3A_620 = tpu.memref_slice %arg2[%dma_start3A_618, %dma_start3A_619] : memref<20480x2048xi32, #tpu.memory_space<hbm>> -> memref<20480x2048xi32, #tpu.memory_space<hbm>>
    tpu.enqueue_indirect_dma source(%dma_start3A_620 : memref<20480x2048xi32, #tpu.memory_space<hbm>>) target(%dma_start3A_615 : memref<24x2048xi32, #tpu.memory_space<vmem>>) offsets(%dma_start3A_617 : memref<24xi32, #tpu.memory_space<vmem>>) semaphore(%arg12 : memref<!tpu.dma_semaphore, #tpu.memory_space<semaphore_mem>>)
    %dma_start3A_621 = arith.constant 0 : i32
    %dma_start3A_622 = arith.constant 0 : i32
    %dma_start3A_623 = tpu.memref_slice %arg11[%dma_start3A_621, %dma_start3A_622] : memref<24x2048xi32, #tpu.memory_space<vmem>> -> memref<24x2048xi32, #tpu.memory_space<vmem>>
    %dma_start3A_624 = arith.constant 0 : i32
    %dma_start3A_625 = tpu.memref_slice %arg8[%dma_start3A_624] : memref<24xi32, #tpu.memory_space<vmem>> -> memref<24xi32, #tpu.memory_space<vmem>>
    %dma_start3A_626 = arith.constant 0 : i32
    %dma_start3A_627 = arith.constant 0 : i32
    %dma_start3A_628 = tpu.memref_slice %arg2[%dma_start3A_626, %dma_start3A_627] : memref<20480x2048xi32, #tpu.memory_space<hbm>> -> memref<20480x2048xi32, #tpu.memory_space<hbm>>
    tpu.enqueue_indirect_dma source(%dma_start3A_628 : memref<20480x2048xi32, #tpu.memory_space<hbm>>) target(%dma_start3A_623 : memref<24x2048xi32, #tpu.memory_space<vmem>>) offsets(%dma_start3A_625 : memref<24xi32, #tpu.memory_space<vmem>>) semaphore(%arg12 : memref<!tpu.dma_semaphore, #tpu.memory_space<semaphore_mem>>)
    %dma_wait3A_629 = arith.constant 0 : i32
    %dma_wait3A_630 = arith.constant 0 : i32
    %dma_wait3A_631 = tpu.memref_slice %arg10[%dma_wait3A_629, %dma_wait3A_630] : memref<24x2048xi32, #tpu.memory_space<vmem>> -> memref<24x2048xi32, #tpu.memory_space<vmem>>
    %dma_wait3A_632 = arith.constant 0 : i32
    %dma_wait3A_633 = tpu.memref_slice %arg6[%dma_wait3A_632] : memref<24xi32, #tpu.memory_space<vmem>> -> memref<24xi32, #tpu.memory_space<vmem>>
    %dma_wait3A_634 = arith.constant 0 : i32
    %dma_wait3A_635 = arith.constant 0 : i32
    %dma_wait3A_636 = tpu.memref_slice %arg2[%dma_wait3A_634, %dma_wait3A_635] : memref<20480x2048xi32, #tpu.memory_space<hbm>> -> memref<20480x2048xi32, #tpu.memory_space<hbm>>
    tpu.wait_indirect_dma semaphore(%arg12 : memref<!tpu.dma_semaphore, #tpu.memory_space<semaphore_mem>>) src(%dma_wait3A_636 : memref<20480x2048xi32, #tpu.memory_space<hbm>>) dst(%dma_wait3A_631 : memref<24x2048xi32, #tpu.memory_space<vmem>>)
    %dma_wait3A_637 = arith.constant 0 : i32
    %dma_wait3A_638 = arith.constant 0 : i32
    %dma_wait3A_639 = tpu.memref_slice %arg11[%dma_wait3A_637, %dma_wait3A_638] : memref<24x2048xi32, #tpu.memory_space<vmem>> -> memref<24x2048xi32, #tpu.memory_space<vmem>>
    %dma_wait3A_640 = arith.constant 0 : i32
    %dma_wait3A_641 = tpu.memref_slice %arg8[%dma_wait3A_640] : memref<24xi32, #tpu.memory_space<vmem>> -> memref<24xi32, #tpu.memory_space<vmem>>
    %dma_wait3A_642 = arith.constant 0 : i32
    %dma_wait3A_643 = arith.constant 0 : i32
    %dma_wait3A_644 = tpu.memref_slice %arg2[%dma_wait3A_642, %dma_wait3A_643] : memref<20480x2048xi32, #tpu.memory_space<hbm>> -> memref<20480x2048xi32, #tpu.memory_space<hbm>>
    tpu.wait_indirect_dma semaphore(%arg12 : memref<!tpu.dma_semaphore, #tpu.memory_space<semaphore_mem>>) src(%dma_wait3A_644 : memref<20480x2048xi32, #tpu.memory_space<hbm>>) dst(%dma_wait3A_639 : memref<24x2048xi32, #tpu.memory_space<vmem>>)
    %dma_start3A_645 = arith.constant 0 : i32
    %dma_start3A_646 = arith.constant 0 : i32
    %dma_start3A_647 = tpu.memref_slice %arg10[%dma_start3A_645, %dma_start3A_646] : memref<24x2048xi32, #tpu.memory_space<vmem>> -> memref<24x2048xi32, #tpu.memory_space<vmem>>
    %dma_start3A_648 = arith.constant 0 : i32
    %dma_start3A_649 = tpu.memref_slice %arg4[%add3A_590, %dma_start3A_648] : memref<8192x2048xi32, #tpu.memory_space<hbm>> -> memref<24x2048xi32, #tpu.memory_space<hbm>>
    %dma_start3A_650 = arith.constant 0 : i32
    %dma_start3A_651 = tpu.memref_slice %arg4[%add3A_590, %dma_start3A_650] : memref<8192x2048xi32, #tpu.memory_space<hbm>> -> memref<24x2048xi32, #tpu.memory_space<hbm>>
    %dma_start3A_652 = arith.constant 0 : i32
    %dma_start3A_653 = arith.constant 0 : i32
    %dma_start3A_654 = tpu.memref_slice %arg10[%dma_start3A_652, %dma_start3A_653] : memref<24x2048xi32, #tpu.memory_space<vmem>> -> memref<24x2048xi32, #tpu.memory_space<vmem>>
    tpu.enqueue_dma source(%dma_start3A_654 : memref<24x2048xi32, #tpu.memory_space<vmem>>) target(%dma_start3A_651 : memref<24x2048xi32, #tpu.memory_space<hbm>>) target_semaphore(%arg13 : memref<!tpu.dma_semaphore, #tpu.memory_space<semaphore_mem>>)
    %dma_start3A_655 = arith.constant 0 : i32
    %dma_start3A_656 = arith.constant 0 : i32
    %dma_start3A_657 = tpu.memref_slice %arg11[%dma_start3A_655, %dma_start3A_656] : memref<24x2048xi32, #tpu.memory_space<vmem>> -> memref<24x2048xi32, #tpu.memory_space<vmem>>
    %dma_start3A_658 = arith.constant 0 : i32
    %dma_start3A_659 = tpu.memref_slice %arg5[%add3A_590, %dma_start3A_658] : memref<8192x2048xi32, #tpu.memory_space<hbm>> -> memref<24x2048xi32, #tpu.memory_space<hbm>>
    %dma_start3A_660 = arith.constant 0 : i32
    %dma_start3A_661 = tpu.memref_slice %arg5[%add3A_590, %dma_start3A_660] : memref<8192x2048xi32, #tpu.memory_space<hbm>> -> memref<24x2048xi32, #tpu.memory_space<hbm>>
    %dma_start3A_662 = arith.constant 0 : i32
    %dma_start3A_663 = arith.constant 0 : i32
    %dma_start3A_664 = tpu.memref_slice %arg11[%dma_start3A_662, %dma_start3A_663] : memref<24x2048xi32, #tpu.memory_space<vmem>> -> memref<24x2048xi32, #tpu.memory_space<vmem>>
    tpu.enqueue_dma source(%dma_start3A_664 : memref<24x2048xi32, #tpu.memory_space<vmem>>) target(%dma_start3A_661 : memref<24x2048xi32, #tpu.memory_space<hbm>>) target_semaphore(%arg13 : memref<!tpu.dma_semaphore, #tpu.memory_space<semaphore_mem>>)
    %add3A_665 = arith.constant 216 : i32
    %add3A_666 = arith.addi %mul3A_2, %add3A_665 : i32
    "tpu.region"() ({
      %run_scoped3A = tpu.sem_alloc : memref<!tpu.dma_semaphore, #tpu.memory_space<semaphore_mem>>
      %dma_start3A_837 = arith.constant 0 : i32
      %dma_start3A_838 = tpu.memref_slice %arg6[%dma_start3A_837] : memref<24xi32, #tpu.memory_space<vmem>> -> memref<24xi32, #tpu.memory_space<vmem>>
      %dma_start3A_839 = tpu.memref_slice %arg3[%add3A_666] : memref<16384xi32, #tpu.memory_space<hbm>> -> memref<24xi32, #tpu.memory_space<hbm>>
      %dma_start3A_840 = arith.constant 0 : i32
      %dma_start3A_841 = tpu.memref_slice %arg6[%dma_start3A_840] : memref<24xi32, #tpu.memory_space<vmem>> -> memref<24xi32, #tpu.memory_space<vmem>>
      %dma_start3A_842 = tpu.memref_slice %arg3[%add3A_666] : memref<16384xi32, #tpu.memory_space<hbm>> -> memref<24xi32, #tpu.memory_space<hbm>>
      tpu.enqueue_dma source(%dma_start3A_842 : memref<24xi32, #tpu.memory_space<hbm>>) target(%dma_start3A_841 : memref<24xi32, #tpu.memory_space<vmem>>) target_semaphore(%run_scoped3A : memref<!tpu.dma_semaphore, #tpu.memory_space<semaphore_mem>>)
      %dma_wait3A_843 = arith.constant 0 : i32
      %dma_wait3A_844 = tpu.memref_slice %arg6[%dma_wait3A_843] : memref<24xi32, #tpu.memory_space<vmem>> -> memref<24xi32, #tpu.memory_space<vmem>>
      %dma_wait3A_845 = tpu.memref_slice %arg3[%add3A_666] : memref<16384xi32, #tpu.memory_space<hbm>> -> memref<24xi32, #tpu.memory_space<hbm>>
      %dma_wait3A_846 = arith.constant 0 : i32
      %dma_wait3A_847 = tpu.memref_slice %arg6[%dma_wait3A_846] : memref<24xi32, #tpu.memory_space<vmem>> -> memref<24xi32, #tpu.memory_space<vmem>>
      %dma_wait3A_848 = tpu.memref_slice %arg3[%add3A_666] : memref<16384xi32, #tpu.memory_space<hbm>> -> memref<24xi32, #tpu.memory_space<hbm>>
      tpu.wait_dma2 semaphore(%run_scoped3A : memref<!tpu.dma_semaphore, #tpu.memory_space<semaphore_mem>>) src(%dma_wait3A_848 : memref<24xi32, #tpu.memory_space<hbm>>) dst(%dma_wait3A_847 : memref<24xi32, #tpu.memory_space<vmem>>)
      tpu.yield
    }) : () -> ()
    %add3A_667 = arith.constant 8192 : i32
    %add3A_668 = arith.addi %add3A_667, %add3A_666 : i32
    "tpu.region"() ({
      %run_scoped3A = tpu.sem_alloc : memref<!tpu.dma_semaphore, #tpu.memory_space<semaphore_mem>>
      %dma_start3A_837 = arith.constant 0 : i32
      %dma_start3A_838 = tpu.memref_slice %arg8[%dma_start3A_837] : memref<24xi32, #tpu.memory_space<vmem>> -> memref<24xi32, #tpu.memory_space<vmem>>
      %dma_start3A_839 = tpu.memref_slice %arg3[%add3A_668] : memref<16384xi32, #tpu.memory_space<hbm>> -> memref<24xi32, #tpu.memory_space<hbm>>
      %dma_start3A_840 = arith.constant 0 : i32
      %dma_start3A_841 = tpu.memref_slice %arg8[%dma_start3A_840] : memref<24xi32, #tpu.memory_space<vmem>> -> memref<24xi32, #tpu.memory_space<vmem>>
      %dma_start3A_842 = tpu.memref_slice %arg3[%add3A_668] : memref<16384xi32, #tpu.memory_space<hbm>> -> memref<24xi32, #tpu.memory_space<hbm>>
      tpu.enqueue_dma source(%dma_start3A_842 : memref<24xi32, #tpu.memory_space<hbm>>) target(%dma_start3A_841 : memref<24xi32, #tpu.memory_space<vmem>>) target_semaphore(%run_scoped3A : memref<!tpu.dma_semaphore, #tpu.memory_space<semaphore_mem>>)
      %dma_wait3A_843 = arith.constant 0 : i32
      %dma_wait3A_844 = tpu.memref_slice %arg8[%dma_wait3A_843] : memref<24xi32, #tpu.memory_space<vmem>> -> memref<24xi32, #tpu.memory_space<vmem>>
      %dma_wait3A_845 = tpu.memref_slice %arg3[%add3A_668] : memref<16384xi32, #tpu.memory_space<hbm>> -> memref<24xi32, #tpu.memory_space<hbm>>
      %dma_wait3A_846 = arith.constant 0 : i32
      %dma_wait3A_847 = tpu.memref_slice %arg8[%dma_wait3A_846] : memref<24xi32, #tpu.memory_space<vmem>> -> memref<24xi32, #tpu.memory_space<vmem>>
      %dma_wait3A_848 = tpu.memref_slice %arg3[%add3A_668] : memref<16384xi32, #tpu.memory_space<hbm>> -> memref<24xi32, #tpu.memory_space<hbm>>
      tpu.wait_dma2 semaphore(%run_scoped3A : memref<!tpu.dma_semaphore, #tpu.memory_space<semaphore_mem>>) src(%dma_wait3A_848 : memref<24xi32, #tpu.memory_space<hbm>>) dst(%dma_wait3A_847 : memref<24xi32, #tpu.memory_space<vmem>>)
      tpu.yield
    }) : () -> ()
    %dma_wait3A_669 = arith.constant 0 : i32
    %dma_wait3A_670 = arith.constant 0 : i32
    %dma_wait3A_671 = tpu.memref_slice %arg10[%dma_wait3A_669, %dma_wait3A_670] : memref<24x2048xi32, #tpu.memory_space<vmem>> -> memref<24x2048xi32, #tpu.memory_space<vmem>>
    %dma_wait3A_672 = arith.constant 0 : i32
    %dma_wait3A_673 = tpu.memref_slice %arg4[%add3A_590, %dma_wait3A_672] : memref<8192x2048xi32, #tpu.memory_space<hbm>> -> memref<24x2048xi32, #tpu.memory_space<hbm>>
    %dma_wait3A_674 = arith.constant 0 : i32
    %dma_wait3A_675 = tpu.memref_slice %arg4[%add3A_590, %dma_wait3A_674] : memref<8192x2048xi32, #tpu.memory_space<hbm>> -> memref<24x2048xi32, #tpu.memory_space<hbm>>
    %dma_wait3A_676 = arith.constant 0 : i32
    %dma_wait3A_677 = arith.constant 0 : i32
    %dma_wait3A_678 = tpu.memref_slice %arg10[%dma_wait3A_676, %dma_wait3A_677] : memref<24x2048xi32, #tpu.memory_space<vmem>> -> memref<24x2048xi32, #tpu.memory_space<vmem>>
    tpu.wait_dma2 semaphore(%arg13 : memref<!tpu.dma_semaphore, #tpu.memory_space<semaphore_mem>>) src(%dma_wait3A_678 : memref<24x2048xi32, #tpu.memory_space<vmem>>) dst(%dma_wait3A_675 : memref<24x2048xi32, #tpu.memory_space<hbm>>)
    %dma_wait3A_679 = arith.constant 0 : i32
    %dma_wait3A_680 = arith.constant 0 : i32
    %dma_wait3A_681 = tpu.memref_slice %arg11[%dma_wait3A_679, %dma_wait3A_680] : memref<24x2048xi32, #tpu.memory_space<vmem>> -> memref<24x2048xi32, #tpu.memory_space<vmem>>
    %dma_wait3A_682 = arith.constant 0 : i32
    %dma_wait3A_683 = tpu.memref_slice %arg5[%add3A_590, %dma_wait3A_682] : memref<8192x2048xi32, #tpu.memory_space<hbm>> -> memref<24x2048xi32, #tpu.memory_space<hbm>>
    %dma_wait3A_684 = arith.constant 0 : i32
    %dma_wait3A_685 = tpu.memref_slice %arg5[%add3A_590, %dma_wait3A_684] : memref<8192x2048xi32, #tpu.memory_space<hbm>> -> memref<24x2048xi32, #tpu.memory_space<hbm>>
    %dma_wait3A_686 = arith.constant 0 : i32
    %dma_wait3A_687 = arith.constant 0 : i32
    %dma_wait3A_688 = tpu.memref_slice %arg11[%dma_wait3A_686, %dma_wait3A_687] : memref<24x2048xi32, #tpu.memory_space<vmem>> -> memref<24x2048xi32, #tpu.memory_space<vmem>>
    tpu.wait_dma2 semaphore(%arg13 : memref<!tpu.dma_semaphore, #tpu.memory_space<semaphore_mem>>) src(%dma_wait3A_688 : memref<24x2048xi32, #tpu.memory_space<vmem>>) dst(%dma_wait3A_685 : memref<24x2048xi32, #tpu.memory_space<hbm>>)
    %dma_start3A_689 = arith.constant 0 : i32
    %dma_start3A_690 = arith.constant 0 : i32
    %dma_start3A_691 = tpu.memref_slice %arg10[%dma_start3A_689, %dma_start3A_690] : memref<24x2048xi32, #tpu.memory_space<vmem>> -> memref<24x2048xi32, #tpu.memory_space<vmem>>
    %dma_start3A_692 = arith.constant 0 : i32
    %dma_start3A_693 = tpu.memref_slice %arg6[%dma_start3A_692] : memref<24xi32, #tpu.memory_space<vmem>> -> memref<24xi32, #tpu.memory_space<vmem>>
    %dma_start3A_694 = arith.constant 0 : i32
    %dma_start3A_695 = arith.constant 0 : i32
    %dma_start3A_696 = tpu.memref_slice %arg2[%dma_start3A_694, %dma_start3A_695] : memref<20480x2048xi32, #tpu.memory_space<hbm>> -> memref<20480x2048xi32, #tpu.memory_space<hbm>>
    tpu.enqueue_indirect_dma source(%dma_start3A_696 : memref<20480x2048xi32, #tpu.memory_space<hbm>>) target(%dma_start3A_691 : memref<24x2048xi32, #tpu.memory_space<vmem>>) offsets(%dma_start3A_693 : memref<24xi32, #tpu.memory_space<vmem>>) semaphore(%arg12 : memref<!tpu.dma_semaphore, #tpu.memory_space<semaphore_mem>>)
    %dma_start3A_697 = arith.constant 0 : i32
    %dma_start3A_698 = arith.constant 0 : i32
    %dma_start3A_699 = tpu.memref_slice %arg11[%dma_start3A_697, %dma_start3A_698] : memref<24x2048xi32, #tpu.memory_space<vmem>> -> memref<24x2048xi32, #tpu.memory_space<vmem>>
    %dma_start3A_700 = arith.constant 0 : i32
    %dma_start3A_701 = tpu.memref_slice %arg8[%dma_start3A_700] : memref<24xi32, #tpu.memory_space<vmem>> -> memref<24xi32, #tpu.memory_space<vmem>>
    %dma_start3A_702 = arith.constant 0 : i32
    %dma_start3A_703 = arith.constant 0 : i32
    %dma_start3A_704 = tpu.memref_slice %arg2[%dma_start3A_702, %dma_start3A_703] : memref<20480x2048xi32, #tpu.memory_space<hbm>> -> memref<20480x2048xi32, #tpu.memory_space<hbm>>
    tpu.enqueue_indirect_dma source(%dma_start3A_704 : memref<20480x2048xi32, #tpu.memory_space<hbm>>) target(%dma_start3A_699 : memref<24x2048xi32, #tpu.memory_space<vmem>>) offsets(%dma_start3A_701 : memref<24xi32, #tpu.memory_space<vmem>>) semaphore(%arg12 : memref<!tpu.dma_semaphore, #tpu.memory_space<semaphore_mem>>)
    %dma_wait3A_705 = arith.constant 0 : i32
    %dma_wait3A_706 = arith.constant 0 : i32
    %dma_wait3A_707 = tpu.memref_slice %arg10[%dma_wait3A_705, %dma_wait3A_706] : memref<24x2048xi32, #tpu.memory_space<vmem>> -> memref<24x2048xi32, #tpu.memory_space<vmem>>
    %dma_wait3A_708 = arith.constant 0 : i32
    %dma_wait3A_709 = tpu.memref_slice %arg6[%dma_wait3A_708] : memref<24xi32, #tpu.memory_space<vmem>> -> memref<24xi32, #tpu.memory_space<vmem>>
    %dma_wait3A_710 = arith.constant 0 : i32
    %dma_wait3A_711 = arith.constant 0 : i32
    %dma_wait3A_712 = tpu.memref_slice %arg2[%dma_wait3A_710, %dma_wait3A_711] : memref<20480x2048xi32, #tpu.memory_space<hbm>> -> memref<20480x2048xi32, #tpu.memory_space<hbm>>
    tpu.wait_indirect_dma semaphore(%arg12 : memref<!tpu.dma_semaphore, #tpu.memory_space<semaphore_mem>>) src(%dma_wait3A_712 : memref<20480x2048xi32, #tpu.memory_space<hbm>>) dst(%dma_wait3A_707 : memref<24x2048xi32, #tpu.memory_space<vmem>>)
    %dma_wait3A_713 = arith.constant 0 : i32
    %dma_wait3A_714 = arith.constant 0 : i32
    %dma_wait3A_715 = tpu.memref_slice %arg11[%dma_wait3A_713, %dma_wait3A_714] : memref<24x2048xi32, #tpu.memory_space<vmem>> -> memref<24x2048xi32, #tpu.memory_space<vmem>>
    %dma_wait3A_716 = arith.constant 0 : i32
    %dma_wait3A_717 = tpu.memref_slice %arg8[%dma_wait3A_716] : memref<24xi32, #tpu.memory_space<vmem>> -> memref<24xi32, #tpu.memory_space<vmem>>
    %dma_wait3A_718 = arith.constant 0 : i32
    %dma_wait3A_719 = arith.constant 0 : i32
    %dma_wait3A_720 = tpu.memref_slice %arg2[%dma_wait3A_718, %dma_wait3A_719] : memref<20480x2048xi32, #tpu.memory_space<hbm>> -> memref<20480x2048xi32, #tpu.memory_space<hbm>>
    tpu.wait_indirect_dma semaphore(%arg12 : memref<!tpu.dma_semaphore, #tpu.memory_space<semaphore_mem>>) src(%dma_wait3A_720 : memref<20480x2048xi32, #tpu.memory_space<hbm>>) dst(%dma_wait3A_715 : memref<24x2048xi32, #tpu.memory_space<vmem>>)
    %dma_start3A_721 = arith.constant 0 : i32
    %dma_start3A_722 = arith.constant 0 : i32
    %dma_start3A_723 = tpu.memref_slice %arg10[%dma_start3A_721, %dma_start3A_722] : memref<24x2048xi32, #tpu.memory_space<vmem>> -> memref<24x2048xi32, #tpu.memory_space<vmem>>
    %dma_start3A_724 = arith.constant 0 : i32
    %dma_start3A_725 = tpu.memref_slice %arg4[%add3A_666, %dma_start3A_724] : memref<8192x2048xi32, #tpu.memory_space<hbm>> -> memref<24x2048xi32, #tpu.memory_space<hbm>>
    %dma_start3A_726 = arith.constant 0 : i32
    %dma_start3A_727 = tpu.memref_slice %arg4[%add3A_666, %dma_start3A_726] : memref<8192x2048xi32, #tpu.memory_space<hbm>> -> memref<24x2048xi32, #tpu.memory_space<hbm>>
    %dma_start3A_728 = arith.constant 0 : i32
    %dma_start3A_729 = arith.constant 0 : i32
    %dma_start3A_730 = tpu.memref_slice %arg10[%dma_start3A_728, %dma_start3A_729] : memref<24x2048xi32, #tpu.memory_space<vmem>> -> memref<24x2048xi32, #tpu.memory_space<vmem>>
    tpu.enqueue_dma source(%dma_start3A_730 : memref<24x2048xi32, #tpu.memory_space<vmem>>) target(%dma_start3A_727 : memref<24x2048xi32, #tpu.memory_space<hbm>>) target_semaphore(%arg13 : memref<!tpu.dma_semaphore, #tpu.memory_space<semaphore_mem>>)
    %dma_start3A_731 = arith.constant 0 : i32
    %dma_start3A_732 = arith.constant 0 : i32
    %dma_start3A_733 = tpu.memref_slice %arg11[%dma_start3A_731, %dma_start3A_732] : memref<24x2048xi32, #tpu.memory_space<vmem>> -> memref<24x2048xi32, #tpu.memory_space<vmem>>
    %dma_start3A_734 = arith.constant 0 : i32
    %dma_start3A_735 = tpu.memref_slice %arg5[%add3A_666, %dma_start3A_734] : memref<8192x2048xi32, #tpu.memory_space<hbm>> -> memref<24x2048xi32, #tpu.memory_space<hbm>>
    %dma_start3A_736 = arith.constant 0 : i32
    %dma_start3A_737 = tpu.memref_slice %arg5[%add3A_666, %dma_start3A_736] : memref<8192x2048xi32, #tpu.memory_space<hbm>> -> memref<24x2048xi32, #tpu.memory_space<hbm>>
    %dma_start3A_738 = arith.constant 0 : i32
    %dma_start3A_739 = arith.constant 0 : i32
    %dma_start3A_740 = tpu.memref_slice %arg11[%dma_start3A_738, %dma_start3A_739] : memref<24x2048xi32, #tpu.memory_space<vmem>> -> memref<24x2048xi32, #tpu.memory_space<vmem>>
    tpu.enqueue_dma source(%dma_start3A_740 : memref<24x2048xi32, #tpu.memory_space<vmem>>) target(%dma_start3A_737 : memref<24x2048xi32, #tpu.memory_space<hbm>>) target_semaphore(%arg13 : memref<!tpu.dma_semaphore, #tpu.memory_space<semaphore_mem>>)
    %add3A_741 = arith.constant 240 : i32
    %add3A_742 = arith.addi %mul3A_2, %add3A_741 : i32
    "tpu.region"() ({
      %run_scoped3A = tpu.sem_alloc : memref<!tpu.dma_semaphore, #tpu.memory_space<semaphore_mem>>
      %dma_start3A_837 = arith.constant 0 : i32
      %dma_start3A_838 = tpu.memref_slice %arg6[%dma_start3A_837] : memref<24xi32, #tpu.memory_space<vmem>> -> memref<16xi32, #tpu.memory_space<vmem>>
      %dma_start3A_839 = tpu.memref_slice %arg3[%add3A_742] : memref<16384xi32, #tpu.memory_space<hbm>> -> memref<16xi32, #tpu.memory_space<hbm>>
      %dma_start3A_840 = arith.constant 0 : i32
      %dma_start3A_841 = tpu.memref_slice %arg6[%dma_start3A_840] : memref<24xi32, #tpu.memory_space<vmem>> -> memref<16xi32, #tpu.memory_space<vmem>>
      %dma_start3A_842 = tpu.memref_slice %arg3[%add3A_742] : memref<16384xi32, #tpu.memory_space<hbm>> -> memref<16xi32, #tpu.memory_space<hbm>>
      tpu.enqueue_dma source(%dma_start3A_842 : memref<16xi32, #tpu.memory_space<hbm>>) target(%dma_start3A_841 : memref<16xi32, #tpu.memory_space<vmem>>) target_semaphore(%run_scoped3A : memref<!tpu.dma_semaphore, #tpu.memory_space<semaphore_mem>>)
      %dma_wait3A_843 = arith.constant 0 : i32
      %dma_wait3A_844 = tpu.memref_slice %arg6[%dma_wait3A_843] : memref<24xi32, #tpu.memory_space<vmem>> -> memref<16xi32, #tpu.memory_space<vmem>>
      %dma_wait3A_845 = tpu.memref_slice %arg3[%add3A_742] : memref<16384xi32, #tpu.memory_space<hbm>> -> memref<16xi32, #tpu.memory_space<hbm>>
      %dma_wait3A_846 = arith.constant 0 : i32
      %dma_wait3A_847 = tpu.memref_slice %arg6[%dma_wait3A_846] : memref<24xi32, #tpu.memory_space<vmem>> -> memref<16xi32, #tpu.memory_space<vmem>>
      %dma_wait3A_848 = tpu.memref_slice %arg3[%add3A_742] : memref<16384xi32, #tpu.memory_space<hbm>> -> memref<16xi32, #tpu.memory_space<hbm>>
      tpu.wait_dma2 semaphore(%run_scoped3A : memref<!tpu.dma_semaphore, #tpu.memory_space<semaphore_mem>>) src(%dma_wait3A_848 : memref<16xi32, #tpu.memory_space<hbm>>) dst(%dma_wait3A_847 : memref<16xi32, #tpu.memory_space<vmem>>)
      tpu.yield
    }) : () -> ()
    %add3A_743 = arith.constant 8192 : i32
    %add3A_744 = arith.addi %add3A_743, %add3A_742 : i32
    "tpu.region"() ({
      %run_scoped3A = tpu.sem_alloc : memref<!tpu.dma_semaphore, #tpu.memory_space<semaphore_mem>>
      %dma_start3A_837 = arith.constant 0 : i32
      %dma_start3A_838 = tpu.memref_slice %arg8[%dma_start3A_837] : memref<24xi32, #tpu.memory_space<vmem>> -> memref<16xi32, #tpu.memory_space<vmem>>
      %dma_start3A_839 = tpu.memref_slice %arg3[%add3A_744] : memref<16384xi32, #tpu.memory_space<hbm>> -> memref<16xi32, #tpu.memory_space<hbm>>
      %dma_start3A_840 = arith.constant 0 : i32
      %dma_start3A_841 = tpu.memref_slice %arg8[%dma_start3A_840] : memref<24xi32, #tpu.memory_space<vmem>> -> memref<16xi32, #tpu.memory_space<vmem>>
      %dma_start3A_842 = tpu.memref_slice %arg3[%add3A_744] : memref<16384xi32, #tpu.memory_space<hbm>> -> memref<16xi32, #tpu.memory_space<hbm>>
      tpu.enqueue_dma source(%dma_start3A_842 : memref<16xi32, #tpu.memory_space<hbm>>) target(%dma_start3A_841 : memref<16xi32, #tpu.memory_space<vmem>>) target_semaphore(%run_scoped3A : memref<!tpu.dma_semaphore, #tpu.memory_space<semaphore_mem>>)
      %dma_wait3A_843 = arith.constant 0 : i32
      %dma_wait3A_844 = tpu.memref_slice %arg8[%dma_wait3A_843] : memref<24xi32, #tpu.memory_space<vmem>> -> memref<16xi32, #tpu.memory_space<vmem>>
      %dma_wait3A_845 = tpu.memref_slice %arg3[%add3A_744] : memref<16384xi32, #tpu.memory_space<hbm>> -> memref<16xi32, #tpu.memory_space<hbm>>
      %dma_wait3A_846 = arith.constant 0 : i32
      %dma_wait3A_847 = tpu.memref_slice %arg8[%dma_wait3A_846] : memref<24xi32, #tpu.memory_space<vmem>> -> memref<16xi32, #tpu.memory_space<vmem>>
      %dma_wait3A_848 = tpu.memref_slice %arg3[%add3A_744] : memref<16384xi32, #tpu.memory_space<hbm>> -> memref<16xi32, #tpu.memory_space<hbm>>
      tpu.wait_dma2 semaphore(%run_scoped3A : memref<!tpu.dma_semaphore, #tpu.memory_space<semaphore_mem>>) src(%dma_wait3A_848 : memref<16xi32, #tpu.memory_space<hbm>>) dst(%dma_wait3A_847 : memref<16xi32, #tpu.memory_space<vmem>>)
      tpu.yield
    }) : () -> ()
    %dma_wait3A_745 = arith.constant 0 : i32
    %dma_wait3A_746 = arith.constant 0 : i32
    %dma_wait3A_747 = tpu.memref_slice %arg10[%dma_wait3A_745, %dma_wait3A_746] : memref<24x2048xi32, #tpu.memory_space<vmem>> -> memref<24x2048xi32, #tpu.memory_space<vmem>>
    %dma_wait3A_748 = arith.constant 0 : i32
    %dma_wait3A_749 = tpu.memref_slice %arg4[%add3A_666, %dma_wait3A_748] : memref<8192x2048xi32, #tpu.memory_space<hbm>> -> memref<24x2048xi32, #tpu.memory_space<hbm>>
    %dma_wait3A_750 = arith.constant 0 : i32
    %dma_wait3A_751 = tpu.memref_slice %arg4[%add3A_666, %dma_wait3A_750] : memref<8192x2048xi32, #tpu.memory_space<hbm>> -> memref<24x2048xi32, #tpu.memory_space<hbm>>
    %dma_wait3A_752 = arith.constant 0 : i32
    %dma_wait3A_753 = arith.constant 0 : i32
    %dma_wait3A_754 = tpu.memref_slice %arg10[%dma_wait3A_752, %dma_wait3A_753] : memref<24x2048xi32, #tpu.memory_space<vmem>> -> memref<24x2048xi32, #tpu.memory_space<vmem>>
    tpu.wait_dma2 semaphore(%arg13 : memref<!tpu.dma_semaphore, #tpu.memory_space<semaphore_mem>>) src(%dma_wait3A_754 : memref<24x2048xi32, #tpu.memory_space<vmem>>) dst(%dma_wait3A_751 : memref<24x2048xi32, #tpu.memory_space<hbm>>)
    %dma_wait3A_755 = arith.constant 0 : i32
    %dma_wait3A_756 = arith.constant 0 : i32
    %dma_wait3A_757 = tpu.memref_slice %arg11[%dma_wait3A_755, %dma_wait3A_756] : memref<24x2048xi32, #tpu.memory_space<vmem>> -> memref<24x2048xi32, #tpu.memory_space<vmem>>
    %dma_wait3A_758 = arith.constant 0 : i32
    %dma_wait3A_759 = tpu.memref_slice %arg5[%add3A_666, %dma_wait3A_758] : memref<8192x2048xi32, #tpu.memory_space<hbm>> -> memref<24x2048xi32, #tpu.memory_space<hbm>>
    %dma_wait3A_760 = arith.constant 0 : i32
    %dma_wait3A_761 = tpu.memref_slice %arg5[%add3A_666, %dma_wait3A_760] : memref<8192x2048xi32, #tpu.memory_space<hbm>> -> memref<24x2048xi32, #tpu.memory_space<hbm>>
    %dma_wait3A_762 = arith.constant 0 : i32
    %dma_wait3A_763 = arith.constant 0 : i32
    %dma_wait3A_764 = tpu.memref_slice %arg11[%dma_wait3A_762, %dma_wait3A_763] : memref<24x2048xi32, #tpu.memory_space<vmem>> -> memref<24x2048xi32, #tpu.memory_space<vmem>>
    tpu.wait_dma2 semaphore(%arg13 : memref<!tpu.dma_semaphore, #tpu.memory_space<semaphore_mem>>) src(%dma_wait3A_764 : memref<24x2048xi32, #tpu.memory_space<vmem>>) dst(%dma_wait3A_761 : memref<24x2048xi32, #tpu.memory_space<hbm>>)
    %dma_start3A_765 = arith.constant 0 : i32
    %dma_start3A_766 = arith.constant 0 : i32
    %dma_start3A_767 = tpu.memref_slice %arg10[%dma_start3A_765, %dma_start3A_766] : memref<24x2048xi32, #tpu.memory_space<vmem>> -> memref<16x2048xi32, #tpu.memory_space<vmem>>
    %dma_start3A_768 = arith.constant 0 : i32
    %dma_start3A_769 = tpu.memref_slice %arg6[%dma_start3A_768] : memref<24xi32, #tpu.memory_space<vmem>> -> memref<16xi32, #tpu.memory_space<vmem>>
    %dma_start3A_770 = arith.constant 0 : i32
    %dma_start3A_771 = arith.constant 0 : i32
    %dma_start3A_772 = tpu.memref_slice %arg2[%dma_start3A_770, %dma_start3A_771] : memref<20480x2048xi32, #tpu.memory_space<hbm>> -> memref<20480x2048xi32, #tpu.memory_space<hbm>>
    tpu.enqueue_indirect_dma source(%dma_start3A_772 : memref<20480x2048xi32, #tpu.memory_space<hbm>>) target(%dma_start3A_767 : memref<16x2048xi32, #tpu.memory_space<vmem>>) offsets(%dma_start3A_769 : memref<16xi32, #tpu.memory_space<vmem>>) semaphore(%arg12 : memref<!tpu.dma_semaphore, #tpu.memory_space<semaphore_mem>>)
    %dma_start3A_773 = arith.constant 0 : i32
    %dma_start3A_774 = arith.constant 0 : i32
    %dma_start3A_775 = tpu.memref_slice %arg11[%dma_start3A_773, %dma_start3A_774] : memref<24x2048xi32, #tpu.memory_space<vmem>> -> memref<16x2048xi32, #tpu.memory_space<vmem>>
    %dma_start3A_776 = arith.constant 0 : i32
    %dma_start3A_777 = tpu.memref_slice %arg8[%dma_start3A_776] : memref<24xi32, #tpu.memory_space<vmem>> -> memref<16xi32, #tpu.memory_space<vmem>>
    %dma_start3A_778 = arith.constant 0 : i32
    %dma_start3A_779 = arith.constant 0 : i32
    %dma_start3A_780 = tpu.memref_slice %arg2[%dma_start3A_778, %dma_start3A_779] : memref<20480x2048xi32, #tpu.memory_space<hbm>> -> memref<20480x2048xi32, #tpu.memory_space<hbm>>
    tpu.enqueue_indirect_dma source(%dma_start3A_780 : memref<20480x2048xi32, #tpu.memory_space<hbm>>) target(%dma_start3A_775 : memref<16x2048xi32, #tpu.memory_space<vmem>>) offsets(%dma_start3A_777 : memref<16xi32, #tpu.memory_space<vmem>>) semaphore(%arg12 : memref<!tpu.dma_semaphore, #tpu.memory_space<semaphore_mem>>)
    %dma_wait3A_781 = arith.constant 0 : i32
    %dma_wait3A_782 = arith.constant 0 : i32
    %dma_wait3A_783 = tpu.memref_slice %arg10[%dma_wait3A_781, %dma_wait3A_782] : memref<24x2048xi32, #tpu.memory_space<vmem>> -> memref<16x2048xi32, #tpu.memory_space<vmem>>
    %dma_wait3A_784 = arith.constant 0 : i32
    %dma_wait3A_785 = tpu.memref_slice %arg6[%dma_wait3A_784] : memref<24xi32, #tpu.memory_space<vmem>> -> memref<16xi32, #tpu.memory_space<vmem>>
    %dma_wait3A_786 = arith.constant 0 : i32
    %dma_wait3A_787 = arith.constant 0 : i32
    %dma_wait3A_788 = tpu.memref_slice %arg2[%dma_wait3A_786, %dma_wait3A_787] : memref<20480x2048xi32, #tpu.memory_space<hbm>> -> memref<20480x2048xi32, #tpu.memory_space<hbm>>
    tpu.wait_indirect_dma semaphore(%arg12 : memref<!tpu.dma_semaphore, #tpu.memory_space<semaphore_mem>>) src(%dma_wait3A_788 : memref<20480x2048xi32, #tpu.memory_space<hbm>>) dst(%dma_wait3A_783 : memref<16x2048xi32, #tpu.memory_space<vmem>>)
    %dma_wait3A_789 = arith.constant 0 : i32
    %dma_wait3A_790 = arith.constant 0 : i32
    %dma_wait3A_791 = tpu.memref_slice %arg11[%dma_wait3A_789, %dma_wait3A_790] : memref<24x2048xi32, #tpu.memory_space<vmem>> -> memref<16x2048xi32, #tpu.memory_space<vmem>>
    %dma_wait3A_792 = arith.constant 0 : i32
    %dma_wait3A_793 = tpu.memref_slice %arg8[%dma_wait3A_792] : memref<24xi32, #tpu.memory_space<vmem>> -> memref<16xi32, #tpu.memory_space<vmem>>
    %dma_wait3A_794 = arith.constant 0 : i32
    %dma_wait3A_795 = arith.constant 0 : i32
    %dma_wait3A_796 = tpu.memref_slice %arg2[%dma_wait3A_794, %dma_wait3A_795] : memref<20480x2048xi32, #tpu.memory_space<hbm>> -> memref<20480x2048xi32, #tpu.memory_space<hbm>>
    tpu.wait_indirect_dma semaphore(%arg12 : memref<!tpu.dma_semaphore, #tpu.memory_space<semaphore_mem>>) src(%dma_wait3A_796 : memref<20480x2048xi32, #tpu.memory_space<hbm>>) dst(%dma_wait3A_791 : memref<16x2048xi32, #tpu.memory_space<vmem>>)
    %dma_start3A_797 = arith.constant 0 : i32
    %dma_start3A_798 = arith.constant 0 : i32
    %dma_start3A_799 = tpu.memref_slice %arg10[%dma_start3A_797, %dma_start3A_798] : memref<24x2048xi32, #tpu.memory_space<vmem>> -> memref<16x2048xi32, #tpu.memory_space<vmem>>
    %dma_start3A_800 = arith.constant 0 : i32
    %dma_start3A_801 = tpu.memref_slice %arg4[%add3A_742, %dma_start3A_800] : memref<8192x2048xi32, #tpu.memory_space<hbm>> -> memref<16x2048xi32, #tpu.memory_space<hbm>>
    %dma_start3A_802 = arith.constant 0 : i32
    %dma_start3A_803 = tpu.memref_slice %arg4[%add3A_742, %dma_start3A_802] : memref<8192x2048xi32, #tpu.memory_space<hbm>> -> memref<16x2048xi32, #tpu.memory_space<hbm>>
    %dma_start3A_804 = arith.constant 0 : i32
    %dma_start3A_805 = arith.constant 0 : i32
    %dma_start3A_806 = tpu.memref_slice %arg10[%dma_start3A_804, %dma_start3A_805] : memref<24x2048xi32, #tpu.memory_space<vmem>> -> memref<16x2048xi32, #tpu.memory_space<vmem>>
    tpu.enqueue_dma source(%dma_start3A_806 : memref<16x2048xi32, #tpu.memory_space<vmem>>) target(%dma_start3A_803 : memref<16x2048xi32, #tpu.memory_space<hbm>>) target_semaphore(%arg13 : memref<!tpu.dma_semaphore, #tpu.memory_space<semaphore_mem>>)
    %dma_start3A_807 = arith.constant 0 : i32
    %dma_start3A_808 = arith.constant 0 : i32
    %dma_start3A_809 = tpu.memref_slice %arg11[%dma_start3A_807, %dma_start3A_808] : memref<24x2048xi32, #tpu.memory_space<vmem>> -> memref<16x2048xi32, #tpu.memory_space<vmem>>
    %dma_start3A_810 = arith.constant 0 : i32
    %dma_start3A_811 = tpu.memref_slice %arg5[%add3A_742, %dma_start3A_810] : memref<8192x2048xi32, #tpu.memory_space<hbm>> -> memref<16x2048xi32, #tpu.memory_space<hbm>>
    %dma_start3A_812 = arith.constant 0 : i32
    %dma_start3A_813 = tpu.memref_slice %arg5[%add3A_742, %dma_start3A_812] : memref<8192x2048xi32, #tpu.memory_space<hbm>> -> memref<16x2048xi32, #tpu.memory_space<hbm>>
    %dma_start3A_814 = arith.constant 0 : i32
    %dma_start3A_815 = arith.constant 0 : i32
    %dma_start3A_816 = tpu.memref_slice %arg11[%dma_start3A_814, %dma_start3A_815] : memref<24x2048xi32, #tpu.memory_space<vmem>> -> memref<16x2048xi32, #tpu.memory_space<vmem>>
    tpu.enqueue_dma source(%dma_start3A_816 : memref<16x2048xi32, #tpu.memory_space<vmem>>) target(%dma_start3A_813 : memref<16x2048xi32, #tpu.memory_space<hbm>>) target_semaphore(%arg13 : memref<!tpu.dma_semaphore, #tpu.memory_space<semaphore_mem>>)
    %dma_wait3A_817 = arith.constant 0 : i32
    %dma_wait3A_818 = arith.constant 0 : i32
    %dma_wait3A_819 = tpu.memref_slice %arg10[%dma_wait3A_817, %dma_wait3A_818] : memref<24x2048xi32, #tpu.memory_space<vmem>> -> memref<16x2048xi32, #tpu.memory_space<vmem>>
    %dma_wait3A_820 = arith.constant 0 : i32
    %dma_wait3A_821 = tpu.memref_slice %arg4[%add3A_742, %dma_wait3A_820] : memref<8192x2048xi32, #tpu.memory_space<hbm>> -> memref<16x2048xi32, #tpu.memory_space<hbm>>
    %dma_wait3A_822 = arith.constant 0 : i32
    %dma_wait3A_823 = tpu.memref_slice %arg4[%add3A_742, %dma_wait3A_822] : memref<8192x2048xi32, #tpu.memory_space<hbm>> -> memref<16x2048xi32, #tpu.memory_space<hbm>>
    %dma_wait3A_824 = arith.constant 0 : i32
    %dma_wait3A_825 = arith.constant 0 : i32
    %dma_wait3A_826 = tpu.memref_slice %arg10[%dma_wait3A_824, %dma_wait3A_825] : memref<24x2048xi32, #tpu.memory_space<vmem>> -> memref<16x2048xi32, #tpu.memory_space<vmem>>
    tpu.wait_dma2 semaphore(%arg13 : memref<!tpu.dma_semaphore, #tpu.memory_space<semaphore_mem>>) src(%dma_wait3A_826 : memref<16x2048xi32, #tpu.memory_space<vmem>>) dst(%dma_wait3A_823 : memref<16x2048xi32, #tpu.memory_space<hbm>>)
    %dma_wait3A_827 = arith.constant 0 : i32
    %dma_wait3A_828 = arith.constant 0 : i32
    %dma_wait3A_829 = tpu.memref_slice %arg11[%dma_wait3A_827, %dma_wait3A_828] : memref<24x2048xi32, #tpu.memory_space<vmem>> -> memref<16x2048xi32, #tpu.memory_space<vmem>>
    %dma_wait3A_830 = arith.constant 0 : i32
    %dma_wait3A_831 = tpu.memref_slice %arg5[%add3A_742, %dma_wait3A_830] : memref<8192x2048xi32, #tpu.memory_space<hbm>> -> memref<16x2048xi32, #tpu.memory_space<hbm>>
    %dma_wait3A_832 = arith.constant 0 : i32
    %dma_wait3A_833 = tpu.memref_slice %arg5[%add3A_742, %dma_wait3A_832] : memref<8192x2048xi32, #tpu.memory_space<hbm>> -> memref<16x2048xi32, #tpu.memory_space<hbm>>
    %dma_wait3A_834 = arith.constant 0 : i32
    %dma_wait3A_835 = arith.constant 0 : i32
    %dma_wait3A_836 = tpu.memref_slice %arg11[%dma_wait3A_834, %dma_wait3A_835] : memref<24x2048xi32, #tpu.memory_space<vmem>> -> memref<16x2048xi32, #tpu.memory_space<vmem>>
    tpu.wait_dma2 semaphore(%arg13 : memref<!tpu.dma_semaphore, #tpu.memory_space<semaphore_mem>>) src(%dma_wait3A_836 : memref<16x2048xi32, #tpu.memory_space<vmem>>) dst(%dma_wait3A_833 : memref<16x2048xi32, #tpu.memory_space<hbm>>)
    return
  }
}

#map = affine_map<(d0, d1) -> (0, 0)>
#map1 = affine_map<(d0, d1) -> (0)>
module attributes {stable_mosaic.version = 14 : i64} {
  func.func @k(%arg0: i32, %arg1: i32, %arg2: memref<8192x512xi32, #tpu.memory_space<hbm>>, %arg3: memref<16384xi32, #tpu.memory_space<hbm>>, %arg4: memref<20480x512xi32, #tpu.memory_space<hbm>>, %arg5: memref<64xi32, #tpu.memory_space<vmem>>, %arg6: memref<64xi32, #tpu.memory_space<vmem>>, %arg7: memref<64x512xi32, #tpu.memory_space<vmem>>, %arg8: memref<64x512xi32, #tpu.memory_space<vmem>>, %arg9: memref<!tpu.dma_semaphore, #tpu.memory_space<semaphore_mem>>, %arg10: memref<!tpu.dma_semaphore, #tpu.memory_space<semaphore_mem>>) attributes {dimension_semantics = [#tpu.dimension_semantics<core_parallel>, #tpu.dimension_semantics<subcore_parallel>], iteration_bounds = array<i64: 2, 16>, scalar_prefetch = 0 : i64, scratch_operands = 6 : i64, tpu.core_type = #tpu.core_type<sc_vector_subcore>, window_params = [{transform_indices = #map}, {transform_indices = #map1}, {transform_indices = #map}]} {
    %mul3A = arith.constant 2 : i32
    %mul3A_0 = arith.muli %arg1, %mul3A : i32
    %add3A = arith.addi %mul3A_0, %arg0 : i32
    %jit3A = arith.constant 16 : i32
    %div3A = arith.divsi %add3A, %jit3A : i32
    %sign3A = arith.constant 0 : i32
    %sign3A_1 = arith.cmpi sgt, %add3A, %sign3A : i32
    %sign3A_2 = arith.extui %sign3A_1 : i1 to i32
    %sign3A_3 = arith.constant 0 : i32
    %sign3A_4 = arith.cmpi slt, %add3A, %sign3A_3 : i32
    %sign3A_5 = arith.extui %sign3A_4 : i1 to i32
    %sign3A_6 = arith.subi %sign3A_2, %sign3A_5 : i32
    %sign3A_7 = arith.constant 0 : i32
    %sign3A_8 = arith.cmpi sgt, %jit3A, %sign3A_7 : i32
    %sign3A_9 = arith.extui %sign3A_8 : i1 to i32
    %sign3A_10 = arith.constant 0 : i32
    %sign3A_11 = arith.cmpi slt, %jit3A, %sign3A_10 : i32
    %sign3A_12 = arith.extui %sign3A_11 : i1 to i32
    %sign3A_13 = arith.subi %sign3A_9, %sign3A_12 : i32
    %ne3A = arith.cmpi ne, %sign3A_6, %sign3A_13 : i32
    %rem3A = arith.remsi %add3A, %jit3A : i32
    %ne3A_14 = arith.constant 0 : i32
    %ne3A_15 = arith.cmpi ne, %rem3A, %ne3A_14 : i32
    %and3A = arith.andi %ne3A, %ne3A_15 : i1
    %sub3A = arith.constant 1 : i32
    %sub3A_16 = arith.subi %div3A, %sub3A : i32
    %select_n3A = arith.select %and3A, %sub3A_16, %div3A : i32
    %jit3A_17 = arith.constant 16 : i32
    %eq3A = arith.constant 0 : i32
    %eq3A_18 = arith.cmpi eq, %jit3A_17, %eq3A : i32
    %jit3A_19 = arith.constant 1 : i32
    %select_n3A_20 = arith.select %eq3A_18, %jit3A_19, %jit3A_17 : i32
    %rem3A_21 = arith.remsi %add3A, %select_n3A_20 : i32
    %ne3A_22 = arith.constant 0 : i32
    %ne3A_23 = arith.cmpi ne, %rem3A_21, %ne3A_22 : i32
    %lt3A = arith.constant 0 : i32
    %lt3A_24 = arith.cmpi slt, %rem3A_21, %lt3A : i32
    %lt3A_25 = arith.constant 0 : i32
    %lt3A_26 = arith.cmpi slt, %select_n3A_20, %lt3A_25 : i32
    %ne3A_27 = arith.xori %lt3A_24, %lt3A_26 : i1
    %and3A_28 = arith.andi %ne3A_27, %ne3A_23 : i1
    %add3A_29 = arith.addi %rem3A_21, %select_n3A_20 : i32
    %select_n3A_30 = arith.select %and3A_28, %add3A_29, %rem3A_21 : i32
    %mul3A_31 = arith.constant 512 : i32
    %mul3A_32 = arith.muli %select_n3A_30, %mul3A_31 : i32
    %add3A_33 = arith.constant 0 : i32
    %add3A_34 = arith.addi %mul3A_32, %add3A_33 : i32
    "tpu.region"() ({
      %run_scoped3A = tpu.sem_alloc : memref<!tpu.dma_semaphore, #tpu.memory_space<semaphore_mem>>
      %dma_start3A_119 = arith.constant 0 : i32
      %dma_start3A_120 = tpu.memref_slice %arg2[%add3A_34, %dma_start3A_119] : memref<8192x512xi32, #tpu.memory_space<hbm>> -> memref<64x512xi32, #tpu.memory_space<hbm>>
      %dma_start3A_121 = arith.constant 0 : i32
      %dma_start3A_122 = tpu.memref_slice %arg2[%add3A_34, %dma_start3A_121] : memref<8192x512xi32, #tpu.memory_space<hbm>> -> memref<64x512xi32, #tpu.memory_space<hbm>>
      tpu.enqueue_dma source(%dma_start3A_122 : memref<64x512xi32, #tpu.memory_space<hbm>>) target(%arg7 : memref<64x512xi32, #tpu.memory_space<vmem>>) target_semaphore(%run_scoped3A : memref<!tpu.dma_semaphore, #tpu.memory_space<semaphore_mem>>)
      %dma_wait3A_123 = arith.constant 0 : i32
      %dma_wait3A_124 = tpu.memref_slice %arg2[%add3A_34, %dma_wait3A_123] : memref<8192x512xi32, #tpu.memory_space<hbm>> -> memref<64x512xi32, #tpu.memory_space<hbm>>
      %dma_wait3A_125 = arith.constant 0 : i32
      %dma_wait3A_126 = tpu.memref_slice %arg2[%add3A_34, %dma_wait3A_125] : memref<8192x512xi32, #tpu.memory_space<hbm>> -> memref<64x512xi32, #tpu.memory_space<hbm>>
      tpu.wait_dma2 semaphore(%run_scoped3A : memref<!tpu.dma_semaphore, #tpu.memory_space<semaphore_mem>>) src(%dma_wait3A_126 : memref<64x512xi32, #tpu.memory_space<hbm>>) dst(%arg7 : memref<64x512xi32, #tpu.memory_space<vmem>>)
      tpu.yield
    }) : () -> ()
    %mul3A_35 = arith.constant 8192 : i32
    %mul3A_36 = arith.muli %select_n3A, %mul3A_35 : i32
    %add3A_37 = arith.addi %mul3A_36, %add3A_34 : i32
    "tpu.region"() ({
      %run_scoped3A = tpu.sem_alloc : memref<!tpu.dma_semaphore, #tpu.memory_space<semaphore_mem>>
      %dma_start3A_119 = tpu.memref_slice %arg3[%add3A_37] : memref<16384xi32, #tpu.memory_space<hbm>> -> memref<64xi32, #tpu.memory_space<hbm>>
      %dma_start3A_120 = tpu.memref_slice %arg3[%add3A_37] : memref<16384xi32, #tpu.memory_space<hbm>> -> memref<64xi32, #tpu.memory_space<hbm>>
      tpu.enqueue_dma source(%dma_start3A_120 : memref<64xi32, #tpu.memory_space<hbm>>) target(%arg5 : memref<64xi32, #tpu.memory_space<vmem>>) target_semaphore(%run_scoped3A : memref<!tpu.dma_semaphore, #tpu.memory_space<semaphore_mem>>)
      %dma_wait3A_121 = tpu.memref_slice %arg3[%add3A_37] : memref<16384xi32, #tpu.memory_space<hbm>> -> memref<64xi32, #tpu.memory_space<hbm>>
      %dma_wait3A_122 = tpu.memref_slice %arg3[%add3A_37] : memref<16384xi32, #tpu.memory_space<hbm>> -> memref<64xi32, #tpu.memory_space<hbm>>
      tpu.wait_dma2 semaphore(%run_scoped3A : memref<!tpu.dma_semaphore, #tpu.memory_space<semaphore_mem>>) src(%dma_wait3A_122 : memref<64xi32, #tpu.memory_space<hbm>>) dst(%arg5 : memref<64xi32, #tpu.memory_space<vmem>>)
      tpu.yield
    }) : () -> ()
    %dma_start3A = arith.constant 0 : i32
    %dma_start3A_38 = arith.constant 0 : i32
    %dma_start3A_39 = tpu.memref_slice %arg4[%dma_start3A, %dma_start3A_38] : memref<20480x512xi32, #tpu.memory_space<hbm>> -> memref<20480x512xi32, #tpu.memory_space<hbm>>
    tpu.enqueue_indirect_dma source(%arg7 : memref<64x512xi32, #tpu.memory_space<vmem>>) target(%dma_start3A_39 : memref<20480x512xi32, #tpu.memory_space<hbm>>) offsets(%arg5 : memref<64xi32, #tpu.memory_space<vmem>>) semaphore(%arg9 : memref<!tpu.dma_semaphore, #tpu.memory_space<semaphore_mem>>)
    %add3A_40 = arith.constant 64 : i32
    %add3A_41 = arith.addi %mul3A_32, %add3A_40 : i32
    "tpu.region"() ({
      %run_scoped3A = tpu.sem_alloc : memref<!tpu.dma_semaphore, #tpu.memory_space<semaphore_mem>>
      %dma_start3A_119 = arith.constant 0 : i32
      %dma_start3A_120 = tpu.memref_slice %arg2[%add3A_41, %dma_start3A_119] : memref<8192x512xi32, #tpu.memory_space<hbm>> -> memref<64x512xi32, #tpu.memory_space<hbm>>
      %dma_start3A_121 = arith.constant 0 : i32
      %dma_start3A_122 = tpu.memref_slice %arg2[%add3A_41, %dma_start3A_121] : memref<8192x512xi32, #tpu.memory_space<hbm>> -> memref<64x512xi32, #tpu.memory_space<hbm>>
      tpu.enqueue_dma source(%dma_start3A_122 : memref<64x512xi32, #tpu.memory_space<hbm>>) target(%arg8 : memref<64x512xi32, #tpu.memory_space<vmem>>) target_semaphore(%run_scoped3A : memref<!tpu.dma_semaphore, #tpu.memory_space<semaphore_mem>>)
      %dma_wait3A_123 = arith.constant 0 : i32
      %dma_wait3A_124 = tpu.memref_slice %arg2[%add3A_41, %dma_wait3A_123] : memref<8192x512xi32, #tpu.memory_space<hbm>> -> memref<64x512xi32, #tpu.memory_space<hbm>>
      %dma_wait3A_125 = arith.constant 0 : i32
      %dma_wait3A_126 = tpu.memref_slice %arg2[%add3A_41, %dma_wait3A_125] : memref<8192x512xi32, #tpu.memory_space<hbm>> -> memref<64x512xi32, #tpu.memory_space<hbm>>
      tpu.wait_dma2 semaphore(%run_scoped3A : memref<!tpu.dma_semaphore, #tpu.memory_space<semaphore_mem>>) src(%dma_wait3A_126 : memref<64x512xi32, #tpu.memory_space<hbm>>) dst(%arg8 : memref<64x512xi32, #tpu.memory_space<vmem>>)
      tpu.yield
    }) : () -> ()
    %mul3A_42 = arith.constant 8192 : i32
    %mul3A_43 = arith.muli %select_n3A, %mul3A_42 : i32
    %add3A_44 = arith.addi %mul3A_43, %add3A_41 : i32
    "tpu.region"() ({
      %run_scoped3A = tpu.sem_alloc : memref<!tpu.dma_semaphore, #tpu.memory_space<semaphore_mem>>
      %dma_start3A_119 = tpu.memref_slice %arg3[%add3A_44] : memref<16384xi32, #tpu.memory_space<hbm>> -> memref<64xi32, #tpu.memory_space<hbm>>
      %dma_start3A_120 = tpu.memref_slice %arg3[%add3A_44] : memref<16384xi32, #tpu.memory_space<hbm>> -> memref<64xi32, #tpu.memory_space<hbm>>
      tpu.enqueue_dma source(%dma_start3A_120 : memref<64xi32, #tpu.memory_space<hbm>>) target(%arg6 : memref<64xi32, #tpu.memory_space<vmem>>) target_semaphore(%run_scoped3A : memref<!tpu.dma_semaphore, #tpu.memory_space<semaphore_mem>>)
      %dma_wait3A_121 = tpu.memref_slice %arg3[%add3A_44] : memref<16384xi32, #tpu.memory_space<hbm>> -> memref<64xi32, #tpu.memory_space<hbm>>
      %dma_wait3A_122 = tpu.memref_slice %arg3[%add3A_44] : memref<16384xi32, #tpu.memory_space<hbm>> -> memref<64xi32, #tpu.memory_space<hbm>>
      tpu.wait_dma2 semaphore(%run_scoped3A : memref<!tpu.dma_semaphore, #tpu.memory_space<semaphore_mem>>) src(%dma_wait3A_122 : memref<64xi32, #tpu.memory_space<hbm>>) dst(%arg6 : memref<64xi32, #tpu.memory_space<vmem>>)
      tpu.yield
    }) : () -> ()
    %dma_start3A_45 = arith.constant 0 : i32
    %dma_start3A_46 = arith.constant 0 : i32
    %dma_start3A_47 = tpu.memref_slice %arg4[%dma_start3A_45, %dma_start3A_46] : memref<20480x512xi32, #tpu.memory_space<hbm>> -> memref<20480x512xi32, #tpu.memory_space<hbm>>
    tpu.enqueue_indirect_dma source(%arg8 : memref<64x512xi32, #tpu.memory_space<vmem>>) target(%dma_start3A_47 : memref<20480x512xi32, #tpu.memory_space<hbm>>) offsets(%arg6 : memref<64xi32, #tpu.memory_space<vmem>>) semaphore(%arg10 : memref<!tpu.dma_semaphore, #tpu.memory_space<semaphore_mem>>)
    %dma_wait3A = arith.constant 0 : i32
    %dma_wait3A_48 = arith.constant 0 : i32
    %dma_wait3A_49 = tpu.memref_slice %arg4[%dma_wait3A, %dma_wait3A_48] : memref<20480x512xi32, #tpu.memory_space<hbm>> -> memref<20480x512xi32, #tpu.memory_space<hbm>>
    tpu.wait_indirect_dma semaphore(%arg9 : memref<!tpu.dma_semaphore, #tpu.memory_space<semaphore_mem>>) src(%arg7 : memref<64x512xi32, #tpu.memory_space<vmem>>) dst(%dma_wait3A_49 : memref<20480x512xi32, #tpu.memory_space<hbm>>)
    %add3A_50 = arith.constant 128 : i32
    %add3A_51 = arith.addi %mul3A_32, %add3A_50 : i32
    "tpu.region"() ({
      %run_scoped3A = tpu.sem_alloc : memref<!tpu.dma_semaphore, #tpu.memory_space<semaphore_mem>>
      %dma_start3A_119 = arith.constant 0 : i32
      %dma_start3A_120 = tpu.memref_slice %arg2[%add3A_51, %dma_start3A_119] : memref<8192x512xi32, #tpu.memory_space<hbm>> -> memref<64x512xi32, #tpu.memory_space<hbm>>
      %dma_start3A_121 = arith.constant 0 : i32
      %dma_start3A_122 = tpu.memref_slice %arg2[%add3A_51, %dma_start3A_121] : memref<8192x512xi32, #tpu.memory_space<hbm>> -> memref<64x512xi32, #tpu.memory_space<hbm>>
      tpu.enqueue_dma source(%dma_start3A_122 : memref<64x512xi32, #tpu.memory_space<hbm>>) target(%arg7 : memref<64x512xi32, #tpu.memory_space<vmem>>) target_semaphore(%run_scoped3A : memref<!tpu.dma_semaphore, #tpu.memory_space<semaphore_mem>>)
      %dma_wait3A_123 = arith.constant 0 : i32
      %dma_wait3A_124 = tpu.memref_slice %arg2[%add3A_51, %dma_wait3A_123] : memref<8192x512xi32, #tpu.memory_space<hbm>> -> memref<64x512xi32, #tpu.memory_space<hbm>>
      %dma_wait3A_125 = arith.constant 0 : i32
      %dma_wait3A_126 = tpu.memref_slice %arg2[%add3A_51, %dma_wait3A_125] : memref<8192x512xi32, #tpu.memory_space<hbm>> -> memref<64x512xi32, #tpu.memory_space<hbm>>
      tpu.wait_dma2 semaphore(%run_scoped3A : memref<!tpu.dma_semaphore, #tpu.memory_space<semaphore_mem>>) src(%dma_wait3A_126 : memref<64x512xi32, #tpu.memory_space<hbm>>) dst(%arg7 : memref<64x512xi32, #tpu.memory_space<vmem>>)
      tpu.yield
    }) : () -> ()
    %mul3A_52 = arith.constant 8192 : i32
    %mul3A_53 = arith.muli %select_n3A, %mul3A_52 : i32
    %add3A_54 = arith.addi %mul3A_53, %add3A_51 : i32
    "tpu.region"() ({
      %run_scoped3A = tpu.sem_alloc : memref<!tpu.dma_semaphore, #tpu.memory_space<semaphore_mem>>
      %dma_start3A_119 = tpu.memref_slice %arg3[%add3A_54] : memref<16384xi32, #tpu.memory_space<hbm>> -> memref<64xi32, #tpu.memory_space<hbm>>
      %dma_start3A_120 = tpu.memref_slice %arg3[%add3A_54] : memref<16384xi32, #tpu.memory_space<hbm>> -> memref<64xi32, #tpu.memory_space<hbm>>
      tpu.enqueue_dma source(%dma_start3A_120 : memref<64xi32, #tpu.memory_space<hbm>>) target(%arg5 : memref<64xi32, #tpu.memory_space<vmem>>) target_semaphore(%run_scoped3A : memref<!tpu.dma_semaphore, #tpu.memory_space<semaphore_mem>>)
      %dma_wait3A_121 = tpu.memref_slice %arg3[%add3A_54] : memref<16384xi32, #tpu.memory_space<hbm>> -> memref<64xi32, #tpu.memory_space<hbm>>
      %dma_wait3A_122 = tpu.memref_slice %arg3[%add3A_54] : memref<16384xi32, #tpu.memory_space<hbm>> -> memref<64xi32, #tpu.memory_space<hbm>>
      tpu.wait_dma2 semaphore(%run_scoped3A : memref<!tpu.dma_semaphore, #tpu.memory_space<semaphore_mem>>) src(%dma_wait3A_122 : memref<64xi32, #tpu.memory_space<hbm>>) dst(%arg5 : memref<64xi32, #tpu.memory_space<vmem>>)
      tpu.yield
    }) : () -> ()
    %dma_start3A_55 = arith.constant 0 : i32
    %dma_start3A_56 = arith.constant 0 : i32
    %dma_start3A_57 = tpu.memref_slice %arg4[%dma_start3A_55, %dma_start3A_56] : memref<20480x512xi32, #tpu.memory_space<hbm>> -> memref<20480x512xi32, #tpu.memory_space<hbm>>
    tpu.enqueue_indirect_dma source(%arg7 : memref<64x512xi32, #tpu.memory_space<vmem>>) target(%dma_start3A_57 : memref<20480x512xi32, #tpu.memory_space<hbm>>) offsets(%arg5 : memref<64xi32, #tpu.memory_space<vmem>>) semaphore(%arg9 : memref<!tpu.dma_semaphore, #tpu.memory_space<semaphore_mem>>)
    %dma_wait3A_58 = arith.constant 0 : i32
    %dma_wait3A_59 = arith.constant 0 : i32
    %dma_wait3A_60 = tpu.memref_slice %arg4[%dma_wait3A_58, %dma_wait3A_59] : memref<20480x512xi32, #tpu.memory_space<hbm>> -> memref<20480x512xi32, #tpu.memory_space<hbm>>
    tpu.wait_indirect_dma semaphore(%arg10 : memref<!tpu.dma_semaphore, #tpu.memory_space<semaphore_mem>>) src(%arg8 : memref<64x512xi32, #tpu.memory_space<vmem>>) dst(%dma_wait3A_60 : memref<20480x512xi32, #tpu.memory_space<hbm>>)
    %add3A_61 = arith.constant 192 : i32
    %add3A_62 = arith.addi %mul3A_32, %add3A_61 : i32
    "tpu.region"() ({
      %run_scoped3A = tpu.sem_alloc : memref<!tpu.dma_semaphore, #tpu.memory_space<semaphore_mem>>
      %dma_start3A_119 = arith.constant 0 : i32
      %dma_start3A_120 = tpu.memref_slice %arg2[%add3A_62, %dma_start3A_119] : memref<8192x512xi32, #tpu.memory_space<hbm>> -> memref<64x512xi32, #tpu.memory_space<hbm>>
      %dma_start3A_121 = arith.constant 0 : i32
      %dma_start3A_122 = tpu.memref_slice %arg2[%add3A_62, %dma_start3A_121] : memref<8192x512xi32, #tpu.memory_space<hbm>> -> memref<64x512xi32, #tpu.memory_space<hbm>>
      tpu.enqueue_dma source(%dma_start3A_122 : memref<64x512xi32, #tpu.memory_space<hbm>>) target(%arg8 : memref<64x512xi32, #tpu.memory_space<vmem>>) target_semaphore(%run_scoped3A : memref<!tpu.dma_semaphore, #tpu.memory_space<semaphore_mem>>)
      %dma_wait3A_123 = arith.constant 0 : i32
      %dma_wait3A_124 = tpu.memref_slice %arg2[%add3A_62, %dma_wait3A_123] : memref<8192x512xi32, #tpu.memory_space<hbm>> -> memref<64x512xi32, #tpu.memory_space<hbm>>
      %dma_wait3A_125 = arith.constant 0 : i32
      %dma_wait3A_126 = tpu.memref_slice %arg2[%add3A_62, %dma_wait3A_125] : memref<8192x512xi32, #tpu.memory_space<hbm>> -> memref<64x512xi32, #tpu.memory_space<hbm>>
      tpu.wait_dma2 semaphore(%run_scoped3A : memref<!tpu.dma_semaphore, #tpu.memory_space<semaphore_mem>>) src(%dma_wait3A_126 : memref<64x512xi32, #tpu.memory_space<hbm>>) dst(%arg8 : memref<64x512xi32, #tpu.memory_space<vmem>>)
      tpu.yield
    }) : () -> ()
    %mul3A_63 = arith.constant 8192 : i32
    %mul3A_64 = arith.muli %select_n3A, %mul3A_63 : i32
    %add3A_65 = arith.addi %mul3A_64, %add3A_62 : i32
    "tpu.region"() ({
      %run_scoped3A = tpu.sem_alloc : memref<!tpu.dma_semaphore, #tpu.memory_space<semaphore_mem>>
      %dma_start3A_119 = tpu.memref_slice %arg3[%add3A_65] : memref<16384xi32, #tpu.memory_space<hbm>> -> memref<64xi32, #tpu.memory_space<hbm>>
      %dma_start3A_120 = tpu.memref_slice %arg3[%add3A_65] : memref<16384xi32, #tpu.memory_space<hbm>> -> memref<64xi32, #tpu.memory_space<hbm>>
      tpu.enqueue_dma source(%dma_start3A_120 : memref<64xi32, #tpu.memory_space<hbm>>) target(%arg6 : memref<64xi32, #tpu.memory_space<vmem>>) target_semaphore(%run_scoped3A : memref<!tpu.dma_semaphore, #tpu.memory_space<semaphore_mem>>)
      %dma_wait3A_121 = tpu.memref_slice %arg3[%add3A_65] : memref<16384xi32, #tpu.memory_space<hbm>> -> memref<64xi32, #tpu.memory_space<hbm>>
      %dma_wait3A_122 = tpu.memref_slice %arg3[%add3A_65] : memref<16384xi32, #tpu.memory_space<hbm>> -> memref<64xi32, #tpu.memory_space<hbm>>
      tpu.wait_dma2 semaphore(%run_scoped3A : memref<!tpu.dma_semaphore, #tpu.memory_space<semaphore_mem>>) src(%dma_wait3A_122 : memref<64xi32, #tpu.memory_space<hbm>>) dst(%arg6 : memref<64xi32, #tpu.memory_space<vmem>>)
      tpu.yield
    }) : () -> ()
    %dma_start3A_66 = arith.constant 0 : i32
    %dma_start3A_67 = arith.constant 0 : i32
    %dma_start3A_68 = tpu.memref_slice %arg4[%dma_start3A_66, %dma_start3A_67] : memref<20480x512xi32, #tpu.memory_space<hbm>> -> memref<20480x512xi32, #tpu.memory_space<hbm>>
    tpu.enqueue_indirect_dma source(%arg8 : memref<64x512xi32, #tpu.memory_space<vmem>>) target(%dma_start3A_68 : memref<20480x512xi32, #tpu.memory_space<hbm>>) offsets(%arg6 : memref<64xi32, #tpu.memory_space<vmem>>) semaphore(%arg10 : memref<!tpu.dma_semaphore, #tpu.memory_space<semaphore_mem>>)
    %dma_wait3A_69 = arith.constant 0 : i32
    %dma_wait3A_70 = arith.constant 0 : i32
    %dma_wait3A_71 = tpu.memref_slice %arg4[%dma_wait3A_69, %dma_wait3A_70] : memref<20480x512xi32, #tpu.memory_space<hbm>> -> memref<20480x512xi32, #tpu.memory_space<hbm>>
    tpu.wait_indirect_dma semaphore(%arg9 : memref<!tpu.dma_semaphore, #tpu.memory_space<semaphore_mem>>) src(%arg7 : memref<64x512xi32, #tpu.memory_space<vmem>>) dst(%dma_wait3A_71 : memref<20480x512xi32, #tpu.memory_space<hbm>>)
    %add3A_72 = arith.constant 256 : i32
    %add3A_73 = arith.addi %mul3A_32, %add3A_72 : i32
    "tpu.region"() ({
      %run_scoped3A = tpu.sem_alloc : memref<!tpu.dma_semaphore, #tpu.memory_space<semaphore_mem>>
      %dma_start3A_119 = arith.constant 0 : i32
      %dma_start3A_120 = tpu.memref_slice %arg2[%add3A_73, %dma_start3A_119] : memref<8192x512xi32, #tpu.memory_space<hbm>> -> memref<64x512xi32, #tpu.memory_space<hbm>>
      %dma_start3A_121 = arith.constant 0 : i32
      %dma_start3A_122 = tpu.memref_slice %arg2[%add3A_73, %dma_start3A_121] : memref<8192x512xi32, #tpu.memory_space<hbm>> -> memref<64x512xi32, #tpu.memory_space<hbm>>
      tpu.enqueue_dma source(%dma_start3A_122 : memref<64x512xi32, #tpu.memory_space<hbm>>) target(%arg7 : memref<64x512xi32, #tpu.memory_space<vmem>>) target_semaphore(%run_scoped3A : memref<!tpu.dma_semaphore, #tpu.memory_space<semaphore_mem>>)
      %dma_wait3A_123 = arith.constant 0 : i32
      %dma_wait3A_124 = tpu.memref_slice %arg2[%add3A_73, %dma_wait3A_123] : memref<8192x512xi32, #tpu.memory_space<hbm>> -> memref<64x512xi32, #tpu.memory_space<hbm>>
      %dma_wait3A_125 = arith.constant 0 : i32
      %dma_wait3A_126 = tpu.memref_slice %arg2[%add3A_73, %dma_wait3A_125] : memref<8192x512xi32, #tpu.memory_space<hbm>> -> memref<64x512xi32, #tpu.memory_space<hbm>>
      tpu.wait_dma2 semaphore(%run_scoped3A : memref<!tpu.dma_semaphore, #tpu.memory_space<semaphore_mem>>) src(%dma_wait3A_126 : memref<64x512xi32, #tpu.memory_space<hbm>>) dst(%arg7 : memref<64x512xi32, #tpu.memory_space<vmem>>)
      tpu.yield
    }) : () -> ()
    %mul3A_74 = arith.constant 8192 : i32
    %mul3A_75 = arith.muli %select_n3A, %mul3A_74 : i32
    %add3A_76 = arith.addi %mul3A_75, %add3A_73 : i32
    "tpu.region"() ({
      %run_scoped3A = tpu.sem_alloc : memref<!tpu.dma_semaphore, #tpu.memory_space<semaphore_mem>>
      %dma_start3A_119 = tpu.memref_slice %arg3[%add3A_76] : memref<16384xi32, #tpu.memory_space<hbm>> -> memref<64xi32, #tpu.memory_space<hbm>>
      %dma_start3A_120 = tpu.memref_slice %arg3[%add3A_76] : memref<16384xi32, #tpu.memory_space<hbm>> -> memref<64xi32, #tpu.memory_space<hbm>>
      tpu.enqueue_dma source(%dma_start3A_120 : memref<64xi32, #tpu.memory_space<hbm>>) target(%arg5 : memref<64xi32, #tpu.memory_space<vmem>>) target_semaphore(%run_scoped3A : memref<!tpu.dma_semaphore, #tpu.memory_space<semaphore_mem>>)
      %dma_wait3A_121 = tpu.memref_slice %arg3[%add3A_76] : memref<16384xi32, #tpu.memory_space<hbm>> -> memref<64xi32, #tpu.memory_space<hbm>>
      %dma_wait3A_122 = tpu.memref_slice %arg3[%add3A_76] : memref<16384xi32, #tpu.memory_space<hbm>> -> memref<64xi32, #tpu.memory_space<hbm>>
      tpu.wait_dma2 semaphore(%run_scoped3A : memref<!tpu.dma_semaphore, #tpu.memory_space<semaphore_mem>>) src(%dma_wait3A_122 : memref<64xi32, #tpu.memory_space<hbm>>) dst(%arg5 : memref<64xi32, #tpu.memory_space<vmem>>)
      tpu.yield
    }) : () -> ()
    %dma_start3A_77 = arith.constant 0 : i32
    %dma_start3A_78 = arith.constant 0 : i32
    %dma_start3A_79 = tpu.memref_slice %arg4[%dma_start3A_77, %dma_start3A_78] : memref<20480x512xi32, #tpu.memory_space<hbm>> -> memref<20480x512xi32, #tpu.memory_space<hbm>>
    tpu.enqueue_indirect_dma source(%arg7 : memref<64x512xi32, #tpu.memory_space<vmem>>) target(%dma_start3A_79 : memref<20480x512xi32, #tpu.memory_space<hbm>>) offsets(%arg5 : memref<64xi32, #tpu.memory_space<vmem>>) semaphore(%arg9 : memref<!tpu.dma_semaphore, #tpu.memory_space<semaphore_mem>>)
    %dma_wait3A_80 = arith.constant 0 : i32
    %dma_wait3A_81 = arith.constant 0 : i32
    %dma_wait3A_82 = tpu.memref_slice %arg4[%dma_wait3A_80, %dma_wait3A_81] : memref<20480x512xi32, #tpu.memory_space<hbm>> -> memref<20480x512xi32, #tpu.memory_space<hbm>>
    tpu.wait_indirect_dma semaphore(%arg10 : memref<!tpu.dma_semaphore, #tpu.memory_space<semaphore_mem>>) src(%arg8 : memref<64x512xi32, #tpu.memory_space<vmem>>) dst(%dma_wait3A_82 : memref<20480x512xi32, #tpu.memory_space<hbm>>)
    %add3A_83 = arith.constant 320 : i32
    %add3A_84 = arith.addi %mul3A_32, %add3A_83 : i32
    "tpu.region"() ({
      %run_scoped3A = tpu.sem_alloc : memref<!tpu.dma_semaphore, #tpu.memory_space<semaphore_mem>>
      %dma_start3A_119 = arith.constant 0 : i32
      %dma_start3A_120 = tpu.memref_slice %arg2[%add3A_84, %dma_start3A_119] : memref<8192x512xi32, #tpu.memory_space<hbm>> -> memref<64x512xi32, #tpu.memory_space<hbm>>
      %dma_start3A_121 = arith.constant 0 : i32
      %dma_start3A_122 = tpu.memref_slice %arg2[%add3A_84, %dma_start3A_121] : memref<8192x512xi32, #tpu.memory_space<hbm>> -> memref<64x512xi32, #tpu.memory_space<hbm>>
      tpu.enqueue_dma source(%dma_start3A_122 : memref<64x512xi32, #tpu.memory_space<hbm>>) target(%arg8 : memref<64x512xi32, #tpu.memory_space<vmem>>) target_semaphore(%run_scoped3A : memref<!tpu.dma_semaphore, #tpu.memory_space<semaphore_mem>>)
      %dma_wait3A_123 = arith.constant 0 : i32
      %dma_wait3A_124 = tpu.memref_slice %arg2[%add3A_84, %dma_wait3A_123] : memref<8192x512xi32, #tpu.memory_space<hbm>> -> memref<64x512xi32, #tpu.memory_space<hbm>>
      %dma_wait3A_125 = arith.constant 0 : i32
      %dma_wait3A_126 = tpu.memref_slice %arg2[%add3A_84, %dma_wait3A_125] : memref<8192x512xi32, #tpu.memory_space<hbm>> -> memref<64x512xi32, #tpu.memory_space<hbm>>
      tpu.wait_dma2 semaphore(%run_scoped3A : memref<!tpu.dma_semaphore, #tpu.memory_space<semaphore_mem>>) src(%dma_wait3A_126 : memref<64x512xi32, #tpu.memory_space<hbm>>) dst(%arg8 : memref<64x512xi32, #tpu.memory_space<vmem>>)
      tpu.yield
    }) : () -> ()
    %mul3A_85 = arith.constant 8192 : i32
    %mul3A_86 = arith.muli %select_n3A, %mul3A_85 : i32
    %add3A_87 = arith.addi %mul3A_86, %add3A_84 : i32
    "tpu.region"() ({
      %run_scoped3A = tpu.sem_alloc : memref<!tpu.dma_semaphore, #tpu.memory_space<semaphore_mem>>
      %dma_start3A_119 = tpu.memref_slice %arg3[%add3A_87] : memref<16384xi32, #tpu.memory_space<hbm>> -> memref<64xi32, #tpu.memory_space<hbm>>
      %dma_start3A_120 = tpu.memref_slice %arg3[%add3A_87] : memref<16384xi32, #tpu.memory_space<hbm>> -> memref<64xi32, #tpu.memory_space<hbm>>
      tpu.enqueue_dma source(%dma_start3A_120 : memref<64xi32, #tpu.memory_space<hbm>>) target(%arg6 : memref<64xi32, #tpu.memory_space<vmem>>) target_semaphore(%run_scoped3A : memref<!tpu.dma_semaphore, #tpu.memory_space<semaphore_mem>>)
      %dma_wait3A_121 = tpu.memref_slice %arg3[%add3A_87] : memref<16384xi32, #tpu.memory_space<hbm>> -> memref<64xi32, #tpu.memory_space<hbm>>
      %dma_wait3A_122 = tpu.memref_slice %arg3[%add3A_87] : memref<16384xi32, #tpu.memory_space<hbm>> -> memref<64xi32, #tpu.memory_space<hbm>>
      tpu.wait_dma2 semaphore(%run_scoped3A : memref<!tpu.dma_semaphore, #tpu.memory_space<semaphore_mem>>) src(%dma_wait3A_122 : memref<64xi32, #tpu.memory_space<hbm>>) dst(%arg6 : memref<64xi32, #tpu.memory_space<vmem>>)
      tpu.yield
    }) : () -> ()
    %dma_start3A_88 = arith.constant 0 : i32
    %dma_start3A_89 = arith.constant 0 : i32
    %dma_start3A_90 = tpu.memref_slice %arg4[%dma_start3A_88, %dma_start3A_89] : memref<20480x512xi32, #tpu.memory_space<hbm>> -> memref<20480x512xi32, #tpu.memory_space<hbm>>
    tpu.enqueue_indirect_dma source(%arg8 : memref<64x512xi32, #tpu.memory_space<vmem>>) target(%dma_start3A_90 : memref<20480x512xi32, #tpu.memory_space<hbm>>) offsets(%arg6 : memref<64xi32, #tpu.memory_space<vmem>>) semaphore(%arg10 : memref<!tpu.dma_semaphore, #tpu.memory_space<semaphore_mem>>)
    %dma_wait3A_91 = arith.constant 0 : i32
    %dma_wait3A_92 = arith.constant 0 : i32
    %dma_wait3A_93 = tpu.memref_slice %arg4[%dma_wait3A_91, %dma_wait3A_92] : memref<20480x512xi32, #tpu.memory_space<hbm>> -> memref<20480x512xi32, #tpu.memory_space<hbm>>
    tpu.wait_indirect_dma semaphore(%arg9 : memref<!tpu.dma_semaphore, #tpu.memory_space<semaphore_mem>>) src(%arg7 : memref<64x512xi32, #tpu.memory_space<vmem>>) dst(%dma_wait3A_93 : memref<20480x512xi32, #tpu.memory_space<hbm>>)
    %add3A_94 = arith.constant 384 : i32
    %add3A_95 = arith.addi %mul3A_32, %add3A_94 : i32
    "tpu.region"() ({
      %run_scoped3A = tpu.sem_alloc : memref<!tpu.dma_semaphore, #tpu.memory_space<semaphore_mem>>
      %dma_start3A_119 = arith.constant 0 : i32
      %dma_start3A_120 = tpu.memref_slice %arg2[%add3A_95, %dma_start3A_119] : memref<8192x512xi32, #tpu.memory_space<hbm>> -> memref<64x512xi32, #tpu.memory_space<hbm>>
      %dma_start3A_121 = arith.constant 0 : i32
      %dma_start3A_122 = tpu.memref_slice %arg2[%add3A_95, %dma_start3A_121] : memref<8192x512xi32, #tpu.memory_space<hbm>> -> memref<64x512xi32, #tpu.memory_space<hbm>>
      tpu.enqueue_dma source(%dma_start3A_122 : memref<64x512xi32, #tpu.memory_space<hbm>>) target(%arg7 : memref<64x512xi32, #tpu.memory_space<vmem>>) target_semaphore(%run_scoped3A : memref<!tpu.dma_semaphore, #tpu.memory_space<semaphore_mem>>)
      %dma_wait3A_123 = arith.constant 0 : i32
      %dma_wait3A_124 = tpu.memref_slice %arg2[%add3A_95, %dma_wait3A_123] : memref<8192x512xi32, #tpu.memory_space<hbm>> -> memref<64x512xi32, #tpu.memory_space<hbm>>
      %dma_wait3A_125 = arith.constant 0 : i32
      %dma_wait3A_126 = tpu.memref_slice %arg2[%add3A_95, %dma_wait3A_125] : memref<8192x512xi32, #tpu.memory_space<hbm>> -> memref<64x512xi32, #tpu.memory_space<hbm>>
      tpu.wait_dma2 semaphore(%run_scoped3A : memref<!tpu.dma_semaphore, #tpu.memory_space<semaphore_mem>>) src(%dma_wait3A_126 : memref<64x512xi32, #tpu.memory_space<hbm>>) dst(%arg7 : memref<64x512xi32, #tpu.memory_space<vmem>>)
      tpu.yield
    }) : () -> ()
    %mul3A_96 = arith.constant 8192 : i32
    %mul3A_97 = arith.muli %select_n3A, %mul3A_96 : i32
    %add3A_98 = arith.addi %mul3A_97, %add3A_95 : i32
    "tpu.region"() ({
      %run_scoped3A = tpu.sem_alloc : memref<!tpu.dma_semaphore, #tpu.memory_space<semaphore_mem>>
      %dma_start3A_119 = tpu.memref_slice %arg3[%add3A_98] : memref<16384xi32, #tpu.memory_space<hbm>> -> memref<64xi32, #tpu.memory_space<hbm>>
      %dma_start3A_120 = tpu.memref_slice %arg3[%add3A_98] : memref<16384xi32, #tpu.memory_space<hbm>> -> memref<64xi32, #tpu.memory_space<hbm>>
      tpu.enqueue_dma source(%dma_start3A_120 : memref<64xi32, #tpu.memory_space<hbm>>) target(%arg5 : memref<64xi32, #tpu.memory_space<vmem>>) target_semaphore(%run_scoped3A : memref<!tpu.dma_semaphore, #tpu.memory_space<semaphore_mem>>)
      %dma_wait3A_121 = tpu.memref_slice %arg3[%add3A_98] : memref<16384xi32, #tpu.memory_space<hbm>> -> memref<64xi32, #tpu.memory_space<hbm>>
      %dma_wait3A_122 = tpu.memref_slice %arg3[%add3A_98] : memref<16384xi32, #tpu.memory_space<hbm>> -> memref<64xi32, #tpu.memory_space<hbm>>
      tpu.wait_dma2 semaphore(%run_scoped3A : memref<!tpu.dma_semaphore, #tpu.memory_space<semaphore_mem>>) src(%dma_wait3A_122 : memref<64xi32, #tpu.memory_space<hbm>>) dst(%arg5 : memref<64xi32, #tpu.memory_space<vmem>>)
      tpu.yield
    }) : () -> ()
    %dma_start3A_99 = arith.constant 0 : i32
    %dma_start3A_100 = arith.constant 0 : i32
    %dma_start3A_101 = tpu.memref_slice %arg4[%dma_start3A_99, %dma_start3A_100] : memref<20480x512xi32, #tpu.memory_space<hbm>> -> memref<20480x512xi32, #tpu.memory_space<hbm>>
    tpu.enqueue_indirect_dma source(%arg7 : memref<64x512xi32, #tpu.memory_space<vmem>>) target(%dma_start3A_101 : memref<20480x512xi32, #tpu.memory_space<hbm>>) offsets(%arg5 : memref<64xi32, #tpu.memory_space<vmem>>) semaphore(%arg9 : memref<!tpu.dma_semaphore, #tpu.memory_space<semaphore_mem>>)
    %dma_wait3A_102 = arith.constant 0 : i32
    %dma_wait3A_103 = arith.constant 0 : i32
    %dma_wait3A_104 = tpu.memref_slice %arg4[%dma_wait3A_102, %dma_wait3A_103] : memref<20480x512xi32, #tpu.memory_space<hbm>> -> memref<20480x512xi32, #tpu.memory_space<hbm>>
    tpu.wait_indirect_dma semaphore(%arg10 : memref<!tpu.dma_semaphore, #tpu.memory_space<semaphore_mem>>) src(%arg8 : memref<64x512xi32, #tpu.memory_space<vmem>>) dst(%dma_wait3A_104 : memref<20480x512xi32, #tpu.memory_space<hbm>>)
    %add3A_105 = arith.constant 448 : i32
    %add3A_106 = arith.addi %mul3A_32, %add3A_105 : i32
    "tpu.region"() ({
      %run_scoped3A = tpu.sem_alloc : memref<!tpu.dma_semaphore, #tpu.memory_space<semaphore_mem>>
      %dma_start3A_119 = arith.constant 0 : i32
      %dma_start3A_120 = tpu.memref_slice %arg2[%add3A_106, %dma_start3A_119] : memref<8192x512xi32, #tpu.memory_space<hbm>> -> memref<64x512xi32, #tpu.memory_space<hbm>>
      %dma_start3A_121 = arith.constant 0 : i32
      %dma_start3A_122 = tpu.memref_slice %arg2[%add3A_106, %dma_start3A_121] : memref<8192x512xi32, #tpu.memory_space<hbm>> -> memref<64x512xi32, #tpu.memory_space<hbm>>
      tpu.enqueue_dma source(%dma_start3A_122 : memref<64x512xi32, #tpu.memory_space<hbm>>) target(%arg8 : memref<64x512xi32, #tpu.memory_space<vmem>>) target_semaphore(%run_scoped3A : memref<!tpu.dma_semaphore, #tpu.memory_space<semaphore_mem>>)
      %dma_wait3A_123 = arith.constant 0 : i32
      %dma_wait3A_124 = tpu.memref_slice %arg2[%add3A_106, %dma_wait3A_123] : memref<8192x512xi32, #tpu.memory_space<hbm>> -> memref<64x512xi32, #tpu.memory_space<hbm>>
      %dma_wait3A_125 = arith.constant 0 : i32
      %dma_wait3A_126 = tpu.memref_slice %arg2[%add3A_106, %dma_wait3A_125] : memref<8192x512xi32, #tpu.memory_space<hbm>> -> memref<64x512xi32, #tpu.memory_space<hbm>>
      tpu.wait_dma2 semaphore(%run_scoped3A : memref<!tpu.dma_semaphore, #tpu.memory_space<semaphore_mem>>) src(%dma_wait3A_126 : memref<64x512xi32, #tpu.memory_space<hbm>>) dst(%arg8 : memref<64x512xi32, #tpu.memory_space<vmem>>)
      tpu.yield
    }) : () -> ()
    %mul3A_107 = arith.constant 8192 : i32
    %mul3A_108 = arith.muli %select_n3A, %mul3A_107 : i32
    %add3A_109 = arith.addi %mul3A_108, %add3A_106 : i32
    "tpu.region"() ({
      %run_scoped3A = tpu.sem_alloc : memref<!tpu.dma_semaphore, #tpu.memory_space<semaphore_mem>>
      %dma_start3A_119 = tpu.memref_slice %arg3[%add3A_109] : memref<16384xi32, #tpu.memory_space<hbm>> -> memref<64xi32, #tpu.memory_space<hbm>>
      %dma_start3A_120 = tpu.memref_slice %arg3[%add3A_109] : memref<16384xi32, #tpu.memory_space<hbm>> -> memref<64xi32, #tpu.memory_space<hbm>>
      tpu.enqueue_dma source(%dma_start3A_120 : memref<64xi32, #tpu.memory_space<hbm>>) target(%arg6 : memref<64xi32, #tpu.memory_space<vmem>>) target_semaphore(%run_scoped3A : memref<!tpu.dma_semaphore, #tpu.memory_space<semaphore_mem>>)
      %dma_wait3A_121 = tpu.memref_slice %arg3[%add3A_109] : memref<16384xi32, #tpu.memory_space<hbm>> -> memref<64xi32, #tpu.memory_space<hbm>>
      %dma_wait3A_122 = tpu.memref_slice %arg3[%add3A_109] : memref<16384xi32, #tpu.memory_space<hbm>> -> memref<64xi32, #tpu.memory_space<hbm>>
      tpu.wait_dma2 semaphore(%run_scoped3A : memref<!tpu.dma_semaphore, #tpu.memory_space<semaphore_mem>>) src(%dma_wait3A_122 : memref<64xi32, #tpu.memory_space<hbm>>) dst(%arg6 : memref<64xi32, #tpu.memory_space<vmem>>)
      tpu.yield
    }) : () -> ()
    %dma_start3A_110 = arith.constant 0 : i32
    %dma_start3A_111 = arith.constant 0 : i32
    %dma_start3A_112 = tpu.memref_slice %arg4[%dma_start3A_110, %dma_start3A_111] : memref<20480x512xi32, #tpu.memory_space<hbm>> -> memref<20480x512xi32, #tpu.memory_space<hbm>>
    tpu.enqueue_indirect_dma source(%arg8 : memref<64x512xi32, #tpu.memory_space<vmem>>) target(%dma_start3A_112 : memref<20480x512xi32, #tpu.memory_space<hbm>>) offsets(%arg6 : memref<64xi32, #tpu.memory_space<vmem>>) semaphore(%arg10 : memref<!tpu.dma_semaphore, #tpu.memory_space<semaphore_mem>>)
    %dma_wait3A_113 = arith.constant 0 : i32
    %dma_wait3A_114 = arith.constant 0 : i32
    %dma_wait3A_115 = tpu.memref_slice %arg4[%dma_wait3A_113, %dma_wait3A_114] : memref<20480x512xi32, #tpu.memory_space<hbm>> -> memref<20480x512xi32, #tpu.memory_space<hbm>>
    tpu.wait_indirect_dma semaphore(%arg10 : memref<!tpu.dma_semaphore, #tpu.memory_space<semaphore_mem>>) src(%arg8 : memref<64x512xi32, #tpu.memory_space<vmem>>) dst(%dma_wait3A_115 : memref<20480x512xi32, #tpu.memory_space<hbm>>)
    %dma_wait3A_116 = arith.constant 0 : i32
    %dma_wait3A_117 = arith.constant 0 : i32
    %dma_wait3A_118 = tpu.memref_slice %arg4[%dma_wait3A_116, %dma_wait3A_117] : memref<20480x512xi32, #tpu.memory_space<hbm>> -> memref<20480x512xi32, #tpu.memory_space<hbm>>
    tpu.wait_indirect_dma semaphore(%arg9 : memref<!tpu.dma_semaphore, #tpu.memory_space<semaphore_mem>>) src(%arg7 : memref<64x512xi32, #tpu.memory_space<vmem>>) dst(%dma_wait3A_118 : memref<20480x512xi32, #tpu.memory_space<hbm>>)
    return
  }
}

module attributes {stable_mosaic.version = 14 : i64} {
  func.func @_gating_body(%arg0: i32, %arg1: memref<512x1024xf32, #tpu.memory_space<vmem>>, %arg2: memref<1024x8xf32, #tpu.memory_space<vmem>>, %arg3: memref<1x8xf32, #tpu.memory_space<vmem>>, %arg4: memref<512x2xi32, #tpu.memory_space<vmem>>, %arg5: memref<1x8xf32, #tpu.memory_space<vmem>>, %arg6: memref<512x512xi32, #tpu.memory_space<vmem>>, %arg7: memref<512x2xi32, #tpu.memory_space<vmem>>, %arg8: memref<1x8xi32, #tpu.memory_space<vmem>>, %arg9: memref<1x8xf32, #tpu.memory_space<vmem>>, %arg10: memref<1x8xf32, #tpu.memory_space<vmem>>, %arg11: memref<1x8xi32, #tpu.memory_space<vmem>>) attributes {dimension_semantics = [#tpu.dimension_semantics<arbitrary>], iteration_bounds = array<i64: 16>, scalar_prefetch = 0 : i64, scratch_operands = 3 : i64, tpu.core_type = #tpu.core_type<tc>, window_params = [{transform_indices = @transform_0, window_bounds = array<i64: 512, 1024>}, {pipeline_mode = #tpu.pipeline_mode<synchronous>, transform_indices = @transform_1, window_bounds = array<i64: 1024, 8>}, {pipeline_mode = #tpu.pipeline_mode<synchronous>, transform_indices = @transform_2, window_bounds = array<i64: 1, 8>}, {transform_indices = @transform_3, window_bounds = array<i64: 512, 2>}, {pipeline_mode = #tpu.pipeline_mode<synchronous>, transform_indices = @transform_4, window_bounds = array<i64: 1, 8>}, {transform_indices = @transform_5, window_bounds = array<i64: 512, 512>}, {transform_indices = @transform_6, window_bounds = array<i64: 512, 2>}, {pipeline_mode = #tpu.pipeline_mode<synchronous>, transform_indices = @transform_7, window_bounds = array<i64: 1, 8>}]} {
    %get3A = arith.constant 0 : index
    %get3A_0 = arith.constant 0 : index
    %get3A_1 = vector.load %arg1[%get3A, %get3A_0] : memref<512x1024xf32, #tpu.memory_space<vmem>>, vector<512x1024xf32>
    %slice3A = vector.extract_strided_slice %get3A_1 {offsets = [0, 0], sizes = [512, 512], strides = [1, 1]} : vector<512x1024xf32> to vector<512x512xf32>
    %slice3A_2 = vector.extract_strided_slice %get3A_1 {offsets = [0, 512], sizes = [512, 512], strides = [1, 1]} : vector<512x1024xf32> to vector<512x512xf32>
    %bitcast_convert_type3A = tpu.bitcast %slice3A : vector<512x512xf32> -> vector<512x512xi32>
    %bitcast_convert_type3A_3 = tpu.bitcast %slice3A_2 : vector<512x512xf32> -> vector<512x512xi32>
    %add3A = arith.constant 32768 : i32
    %add3A_4 = vector.broadcast %add3A : i32 to vector<512x512xi32>
    %add3A_5 = arith.addi %bitcast_convert_type3A, %add3A_4 : vector<512x512xi32>
    %shift_right_logical3A = arith.constant 16 : i32
    %shift_right_logical3A_6 = vector.broadcast %shift_right_logical3A : i32 to vector<512x512xi32>
    %shift_right_logical3A_7 = arith.shrui %add3A_5, %shift_right_logical3A_6 : vector<512x512xi32>
    %add3A_8 = arith.constant 32768 : i32
    %add3A_9 = vector.broadcast %add3A_8 : i32 to vector<512x512xi32>
    %add3A_10 = arith.addi %bitcast_convert_type3A_3, %add3A_9 : vector<512x512xi32>
    %and3A = arith.constant -65536 : i32
    %and3A_11 = vector.broadcast %and3A : i32 to vector<512x512xi32>
    %and3A_12 = arith.andi %add3A_10, %and3A_11 : vector<512x512xi32>
    %or3A = arith.ori %shift_right_logical3A_7, %and3A_12 : vector<512x512xi32>
    %bitcast_convert_type3A_13 = tpu.bitcast %or3A : vector<512x512xi32> -> vector<512x512xi32>
    %swap3A = arith.constant 0 : index
    %swap3A_14 = arith.constant 0 : index
    %swap3A_15 = vector.load %arg6[%swap3A, %swap3A_14] : memref<512x512xi32, #tpu.memory_space<vmem>>, vector<512x512xi32>
    tpu.vector_store %arg6[%swap3A, %swap3A_14], %bitcast_convert_type3A_13 {strides = array<i32>} : memref<512x512xi32, #tpu.memory_space<vmem>>, vector<512x512xi32>,
    %get3A_16 = arith.constant 0 : index
    %get3A_17 = arith.constant 0 : index
    %get3A_18 = vector.load %arg2[%get3A_16, %get3A_17] : memref<1024x8xf32, #tpu.memory_space<vmem>>, vector<1024x8xf32>
    %dot_general3A = arith.constant dense<0.000000e+00> : vector<512x8xf32>
    %dot_general3A_19 = tpu.matmul %get3A_1, %get3A_18, %dot_general3A {dimension_numbers = #tpu.dot_dimension_numbers<[1], [0], [0], [1], [0, 0, 1, 1], [], []>, transpose_lhs_hint = false} : vector<512x1024xf32>, vector<1024x8xf32>, vector<512x8xf32> -> vector<512x8xf32>
    %get3A_20 = arith.constant 0 : index
    %get3A_21 = arith.constant 0 : index
    %get3A_22 = vector.load %arg3[%get3A_20, %get3A_21] : memref<1x8xf32, #tpu.memory_space<vmem>>, vector<1x8xf32>
    %add3A_23 = vector.broadcast %get3A_22 : vector<1x8xf32> to vector<512x8xf32>
    %add3A_24 = arith.addf %dot_general3A_19, %add3A_23 : vector<512x8xf32>
    %reduce_max3A = arith.constant dense<0xFF800000> : vector<512xf32>
    %reduce_max3A_25 = vector.multi_reduction <maximumf>, %add3A_24, %reduce_max3A [1] : vector<512x8xf32> to vector<512xf32>
    %broadcast_in_dim3A = vector.shape_cast %reduce_max3A_25 : vector<512xf32> to vector<512x1xf32>
    %sub3A = vector.broadcast %broadcast_in_dim3A : vector<512x1xf32> to vector<512x8xf32>
    %sub3A_26 = arith.subf %add3A_24, %sub3A : vector<512x8xf32>
    %exp3A = math.exp %sub3A_26 : vector<512x8xf32>
    %reduce_sum3A = arith.constant dense<0.000000e+00> : vector<512xf32>
    %reduce_sum3A_27 = vector.multi_reduction <add>, %exp3A, %reduce_sum3A [1] : vector<512x8xf32> to vector<512xf32>
    %broadcast_in_dim3A_28 = vector.shape_cast %reduce_sum3A_27 : vector<512xf32> to vector<512x1xf32>
    %div3A = vector.broadcast %broadcast_in_dim3A_28 : vector<512x1xf32> to vector<512x8xf32>
    %div3A_29 = arith.divf %exp3A, %div3A : vector<512x8xf32>
    %iota3A = tpu.iota {dimensions = array<i32: 1>} : vector<512x8xi32>
    %reduce_max3A_30 = arith.constant dense<0xFF800000> : vector<512xf32>
    %reduce_max3A_31 = vector.multi_reduction <maximumf>, %div3A_29, %reduce_max3A_30 [1] : vector<512x8xf32> to vector<512xf32>
    %broadcast_in_dim3A_32 = vector.shape_cast %reduce_max3A_31 : vector<512xf32> to vector<512x1xf32>
    %eq3A = vector.broadcast %broadcast_in_dim3A_32 : vector<512x1xf32> to vector<512x8xf32>
    %eq3A_33 = arith.cmpf oeq, %div3A_29, %eq3A : vector<512x8xf32>
    %jit3A = arith.constant 8 : i32
    %broadcast_in_dim3A_34 = vector.broadcast %jit3A : i32 to vector<512x8xi32>
    %select_n3A = arith.select %eq3A_33, %iota3A, %broadcast_in_dim3A_34 : vector<512x8xi1>, vector<512x8xi32>
    %reduce_min3A = arith.constant dense<2147483647> : vector<512xi32>
    %reduce_min3A_35 = vector.multi_reduction <minsi>, %select_n3A, %reduce_min3A [1] : vector<512x8xi32> to vector<512xi32>
    %broadcast_in_dim3A_36 = vector.shape_cast %reduce_min3A_35 : vector<512xi32> to vector<512x1xi32>
    %eq3A_37 = vector.broadcast %broadcast_in_dim3A_36 : vector<512x1xi32> to vector<512x8xi32>
    %eq3A_38 = arith.cmpi eq, %iota3A, %eq3A_37 : vector<512x8xi32>
    %jit3A_39 = arith.constant 0xFF800000 : f32
    %broadcast_in_dim3A_40 = vector.broadcast %jit3A_39 : f32 to vector<512x8xf32>
    %select_n3A_41 = arith.select %eq3A_38, %broadcast_in_dim3A_40, %div3A_29 : vector<512x8xi1>, vector<512x8xf32>
    %reduce_max3A_42 = arith.constant dense<0xFF800000> : vector<512xf32>
    %reduce_max3A_43 = vector.multi_reduction <maximumf>, %select_n3A_41, %reduce_max3A_42 [1] : vector<512x8xf32> to vector<512xf32>
    %broadcast_in_dim3A_44 = vector.shape_cast %reduce_max3A_43 : vector<512xf32> to vector<512x1xf32>
    %eq3A_45 = vector.broadcast %broadcast_in_dim3A_44 : vector<512x1xf32> to vector<512x8xf32>
    %eq3A_46 = arith.cmpf oeq, %select_n3A_41, %eq3A_45 : vector<512x8xf32>
    %jit3A_47 = arith.constant 8 : i32
    %broadcast_in_dim3A_48 = vector.broadcast %jit3A_47 : i32 to vector<512x8xi32>
    %select_n3A_49 = arith.select %eq3A_46, %iota3A, %broadcast_in_dim3A_48 : vector<512x8xi1>, vector<512x8xi32>
    %reduce_min3A_50 = arith.constant dense<2147483647> : vector<512xi32>
    %reduce_min3A_51 = vector.multi_reduction <minsi>, %select_n3A_49, %reduce_min3A_50 [1] : vector<512x8xi32> to vector<512xi32>
    %broadcast_in_dim3A_52 = vector.shape_cast %reduce_min3A_51 : vector<512xi32> to vector<512x1xi32>
    %concatenate3A = tpu.concatenate %broadcast_in_dim3A_36, %broadcast_in_dim3A_52 in 1 : vector<512x1xi32>, vector<512x1xi32> -> vector<512x2xi32>
    %swap3A_53 = arith.constant 0 : index
    %swap3A_54 = arith.constant 0 : index
    %swap3A_55 = vector.load %arg4[%swap3A_53, %swap3A_54] : memref<512x2xi32, #tpu.memory_space<vmem>>, vector<512x2xi32>
    tpu.vector_store %arg4[%swap3A_53, %swap3A_54], %concatenate3A {strides = array<i32>} : memref<512x2xi32, #tpu.memory_space<vmem>>, vector<512x2xi32>,
    %eq3A_56 = arith.constant 0 : i32
    %eq3A_57 = arith.cmpi eq, %arg0, %eq3A_56 : i32
    %convert_element_type3A = arith.extui %eq3A_57 : i1 to i32
    %cond3A = arith.constant 0 : i32
    %cond3A_58 = arith.cmpi ne, %convert_element_type3A, %cond3A : i32
    scf.if %cond3A_58 {
      %broadcast_in_dim3A_171 = arith.constant 0.000000e+00 : f32
      %broadcast_in_dim3A_172 = vector.broadcast %broadcast_in_dim3A_171 : f32 to vector<1x8xf32>
      %swap3A_173 = arith.constant 0 : index
      %swap3A_174 = arith.constant 0 : index
      %swap3A_175 = vector.load %arg9[%swap3A_173, %swap3A_174] : memref<1x8xf32, #tpu.memory_space<vmem>>, vector<1x8xf32>
      tpu.vector_store %arg9[%swap3A_173, %swap3A_174], %broadcast_in_dim3A_172 {strides = array<i32>} : memref<1x8xf32, #tpu.memory_space<vmem>>, vector<1x8xf32>,
      %broadcast_in_dim3A_176 = arith.constant 0.000000e+00 : f32
      %broadcast_in_dim3A_177 = vector.broadcast %broadcast_in_dim3A_176 : f32 to vector<1x8xf32>
      %swap3A_178 = arith.constant 0 : index
      %swap3A_179 = arith.constant 0 : index
      %swap3A_180 = vector.load %arg10[%swap3A_178, %swap3A_179] : memref<1x8xf32, #tpu.memory_space<vmem>>, vector<1x8xf32>
      tpu.vector_store %arg10[%swap3A_178, %swap3A_179], %broadcast_in_dim3A_177 {strides = array<i32>} : memref<1x8xf32, #tpu.memory_space<vmem>>, vector<1x8xf32>,
      %broadcast_in_dim3A_181 = arith.constant 0 : i32
      %broadcast_in_dim3A_182 = vector.broadcast %broadcast_in_dim3A_181 : i32 to vector<1x8xi32>
      %swap3A_183 = arith.constant 0 : index
      %swap3A_184 = arith.constant 0 : index
      %swap3A_185 = vector.load %arg11[%swap3A_183, %swap3A_184] : memref<1x8xi32, #tpu.memory_space<vmem>>, vector<1x8xi32>
      tpu.vector_store %arg11[%swap3A_183, %swap3A_184], %broadcast_in_dim3A_182 {strides = array<i32>} : memref<1x8xi32, #tpu.memory_space<vmem>>, vector<1x8xi32>,
    } else {
    }
    %get3A_59 = arith.constant 0 : index
    %get3A_60 = arith.constant 0 : index
    %get3A_61 = vector.load %arg9[%get3A_59, %get3A_60] : memref<1x8xf32, #tpu.memory_space<vmem>>, vector<1x8xf32>
    %reduce_sum3A_62 = arith.constant dense<0.000000e+00> : vector<8xf32>
    %reduce_sum3A_63 = vector.multi_reduction <add>, %div3A_29, %reduce_sum3A_62 [0] : vector<512x8xf32> to vector<8xf32>
    %broadcast_in_dim3A_64 = vector.shape_cast %reduce_sum3A_63 : vector<8xf32> to vector<1x8xf32>
    %add3A_65 = arith.addf %get3A_61, %broadcast_in_dim3A_64 : vector<1x8xf32>
    %swap3A_66 = arith.constant 0 : index
    %swap3A_67 = arith.constant 0 : index
    %swap3A_68 = vector.load %arg9[%swap3A_66, %swap3A_67] : memref<1x8xf32, #tpu.memory_space<vmem>>, vector<1x8xf32>
    tpu.vector_store %arg9[%swap3A_66, %swap3A_67], %add3A_65 {strides = array<i32>} : memref<1x8xf32, #tpu.memory_space<vmem>>, vector<1x8xf32>,
    %get3A_69 = arith.constant 0 : index
    %get3A_70 = arith.constant 0 : index
    %get3A_71 = vector.load %arg10[%get3A_69, %get3A_70] : memref<1x8xf32, #tpu.memory_space<vmem>>, vector<1x8xf32>
    %mul3A = arith.mulf %div3A_29, %div3A_29 : vector<512x8xf32>
    %reduce_sum3A_72 = arith.constant dense<0.000000e+00> : vector<8xf32>
    %reduce_sum3A_73 = vector.multi_reduction <add>, %mul3A, %reduce_sum3A_72 [0] : vector<512x8xf32> to vector<8xf32>
    %broadcast_in_dim3A_74 = vector.shape_cast %reduce_sum3A_73 : vector<8xf32> to vector<1x8xf32>
    %add3A_75 = arith.addf %get3A_71, %broadcast_in_dim3A_74 : vector<1x8xf32>
    %swap3A_76 = arith.constant 0 : index
    %swap3A_77 = arith.constant 0 : index
    %swap3A_78 = vector.load %arg10[%swap3A_76, %swap3A_77] : memref<1x8xf32, #tpu.memory_space<vmem>>, vector<1x8xf32>
    tpu.vector_store %arg10[%swap3A_76, %swap3A_77], %add3A_75 {strides = array<i32>} : memref<1x8xf32, #tpu.memory_space<vmem>>, vector<1x8xf32>,
    %eq3A_79 = vector.broadcast %broadcast_in_dim3A_36 : vector<512x1xi32> to vector<512x8xi32>
    %eq3A_80 = arith.cmpi eq, %iota3A, %eq3A_79 : vector<512x8xi32>
    %convert_element_type3A_81 = arith.extui %eq3A_80 : vector<512x8xi1> to vector<512x8xi32>
    %eq3A_82 = vector.broadcast %broadcast_in_dim3A_52 : vector<512x1xi32> to vector<512x8xi32>
    %eq3A_83 = arith.cmpi eq, %iota3A, %eq3A_82 : vector<512x8xi32>
    %convert_element_type3A_84 = arith.extui %eq3A_83 : vector<512x8xi1> to vector<512x8xi32>
    %add3A_85 = arith.addi %convert_element_type3A_81, %convert_element_type3A_84 : vector<512x8xi32>
    %jit3A_86 = arith.constant 0 : i32
    %pad3A = vector.broadcast %jit3A_86 : i32 to vector<1x8xi32>
    %pad3A_87 = tpu.concatenate %pad3A, %add3A_85 in 0 : vector<1x8xi32>, vector<512x8xi32> -> vector<513x8xi32>
    %slice3A_88 = vector.extract_strided_slice %pad3A_87 {offsets = [0, 0], sizes = [512, 8], strides = [1, 1]} : vector<513x8xi32> to vector<512x8xi32>
    %add3A_89 = arith.addi %add3A_85, %slice3A_88 : vector<512x8xi32>
    %jit3A_90 = arith.constant 0 : i32
    %pad3A_91 = vector.broadcast %jit3A_90 : i32 to vector<2x8xi32>
    %pad3A_92 = tpu.concatenate %pad3A_91, %add3A_89 in 0 : vector<2x8xi32>, vector<512x8xi32> -> vector<514x8xi32>
    %slice3A_93 = vector.extract_strided_slice %pad3A_92 {offsets = [0, 0], sizes = [512, 8], strides = [1, 1]} : vector<514x8xi32> to vector<512x8xi32>
    %add3A_94 = arith.addi %add3A_89, %slice3A_93 : vector<512x8xi32>
    %jit3A_95 = arith.constant 0 : i32
    %pad3A_96 = vector.broadcast %jit3A_95 : i32 to vector<4x8xi32>
    %pad3A_97 = tpu.concatenate %pad3A_96, %add3A_94 in 0 : vector<4x8xi32>, vector<512x8xi32> -> vector<516x8xi32>
    %slice3A_98 = vector.extract_strided_slice %pad3A_97 {offsets = [0, 0], sizes = [512, 8], strides = [1, 1]} : vector<516x8xi32> to vector<512x8xi32>
    %add3A_99 = arith.addi %add3A_94, %slice3A_98 : vector<512x8xi32>
    %jit3A_100 = arith.constant 0 : i32
    %pad3A_101 = vector.broadcast %jit3A_100 : i32 to vector<8x8xi32>
    %pad3A_102 = tpu.concatenate %pad3A_101, %add3A_99 in 0 : vector<8x8xi32>, vector<512x8xi32> -> vector<520x8xi32>
    %slice3A_103 = vector.extract_strided_slice %pad3A_102 {offsets = [0, 0], sizes = [512, 8], strides = [1, 1]} : vector<520x8xi32> to vector<512x8xi32>
    %add3A_104 = arith.addi %add3A_99, %slice3A_103 : vector<512x8xi32>
    %jit3A_105 = arith.constant 0 : i32
    %pad3A_106 = vector.broadcast %jit3A_105 : i32 to vector<16x8xi32>
    %pad3A_107 = tpu.concatenate %pad3A_106, %add3A_104 in 0 : vector<16x8xi32>, vector<512x8xi32> -> vector<528x8xi32>
    %slice3A_108 = vector.extract_strided_slice %pad3A_107 {offsets = [0, 0], sizes = [512, 8], strides = [1, 1]} : vector<528x8xi32> to vector<512x8xi32>
    %add3A_109 = arith.addi %add3A_104, %slice3A_108 : vector<512x8xi32>
    %jit3A_110 = arith.constant 0 : i32
    %pad3A_111 = vector.broadcast %jit3A_110 : i32 to vector<32x8xi32>
    %pad3A_112 = tpu.concatenate %pad3A_111, %add3A_109 in 0 : vector<32x8xi32>, vector<512x8xi32> -> vector<544x8xi32>
    %slice3A_113 = vector.extract_strided_slice %pad3A_112 {offsets = [0, 0], sizes = [512, 8], strides = [1, 1]} : vector<544x8xi32> to vector<512x8xi32>
    %add3A_114 = arith.addi %add3A_109, %slice3A_113 : vector<512x8xi32>
    %jit3A_115 = arith.constant 0 : i32
    %pad3A_116 = vector.broadcast %jit3A_115 : i32 to vector<64x8xi32>
    %pad3A_117 = tpu.concatenate %pad3A_116, %add3A_114 in 0 : vector<64x8xi32>, vector<512x8xi32> -> vector<576x8xi32>
    %slice3A_118 = vector.extract_strided_slice %pad3A_117 {offsets = [0, 0], sizes = [512, 8], strides = [1, 1]} : vector<576x8xi32> to vector<512x8xi32>
    %add3A_119 = arith.addi %add3A_114, %slice3A_118 : vector<512x8xi32>
    %jit3A_120 = arith.constant 0 : i32
    %pad3A_121 = vector.broadcast %jit3A_120 : i32 to vector<128x8xi32>
    %pad3A_122 = tpu.concatenate %pad3A_121, %add3A_119 in 0 : vector<128x8xi32>, vector<512x8xi32> -> vector<640x8xi32>
    %slice3A_123 = vector.extract_strided_slice %pad3A_122 {offsets = [0, 0], sizes = [512, 8], strides = [1, 1]} : vector<640x8xi32> to vector<512x8xi32>
    %add3A_124 = arith.addi %add3A_119, %slice3A_123 : vector<512x8xi32>
    %jit3A_125 = arith.constant 0 : i32
    %pad3A_126 = vector.broadcast %jit3A_125 : i32 to vector<256x8xi32>
    %pad3A_127 = tpu.concatenate %pad3A_126, %add3A_124 in 0 : vector<256x8xi32>, vector<512x8xi32> -> vector<768x8xi32>
    %slice3A_128 = vector.extract_strided_slice %pad3A_127 {offsets = [0, 0], sizes = [512, 8], strides = [1, 1]} : vector<768x8xi32> to vector<512x8xi32>
    %add3A_129 = arith.addi %add3A_124, %slice3A_128 : vector<512x8xi32>
    %get3A_130 = arith.constant 0 : index
    %get3A_131 = arith.constant 0 : index
    %get3A_132 = vector.load %arg11[%get3A_130, %get3A_131] : memref<1x8xi32, #tpu.memory_space<vmem>>, vector<1x8xi32>
    %sub3A_133 = arith.subi %add3A_129, %add3A_85 : vector<512x8xi32>
    %add3A_134 = vector.broadcast %get3A_132 : vector<1x8xi32> to vector<512x8xi32>
    %add3A_135 = arith.addi %add3A_134, %sub3A_133 : vector<512x8xi32>
    %eq3A_136 = vector.broadcast %broadcast_in_dim3A_36 : vector<512x1xi32> to vector<512x8xi32>
    %eq3A_137 = arith.cmpi eq, %iota3A, %eq3A_136 : vector<512x8xi32>
    %jit3A_138 = arith.constant 0 : i32
    %broadcast_in_dim3A_139 = vector.broadcast %jit3A_138 : i32 to vector<512x8xi32>
    %select_n3A_140 = arith.select %eq3A_137, %add3A_135, %broadcast_in_dim3A_139 : vector<512x8xi1>, vector<512x8xi32>
    %reduce_sum3A_141 = arith.constant dense<0> : vector<512xi32>
    %reduce_sum3A_142 = vector.multi_reduction <add>, %select_n3A_140, %reduce_sum3A_141 [1] : vector<512x8xi32> to vector<512xi32>
    %broadcast_in_dim3A_143 = vector.shape_cast %reduce_sum3A_142 : vector<512xi32> to vector<512x1xi32>
    %eq3A_144 = vector.broadcast %broadcast_in_dim3A_52 : vector<512x1xi32> to vector<512x8xi32>
    %eq3A_145 = arith.cmpi eq, %iota3A, %eq3A_144 : vector<512x8xi32>
    %jit3A_146 = arith.constant 0 : i32
    %broadcast_in_dim3A_147 = vector.broadcast %jit3A_146 : i32 to vector<512x8xi32>
    %select_n3A_148 = arith.select %eq3A_145, %add3A_135, %broadcast_in_dim3A_147 : vector<512x8xi1>, vector<512x8xi32>
    %reduce_sum3A_149 = arith.constant dense<0> : vector<512xi32>
    %reduce_sum3A_150 = vector.multi_reduction <add>, %select_n3A_148, %reduce_sum3A_149 [1] : vector<512x8xi32> to vector<512xi32>
    %broadcast_in_dim3A_151 = vector.shape_cast %reduce_sum3A_150 : vector<512xi32> to vector<512x1xi32>
    %concatenate3A_152 = tpu.concatenate %broadcast_in_dim3A_143, %broadcast_in_dim3A_151 in 1 : vector<512x1xi32>, vector<512x1xi32> -> vector<512x2xi32>
    %swap3A_153 = arith.constant 0 : index
    %swap3A_154 = arith.constant 0 : index
    %swap3A_155 = vector.load %arg7[%swap3A_153, %swap3A_154] : memref<512x2xi32, #tpu.memory_space<vmem>>, vector<512x2xi32>
    tpu.vector_store %arg7[%swap3A_153, %swap3A_154], %concatenate3A_152 {strides = array<i32>} : memref<512x2xi32, #tpu.memory_space<vmem>>, vector<512x2xi32>,
    %get3A_156 = arith.constant 0 : index
    %get3A_157 = arith.constant 0 : index
    %get3A_158 = vector.load %arg11[%get3A_156, %get3A_157] : memref<1x8xi32, #tpu.memory_space<vmem>>, vector<1x8xi32>
    %reduce_sum3A_159 = arith.constant dense<0> : vector<8xi32>
    %reduce_sum3A_160 = vector.multi_reduction <add>, %add3A_85, %reduce_sum3A_159 [0] : vector<512x8xi32> to vector<8xi32>
    %broadcast_in_dim3A_161 = vector.shape_cast %reduce_sum3A_160 : vector<8xi32> to vector<1x8xi32>
    %add3A_162 = arith.addi %get3A_158, %broadcast_in_dim3A_161 : vector<1x8xi32>
    %swap3A_163 = arith.constant 0 : index
    %swap3A_164 = arith.constant 0 : index
    %swap3A_165 = vector.load %arg11[%swap3A_163, %swap3A_164] : memref<1x8xi32, #tpu.memory_space<vmem>>, vector<1x8xi32>
    tpu.vector_store %arg11[%swap3A_163, %swap3A_164], %add3A_162 {strides = array<i32>} : memref<1x8xi32, #tpu.memory_space<vmem>>, vector<1x8xi32>,
    %eq3A_166 = arith.constant 15 : i32
    %eq3A_167 = arith.cmpi eq, %arg0, %eq3A_166 : i32
    %convert_element_type3A_168 = arith.extui %eq3A_167 : i1 to i32
    %cond3A_169 = arith.constant 0 : i32
    %cond3A_170 = arith.cmpi ne, %convert_element_type3A_168, %cond3A_169 : i32
    scf.if %cond3A_170 {
      %get3A_171 = arith.constant 0 : index
      %get3A_172 = arith.constant 0 : index
      %get3A_173 = vector.load %arg9[%get3A_171, %get3A_172] : memref<1x8xf32, #tpu.memory_space<vmem>>, vector<1x8xf32>
      %div3A_174 = arith.constant 8.192000e+03 : f32
      %div3A_175 = vector.broadcast %div3A_174 : f32 to vector<1x8xf32>
      %div3A_176 = arith.divf %get3A_173, %div3A_175 : vector<1x8xf32>
      %get3A_177 = arith.constant 0 : index
      %get3A_178 = arith.constant 0 : index
      %get3A_179 = vector.load %arg10[%get3A_177, %get3A_178] : memref<1x8xf32, #tpu.memory_space<vmem>>, vector<1x8xf32>
      %mul3A_180 = arith.constant 8.192000e+03 : f32
      %mul3A_181 = vector.broadcast %mul3A_180 : f32 to vector<1x8xf32>
      %mul3A_182 = arith.mulf %mul3A_181, %div3A_176 : vector<1x8xf32>
      %mul3A_183 = arith.mulf %mul3A_182, %div3A_176 : vector<1x8xf32>
      %sub3A_184 = arith.subf %get3A_179, %mul3A_183 : vector<1x8xf32>
      %div3A_185 = arith.constant 8.191000e+03 : f32
      %div3A_186 = vector.broadcast %div3A_185 : f32 to vector<1x8xf32>
      %div3A_187 = arith.divf %sub3A_184, %div3A_186 : vector<1x8xf32>
      %swap3A_188 = arith.constant 0 : index
      %swap3A_189 = arith.constant 0 : index
      %swap3A_190 = vector.load %arg5[%swap3A_188, %swap3A_189] : memref<1x8xf32, #tpu.memory_space<vmem>>, vector<1x8xf32>
      tpu.vector_store %arg5[%swap3A_188, %swap3A_189], %div3A_187 {strides = array<i32>} : memref<1x8xf32, #tpu.memory_space<vmem>>, vector<1x8xf32>,
      %get3A_191 = arith.constant 0 : index
      %get3A_192 = arith.constant 0 : index
      %get3A_193 = vector.load %arg11[%get3A_191, %get3A_192] : memref<1x8xi32, #tpu.memory_space<vmem>>, vector<1x8xi32>
      %swap3A_194 = arith.constant 0 : index
      %swap3A_195 = arith.constant 0 : index
      %swap3A_196 = vector.load %arg8[%swap3A_194, %swap3A_195] : memref<1x8xi32, #tpu.memory_space<vmem>>, vector<1x8xi32>
      tpu.vector_store %arg8[%swap3A_194, %swap3A_195], %get3A_193 {strides = array<i32>} : memref<1x8xi32, #tpu.memory_space<vmem>>, vector<1x8xi32>,
    } else {
    }
    return
  }
  func.func @transform_0(%arg0: i32) -> (i32, i32) {
    %c0_i32 = arith.constant 0 : i32
    %c0_i32_0 = arith.constant 0 : i32
    return %arg0, %c0_i32 : i32, i32
  }
  func.func @transform_1(%arg0: i32) -> (i32, i32) {
    %c0_i32 = arith.constant 0 : i32
    %c0_i32_0 = arith.constant 0 : i32
    %c0_i32_1 = arith.constant 0 : i32
    return %c0_i32, %c0_i32_0 : i32, i32
  }
  func.func @transform_2(%arg0: i32) -> (i32, i32) {
    %c0_i32 = arith.constant 0 : i32
    %c0_i32_0 = arith.constant 0 : i32
    %c0_i32_1 = arith.constant 0 : i32
    return %c0_i32, %c0_i32_0 : i32, i32
  }
  func.func @transform_3(%arg0: i32) -> (i32, i32) {
    %c0_i32 = arith.constant 0 : i32
    %c0_i32_0 = arith.constant 0 : i32
    return %arg0, %c0_i32 : i32, i32
  }
  func.func @transform_4(%arg0: i32) -> (i32, i32) {
    %c0_i32 = arith.constant 0 : i32
    %c0_i32_0 = arith.constant 0 : i32
    %c0_i32_1 = arith.constant 0 : i32
    return %c0_i32, %c0_i32_0 : i32, i32
  }
  func.func @transform_5(%arg0: i32) -> (i32, i32) {
    %c0_i32 = arith.constant 0 : i32
    %c0_i32_0 = arith.constant 0 : i32
    return %arg0, %c0_i32 : i32, i32
  }
  func.func @transform_6(%arg0: i32) -> (i32, i32) {
    %c0_i32 = arith.constant 0 : i32
    %c0_i32_0 = arith.constant 0 : i32
    return %arg0, %c0_i32 : i32, i32
  }
  func.func @transform_7(%arg0: i32) -> (i32, i32) {
    %c0_i32 = arith.constant 0 : i32
    %c0_i32_0 = arith.constant 0 : i32
    %c0_i32_1 = arith.constant 0 : i32
    return %c0_i32, %c0_i32_0 : i32, i32
  }
}

module attributes {stable_mosaic.version = 14 : i64} {
  func.func @_wcast_body(%arg0: i32, %arg1: memref<1x512x4096xf32, #tpu.memory_space<vmem>>, %arg2: memref<1x512x4096xbf16, #tpu.memory_space<vmem>>) attributes {dimension_semantics = [#tpu.dimension_semantics<arbitrary>], iteration_bounds = array<i64: 16>, scalar_prefetch = 0 : i64, scratch_operands = 0 : i64, tpu.core_type = #tpu.core_type<tc>, window_params = [{transform_indices = @transform_0, window_bounds = array<i64: 1, 512, 4096>}, {transform_indices = @transform_1, window_bounds = array<i64: 1, 512, 4096>}]} {
    %get3A = arith.constant 0 : index
    %get3A_0 = arith.constant 0 : index
    %get3A_1 = arith.constant 0 : index
    %get3A_2 = vector.load %arg1[%get3A, %get3A_0, %get3A_1] : memref<1x512x4096xf32, #tpu.memory_space<vmem>>, vector<1x512x4096xf32>
    %convert_element_type3A = arith.truncf %get3A_2 : vector<1x512x4096xf32> to vector<1x512x4096xbf16>
    %swap3A = arith.constant 0 : index
    %swap3A_3 = arith.constant 0 : index
    %swap3A_4 = arith.constant 0 : index
    %swap3A_5 = vector.load %arg2[%swap3A, %swap3A_3, %swap3A_4] : memref<1x512x4096xbf16, #tpu.memory_space<vmem>>, vector<1x512x4096xbf16>
    tpu.vector_store %arg2[%swap3A, %swap3A_3, %swap3A_4], %convert_element_type3A {strides = array<i32>} : memref<1x512x4096xbf16, #tpu.memory_space<vmem>>, vector<1x512x4096xbf16>,
    return
  }
  func.func @transform_0(%arg0: i32) -> (i32, i32, i32) {
    %jit3A = arith.constant 2 : i32
    %div3A = arith.divsi %arg0, %jit3A : i32
    %sign3A = arith.constant 0 : i32
    %sign3A_0 = arith.cmpi sgt, %arg0, %sign3A : i32
    %sign3A_1 = arith.extui %sign3A_0 : i1 to i32
    %sign3A_2 = arith.constant 0 : i32
    %sign3A_3 = arith.cmpi slt, %arg0, %sign3A_2 : i32
    %sign3A_4 = arith.extui %sign3A_3 : i1 to i32
    %sign3A_5 = arith.subi %sign3A_1, %sign3A_4 : i32
    %sign3A_6 = arith.constant 0 : i32
    %sign3A_7 = arith.cmpi sgt, %jit3A, %sign3A_6 : i32
    %sign3A_8 = arith.extui %sign3A_7 : i1 to i32
    %sign3A_9 = arith.constant 0 : i32
    %sign3A_10 = arith.cmpi slt, %jit3A, %sign3A_9 : i32
    %sign3A_11 = arith.extui %sign3A_10 : i1 to i32
    %sign3A_12 = arith.subi %sign3A_8, %sign3A_11 : i32
    %ne3A = arith.cmpi ne, %sign3A_5, %sign3A_12 : i32
    %rem3A = arith.remsi %arg0, %jit3A : i32
    %ne3A_13 = arith.constant 0 : i32
    %ne3A_14 = arith.cmpi ne, %rem3A, %ne3A_13 : i32
    %and3A = arith.andi %ne3A, %ne3A_14 : i1
    %sub3A = arith.constant 1 : i32
    %sub3A_15 = arith.subi %div3A, %sub3A : i32
    %select_n3A = arith.select %and3A, %sub3A_15, %div3A : i32
    %jit3A_16 = arith.constant 2 : i32
    %eq3A = arith.constant 0 : i32
    %eq3A_17 = arith.cmpi eq, %jit3A_16, %eq3A : i32
    %jit3A_18 = arith.constant 1 : i32
    %select_n3A_19 = arith.select %eq3A_17, %jit3A_18, %jit3A_16 : i32
    %rem3A_20 = arith.remsi %arg0, %select_n3A_19 : i32
    %ne3A_21 = arith.constant 0 : i32
    %ne3A_22 = arith.cmpi ne, %rem3A_20, %ne3A_21 : i32
    %lt3A = arith.constant 0 : i32
    %lt3A_23 = arith.cmpi slt, %rem3A_20, %lt3A : i32
    %lt3A_24 = arith.constant 0 : i32
    %lt3A_25 = arith.cmpi slt, %select_n3A_19, %lt3A_24 : i32
    %ne3A_26 = arith.xori %lt3A_23, %lt3A_25 : i1
    %and3A_27 = arith.andi %ne3A_26, %ne3A_22 : i1
    %add3A = arith.addi %rem3A_20, %select_n3A_19 : i32
    %select_n3A_28 = arith.select %and3A_27, %add3A, %rem3A_20 : i32
    %c0_i32 = arith.constant 0 : i32
    %c0_i32_29 = arith.constant 0 : i32
    return %select_n3A, %select_n3A_28, %c0_i32 : i32, i32, i32
  }
  func.func @transform_1(%arg0: i32) -> (i32, i32, i32) {
    %jit3A = arith.constant 2 : i32
    %div3A = arith.divsi %arg0, %jit3A : i32
    %sign3A = arith.constant 0 : i32
    %sign3A_0 = arith.cmpi sgt, %arg0, %sign3A : i32
    %sign3A_1 = arith.extui %sign3A_0 : i1 to i32
    %sign3A_2 = arith.constant 0 : i32
    %sign3A_3 = arith.cmpi slt, %arg0, %sign3A_2 : i32
    %sign3A_4 = arith.extui %sign3A_3 : i1 to i32
    %sign3A_5 = arith.subi %sign3A_1, %sign3A_4 : i32
    %sign3A_6 = arith.constant 0 : i32
    %sign3A_7 = arith.cmpi sgt, %jit3A, %sign3A_6 : i32
    %sign3A_8 = arith.extui %sign3A_7 : i1 to i32
    %sign3A_9 = arith.constant 0 : i32
    %sign3A_10 = arith.cmpi slt, %jit3A, %sign3A_9 : i32
    %sign3A_11 = arith.extui %sign3A_10 : i1 to i32
    %sign3A_12 = arith.subi %sign3A_8, %sign3A_11 : i32
    %ne3A = arith.cmpi ne, %sign3A_5, %sign3A_12 : i32
    %rem3A = arith.remsi %arg0, %jit3A : i32
    %ne3A_13 = arith.constant 0 : i32
    %ne3A_14 = arith.cmpi ne, %rem3A, %ne3A_13 : i32
    %and3A = arith.andi %ne3A, %ne3A_14 : i1
    %sub3A = arith.constant 1 : i32
    %sub3A_15 = arith.subi %div3A, %sub3A : i32
    %select_n3A = arith.select %and3A, %sub3A_15, %div3A : i32
    %jit3A_16 = arith.constant 2 : i32
    %eq3A = arith.constant 0 : i32
    %eq3A_17 = arith.cmpi eq, %jit3A_16, %eq3A : i32
    %jit3A_18 = arith.constant 1 : i32
    %select_n3A_19 = arith.select %eq3A_17, %jit3A_18, %jit3A_16 : i32
    %rem3A_20 = arith.remsi %arg0, %select_n3A_19 : i32
    %ne3A_21 = arith.constant 0 : i32
    %ne3A_22 = arith.cmpi ne, %rem3A_20, %ne3A_21 : i32
    %lt3A = arith.constant 0 : i32
    %lt3A_23 = arith.cmpi slt, %rem3A_20, %lt3A : i32
    %lt3A_24 = arith.constant 0 : i32
    %lt3A_25 = arith.cmpi slt, %select_n3A_19, %lt3A_24 : i32
    %ne3A_26 = arith.xori %lt3A_23, %lt3A_25 : i1
    %and3A_27 = arith.andi %ne3A_26, %ne3A_22 : i1
    %add3A = arith.addi %rem3A_20, %select_n3A_19 : i32
    %select_n3A_28 = arith.select %and3A_27, %add3A, %rem3A_20 : i32
    %c0_i32 = arith.constant 0 : i32
    %c0_i32_29 = arith.constant 0 : i32
    return %select_n3A, %select_n3A_28, %c0_i32 : i32, i32, i32
  }
}

module attributes {stable_mosaic.version = 14 : i64} {
  func.func @_gmm_body(%arg0: i32, %arg1: memref<40xi32, #tpu.memory_space<smem>>, %arg2: memref<512x512xi32, #tpu.memory_space<vmem>>, %arg3: memref<1x1024x4096xbf16, #tpu.memory_space<vmem>>, %arg4: memref<1x1x4096xf32, #tpu.memory_space<vmem>>, %arg5: memref<512x2048xi32, #tpu.memory_space<vmem>>) attributes {dimension_semantics = [#tpu.dimension_semantics<arbitrary>], iteration_bounds = array<i64: 40>, scalar_prefetch = 1 : i64, scratch_operands = 0 : i64, tpu.core_type = #tpu.core_type<tc>, window_params = [{transform_indices = @transform_0, window_bounds = array<i64: 512, 512>}, {transform_indices = @transform_1, window_bounds = array<i64: 1, 1024, 4096>}, {transform_indices = @transform_2, window_bounds = array<i64: 1, 1, 4096>}, {transform_indices = @transform_3, window_bounds = array<i64: 512, 2048>}]} {
    %get3A = arith.constant 0 : index
    %get3A_0 = arith.constant 0 : index
    %get3A_1 = vector.load %arg2[%get3A, %get3A_0] : memref<512x512xi32, #tpu.memory_space<vmem>>, vector<512x512xi32>
    %bitcast_convert_type3A = tpu.bitcast %get3A_1 : vector<512x512xi32> -> vector<512x512xi32>
    %shift_left3A = arith.constant 16 : i32
    %shift_left3A_2 = vector.broadcast %shift_left3A : i32 to vector<512x512xi32>
    %shift_left3A_3 = arith.shli %bitcast_convert_type3A, %shift_left3A_2 : vector<512x512xi32>
    %bitcast_convert_type3A_4 = tpu.bitcast %shift_left3A_3 : vector<512x512xi32> -> vector<512x512xf32>
    %and3A = arith.constant -65536 : i32
    %and3A_5 = vector.broadcast %and3A : i32 to vector<512x512xi32>
    %and3A_6 = arith.andi %bitcast_convert_type3A, %and3A_5 : vector<512x512xi32>
    %bitcast_convert_type3A_7 = tpu.bitcast %and3A_6 : vector<512x512xi32> -> vector<512x512xf32>
    %concatenate3A = tpu.concatenate %bitcast_convert_type3A_4, %bitcast_convert_type3A_7 in 1 : vector<512x512xf32>, vector<512x512xf32> -> vector<512x1024xf32>
    %convert_element_type3A = arith.truncf %concatenate3A : vector<512x1024xf32> to vector<512x1024xbf16>
    %get3A_8 = arith.constant 0 : index
    %get3A_9 = arith.constant 0 : index
    %get3A_10 = arith.constant 0 : index
    %get3A_11 = vector.load %arg3[%get3A_8, %get3A_9, %get3A_10] : memref<1x1024x4096xbf16, #tpu.memory_space<vmem>>, vector<1x1024x4096xbf16>
    %get3A_12 = vector.shape_cast %get3A_11 : vector<1x1024x4096xbf16> to vector<1024x4096xbf16>
    %dot_general3A = arith.constant dense<0.000000e+00> : vector<512x4096xf32>
    %dot_general3A_13 = tpu.matmul %convert_element_type3A, %get3A_12, %dot_general3A {dimension_numbers = #tpu.dot_dimension_numbers<[1], [0], [0], [1], [0, 0, 1, 1], [], []>, transpose_lhs_hint = false} : vector<512x1024xbf16>, vector<1024x4096xbf16>, vector<512x4096xf32> -> vector<512x4096xf32>
    %get3A_14 = arith.constant 0 : index
    %get3A_15 = arith.constant 0 : index
    %get3A_16 = arith.constant 0 : index
    %get3A_17 = vector.load %arg4[%get3A_14, %get3A_15, %get3A_16] : memref<1x1x4096xf32, #tpu.memory_space<vmem>>, vector<1x1x4096xf32>
    %get3A_18 = vector.shape_cast %get3A_17 : vector<1x1x4096xf32> to vector<1x4096xf32>
    %add3A = vector.broadcast %get3A_18 : vector<1x4096xf32> to vector<512x4096xf32>
    %add3A_19 = arith.addf %dot_general3A_13, %add3A : vector<512x4096xf32>
    %slice3A = vector.extract_strided_slice %add3A_19 {offsets = [0, 0], sizes = [512, 2048], strides = [1, 1]} : vector<512x4096xf32> to vector<512x2048xf32>
    %slice3A_20 = vector.extract_strided_slice %add3A_19 {offsets = [0, 2048], sizes = [512, 2048], strides = [1, 1]} : vector<512x4096xf32> to vector<512x2048xf32>
    %bitcast_convert_type3A_21 = tpu.bitcast %slice3A : vector<512x2048xf32> -> vector<512x2048xi32>
    %bitcast_convert_type3A_22 = tpu.bitcast %slice3A_20 : vector<512x2048xf32> -> vector<512x2048xi32>
    %add3A_23 = arith.constant 32768 : i32
    %add3A_24 = vector.broadcast %add3A_23 : i32 to vector<512x2048xi32>
    %add3A_25 = arith.addi %bitcast_convert_type3A_21, %add3A_24 : vector<512x2048xi32>
    %shift_right_logical3A = arith.constant 16 : i32
    %shift_right_logical3A_26 = vector.broadcast %shift_right_logical3A : i32 to vector<512x2048xi32>
    %shift_right_logical3A_27 = arith.shrui %add3A_25, %shift_right_logical3A_26 : vector<512x2048xi32>
    %add3A_28 = arith.constant 32768 : i32
    %add3A_29 = vector.broadcast %add3A_28 : i32 to vector<512x2048xi32>
    %add3A_30 = arith.addi %bitcast_convert_type3A_22, %add3A_29 : vector<512x2048xi32>
    %and3A_31 = arith.constant -65536 : i32
    %and3A_32 = vector.broadcast %and3A_31 : i32 to vector<512x2048xi32>
    %and3A_33 = arith.andi %add3A_30, %and3A_32 : vector<512x2048xi32>
    %or3A = arith.ori %shift_right_logical3A_27, %and3A_33 : vector<512x2048xi32>
    %bitcast_convert_type3A_34 = tpu.bitcast %or3A : vector<512x2048xi32> -> vector<512x2048xi32>
    %swap3A = arith.constant 0 : index
    %swap3A_35 = arith.constant 0 : index
    %swap3A_36 = vector.load %arg5[%swap3A, %swap3A_35] : memref<512x2048xi32, #tpu.memory_space<vmem>>, vector<512x2048xi32>
    tpu.vector_store %arg5[%swap3A, %swap3A_35], %bitcast_convert_type3A_34 {strides = array<i32>} : memref<512x2048xi32, #tpu.memory_space<vmem>>, vector<512x2048xi32>,
    return
  }
  func.func @transform_0(%arg0: i32, %arg1: memref<40xi32, #tpu.memory_space<smem>>) -> (i32, i32) {
    %c0_i32 = arith.constant 0 : i32
    %c0_i32_0 = arith.constant 0 : i32
    return %arg0, %c0_i32 : i32, i32
  }
  func.func @transform_1(%arg0: i32, %arg1: memref<40xi32, #tpu.memory_space<smem>>) -> (i32, i32, i32) {
    %get3A = arith.index_cast %arg0 : i32 to index
    %get3A_0 = memref.load %arg1[%get3A] : memref<40xi32, #tpu.memory_space<smem>>
    %c0_i32 = arith.constant 0 : i32
    %c0_i32_1 = arith.constant 0 : i32
    %c0_i32_2 = arith.constant 0 : i32
    return %get3A_0, %c0_i32, %c0_i32_1 : i32, i32, i32
  }
  func.func @transform_2(%arg0: i32, %arg1: memref<40xi32, #tpu.memory_space<smem>>) -> (i32, i32, i32) {
    %get3A = arith.index_cast %arg0 : i32 to index
    %get3A_0 = memref.load %arg1[%get3A] : memref<40xi32, #tpu.memory_space<smem>>
    %c0_i32 = arith.constant 0 : i32
    %c0_i32_1 = arith.constant 0 : i32
    %c0_i32_2 = arith.constant 0 : i32
    return %get3A_0, %c0_i32, %c0_i32_1 : i32, i32, i32
  }
  func.func @transform_3(%arg0: i32, %arg1: memref<40xi32, #tpu.memory_space<smem>>) -> (i32, i32) {
    %c0_i32 = arith.constant 0 : i32
    %c0_i32_0 = arith.constant 0 : i32
    return %arg0, %c0_i32 : i32, i32
  }
}

module attributes {stable_mosaic.version = 14 : i64} {
  func.func @_combine_body(%arg0: i32, %arg1: memref<512x2048xi32, #tpu.memory_space<vmem>>, %arg2: memref<512x2048xi32, #tpu.memory_space<vmem>>, %arg3: memref<512x4096xf32, #tpu.memory_space<vmem>>) attributes {dimension_semantics = [#tpu.dimension_semantics<arbitrary>], iteration_bounds = array<i64: 16>, scalar_prefetch = 0 : i64, scratch_operands = 0 : i64, tpu.core_type = #tpu.core_type<tc>, window_params = [{transform_indices = @transform_0, window_bounds = array<i64: 512, 2048>}, {transform_indices = @transform_1, window_bounds = array<i64: 512, 2048>}, {transform_indices = @transform_2, window_bounds = array<i64: 512, 4096>}]} {
    %get3A = arith.constant 0 : index
    %get3A_0 = arith.constant 0 : index
    %get3A_1 = vector.load %arg1[%get3A, %get3A_0] : memref<512x2048xi32, #tpu.memory_space<vmem>>, vector<512x2048xi32>
    %bitcast_convert_type3A = tpu.bitcast %get3A_1 : vector<512x2048xi32> -> vector<512x2048xi32>
    %shift_left3A = arith.constant 16 : i32
    %shift_left3A_2 = vector.broadcast %shift_left3A : i32 to vector<512x2048xi32>
    %shift_left3A_3 = arith.shli %bitcast_convert_type3A, %shift_left3A_2 : vector<512x2048xi32>
    %bitcast_convert_type3A_4 = tpu.bitcast %shift_left3A_3 : vector<512x2048xi32> -> vector<512x2048xf32>
    %and3A = arith.constant -65536 : i32
    %and3A_5 = vector.broadcast %and3A : i32 to vector<512x2048xi32>
    %and3A_6 = arith.andi %bitcast_convert_type3A, %and3A_5 : vector<512x2048xi32>
    %bitcast_convert_type3A_7 = tpu.bitcast %and3A_6 : vector<512x2048xi32> -> vector<512x2048xf32>
    %get3A_8 = arith.constant 0 : index
    %get3A_9 = arith.constant 0 : index
    %get3A_10 = vector.load %arg2[%get3A_8, %get3A_9] : memref<512x2048xi32, #tpu.memory_space<vmem>>, vector<512x2048xi32>
    %bitcast_convert_type3A_11 = tpu.bitcast %get3A_10 : vector<512x2048xi32> -> vector<512x2048xi32>
    %shift_left3A_12 = arith.constant 16 : i32
    %shift_left3A_13 = vector.broadcast %shift_left3A_12 : i32 to vector<512x2048xi32>
    %shift_left3A_14 = arith.shli %bitcast_convert_type3A_11, %shift_left3A_13 : vector<512x2048xi32>
    %bitcast_convert_type3A_15 = tpu.bitcast %shift_left3A_14 : vector<512x2048xi32> -> vector<512x2048xf32>
    %and3A_16 = arith.constant -65536 : i32
    %and3A_17 = vector.broadcast %and3A_16 : i32 to vector<512x2048xi32>
    %and3A_18 = arith.andi %bitcast_convert_type3A_11, %and3A_17 : vector<512x2048xi32>
    %bitcast_convert_type3A_19 = tpu.bitcast %and3A_18 : vector<512x2048xi32> -> vector<512x2048xf32>
    %add3A = arith.addf %bitcast_convert_type3A_4, %bitcast_convert_type3A_15 : vector<512x2048xf32>
    %add3A_20 = arith.addf %bitcast_convert_type3A_7, %bitcast_convert_type3A_19 : vector<512x2048xf32>
    %concatenate3A = tpu.concatenate %add3A, %add3A_20 in 1 : vector<512x2048xf32>, vector<512x2048xf32> -> vector<512x4096xf32>
    %mul3A = arith.constant 5.000000e-01 : f32
    %mul3A_21 = vector.broadcast %mul3A : f32 to vector<512x4096xf32>
    %mul3A_22 = arith.mulf %concatenate3A, %mul3A_21 : vector<512x4096xf32>
    %swap3A = arith.constant 0 : index
    %swap3A_23 = arith.constant 0 : index
    %swap3A_24 = vector.load %arg3[%swap3A, %swap3A_23] : memref<512x4096xf32, #tpu.memory_space<vmem>>, vector<512x4096xf32>
    tpu.vector_store %arg3[%swap3A, %swap3A_23], %mul3A_22 {strides = array<i32>} : memref<512x4096xf32, #tpu.memory_space<vmem>>, vector<512x4096xf32>,
    return
  }
  func.func @transform_0(%arg0: i32) -> (i32, i32) {
    %c0_i32 = arith.constant 0 : i32
    %c0_i32_0 = arith.constant 0 : i32
    return %arg0, %c0_i32 : i32, i32
  }
  func.func @transform_1(%arg0: i32) -> (i32, i32) {
    %c0_i32 = arith.constant 0 : i32
    %c0_i32_0 = arith.constant 0 : i32
    return %arg0, %c0_i32 : i32, i32
  }
  func.func @transform_2(%arg0: i32) -> (i32, i32) {
    %c0_i32 = arith.constant 0 : i32
    %c0_i32_0 = arith.constant 0 : i32
    return %arg0, %c0_i32 : i32, i32
  }
}

</mosaic_0001>

<sc_bundles>
// kernel: kernel.11.cloned.1.call-start
scs
__scs_entry_jumppad:
0x0: {  	(pc) =	sbr.rel $0x88, $3  }
0x1: {  	(tag) =	ssettag $0x0;
	lr =	simm.s32 $0x1  }
0x2: {  	[smem:$0x3F9C] =	sst lr;
	_ =	strace $0xD0000000  }
0x3: {  	_ = 	snop  }
0x4: {  	_ = 	snop  }
0x5: {  	_ = 	snop  }
0x6: {  	_ = 	snop  }
0x7: {  	_ = 	snop  }
__scs_overlays_trampoline_lowered:
0x8: {  	[smem:$0x3FAB] =	sst s0  }
0x9: {  	[smem:$0x3FAC] =	sst s1  }
0xa: {  	[smem:$0x3FAD] =	sst s2  }
0xb: {  	[smem:$0x3FAE] =	sst s3  }
0xc: {  	[smem:$0x3FAF] =	sst s4  }
0xd: {  	[smem:$0x3FB0] =	sst s5  }
0xe: {  	[smem:$0x3FB1] =	sst s6  }
0xf: {  	[smem:$0x3FB2] =	sst s7  }
0x10: {  	[smem:$0x3FB3] =	sst s8  }
0x11: {  	[smem:$0x3FB4] =	sst s9;
	s0 =	simm.s32 @!p0 $0x0  }
0x12: {  	s1 =	sld [smem:$0x3F9A];
	s0 =	simm.s32 @p0 $0x1  }
0x13: {  	[smem:$0x3FB5] =	sst s0;
	s0 =	simm.s32 @!p1 $0x0  }
0x14: {  	s2 =	sld [smem:$0x3F99];
	s0 =	simm.s32 @p1 $0x1  }
0x15: {  	[smem:$0x3FB6] =	sst s0;
	s0 =	simm.s32 @!p2 $0x0  }
0x16: {  	s3 =	sld [smem:$0x3FDB];
	s0 =	simm.s32 @p2 $0x1  }
0x17: {  	s4 =	simm.s32 $0x1BF5;
	[smem:$0x3FB8] =	sst s0  }
0x18: {  	s0 =	sld [smem:$0x3F9B];
	_ =	swait.ge [sflag:s4], $0x0  }
0x19: {  	s7 =	sld [smem:$0x3F9C]  }
0x1a: {  	s8 =	sadd.s32 $0xFFFFE003, lr  }
0x1b: {  	s9 =	sadd.s32 $0xFFFFFEF7, lr;
	s5 =	simm.s32 $0xFFFFFFFF;
	p2 =	slt.u32 s8, $0xFFFFF086  }
0x1c: {  	p1 =	slt.u32 s9, $0xF7A;
	s5 =	simm.s32 @!p2 $0x0  }
0x1d: {  	s5 =	simm.s32 @p1 $0x1;
	p0 =	seq.s32 s7, s2  }
0x1e: {  	s7 =	smul.u32 @!p0 $0xF7A, s2;
	p2 =	seq.s32 @!p0 s5, $0x0  }
0x1f: {  	s9 =	smul.u32 $0xF7A, s1;
	s8 =	simm.s32 @!p0 $0x1BF5;
	p2 =	por !p2, p0  }
0x20: {  	[sflag:s8] =	ssyncset.s32 @!p0 $0xFFFFF086;
	s6 =	sadd.s32 @!p0 s3, s7;
	s7 =	simm.s32 @!p0 $0x108  }
0x21: {  	s3 =	sadd.s32 s3, s9;
	s6 =	sadd.s32 @!p0 $0x88, s6;
	s7 =	simm.s32 @p2 $0x1082  }
0x22: {  	[simem:s7], [sflag:s8] =	dma.local @!p0 [hbm:s6], $0xF7A  }
0x23: {  	s9 =	sor.u32 $0xD0000000, s2;
	s6 =	simm.s32 $0x108;
	_ =	swait.ge @!p0 [sflag:s8], $0x0  }
0x24: {  	s3 =	sadd.s32 $0x88, s3;
	s6 =	simm.s32 @!p1 $0x1082;
	[sflag:s4] =	ssyncset.s32 $0xFFFFF086  }
0x25: {  	[simem:s6], [sflag:s4] =	dma.local [hbm:s3], $0xF7A  }
0x26: {  	[smem:$0x3F9C] =	sst s1;
	(tag) =	ssettag s2;
	_ =	strace s9  }
0x27: {  	s1 =	sld [smem:$0x3FAC]  }
0x28: {  	s2 =	sld [smem:$0x3FAD]  }
0x29: {  	s4 =	sld [smem:$0x3FAF]  }
0x2a: {  	p0 =	seq.s32 s5, $0x0;
	s5 =	sld [smem:$0x3FB0]  }
0x2b: {  	s6 =	sld [smem:$0x3FB1]  }
0x2c: {  	s7 =	sld [smem:$0x3FB2]  }
0x2d: {  	s3 =	simm.s32 $0x108;
	s8 =	sld [smem:$0x3FB3]  }
0x2e: {  	s3 =	simm.s32 @!p0 $0x1082;
	s9 =	sld [smem:$0x3FB4]  }
0x2f: {  	lr =	sadd.s32 s0, s3;
	s0 =	sld [smem:$0x3FAB]  }
0x30: {  	s3 =	sld [smem:$0x3FAE]  }
0x31: {  	[smem:$0x3FB7] =	sst s10  }
0x32: {  	s10 =	sld [smem:$0x3FB5];
	_ =	sdelay $0x3  }
0x33: {  	p0 =	seq.s32 s10, $0x1;
	s10 =	sld [smem:$0x3FB7];
	_ =	sdelay $0x3  }
0x34: {  	[smem:$0x3FB7] =	sst s10  }
0x35: {  	s10 =	sld [smem:$0x3FB6];
	_ =	sdelay $0x3  }
0x36: {  	p1 =	seq.s32 s10, $0x1;
	s10 =	sld [smem:$0x3FB7];
	_ =	sdelay $0x3  }
0x37: {  	[smem:$0x3FB7] =	sst s10  }
0x38: {  	s10 =	sld [smem:$0x3FB8]  }
0x39: {  	_ = 	snop;
	(pc) =	sbr.ind lr, $3  }
0x3a: {  	_ = 	snop  }
0x3b: {  	_ = 	snop  }
0x3c: {  	p2 =	seq.s32 s10, $0x1;
	s10 =	sld [smem:$0x3FB7]  }
0x3d: {  	_ =	shalt  }
0x3e: {  	_ =	shalt  }
0x3f: {  	_ =	shalt  }
0x40: {  	_ =	shalt  }
0x41: {  	_ =	shalt  }
0x42: {  	_ =	shalt  }
0x43: {  	_ =	shalt  }
0x44: {  	_ =	shalt  }
0x45: {  	_ =	shalt  }
0x46: {  	_ =	shalt  }
0x47: {  	_ =	shalt  }
0x48: {  	_ =	shalt  }
0x49: {  	_ =	shalt  }
0x4a: {  	_ =	shalt  }
0x4b: {  	_ =	shalt  }
0x4c: {  	_ =	shalt  }
0x4d: {  	_ =	shalt  }
0x4e: {  	_ =	shalt  }
0x4f: {  	_ =	shalt  }
0x50: {  	_ =	shalt  }
0x51: {  	_ =	shalt  }
0x52: {  	_ =	shalt  }
0x53: {  	_ =	shalt  }
0x54: {  	_ =	shalt  }
0x55: {  	_ =	shalt  }
0x56: {  	_ =	shalt  }
0x57: {  	_ =	shalt  }
0x58: {  	_ =	shalt  }
0x59: {  	_ =	shalt  }
0x5a: {  	_ =	shalt  }
0x5b: {  	_ =	shalt  }
0x5c: {  	_ =	shalt  }
0x5d: {  	_ =	shalt  }
0x5e: {  	_ =	shalt  }
0x5f: {  	_ =	shalt  }
0x60: {  	_ =	shalt  }
0x61: {  	_ =	shalt  }
0x62: {  	_ =	shalt  }
0x63: {  	_ =	shalt  }
0x64: {  	_ =	shalt  }
0x65: {  	_ =	shalt  }
0x66: {  	_ =	shalt  }
0x67: {  	_ =	shalt  }
0x68: {  	_ =	shalt  }
0x69: {  	_ =	shalt  }
0x6a: {  	_ =	shalt  }
0x6b: {  	_ =	shalt  }
0x6c: {  	_ =	shalt  }
0x6d: {  	_ =	shalt  }
0x6e: {  	_ =	shalt  }
0x6f: {  	_ =	shalt  }
0x70: {  	_ =	shalt  }
0x71: {  	_ =	shalt  }
0x72: {  	_ =	shalt  }
0x73: {  	_ =	shalt  }
0x74: {  	_ =	shalt  }
0x75: {  	_ =	shalt  }
0x76: {  	_ =	shalt  }
0x77: {  	_ =	shalt  }
0x78: {  	_ =	shalt  }
0x79: {  	_ =	shalt  }
0x7a: {  	_ =	shalt  }
0x7b: {  	_ =	shalt  }
0x7c: {  	_ =	shalt  }
0x7d: {  	_ =	shalt  }
0x7e: {  	_ =	shalt  }
0x7f: {  	_ =	shalt  }
0x80: {  	_ =	shalt  }
0x81: {  	_ =	shalt  }
0x82: {  	_ =	shalt  }
0x83: {  	_ =	shalt  }
0x84: {  	_ =	shalt  }
0x85: {  	_ =	shalt  }
0x86: {  	_ =	shalt  }
0x87: {  	_ =	shalt  }
.Lfunc_end0:
.L_simem_size_0:
called_computation.1_lowered:
.L_overlay_start_0:
0x88: {  	s2 =	sld [smem:$0x3FD9]  }
0x89: {  	s3 =	sld [smem:$0x3FFE];
	_ =	sdelay $0x1  }
0x8a: {  	s1 =	srdreg.scid  }
0x8b: {  	s0 =	sand.u32 $0x1, s1  }
0x8c: {  	s16 =	sshll.u32 s0, $0xA;
	s2 =	sadd.s32 s3, s2  }
0x8d: {  	s2 =	sadd.s32 s2, s16  }
0x8e: {  	[smem:$0x3FC3] =	sst s2  }
0x8f: {  	_ = 	snop  }
0x90: {  	(tm) =	ssettm $0x1  }
0x91: {  	s17 =	sld [smem:$0x3FFB];
	_ =	sdelay $0x3  }
0x92: {  	_ =	strace s17  }
0x93: {  	s2 =	sld [smem:$0x3FFC];
	_ =	sdelay $0x3  }
0x94: {  	_ =	strace s2  }
0x95: {  	s2 =	sld [smem:$0x3FFD];
	_ =	sdelay $0x3  }
0x96: {  	_ =	strace s2  }
0x97: {  	_ =	strace $0x8FFFFFFF  }
0x98: {  	s18 =	sld [smem:$0x3FDB];
	_ =	sdelay $0x1  }
0x99: {  	s19 =	simm.s32 $_scs_section_size  }
0x9a: {  	s4 =	simm.s32 $_size__tile_overlayer_lowered;
	s5 =	simm.s32 $_tile_overlayer_lowered  }
0x9b: {  	s22 =	simm.s32 $0x1BFF;
	s21 =	sshll.u32 s5, $0x1;
	s2 =	sadd.s32 s19, s18  }
0x9c: {  	s6 =	simm.s32 $0x0;
	s20 =	sshll.u32 s4, $0x1;
	s4 =	sadd.s32 s21, s2  }
0x9d: {  	[timem:s6], [sflag:s22] =	dma.local [hbm:s4], s20  }
0x9e: {  	_ =	swait.ge [sflag:s22], s20  }
0x9f: {  	s3 =	ssub.s32 $0x0, s20;
	[sflag:s22] =	ssyncset.done $0x0  }
0xa0: {  	[sflag:s22] =	ssyncadd.s32 s3;
	_ =	sdelay $0x1  }
0xa1: {  	s23 =	simm.s32 $0x1B8B  }
0xa2: {  	_ =	swait.ge [sflag:s23], $0x1  }
0xa3: {  	[sflag:s23] =	ssyncset.done $0x0  }
0xa4: {  	s25 =	simm.s32 $0x1B8E;
	s24 =	sld [smem:$0x3FFE];
	[sflag:s23] =	ssyncadd.s32 $0xFFFFFFFF  }
0xa5: {  	s26 =	simm.s32 $execute0_lowered;
	[smem:$0x3FD2] =	sst s25  }
0xa6: {  	s4 =	sshll.u32 s26, $0x1;
	_ =	strace $0x80000049;
	[dreg:$0x1] =	wrdreg $0xFFFFFFFF  }
0xa7: {  	s28 =	simm.s32 $_size_execute0_lowered;
	s2 =	sadd.s32 s2, s4;
	[dreg:$0x0] =	wrdreg $0x0  }
0xa8: {  	s4 =	sshll.u32 s28, $0x1;
	[dreg:$0x2] =	wrdreg s2  }
0xa9: {  	[dreg:$0x3] =	wrdreg s4  }
0xaa: {  	[dreg:$0x4] =	wrdreg $0xC0  }
0xab: {  	_ =	task [dreg:s6], $0x5FFFF  }
0xac: {  	[dreg:$0x1] =	wrdreg $0xFFFFFFFF  }
0xad: {  	[dreg:$0x0] =	wrdreg $0x60  }
0xae: {  	[dreg:$0x2] =	wrdreg s24  }
0xaf: {  	[dreg:$0x3] =	wrdreg $0x9  }
0xb0: {  	_ =	task.clear_ibuf [dreg:s6], $0x4FFFF;
	_ =	strace $0x90000049  }
0xb1: {  	s29 =	simm.s32 $0x9;
	_ =	strace $0x8000004B  }
0xb2: {  	_ =	swait.ge [sflag:s29], $0x1  }
0xb3: {  	[sflag:s29] =	ssyncadd.s32 $0xFFFFFFFF  }
0xb4: {  	_ =	strace $0x9000004B  }
0xb5: {  	_ =	sfence  }
0xb6: {  	s30 =	sld [smem:$0x0];
	_ =	sdelay $0x2  }
0xb7: {  	s31 =	sshll.u32 s1, $0xD;
	s1 =	sshrl.u32 s1, $0x2  }
0xb8: {  	s3 =	sand.u32 $0x4000, s31;
	s1 =	sadd.s32 s1, s30  }
0xb9: {  	s0 =	sor.u32 s3, s0;
	s1 =	sshll.u32 s1, $0x11  }
0xba: {  	s0 =	sor.u32 s1, s0  }
0xbb: {  	s0 =	sadd.s32 $0x8F2B, s0  }
0xbc: {  	[sflag:s0] =	ssyncadd.remote.s32 $0x1  }
0xbd: {  	_ =	sfence.sel $0xFFFF  }
0xbe: {  	[dreg:$0x0] =	wrdreg $0xFFFFFFFF;
	(pc) =	sbr.abs _section_cstart, $3  }
0xbf: {  	[dreg:$0x1] =	wrdreg $0xFFFFFFFF  }
0xc0: {  	_ =	task.clear_ibuf [dreg:s6], $0x2FFFF;
	_ =	strace $0x9FFFFFFF  }
0xc1: {  	(tm) =	ssettm $0x7FFFFFFF  }
tec
execute0_lowered:
.L_overlay_start_1:
0x0: {  	(tag) =	ssettag $0x1  }
0x1: {  	s0 =	srdreg.scid  }
0x2: {  	s1 =	stileid.u32;
	s2 =	simm.s32 $0x0;
	s5 =	sand.u32 $0x1, s0  }
0x3: {  	s0 =	rddreg [dreg:$0x0];
	s1 =	sshll.u32 s1, $0x9;
	s3 =	sshll.u32 s5, $0x8  }
0x4: {  	s29 =	simm.s32 $0x1;
	[smem:$0x7FF] =	sst s2;
	s9 =	sor.u32 s3, s1  }
0x5: {  	s10 =	sadd.s32 $0x80A00, s0;
	s3 =	sadd.s32 $0x6C1200, s0;
	s6 =	sshll.u32 s9, $0x8  }
0x6: {  	_ =	strace $0x8000004A;
	s1 =	sshrl.u32 s9, $0x3;
	s26 =	sadd.s32 s3, s6  }
0x7: {  	s7 =	sor.u32 $0x18, s9;
	s15 =	sadd.s32 s10, s1;
	[dreg:$0x3] =	wrdreg s26  }
0x8: {  	s1 =	sadd.s32 $0x8C1200, s0;
	s4 =	sadd.s32 $0x400, s15;
	[smem:$0x7FA] =	sst s15  }
0x9: {  	s31 =	sshrl.u32 s7, $0x3;
	s28 =	sadd.s32 s1, s6;
	[dreg:$0x2] =	wrdreg s4  }
0xa: {  	s30 =	simm.s32 $0x2;
	s6 =	sadd.s32 s10, s31;
	[dreg:$0x4] =	wrdreg s28  }
0xb: {  	s11 =	sshll.u32 s7, $0x8;
	s8 =	sadd.s32 $0x403, s15;
	[dreg:$0x5] =	wrdreg s6  }
0xc: {  	s13 =	sor.u32 $0x30, s9;
	s12 =	sadd.s32 s3, s11;
	[dreg:$0x6] =	wrdreg s8  }
0xd: {  	s7 =	sshll.u32 s13, $0x8;
	s16 =	sadd.s32 $0x406, s15;
	[dreg:$0x7] =	wrdreg s12  }
0xe: {  	s18 =	sor.u32 $0x48, s9;
	s17 =	sadd.s32 s3, s7;
	[dreg:$0xa] =	wrdreg s16  }
0xf: {  	s20 =	sshrl.u32 s18, $0x3;
	s19 =	sadd.s32 s1, s7;
	[dreg:$0xb] =	wrdreg s17  }
0x10: {  	s5 =	ssub.s32 $0x2, s5;
	s21 =	sadd.s32 s10, s20;
	[dreg:$0xc] =	wrdreg s19  }
0x11: {  	s23 =	sshll.u32 s18, $0x8;
	s22 =	sadd.s32 $0x409, s15;
	[dreg:$0xd] =	wrdreg s21  }
0x12: {  	s25 =	sor.u32 $0x60, s9;
	s24 =	sadd.s32 s3, s23;
	[dreg:$0xe] =	wrdreg s22  }
0x13: {  	s26 =	sadd.s32 s1, s23;
	s7 =	sadd.s32 $0x40C, s15;
	[dreg:$0xf] =	wrdreg s24  }
0x14: {  	s18 =	sadd.s32 $0x40F, s15;
	s6 =	sadd.s32 s1, s11;
	[dreg:$0x10] =	wrdreg s26  }
0x15: {  	s8 =	sshrl.u32 s13, $0x3;
	s4 =	sadd.s32 $0x1C1200, s0;
	[dreg:$0x12] =	wrdreg s7  }
0x16: {  	s28 =	sshrl.u32 s25, $0x3;
	s11 =	sshrl.u32 s5, $0x1;
	[dreg:$0x16] =	wrdreg s18  }
0x17: {  	s21 =	sor.u32 $0x90, s9;
	s24 =	sadd.s32 $0x412, s15;
	[dreg:$0x8] =	wrdreg s6  }
0x18: {  	s14 =	sadd.s32 s10, s8;
	s31 =	sadd.s32 s10, s28;
	[dreg:$0x1a] =	wrdreg s24  }
0x19: {  	s8 =	sshll.u32 s25, $0x8;
	s22 =	sshrl.u32 s21, $0x3;
	[dreg:$0x9] =	wrdreg s14  }
0x1a: {  	s7 =	sshll.u32 s21, $0x8;
	s21 =	sadd.s32 $0x41B, s15;
	[dreg:$0x11] =	wrdreg s31  }
0x1b: {  	s13 =	sor.u32 $0x78, s9;
	s12 =	sadd.s32 s3, s8;
	[smem:$0x7F6] =	sst s21  }
0x1c: {  	s16 =	sshrl.u32 s13, $0x3;
	s14 =	sadd.s32 s1, s8;
	[dreg:$0x13] =	wrdreg s12  }
0x1d: {  	s19 =	sshll.u32 s13, $0x8;
	s17 =	sadd.s32 s10, s16;
	[dreg:$0x14] =	wrdreg s14  }
0x1e: {  	s26 =	sor.u32 $0xA8, s9;
	s20 =	sadd.s32 s3, s19;
	[dreg:$0x15] =	wrdreg s17  }
0x1f: {  	s28 =	sshrl.u32 s26, $0x3;
	s6 =	sadd.s32 s1, s19;
	[dreg:$0x17] =	wrdreg s20  }
0x20: {  	s23 =	sadd.s32 s10, s22;
	s25 =	sadd.s32 s3, s7;
	[dreg:$0x18] =	wrdreg s6  }
0x21: {  	s7 =	sadd.s32 s1, s7;
	s31 =	sadd.s32 s10, s28;
	[dreg:$0x19] =	wrdreg s23  }
0x22: {  	s8 =	sshll.u32 s26, $0x8;
	s19 =	sor.u32 $0xD8, s9;
	[dreg:$0x1b] =	wrdreg s25  }
0x23: {  	s26 =	sadd.s32 $0x41E, s15;
	s12 =	ssub.s32 s5, s11;
	[dreg:$0x1c] =	wrdreg s7  }
0x24: {  	s5 =	sadd.s32 $0x1C1300, s0;
	s6 =	sadd.s32 $0x1C1400, s0;
	[dreg:$0x1d] =	wrdreg s31  }
0x25: {  	s11 =	sadd.s32 $0x415, s15;
	s13 =	sadd.s32 s3, s8;
	[smem:$0x7FB] =	sst s26  }
0x26: {  	s14 =	sor.u32 $0xC0, s9;
	s8 =	sadd.s32 s1, s8;
	[dreg:$0x1e] =	wrdreg s11  }
0x27: {  	s7 =	sadd.s32 $0x1C1500, s0;
	s17 =	sadd.s32 $0x418, s15;
	[dreg:$0x1f] =	wrdreg s13  }
0x28: {  	s23 =	sor.u32 $0xF0, s9;
	s13 =	sshrl.u32 s14, $0x3;
	[smem:$0x7F0] =	sst s8  }
0x29: {  	s11 =	sshll.u32 s14, $0x8;
	[smem:$0x7F2] =	sst s17;
	s16 =	sadd.s32 s10, s13  }
0x2a: {  	s9 =	sadd.s32 $0x1C1700, s0;
	s18 =	sadd.s32 s3, s11;
	[smem:$0x7F1] =	sst s16  }
0x2b: {  	s14 =	sshrl.u32 s19, $0x3;
	s11 =	sadd.s32 s1, s11;
	[smem:$0x7F3] =	sst s18  }
0x2c: {  	s25 =	sshrl.u32 s23, $0x3;
	s20 =	sadd.s32 s10, s14;
	[smem:$0x7F4] =	sst s11  }
0x2d: {  	s28 =	sshll.u32 s23, $0x8;
	s10 =	sadd.s32 s10, s25;
	[smem:$0x7F5] =	sst s20  }
0x2e: {  	s13 =	sshll.u32 s19, $0x8;
	s31 =	sadd.s32 s1, s28;
	[smem:$0x7F9] =	sst s10  }
0x2f: {  	s8 =	sadd.s32 $0x1C1600, s0;
	s22 =	sadd.s32 s3, s13;
	[smem:$0x7FD] =	sst s31  }
0x30: {  	v2 =	vlaneseq.u32;
	s24 =	sadd.s32 s1, s13;
	s10 =	sadd.s32 $0x1C1800, s0;
	[smem:$0x7F7] =	sst s22  }
0x31: {  	vm0 =	vmmov $0xffff;
	v1 =	vshrl.u32 v2, $0x3;
	s3 =	sadd.s32 s3, s28;
	s11 =	sadd.s32 $0x1C1900, s0;
	[smem:$0x7F8] =	sst s24  }
0x32: {  	v0 =	vand.u32 $0x7, v2;
	v2 =	vor.u32 $0x8, v2;
	v1 =	vmul.u32 $0x8, v1;
	s0 =	smax.u32 s12, $0x1;
	s13 =	simm.s32 $0x3;
	[smem:$0x7FC] =	sst s3  }
.LBB2_1:
0x33: {  	s1 =	sld [smem:$0x7FA];
	_ =	sdelay $0x1  }
0x34: {  	[smem:$0x7EF] =	sst s0  }
0x35: {  	[tilespmem:s2], [sflag:$0x3] =	stream.linear.gather [hbm4b:s1+s2], $0x18, $0x38;
	[tilespmem:$0x18100] =	vst v63  }
0x36: {  	_ =	swait.ge [sflag:s13], $0x18  }
0x37: {  	[sflag:s13] =	ssyncset.done $0x0  }
0x38: {  	s18 =	simm.s32 $0x80;
	s31 =	rddreg [dreg:$0x2];
	[sflag:s13] =	ssyncadd.s32 $0xFFFFFFE8  }
0x39: {  	[tilespmem:s18], [sflag:$0x3] =	stream.linear.gather [hbm4b:s31+s2], $0x18, $0x38;
	[tilespmem:$0x18100] =	vst v63  }
0x3a: {  	_ =	swait.ge [sflag:s13], $0x18  }
0x3b: {  	[sflag:s13] =	ssyncset.done $0x0  }
0x3c: {  	[sflag:s13] =	ssyncadd.s32 $0xFFFFFFE8  }
0x3d: {  	v3 =	vld [tilespmem:$0x0];
	_ =	sdelay $0x4  }
0x3e: {  	v4 =	vshll.u32 v3, $0x4  }
0x3f: {  	v3 =	vand.u32 $0x7, v3;
	v4 =	vand.u32 $0xFFFFFF80, v4  }
0x40: {  	v3 =	vor.u32 v3, v4  }
0x41: {  	v4 =	vperm.xlane v3, v0;
	_ =	sdelay $0x1  }
0x42: {  	v4 =	vadd.s32 v1, v4;
	_ =	sdelay $0x3  }
0x43: {  	s19 =	simm.s32 $0x100  }
0x44: {  	[tilespmem:s19], [sflag:$0x1] =	stream.indirect_vreg.gather [hbm4b:s4+s2], $0x80, v4, vm0, $0xb8;
	[tilespmem:$0x18100] =	vst v63  }
0x45: {  	s20 =	simm.s32 $0x900  }
0x46: {  	[tilespmem:s20], [sflag:$0x1] =	stream.indirect_vreg.gather [hbm4b:s5+s2], $0x80, v4, vm0, $0xb8;
	[tilespmem:$0x18100] =	vst v63  }
0x47: {  	s21 =	simm.s32 $0x1100  }
0x48: {  	[tilespmem:s21], [sflag:$0x1] =	stream.indirect_vreg.gather [hbm4b:s6+s2], $0x80, v4, vm0, $0xb8;
	[tilespmem:$0x18100] =	vst v63  }
0x49: {  	s22 =	simm.s32 $0x1900  }
0x4a: {  	[tilespmem:s22], [sflag:$0x1] =	stream.indirect_vreg.gather [hbm4b:s7+s2], $0x80, v4, vm0, $0xb8;
	[tilespmem:$0x18100] =	vst v63  }
0x4b: {  	s23 =	simm.s32 $0x2100  }
0x4c: {  	[tilespmem:s23], [sflag:$0x1] =	stream.indirect_vreg.gather [hbm4b:s8+s2], $0x80, v4, vm0, $0xb8;
	[tilespmem:$0x18100] =	vst v63  }
0x4d: {  	s24 =	simm.s32 $0x2900;
	v3 =	vperm.xlane v3, v2  }
0x4e: {  	[tilespmem:s24], [sflag:$0x1] =	stream.indirect_vreg.gather [hbm4b:s9+s2], $0x80, v4, vm0, $0xb8;
	[tilespmem:$0x18100] =	vst v63  }
0x4f: {  	s25 =	simm.s32 $0x3100;
	v3 =	vadd.s32 v1, v3  }
0x50: {  	[tilespmem:s25], [sflag:$0x1] =	stream.indirect_vreg.gather [hbm4b:s10+s2], $0x80, v4, vm0, $0xb8;
	[tilespmem:$0x18100] =	vst v63  }
0x51: {  	s26 =	simm.s32 $0x3900  }
0x52: {  	[tilespmem:s26], [sflag:$0x1] =	stream.indirect_vreg.gather [hbm4b:s11+s2], $0x80, v4, vm0, $0xb8;
	[tilespmem:$0x18100] =	vst v63  }
0x53: {  	s28 =	simm.s32 $0x4100  }
0x54: {  	[tilespmem:s28], [sflag:$0x1] =	stream.indirect_vreg.gather [hbm4b:s4+s2], $0x80, v3, vm0, $0xb8;
	[tilespmem:$0x18100] =	vst v63  }
0x55: {  	s31 =	simm.s32 $0x4900  }
0x56: {  	[tilespmem:s31], [sflag:$0x1] =	stream.indirect_vreg.gather [hbm4b:s5+s2], $0x80, v3, vm0, $0xb8;
	[tilespmem:$0x18100] =	vst v63  }
0x57: {  	s1 =	simm.s32 $0x5100  }
0x58: {  	[tilespmem:s1], [sflag:$0x1] =	stream.indirect_vreg.gather [hbm4b:s6+s2], $0x80, v3, vm0, $0xb8;
	[tilespmem:$0x18100] =	vst v63  }
0x59: {  	s3 =	simm.s32 $0x5900  }
0x5a: {  	[tilespmem:s3], [sflag:$0x1] =	stream.indirect_vreg.gather [hbm4b:s7+s2], $0x80, v3, vm0, $0xb8;
	[tilespmem:$0x18100] =	vst v63  }
0x5b: {  	s14 =	simm.s32 $0x6100  }
0x5c: {  	[tilespmem:s14], [sflag:$0x1] =	stream.indirect_vreg.gather [hbm4b:s8+s2], $0x80, v3, vm0, $0xb8;
	[tilespmem:$0x18100] =	vst v63  }
0x5d: {  	s15 =	simm.s32 $0x6900  }
0x5e: {  	[tilespmem:s15], [sflag:$0x1] =	stream.indirect_vreg.gather [hbm4b:s9+s2], $0x80, v3, vm0, $0xb8;
	[tilespmem:$0x18100] =	vst v63  }
0x5f: {  	s18 =	simm.s32 $0x7100  }
0x60: {  	[tilespmem:s18], [sflag:$0x1] =	stream.indirect_vreg.gather [hbm4b:s10+s2], $0x80, v3, vm0, $0xb8;
	[tilespmem:$0x18100] =	vst v63  }
0x61: {  	s19 =	simm.s32 $0x7900  }
0x62: {  	[tilespmem:s19], [sflag:$0x1] =	stream.indirect_vreg.gather [hbm4b:s11+s2], $0x80, v3, vm0, $0xb8;
	[tilespmem:$0x18100] =	vst v63  }
0x63: {  	v3 =	vld.msk [tilespmem:$0x10], $0xff;
	_ =	sdelay $0x4  }
0x64: {  	v23 =	vshll.u32 v3, $0x4  }
0x65: {  	v3 =	vand.u32 $0x7, v3;
	v4 =	vand.u32 $0xFFFFFF80, v23  }
0x66: {  	v3 =	vor.u32 v3, v4  }
0x67: {  	v3 =	vperm.xlane v3, v0;
	_ =	sdelay $0x1  }
0x68: {  	v3 =	vadd.s32 v1, v3;
	_ =	sdelay $0x3  }
0x69: {  	s20 =	simm.s32 $0x8100  }
0x6a: {  	[tilespmem:s20], [sflag:$0x1] =	stream.indirect_vreg.gather [hbm4b:s4+s2], $0x80, v3, vm0, $0xb8;
	[tilespmem:$0x18100] =	vst v63  }
0x6b: {  	s21 =	simm.s32 $0x8900  }
0x6c: {  	[tilespmem:s21], [sflag:$0x1] =	stream.indirect_vreg.gather [hbm4b:s5+s2], $0x80, v3, vm0, $0xb8;
	[tilespmem:$0x18100] =	vst v63  }
0x6d: {  	s22 =	simm.s32 $0x9100  }
0x6e: {  	[tilespmem:s22], [sflag:$0x1] =	stream.indirect_vreg.gather [hbm4b:s6+s2], $0x80, v3, vm0, $0xb8;
	[tilespmem:$0x18100] =	vst v63  }
0x6f: {  	s23 =	simm.s32 $0x9900  }
0x70: {  	[tilespmem:s23], [sflag:$0x1] =	stream.indirect_vreg.gather [hbm4b:s7+s2], $0x80, v3, vm0, $0xb8;
	[tilespmem:$0x18100] =	vst v63  }
0x71: {  	s24 =	simm.s32 $0xA100  }
0x72: {  	[tilespmem:s24], [sflag:$0x1] =	stream.indirect_vreg.gather [hbm4b:s8+s2], $0x80, v3, vm0, $0xb8;
	[tilespmem:$0x18100] =	vst v63  }
0x73: {  	s26 =	simm.s32 $0xA900  }
0x74: {  	[tilespmem:s26], [sflag:$0x1] =	stream.indirect_vreg.gather [hbm4b:s9+s2], $0x80, v3, vm0, $0xb8;
	[tilespmem:$0x18100] =	vst v63  }
0x75: {  	s31 =	simm.s32 $0xB100  }
0x76: {  	[tilespmem:s31], [sflag:$0x1] =	stream.indirect_vreg.gather [hbm4b:s10+s2], $0x80, v3, vm0, $0xb8;
	[tilespmem:$0x18100] =	vst v63  }
0x77: {  	s1 =	simm.s32 $0xB900  }
0x78: {  	[tilespmem:s1], [sflag:$0x1] =	stream.indirect_vreg.gather [hbm4b:s11+s2], $0x80, v3, vm0, $0xb8;
	[tilespmem:$0x18100] =	vst v63  }
0x79: {  	v3 =	vld [tilespmem:$0x80];
	_ =	sdelay $0x4  }
0x7a: {  	v24 =	vshll.u32 v3, $0x4  }
0x7b: {  	v3 =	vand.u32 $0x7, v3;
	v4 =	vand.u32 $0xFFFFFF80, v24  }
0x7c: {  	v3 =	vor.u32 v3, v4  }
0x7d: {  	v4 =	vperm.xlane v3, v0;
	_ =	sdelay $0x1  }
0x7e: {  	v4 =	vadd.s32 v1, v4;
	_ =	sdelay $0x3  }
0x7f: {  	s3 =	simm.s32 $0xC100  }
0x80: {  	[tilespmem:s3], [sflag:$0x1] =	stream.indirect_vreg.gather [hbm4b:s4+s2], $0x80, v4, vm0, $0xb8;
	[tilespmem:$0x18100] =	vst v63  }
0x81: {  	s14 =	simm.s32 $0xC900  }
0x82: {  	[tilespmem:s14], [sflag:$0x1] =	stream.indirect_vreg.gather [hbm4b:s5+s2], $0x80, v4, vm0, $0xb8;
	[tilespmem:$0x18100] =	vst v63  }
0x83: {  	s15 =	simm.s32 $0xD100  }
0x84: {  	[tilespmem:s15], [sflag:$0x1] =	stream.indirect_vreg.gather [hbm4b:s6+s2], $0x80, v4, vm0, $0xb8;
	[tilespmem:$0x18100] =	vst v63  }
0x85: {  	s18 =	simm.s32 $0xD900  }
0x86: {  	[tilespmem:s18], [sflag:$0x1] =	stream.indirect_vreg.gather [hbm4b:s7+s2], $0x80, v4, vm0, $0xb8;
	[tilespmem:$0x18100] =	vst v63  }
0x87: {  	s19 =	simm.s32 $0xE100  }
0x88: {  	[tilespmem:s19], [sflag:$0x1] =	stream.indirect_vreg.gather [hbm4b:s8+s2], $0x80, v4, vm0, $0xb8;
	[tilespmem:$0x18100] =	vst v63  }
0x89: {  	s20 =	simm.s32 $0xE900;
	v3 =	vperm.xlane v3, v2  }
0x8a: {  	[tilespmem:s20], [sflag:$0x1] =	stream.indirect_vreg.gather [hbm4b:s9+s2], $0x80, v4, vm0, $0xb8;
	[tilespmem:$0x18100] =	vst v63  }
0x8b: {  	s21 =	simm.s32 $0xF100;
	v3 =	vadd.s32 v1, v3  }
0x8c: {  	[tilespmem:s21], [sflag:$0x1] =	stream.indirect_vreg.gather [hbm4b:s10+s2], $0x80, v4, vm0, $0xb8;
	[tilespmem:$0x18100] =	vst v63  }
0x8d: {  	s22 =	simm.s32 $0xF900  }
0x8e: {  	[tilespmem:s22], [sflag:$0x1] =	stream.indirect_vreg.gather [hbm4b:s11+s2], $0x80, v4, vm0, $0xb8;
	[tilespmem:$0x18100] =	vst v63  }
0x8f: {  	s23 =	simm.s32 $0x10100  }
0x90: {  	[tilespmem:s23], [sflag:$0x1] =	stream.indirect_vreg.gather [hbm4b:s4+s2], $0x80, v3, vm0, $0xb8;
	[tilespmem:$0x18100] =	vst v63  }
0x91: {  	s24 =	simm.s32 $0x10900  }
0x92: {  	[tilespmem:s24], [sflag:$0x1] =	stream.indirect_vreg.gather [hbm4b:s5+s2], $0x80, v3, vm0, $0xb8;
	[tilespmem:$0x18100] =	vst v63  }
0x93: {  	s31 =	simm.s32 $0x11100  }
0x94: {  	[tilespmem:s31], [sflag:$0x1] =	stream.indirect_vreg.gather [hbm4b:s6+s2], $0x80, v3, vm0, $0xb8;
	[tilespmem:$0x18100] =	vst v63  }
0x95: {  	s1 =	simm.s32 $0x11900  }
0x96: {  	[tilespmem:s1], [sflag:$0x1] =	stream.indirect_vreg.gather [hbm4b:s7+s2], $0x80, v3, vm0, $0xb8;
	[tilespmem:$0x18100] =	vst v63  }
0x97: {  	s14 =	simm.s32 $0x12100  }
0x98: {  	[tilespmem:s14], [sflag:$0x1] =	stream.indirect_vreg.gather [hbm4b:s8+s2], $0x80, v3, vm0, $0xb8;
	[tilespmem:$0x18100] =	vst v63  }
0x99: {  	s18 =	simm.s32 $0x12900  }
0x9a: {  	[tilespmem:s18], [sflag:$0x1] =	stream.indirect_vreg.gather [hbm4b:s9+s2], $0x80, v3, vm0, $0xb8;
	[tilespmem:$0x18100] =	vst v63  }
0x9b: {  	s19 =	simm.s32 $0x13100  }
0x9c: {  	[tilespmem:s19], [sflag:$0x1] =	stream.indirect_vreg.gather [hbm4b:s10+s2], $0x80, v3, vm0, $0xb8;
	[tilespmem:$0x18100] =	vst v63  }
0x9d: {  	s20 =	simm.s32 $0x13900  }
0x9e: {  	[tilespmem:s20], [sflag:$0x1] =	stream.indirect_vreg.gather [hbm4b:s11+s2], $0x80, v3, vm0, $0xb8;
	[tilespmem:$0x18100] =	vst v63  }
0x9f: {  	v3 =	vld.msk [tilespmem:$0x90], $0xff;
	_ =	sdelay $0x4  }
0xa0: {  	v25 =	vshll.u32 v3, $0x4  }
0xa1: {  	v3 =	vand.u32 $0x7, v3;
	v4 =	vand.u32 $0xFFFFFF80, v25  }
0xa2: {  	v3 =	vor.u32 v3, v4  }
0xa3: {  	v3 =	vperm.xlane v3, v0;
	_ =	sdelay $0x1  }
0xa4: {  	v3 =	vadd.s32 v1, v3;
	_ =	sdelay $0x3  }
0xa5: {  	s21 =	simm.s32 $0x14100  }
0xa6: {  	[tilespmem:s21], [sflag:$0x1] =	stream.indirect_vreg.gather [hbm4b:s4+s2], $0x80, v3, vm0, $0xb8;
	[tilespmem:$0x18100] =	vst v63  }
0xa7: {  	s22 =	simm.s32 $0x14900  }
0xa8: {  	[tilespmem:s22], [sflag:$0x1] =	stream.indirect_vreg.gather [hbm4b:s5+s2], $0x80, v3, vm0, $0xb8;
	[tilespmem:$0x18100] =	vst v63  }
0xa9: {  	s23 =	simm.s32 $0x15100  }
0xaa: {  	[tilespmem:s23], [sflag:$0x1] =	stream.indirect_vreg.gather [hbm4b:s6+s2], $0x80, v3, vm0, $0xb8;
	[tilespmem:$0x18100] =	vst v63  }
0xab: {  	s24 =	simm.s32 $0x15900  }
0xac: {  	[tilespmem:s24], [sflag:$0x1] =	stream.indirect_vreg.gather [hbm4b:s7+s2], $0x80, v3, vm0, $0xb8;
	[tilespmem:$0x18100] =	vst v63  }
0xad: {  	s31 =	simm.s32 $0x16100  }
0xae: {  	[tilespmem:s31], [sflag:$0x1] =	stream.indirect_vreg.gather [hbm4b:s8+s2], $0x80, v3, vm0, $0xb8;
	[tilespmem:$0x18100] =	vst v63  }
0xaf: {  	s1 =	simm.s32 $0x16900  }
0xb0: {  	[tilespmem:s1], [sflag:$0x1] =	stream.indirect_vreg.gather [hbm4b:s9+s2], $0x80, v3, vm0, $0xb8;
	[tilespmem:$0x18100] =	vst v63  }
0xb1: {  	s14 =	simm.s32 $0x17100  }
0xb2: {  	[tilespmem:s14], [sflag:$0x1] =	stream.indirect_vreg.gather [hbm4b:s10+s2], $0x80, v3, vm0, $0xb8;
	[tilespmem:$0x18100] =	vst v63  }
0xb3: {  	s18 =	simm.s32 $0x17900  }
0xb4: {  	[tilespmem:s18], [sflag:$0x1] =	stream.indirect_vreg.gather [hbm4b:s11+s2], $0x80, v3, vm0, $0xb8;
	[tilespmem:$0x18100] =	vst v63  }
0xb5: {  	_ =	swait.ge [sflag:s29], $0xC000  }
0xb6: {  	[sflag:s29] =	ssyncset.done $0x0  }
0xb7: {  	[sflag:s29] =	ssyncadd.s32 $0xFFFF4000  }
0xb8: {  	_ =	swait.ge [sflag:s29], $0xC000  }
0xb9: {  	[sflag:s29] =	ssyncset.done $0x0  }
0xba: {  	s21 =	simm.s32 $0x100;
	s19 =	rddreg [dreg:$0x3];
	[sflag:s29] =	ssyncadd.s32 $0xFFFF4000  }
0xbb: {  	[hbm4b:s19+s2] =	stream.linear.scatter [tilespmem:s21], [sflag:$0x2], $0xC000, $0x38;
	[tilespmem:$0x18100] =	vst v63  }
0xbc: {  	s3 =	simm.s32 $0xC100;
	s20 =	rddreg [dreg:$0x4]  }
0xbd: {  	[hbm4b:s20+s2] =	stream.linear.scatter [tilespmem:s3], [sflag:$0x2], $0xC000, $0x38;
	[tilespmem:$0x18100] =	vst v63  }
0xbe: {  	s22 =	rddreg [dreg:$0x5]  }
0xbf: {  	[tilespmem:s2], [sflag:$0x3] =	stream.linear.gather [hbm4b:s22+s2], $0x18, $0x38;
	[tilespmem:$0x18100] =	vst v63  }
0xc0: {  	_ =	swait.ge [sflag:s13], $0x18  }
0xc1: {  	[sflag:s13] =	ssyncset.done $0x0  }
0xc2: {  	s12 =	simm.s32 $0x80;
	s23 =	rddreg [dreg:$0x6];
	[sflag:s13] =	ssyncadd.s32 $0xFFFFFFE8  }
0xc3: {  	[tilespmem:s12], [sflag:$0x3] =	stream.linear.gather [hbm4b:s23+s2], $0x18, $0x38;
	[tilespmem:$0x18100] =	vst v63  }
0xc4: {  	_ =	swait.ge [sflag:s13], $0x18  }
0xc5: {  	[sflag:s13] =	ssyncset.done $0x0  }
0xc6: {  	[sflag:s13] =	ssyncadd.s32 $0xFFFFFFE8  }
0xc7: {  	_ =	swait.ge [sflag:s30], $0xC000  }
0xc8: {  	[sflag:s30] =	ssyncset.done $0x0  }
0xc9: {  	[sflag:s30] =	ssyncadd.s32 $0xFFFF4000  }
0xca: {  	_ =	swait.ge [sflag:s30], $0xC000  }
0xcb: {  	[sflag:s30] =	ssyncset.done $0x0  }
0xcc: {  	[sflag:s30] =	ssyncadd.s32 $0xFFFF4000  }
0xcd: {  	v3 =	vld [tilespmem:$0x0];
	_ =	sdelay $0x4  }
0xce: {  	v26 =	vshll.u32 v3, $0x4  }
0xcf: {  	v3 =	vand.u32 $0x7, v3;
	v4 =	vand.u32 $0xFFFFFF80, v26  }
0xd0: {  	v3 =	vor.u32 v3, v4  }
0xd1: {  	v4 =	vperm.xlane v3, v0;
	_ =	sdelay $0x1  }
0xd2: {  	v4 =	vadd.s32 v1, v4;
	_ =	sdelay $0x4  }
0xd3: {  	[tilespmem:s21], [sflag:$0x1] =	stream.indirect_vreg.gather [hbm4b:s4+s2], $0x80, v4, vm0, $0xb8;
	[tilespmem:$0x18100] =	vst v63  }
0xd4: {  	s24 =	simm.s32 $0x900  }
0xd5: {  	[tilespmem:s24], [sflag:$0x1] =	stream.indirect_vreg.gather [hbm4b:s5+s2], $0x80, v4, vm0, $0xb8;
	[tilespmem:$0x18100] =	vst v63  }
0xd6: {  	s12 =	simm.s32 $0x1100  }
0xd7: {  	[tilespmem:s12], [sflag:$0x1] =	stream.indirect_vreg.gather [hbm4b:s6+s2], $0x80, v4, vm0, $0xb8;
	[tilespmem:$0x18100] =	vst v63  }
0xd8: {  	s14 =	simm.s32 $0x1900  }
0xd9: {  	[tilespmem:s14], [sflag:$0x1] =	stream.indirect_vreg.gather [hbm4b:s7+s2], $0x80, v4, vm0, $0xb8;
	[tilespmem:$0x18100] =	vst v63  }
0xda: {  	s16 =	simm.s32 $0x2100  }
0xdb: {  	[tilespmem:s16], [sflag:$0x1] =	stream.indirect_vreg.gather [hbm4b:s8+s2], $0x80, v4, vm0, $0xb8;
	[tilespmem:$0x18100] =	vst v63  }
0xdc: {  	s17 =	simm.s32 $0x2900;
	v3 =	vperm.xlane v3, v2  }
0xdd: {  	[tilespmem:s17], [sflag:$0x1] =	stream.indirect_vreg.gather [hbm4b:s9+s2], $0x80, v4, vm0, $0xb8;
	[tilespmem:$0x18100] =	vst v63  }
0xde: {  	v3 =	vadd.s32 v1, v3;
	s16 =	simm.s32 $0x3100  }
0xdf: {  	[tilespmem:s16], [sflag:$0x1] =	stream.indirect_vreg.gather [hbm4b:s10+s2], $0x80, v4, vm0, $0xb8;
	[tilespmem:$0x18100] =	vst v63  }
0xe0: {  	s17 =	simm.s32 $0x3900  }
0xe1: {  	[tilespmem:s17], [sflag:$0x1] =	stream.indirect_vreg.gather [hbm4b:s11+s2], $0x80, v4, vm0, $0xb8;
	[tilespmem:$0x18100] =	vst v63  }
0xe2: {  	s18 =	simm.s32 $0x4100  }
0xe3: {  	[tilespmem:s18], [sflag:$0x1] =	stream.indirect_vreg.gather [hbm4b:s4+s2], $0x80, v3, vm0, $0xb8;
	[tilespmem:$0x18100] =	vst v63  }
0xe4: {  	s19 =	simm.s32 $0x4900  }
0xe5: {  	[tilespmem:s19], [sflag:$0x1] =	stream.indirect_vreg.gather [hbm4b:s5+s2], $0x80, v3, vm0, $0xb8;
	[tilespmem:$0x18100] =	vst v63  }
0xe6: {  	s20 =	simm.s32 $0x5100  }
0xe7: {  	[tilespmem:s20], [sflag:$0x1] =	stream.indirect_vreg.gather [hbm4b:s6+s2], $0x80, v3, vm0, $0xb8;
	[tilespmem:$0x18100] =	vst v63  }
0xe8: {  	s21 =	simm.s32 $0x5900  }
0xe9: {  	[tilespmem:s21], [sflag:$0x1] =	stream.indirect_vreg.gather [hbm4b:s7+s2], $0x80, v3, vm0, $0xb8;
	[tilespmem:$0x18100] =	vst v63  }
0xea: {  	s22 =	simm.s32 $0x6100  }
0xeb: {  	[tilespmem:s22], [sflag:$0x1] =	stream.indirect_vreg.gather [hbm4b:s8+s2], $0x80, v3, vm0, $0xb8;
	[tilespmem:$0x18100] =	vst v63  }
0xec: {  	s23 =	simm.s32 $0x6900  }
0xed: {  	[tilespmem:s23], [sflag:$0x1] =	stream.indirect_vreg.gather [hbm4b:s9+s2], $0x80, v3, vm0, $0xb8;
	[tilespmem:$0x18100] =	vst v63  }
0xee: {  	s24 =	simm.s32 $0x7100  }
0xef: {  	[tilespmem:s24], [sflag:$0x1] =	stream.indirect_vreg.gather [hbm4b:s10+s2], $0x80, v3, vm0, $0xb8;
	[tilespmem:$0x18100] =	vst v63  }
0xf0: {  	s25 =	simm.s32 $0x7900  }
0xf1: {  	[tilespmem:s25], [sflag:$0x1] =	stream.indirect_vreg.gather [hbm4b:s11+s2], $0x80, v3, vm0, $0xb8;
	[tilespmem:$0x18100] =	vst v63  }
0xf2: {  	v3 =	vld.msk [tilespmem:$0x10], $0xff;
	_ =	sdelay $0x4  }
0xf3: {  	v27 =	vshll.u32 v3, $0x4  }
0xf4: {  	v3 =	vand.u32 $0x7, v3;
	v4 =	vand.u32 $0xFFFFFF80, v27  }
0xf5: {  	v3 =	vor.u32 v3, v4  }
0xf6: {  	v3 =	vperm.xlane v3, v0;
	_ =	sdelay $0x1  }
0xf7: {  	v3 =	vadd.s32 v1, v3;
	_ =	sdelay $0x3  }
0xf8: {  	s25 =	simm.s32 $0x8100  }
0xf9: {  	[tilespmem:s25], [sflag:$0x1] =	stream.indirect_vreg.gather [hbm4b:s4+s2], $0x80, v3, vm0, $0xb8;
	[tilespmem:$0x18100] =	vst v63  }
0xfa: {  	s28 =	simm.s32 $0x8900  }
0xfb: {  	[tilespmem:s28], [sflag:$0x1] =	stream.indirect_vreg.gather [hbm4b:s5+s2], $0x80, v3, vm0, $0xb8;
	[tilespmem:$0x18100] =	vst v63  }
0xfc: {  	s28 =	simm.s32 $0x9100  }
0xfd: {  	[tilespmem:s28], [sflag:$0x1] =	stream.indirect_vreg.gather [hbm4b:s6+s2], $0x80, v3, vm0, $0xb8;
	[tilespmem:$0x18100] =	vst v63  }
0xfe: {  	s31 =	simm.s32 $0x9900  }
0xff: {  	[tilespmem:s31], [sflag:$0x1] =	stream.indirect_vreg.gather [hbm4b:s7+s2], $0x80, v3, vm0, $0xb8;
	[tilespmem:$0x18100] =	vst v63  }
0x100: {  	s1 =	simm.s32 $0xA100  }
0x101: {  	[tilespmem:s1], [sflag:$0x1] =	stream.indirect_vreg.gather [hbm4b:s8+s2], $0x80, v3, vm0, $0xb8;
	[tilespmem:$0x18100] =	vst v63  }
0x102: {  	s25 =	simm.s32 $0xA900  }
0x103: {  	[tilespmem:s25], [sflag:$0x1] =	stream.indirect_vreg.gather [hbm4b:s9+s2], $0x80, v3, vm0, $0xb8;
	[tilespmem:$0x18100] =	vst v63  }
0x104: {  	s28 =	simm.s32 $0xB100  }
0x105: {  	[tilespmem:s28], [sflag:$0x1] =	stream.indirect_vreg.gather [hbm4b:s10+s2], $0x80, v3, vm0, $0xb8;
	[tilespmem:$0x18100] =	vst v63  }
0x106: {  	s26 =	simm.s32 $0xB900  }
0x107: {  	[tilespmem:s26], [sflag:$0x1] =	stream.indirect_vreg.gather [hbm4b:s11+s2], $0x80, v3, vm0, $0xb8;
	[tilespmem:$0x18100] =	vst v63  }
0x108: {  	v3 =	vld [tilespmem:$0x80];
	_ =	sdelay $0x4  }
0x109: {  	v28 =	vshll.u32 v3, $0x4  }
0x10a: {  	v3 =	vand.u32 $0x7, v3;
	v4 =	vand.u32 $0xFFFFFF80, v28  }
0x10b: {  	v3 =	vor.u32 v3, v4  }
0x10c: {  	v4 =	vperm.xlane v3, v0;
	_ =	sdelay $0x1  }
0x10d: {  	v4 =	vadd.s32 v1, v4;
	_ =	sdelay $0x3  }
0x10e: {  	s3 =	simm.s32 $0xC100  }
0x10f: {  	[tilespmem:s3], [sflag:$0x1] =	stream.indirect_vreg.gather [hbm4b:s4+s2], $0x80, v4, vm0, $0xb8;
	[tilespmem:$0x18100] =	vst v63  }
0x110: {  	s25 =	simm.s32 $0xC900  }
0x111: {  	[tilespmem:s25], [sflag:$0x1] =	stream.indirect_vreg.gather [hbm4b:s5+s2], $0x80, v4, vm0, $0xb8;
	[tilespmem:$0x18100] =	vst v63  }
0x112: {  	s26 =	simm.s32 $0xD100  }
0x113: {  	[tilespmem:s26], [sflag:$0x1] =	stream.indirect_vreg.gather [hbm4b:s6+s2], $0x80, v4, vm0, $0xb8;
	[tilespmem:$0x18100] =	vst v63  }
0x114: {  	s28 =	simm.s32 $0xD900  }
0x115: {  	[tilespmem:s28], [sflag:$0x1] =	stream.indirect_vreg.gather [hbm4b:s7+s2], $0x80, v4, vm0, $0xb8;
	[tilespmem:$0x18100] =	vst v63  }
0x116: {  	s15 =	simm.s32 $0xE100  }
0x117: {  	[tilespmem:s15], [sflag:$0x1] =	stream.indirect_vreg.gather [hbm4b:s8+s2], $0x80, v4, vm0, $0xb8;
	[tilespmem:$0x18100] =	vst v63  }
0x118: {  	s31 =	simm.s32 $0xE900;
	v3 =	vperm.xlane v3, v2  }
0x119: {  	[tilespmem:s31], [sflag:$0x1] =	stream.indirect_vreg.gather [hbm4b:s9+s2], $0x80, v4, vm0, $0xb8;
	[tilespmem:$0x18100] =	vst v63  }
0x11a: {  	v3 =	vadd.s32 v1, v3;
	s15 =	simm.s32 $0xF100  }
0x11b: {  	[tilespmem:s15], [sflag:$0x1] =	stream.indirect_vreg.gather [hbm4b:s10+s2], $0x80, v4, vm0, $0xb8;
	[tilespmem:$0x18100] =	vst v63  }
0x11c: {  	s1 =	simm.s32 $0xF900  }
0x11d: {  	[tilespmem:s1], [sflag:$0x1] =	stream.indirect_vreg.gather [hbm4b:s11+s2], $0x80, v4, vm0, $0xb8;
	[tilespmem:$0x18100] =	vst v63  }
0x11e: {  	s31 =	simm.s32 $0x10100  }
0x11f: {  	[tilespmem:s31], [sflag:$0x1] =	stream.indirect_vreg.gather [hbm4b:s4+s2], $0x80, v3, vm0, $0xb8;
	[tilespmem:$0x18100] =	vst v63  }
0x120: {  	s1 =	simm.s32 $0x10900  }
0x121: {  	[tilespmem:s1], [sflag:$0x1] =	stream.indirect_vreg.gather [hbm4b:s5+s2], $0x80, v3, vm0, $0xb8;
	[tilespmem:$0x18100] =	vst v63  }
0x122: {  	s31 =	simm.s32 $0x11100  }
0x123: {  	[tilespmem:s31], [sflag:$0x1] =	stream.indirect_vreg.gather [hbm4b:s6+s2], $0x80, v3, vm0, $0xb8;
	[tilespmem:$0x18100] =	vst v63  }
0x124: {  	s1 =	simm.s32 $0x11900  }
0x125: {  	[tilespmem:s1], [sflag:$0x1] =	stream.indirect_vreg.gather [hbm4b:s7+s2], $0x80, v3, vm0, $0xb8;
	[tilespmem:$0x18100] =	vst v63  }
0x126: {  	s31 =	simm.s32 $0x12100  }
0x127: {  	[tilespmem:s31], [sflag:$0x1] =	stream.indirect_vreg.gather [hbm4b:s8+s2], $0x80, v3, vm0, $0xb8;
	[tilespmem:$0x18100] =	vst v63  }
0x128: {  	s1 =	simm.s32 $0x12900  }
0x129: {  	[tilespmem:s1], [sflag:$0x1] =	stream.indirect_vreg.gather [hbm4b:s9+s2], $0x80, v3, vm0, $0xb8;
	[tilespmem:$0x18100] =	vst v63  }
0x12a: {  	s31 =	simm.s32 $0x13100  }
0x12b: {  	[tilespmem:s31], [sflag:$0x1] =	stream.indirect_vreg.gather [hbm4b:s10+s2], $0x80, v3, vm0, $0xb8;
	[tilespmem:$0x18100] =	vst v63  }
0x12c: {  	s1 =	simm.s32 $0x13900  }
0x12d: {  	[tilespmem:s1], [sflag:$0x1] =	stream.indirect_vreg.gather [hbm4b:s11+s2], $0x80, v3, vm0, $0xb8;
	[tilespmem:$0x18100] =	vst v63  }
0x12e: {  	v3 =	vld.msk [tilespmem:$0x90], $0xff;
	_ =	sdelay $0x4  }
0x12f: {  	v29 =	vshll.u32 v3, $0x4  }
0x130: {  	v3 =	vand.u32 $0x7, v3;
	v4 =	vand.u32 $0xFFFFFF80, v29  }
0x131: {  	v3 =	vor.u32 v3, v4  }
0x132: {  	v3 =	vperm.xlane v3, v0;
	_ =	sdelay $0x1  }
0x133: {  	v3 =	vadd.s32 v1, v3;
	_ =	sdelay $0x3  }
0x134: {  	s31 =	simm.s32 $0x14100  }
0x135: {  	[tilespmem:s31], [sflag:$0x1] =	stream.indirect_vreg.gather [hbm4b:s4+s2], $0x80, v3, vm0, $0xb8;
	[tilespmem:$0x18100] =	vst v63  }
0x136: {  	s1 =	simm.s32 $0x14900  }
0x137: {  	[tilespmem:s1], [sflag:$0x1] =	stream.indirect_vreg.gather [hbm4b:s5+s2], $0x80, v3, vm0, $0xb8;
	[tilespmem:$0x18100] =	vst v63  }
0x138: {  	s31 =	simm.s32 $0x15100  }
0x139: {  	[tilespmem:s31], [sflag:$0x1] =	stream.indirect_vreg.gather [hbm4b:s6+s2], $0x80, v3, vm0, $0xb8;
	[tilespmem:$0x18100] =	vst v63  }
0x13a: {  	s1 =	simm.s32 $0x15900  }
0x13b: {  	[tilespmem:s1], [sflag:$0x1] =	stream.indirect_vreg.gather [hbm4b:s7+s2], $0x80, v3, vm0, $0xb8;
	[tilespmem:$0x18100] =	vst v63  }
0x13c: {  	s31 =	simm.s32 $0x16100  }
0x13d: {  	[tilespmem:s31], [sflag:$0x1] =	stream.indirect_vreg.gather [hbm4b:s8+s2], $0x80, v3, vm0, $0xb8;
	[tilespmem:$0x18100] =	vst v63  }
0x13e: {  	s1 =	simm.s32 $0x16900  }
0x13f: {  	[tilespmem:s1], [sflag:$0x1] =	stream.indirect_vreg.gather [hbm4b:s9+s2], $0x80, v3, vm0, $0xb8;
	[tilespmem:$0x18100] =	vst v63  }
0x140: {  	s31 =	simm.s32 $0x17100  }
0x141: {  	[tilespmem:s31], [sflag:$0x1] =	stream.indirect_vreg.gather [hbm4b:s10+s2], $0x80, v3, vm0, $0xb8;
	[tilespmem:$0x18100] =	vst v63  }
0x142: {  	s1 =	simm.s32 $0x17900  }
0x143: {  	[tilespmem:s1], [sflag:$0x1] =	stream.indirect_vreg.gather [hbm4b:s11+s2], $0x80, v3, vm0, $0xb8;
	[tilespmem:$0x18100] =	vst v63  }
0x144: {  	_ =	swait.ge [sflag:s29], $0xC000  }
0x145: {  	[sflag:s29] =	ssyncset.done $0x0  }
0x146: {  	[sflag:s29] =	ssyncadd.s32 $0xFFFF4000  }
0x147: {  	_ =	swait.ge [sflag:s29], $0xC000  }
0x148: {  	[sflag:s29] =	ssyncset.done $0x0  }
0x149: {  	s0 =	simm.s32 $0x100;
	s1 =	rddreg [dreg:$0x7];
	[sflag:s29] =	ssyncadd.s32 $0xFFFF4000  }
0x14a: {  	[hbm4b:s1+s2] =	stream.linear.scatter [tilespmem:s0], [sflag:$0x2], $0xC000, $0x38;
	[tilespmem:$0x18100] =	vst v63  }
0x14b: {  	s3 =	simm.s32 $0xC100;
	s31 =	rddreg [dreg:$0x8]  }
0x14c: {  	[hbm4b:s31+s2] =	stream.linear.scatter [tilespmem:s3], [sflag:$0x2], $0xC000, $0x38;
	[tilespmem:$0x18100] =	vst v63  }
0x14d: {  	s1 =	rddreg [dreg:$0x9]  }
0x14e: {  	[tilespmem:s2], [sflag:$0x3] =	stream.linear.gather [hbm4b:s1+s2], $0x18, $0x38;
	[tilespmem:$0x18100] =	vst v63  }
0x14f: {  	_ =	swait.ge [sflag:s13], $0x18  }
0x150: {  	[sflag:s13] =	ssyncset.done $0x0  }
0x151: {  	s3 =	simm.s32 $0x80;
	s1 =	rddreg [dreg:$0xa];
	[sflag:s13] =	ssyncadd.s32 $0xFFFFFFE8  }
0x152: {  	[tilespmem:s3], [sflag:$0x3] =	stream.linear.gather [hbm4b:s1+s2], $0x18, $0x38;
	[tilespmem:$0x18100] =	vst v63  }
0x153: {  	_ =	swait.ge [sflag:s13], $0x18  }
0x154: {  	[sflag:s13] =	ssyncset.done $0x0  }
0x155: {  	[sflag:s13] =	ssyncadd.s32 $0xFFFFFFE8  }
0x156: {  	_ =	swait.ge [sflag:s30], $0xC000  }
0x157: {  	[sflag:s30] =	ssyncset.done $0x0  }
0x158: {  	[sflag:s30] =	ssyncadd.s32 $0xFFFF4000  }
0x159: {  	_ =	swait.ge [sflag:s30], $0xC000  }
0x15a: {  	[sflag:s30] =	ssyncset.done $0x0  }
0x15b: {  	[sflag:s30] =	ssyncadd.s32 $0xFFFF4000  }
0x15c: {  	v3 =	vld [tilespmem:$0x0];
	_ =	sdelay $0x4  }
0x15d: {  	v30 =	vshll.u32 v3, $0x4  }
0x15e: {  	v3 =	vand.u32 $0x7, v3;
	v4 =	vand.u32 $0xFFFFFF80, v30  }
0x15f: {  	v3 =	vor.u32 v3, v4  }
0x160: {  	v4 =	vperm.xlane v3, v0;
	_ =	sdelay $0x1  }
0x161: {  	v4 =	vadd.s32 v1, v4;
	_ =	sdelay $0x4  }
0x162: {  	[tilespmem:s0], [sflag:$0x1] =	stream.indirect_vreg.gather [hbm4b:s4+s2], $0x80, v4, vm0, $0xb8;
	[tilespmem:$0x18100] =	vst v63  }
0x163: {  	s3 =	simm.s32 $0x900  }
0x164: {  	[tilespmem:s3], [sflag:$0x1] =	stream.indirect_vreg.gather [hbm4b:s5+s2], $0x80, v4, vm0, $0xb8;
	[tilespmem:$0x18100] =	vst v63  }
0x165: {  	_ = 	snop  }
0x166: {  	[tilespmem:s12], [sflag:$0x1] =	stream.indirect_vreg.gather [hbm4b:s6+s2], $0x80, v4, vm0, $0xb8;
	[tilespmem:$0x18100] =	vst v63  }
0x167: {  	_ = 	snop  }
0x168: {  	[tilespmem:s14], [sflag:$0x1] =	stream.indirect_vreg.gather [hbm4b:s7+s2], $0x80, v4, vm0, $0xb8;
	[tilespmem:$0x18100] =	vst v63  }
0x169: {  	s14 =	simm.s32 $0x2100  }
0x16a: {  	[tilespmem:s14], [sflag:$0x1] =	stream.indirect_vreg.gather [hbm4b:s8+s2], $0x80, v4, vm0, $0xb8;
	[tilespmem:$0x18100] =	vst v63  }
0x16b: {  	v3 =	vperm.xlane v3, v2;
	s12 =	simm.s32 $0x2900  }
0x16c: {  	[tilespmem:s12], [sflag:$0x1] =	stream.indirect_vreg.gather [hbm4b:s9+s2], $0x80, v4, vm0, $0xb8;
	[tilespmem:$0x18100] =	vst v63  }
0x16d: {  	v3 =	vadd.s32 v1, v3  }
0x16e: {  	[tilespmem:s16], [sflag:$0x1] =	stream.indirect_vreg.gather [hbm4b:s10+s2], $0x80, v4, vm0, $0xb8;
	[tilespmem:$0x18100] =	vst v63  }
0x16f: {  	_ = 	snop  }
0x170: {  	[tilespmem:s17], [sflag:$0x1] =	stream.indirect_vreg.gather [hbm4b:s11+s2], $0x80, v4, vm0, $0xb8;
	[tilespmem:$0x18100] =	vst v63  }
0x171: {  	_ = 	snop  }
0x172: {  	[tilespmem:s18], [sflag:$0x1] =	stream.indirect_vreg.gather [hbm4b:s4+s2], $0x80, v3, vm0, $0xb8;
	[tilespmem:$0x18100] =	vst v63  }
0x173: {  	_ = 	snop  }
0x174: {  	[tilespmem:s19], [sflag:$0x1] =	stream.indirect_vreg.gather [hbm4b:s5+s2], $0x80, v3, vm0, $0xb8;
	[tilespmem:$0x18100] =	vst v63  }
0x175: {  	_ = 	snop  }
0x176: {  	[tilespmem:s20], [sflag:$0x1] =	stream.indirect_vreg.gather [hbm4b:s6+s2], $0x80, v3, vm0, $0xb8;
	[tilespmem:$0x18100] =	vst v63  }
0x177: {  	_ = 	snop  }
0x178: {  	[tilespmem:s21], [sflag:$0x1] =	stream.indirect_vreg.gather [hbm4b:s7+s2], $0x80, v3, vm0, $0xb8;
	[tilespmem:$0x18100] =	vst v63  }
0x179: {  	_ = 	snop  }
0x17a: {  	[tilespmem:s22], [sflag:$0x1] =	stream.indirect_vreg.gather [hbm4b:s8+s2], $0x80, v3, vm0, $0xb8;
	[tilespmem:$0x18100] =	vst v63  }
0x17b: {  	_ = 	snop  }
0x17c: {  	[tilespmem:s23], [sflag:$0x1] =	stream.indirect_vreg.gather [hbm4b:s9+s2], $0x80, v3, vm0, $0xb8;
	[tilespmem:$0x18100] =	vst v63  }
0x17d: {  	_ = 	snop  }
0x17e: {  	[tilespmem:s24], [sflag:$0x1] =	stream.indirect_vreg.gather [hbm4b:s10+s2], $0x80, v3, vm0, $0xb8;
	[tilespmem:$0x18100] =	vst v63  }
0x17f: {  	s3 =	simm.s32 $0x7900  }
0x180: {  	[tilespmem:s3], [sflag:$0x1] =	stream.indirect_vreg.gather [hbm4b:s11+s2], $0x80, v3, vm0, $0xb8;
	[tilespmem:$0x18100] =	vst v63  }
0x181: {  	v3 =	vld.msk [tilespmem:$0x10], $0xff;
	_ =	sdelay $0x4  }
0x182: {  	v31 =	vshll.u32 v3, $0x4  }
0x183: {  	v3 =	vand.u32 $0x7, v3;
	v4 =	vand.u32 $0xFFFFFF80, v31  }
0x184: {  	v3 =	vor.u32 v3, v4  }
0x185: {  	v3 =	vperm.xlane v3, v0;
	_ =	sdelay $0x1  }
0x186: {  	v3 =	vadd.s32 v1, v3;
	_ =	sdelay $0x3  }
0x187: {  	s24 =	simm.s32 $0x8100  }
0x188: {  	[tilespmem:s24], [sflag:$0x1] =	stream.indirect_vreg.gather [hbm4b:s4+s2], $0x80, v3, vm0, $0xb8;
	[tilespmem:$0x18100] =	vst v63  }
0x189: {  	s18 =	simm.s32 $0x8900  }
0x18a: {  	[tilespmem:s18], [sflag:$0x1] =	stream.indirect_vreg.gather [hbm4b:s5+s2], $0x80, v3, vm0, $0xb8;
	[tilespmem:$0x18100] =	vst v63  }
0x18b: {  	s19 =	simm.s32 $0x9100  }
0x18c: {  	[tilespmem:s19], [sflag:$0x1] =	stream.indirect_vreg.gather [hbm4b:s6+s2], $0x80, v3, vm0, $0xb8;
	[tilespmem:$0x18100] =	vst v63  }
0x18d: {  	s20 =	simm.s32 $0x9900  }
0x18e: {  	[tilespmem:s20], [sflag:$0x1] =	stream.indirect_vreg.gather [hbm4b:s7+s2], $0x80, v3, vm0, $0xb8;
	[tilespmem:$0x18100] =	vst v63  }
0x18f: {  	s21 =	simm.s32 $0xA100  }
0x190: {  	[tilespmem:s21], [sflag:$0x1] =	stream.indirect_vreg.gather [hbm4b:s8+s2], $0x80, v3, vm0, $0xb8;
	[tilespmem:$0x18100] =	vst v63  }
0x191: {  	s22 =	simm.s32 $0xA900  }
0x192: {  	[tilespmem:s22], [sflag:$0x1] =	stream.indirect_vreg.gather [hbm4b:s9+s2], $0x80, v3, vm0, $0xb8;
	[tilespmem:$0x18100] =	vst v63  }
0x193: {  	s17 =	simm.s32 $0xB100  }
0x194: {  	[tilespmem:s17], [sflag:$0x1] =	stream.indirect_vreg.gather [hbm4b:s10+s2], $0x80, v3, vm0, $0xb8;
	[tilespmem:$0x18100] =	vst v63  }
0x195: {  	s23 =	simm.s32 $0xB900  }
0x196: {  	[tilespmem:s23], [sflag:$0x1] =	stream.indirect_vreg.gather [hbm4b:s11+s2], $0x80, v3, vm0, $0xb8;
	[tilespmem:$0x18100] =	vst v63  }
0x197: {  	v3 =	vld [tilespmem:$0x80];
	_ =	sdelay $0x4  }
0x198: {  	v32 =	vshll.u32 v3, $0x4  }
0x199: {  	v3 =	vand.u32 $0x7, v3;
	v4 =	vand.u32 $0xFFFFFF80, v32  }
0x19a: {  	v3 =	vor.u32 v3, v4  }
0x19b: {  	v4 =	vperm.xlane v3, v0;
	_ =	sdelay $0x1  }
0x19c: {  	v4 =	vadd.s32 v1, v4;
	_ =	sdelay $0x3  }
0x19d: {  	s31 =	simm.s32 $0xC100  }
0x19e: {  	[tilespmem:s31], [sflag:$0x1] =	stream.indirect_vreg.gather [hbm4b:s4+s2], $0x80, v4, vm0, $0xb8;
	[tilespmem:$0x18100] =	vst v63  }
0x19f: {  	_ = 	snop  }
0x1a0: {  	[tilespmem:s25], [sflag:$0x1] =	stream.indirect_vreg.gather [hbm4b:s5+s2], $0x80, v4, vm0, $0xb8;
	[tilespmem:$0x18100] =	vst v63  }
0x1a1: {  	_ = 	snop  }
0x1a2: {  	[tilespmem:s26], [sflag:$0x1] =	stream.indirect_vreg.gather [hbm4b:s6+s2], $0x80, v4, vm0, $0xb8;
	[tilespmem:$0x18100] =	vst v63  }
0x1a3: {  	_ = 	snop  }
0x1a4: {  	[tilespmem:s28], [sflag:$0x1] =	stream.indirect_vreg.gather [hbm4b:s7+s2], $0x80, v4, vm0, $0xb8;
	[tilespmem:$0x18100] =	vst v63  }
0x1a5: {  	s12 =	simm.s32 $0xE100  }
0x1a6: {  	[tilespmem:s12], [sflag:$0x1] =	stream.indirect_vreg.gather [hbm4b:s8+s2], $0x80, v4, vm0, $0xb8;
	[tilespmem:$0x18100] =	vst v63  }
0x1a7: {  	v3 =	vperm.xlane v3, v2;
	s28 =	simm.s32 $0xE900  }
0x1a8: {  	[tilespmem:s28], [sflag:$0x1] =	stream.indirect_vreg.gather [hbm4b:s9+s2], $0x80, v4, vm0, $0xb8;
	[tilespmem:$0x18100] =	vst v63  }
0x1a9: {  	v3 =	vadd.s32 v1, v3  }
0x1aa: {  	[tilespmem:s15], [sflag:$0x1] =	stream.indirect_vreg.gather [hbm4b:s10+s2], $0x80, v4, vm0, $0xb8;
	[tilespmem:$0x18100] =	vst v63  }
0x1ab: {  	s31 =	simm.s32 $0xF900  }
0x1ac: {  	[tilespmem:s31], [sflag:$0x1] =	stream.indirect_vreg.gather [hbm4b:s11+s2], $0x80, v4, vm0, $0xb8;
	[tilespmem:$0x18100] =	vst v63  }
0x1ad: {  	s15 =	simm.s32 $0x10100  }
0x1ae: {  	[tilespmem:s15], [sflag:$0x1] =	stream.indirect_vreg.gather [hbm4b:s4+s2], $0x80, v3, vm0, $0xb8;
	[tilespmem:$0x18100] =	vst v63  }
0x1af: {  	s16 =	simm.s32 $0x10900  }
0x1b0: {  	[tilespmem:s16], [sflag:$0x1] =	stream.indirect_vreg.gather [hbm4b:s5+s2], $0x80, v3, vm0, $0xb8;
	[tilespmem:$0x18100] =	vst v63  }
0x1b1: {  	s18 =	simm.s32 $0x11100  }
0x1b2: {  	[tilespmem:s18], [sflag:$0x1] =	stream.indirect_vreg.gather [hbm4b:s6+s2], $0x80, v3, vm0, $0xb8;
	[tilespmem:$0x18100] =	vst v63  }
0x1b3: {  	s19 =	simm.s32 $0x11900  }
0x1b4: {  	[tilespmem:s19], [sflag:$0x1] =	stream.indirect_vreg.gather [hbm4b:s7+s2], $0x80, v3, vm0, $0xb8;
	[tilespmem:$0x18100] =	vst v63  }
0x1b5: {  	s20 =	simm.s32 $0x12100  }
0x1b6: {  	[tilespmem:s20], [sflag:$0x1] =	stream.indirect_vreg.gather [hbm4b:s8+s2], $0x80, v3, vm0, $0xb8;
	[tilespmem:$0x18100] =	vst v63  }
0x1b7: {  	s21 =	simm.s32 $0x12900  }
0x1b8: {  	[tilespmem:s21], [sflag:$0x1] =	stream.indirect_vreg.gather [hbm4b:s9+s2], $0x80, v3, vm0, $0xb8;
	[tilespmem:$0x18100] =	vst v63  }
0x1b9: {  	s22 =	simm.s32 $0x13100  }
0x1ba: {  	[tilespmem:s22], [sflag:$0x1] =	stream.indirect_vreg.gather [hbm4b:s10+s2], $0x80, v3, vm0, $0xb8;
	[tilespmem:$0x18100] =	vst v63  }
0x1bb: {  	s23 =	simm.s32 $0x13900  }
0x1bc: {  	[tilespmem:s23], [sflag:$0x1] =	stream.indirect_vreg.gather [hbm4b:s11+s2], $0x80, v3, vm0, $0xb8;
	[tilespmem:$0x18100] =	vst v63  }
0x1bd: {  	v3 =	vld.msk [tilespmem:$0x90], $0xff;
	_ =	sdelay $0x4  }
0x1be: {  	v33 =	vshll.u32 v3, $0x4  }
0x1bf: {  	v3 =	vand.u32 $0x7, v3;
	v4 =	vand.u32 $0xFFFFFF80, v33  }
0x1c0: {  	v3 =	vor.u32 v3, v4  }
0x1c1: {  	v3 =	vperm.xlane v3, v0;
	_ =	sdelay $0x1  }
0x1c2: {  	v3 =	vadd.s32 v1, v3;
	_ =	sdelay $0x3  }
0x1c3: {  	s15 =	simm.s32 $0x14100  }
0x1c4: {  	[tilespmem:s15], [sflag:$0x1] =	stream.indirect_vreg.gather [hbm4b:s4+s2], $0x80, v3, vm0, $0xb8;
	[tilespmem:$0x18100] =	vst v63  }
0x1c5: {  	s18 =	simm.s32 $0x14900  }
0x1c6: {  	[tilespmem:s18], [sflag:$0x1] =	stream.indirect_vreg.gather [hbm4b:s5+s2], $0x80, v3, vm0, $0xb8;
	[tilespmem:$0x18100] =	vst v63  }
0x1c7: {  	s19 =	simm.s32 $0x15100  }
0x1c8: {  	[tilespmem:s19], [sflag:$0x1] =	stream.indirect_vreg.gather [hbm4b:s6+s2], $0x80, v3, vm0, $0xb8;
	[tilespmem:$0x18100] =	vst v63  }
0x1c9: {  	s20 =	simm.s32 $0x15900  }
0x1ca: {  	[tilespmem:s20], [sflag:$0x1] =	stream.indirect_vreg.gather [hbm4b:s7+s2], $0x80, v3, vm0, $0xb8;
	[tilespmem:$0x18100] =	vst v63  }
0x1cb: {  	s21 =	simm.s32 $0x16100  }
0x1cc: {  	[tilespmem:s21], [sflag:$0x1] =	stream.indirect_vreg.gather [hbm4b:s8+s2], $0x80, v3, vm0, $0xb8;
	[tilespmem:$0x18100] =	vst v63  }
0x1cd: {  	s22 =	simm.s32 $0x16900  }
0x1ce: {  	[tilespmem:s22], [sflag:$0x1] =	stream.indirect_vreg.gather [hbm4b:s9+s2], $0x80, v3, vm0, $0xb8;
	[tilespmem:$0x18100] =	vst v63  }
0x1cf: {  	s23 =	simm.s32 $0x17100  }
0x1d0: {  	[tilespmem:s23], [sflag:$0x1] =	stream.indirect_vreg.gather [hbm4b:s10+s2], $0x80, v3, vm0, $0xb8;
	[tilespmem:$0x18100] =	vst v63  }
0x1d1: {  	s28 =	simm.s32 $0x17900  }
0x1d2: {  	[tilespmem:s28], [sflag:$0x1] =	stream.indirect_vreg.gather [hbm4b:s11+s2], $0x80, v3, vm0, $0xb8;
	[tilespmem:$0x18100] =	vst v63  }
0x1d3: {  	_ =	swait.ge [sflag:s29], $0xC000  }
0x1d4: {  	[sflag:s29] =	ssyncset.done $0x0  }
0x1d5: {  	[sflag:s29] =	ssyncadd.s32 $0xFFFF4000  }
0x1d6: {  	_ =	swait.ge [sflag:s29], $0xC000  }
0x1d7: {  	[sflag:s29] =	ssyncset.done $0x0  }
0x1d8: {  	s16 =	simm.s32 $0x100;
	s25 =	rddreg [dreg:$0xb];
	[sflag:s29] =	ssyncadd.s32 $0xFFFF4000  }
0x1d9: {  	[hbm4b:s25+s2] =	stream.linear.scatter [tilespmem:s16], [sflag:$0x2], $0xC000, $0x38;
	[tilespmem:$0x18100] =	vst v63  }
0x1da: {  	s0 =	simm.s32 $0xC100;
	s26 =	rddreg [dreg:$0xc]  }
0x1db: {  	[hbm4b:s26+s2] =	stream.linear.scatter [tilespmem:s0], [sflag:$0x2], $0xC000, $0x38;
	[tilespmem:$0x18100] =	vst v63  }
0x1dc: {  	s25 =	rddreg [dreg:$0xd]  }
0x1dd: {  	[tilespmem:s2], [sflag:$0x3] =	stream.linear.gather [hbm4b:s25+s2], $0x18, $0x38;
	[tilespmem:$0x18100] =	vst v63  }
0x1de: {  	_ =	swait.ge [sflag:s13], $0x18  }
0x1df: {  	[sflag:s13] =	ssyncset.done $0x0  }
0x1e0: {  	s25 =	simm.s32 $0x80;
	s0 =	rddreg [dreg:$0xe];
	[sflag:s13] =	ssyncadd.s32 $0xFFFFFFE8  }
0x1e1: {  	[tilespmem:s25], [sflag:$0x3] =	stream.linear.gather [hbm4b:s0+s2], $0x18, $0x38;
	[tilespmem:$0x18100] =	vst v63  }
0x1e2: {  	_ =	swait.ge [sflag:s13], $0x18  }
0x1e3: {  	[sflag:s13] =	ssyncset.done $0x0  }
0x1e4: {  	[sflag:s13] =	ssyncadd.s32 $0xFFFFFFE8  }
0x1e5: {  	_ =	swait.ge [sflag:s30], $0xC000  }
0x1e6: {  	[sflag:s30] =	ssyncset.done $0x0  }
0x1e7: {  	[sflag:s30] =	ssyncadd.s32 $0xFFFF4000  }
0x1e8: {  	_ =	swait.ge [sflag:s30], $0xC000  }
0x1e9: {  	[sflag:s30] =	ssyncset.done $0x0  }
0x1ea: {  	[sflag:s30] =	ssyncadd.s32 $0xFFFF4000  }
0x1eb: {  	v3 =	vld [tilespmem:$0x0];
	_ =	sdelay $0x4  }
0x1ec: {  	v34 =	vshll.u32 v3, $0x4  }
0x1ed: {  	v3 =	vand.u32 $0x7, v3;
	v4 =	vand.u32 $0xFFFFFF80, v34  }
0x1ee: {  	v3 =	vor.u32 v3, v4  }
0x1ef: {  	v4 =	vperm.xlane v3, v0;
	_ =	sdelay $0x1  }
0x1f0: {  	v4 =	vadd.s32 v1, v4;
	_ =	sdelay $0x4  }
0x1f1: {  	[tilespmem:s16], [sflag:$0x1] =	stream.indirect_vreg.gather [hbm4b:s4+s2], $0x80, v4, vm0, $0xb8;
	[tilespmem:$0x18100] =	vst v63  }
0x1f2: {  	s16 =	simm.s32 $0x900  }
0x1f3: {  	[tilespmem:s16], [sflag:$0x1] =	stream.indirect_vreg.gather [hbm4b:s5+s2], $0x80, v4, vm0, $0xb8;
	[tilespmem:$0x18100] =	vst v63  }
0x1f4: {  	s26 =	simm.s32 $0x1100  }
0x1f5: {  	[tilespmem:s26], [sflag:$0x1] =	stream.indirect_vreg.gather [hbm4b:s6+s2], $0x80, v4, vm0, $0xb8;
	[tilespmem:$0x18100] =	vst v63  }
0x1f6: {  	s1 =	simm.s32 $0x1900  }
0x1f7: {  	[tilespmem:s1], [sflag:$0x1] =	stream.indirect_vreg.gather [hbm4b:s7+s2], $0x80, v4, vm0, $0xb8;
	[tilespmem:$0x18100] =	vst v63  }
0x1f8: {  	_ = 	snop  }
0x1f9: {  	[tilespmem:s14], [sflag:$0x1] =	stream.indirect_vreg.gather [hbm4b:s8+s2], $0x80, v4, vm0, $0xb8;
	[tilespmem:$0x18100] =	vst v63  }
0x1fa: {  	v3 =	vperm.xlane v3, v2;
	s14 =	simm.s32 $0x2900  }
0x1fb: {  	[tilespmem:s14], [sflag:$0x1] =	stream.indirect_vreg.gather [hbm4b:s9+s2], $0x80, v4, vm0, $0xb8;
	[tilespmem:$0x18100] =	vst v63  }
0x1fc: {  	v3 =	vadd.s32 v1, v3;
	s14 =	simm.s32 $0x3100  }
0x1fd: {  	[tilespmem:s14], [sflag:$0x1] =	stream.indirect_vreg.gather [hbm4b:s10+s2], $0x80, v4, vm0, $0xb8;
	[tilespmem:$0x18100] =	vst v63  }
0x1fe: {  	s1 =	simm.s32 $0x3900  }
0x1ff: {  	[tilespmem:s1], [sflag:$0x1] =	stream.indirect_vreg.gather [hbm4b:s11+s2], $0x80, v4, vm0, $0xb8;
	[tilespmem:$0x18100] =	vst v63  }
0x200: {  	s1 =	simm.s32 $0x4100  }
0x201: {  	[tilespmem:s1], [sflag:$0x1] =	stream.indirect_vreg.gather [hbm4b:s4+s2], $0x80, v3, vm0, $0xb8;
	[tilespmem:$0x18100] =	vst v63  }
0x202: {  	s1 =	simm.s32 $0x4900  }
0x203: {  	[tilespmem:s1], [sflag:$0x1] =	stream.indirect_vreg.gather [hbm4b:s5+s2], $0x80, v3, vm0, $0xb8;
	[tilespmem:$0x18100] =	vst v63  }
0x204: {  	s1 =	simm.s32 $0x5100  }
0x205: {  	[tilespmem:s1], [sflag:$0x1] =	stream.indirect_vreg.gather [hbm4b:s6+s2], $0x80, v3, vm0, $0xb8;
	[tilespmem:$0x18100] =	vst v63  }
0x206: {  	s1 =	simm.s32 $0x5900  }
0x207: {  	[tilespmem:s1], [sflag:$0x1] =	stream.indirect_vreg.gather [hbm4b:s7+s2], $0x80, v3, vm0, $0xb8;
	[tilespmem:$0x18100] =	vst v63  }
0x208: {  	s1 =	simm.s32 $0x6100  }
0x209: {  	[tilespmem:s1], [sflag:$0x1] =	stream.indirect_vreg.gather [hbm4b:s8+s2], $0x80, v3, vm0, $0xb8;
	[tilespmem:$0x18100] =	vst v63  }
0x20a: {  	s1 =	simm.s32 $0x6900  }
0x20b: {  	[tilespmem:s1], [sflag:$0x1] =	stream.indirect_vreg.gather [hbm4b:s9+s2], $0x80, v3, vm0, $0xb8;
	[tilespmem:$0x18100] =	vst v63  }
0x20c: {  	s1 =	simm.s32 $0x7100  }
0x20d: {  	[tilespmem:s1], [sflag:$0x1] =	stream.indirect_vreg.gather [hbm4b:s10+s2], $0x80, v3, vm0, $0xb8;
	[tilespmem:$0x18100] =	vst v63  }
0x20e: {  	_ = 	snop  }
0x20f: {  	[tilespmem:s3], [sflag:$0x1] =	stream.indirect_vreg.gather [hbm4b:s11+s2], $0x80, v3, vm0, $0xb8;
	[tilespmem:$0x18100] =	vst v63  }
0x210: {  	v3 =	vld.msk [tilespmem:$0x10], $0xff;
	_ =	sdelay $0x4  }
0x211: {  	v35 =	vshll.u32 v3, $0x4  }
0x212: {  	v3 =	vand.u32 $0x7, v3;
	v4 =	vand.u32 $0xFFFFFF80, v35  }
0x213: {  	v3 =	vor.u32 v3, v4  }
0x214: {  	v3 =	vperm.xlane v3, v0;
	_ =	sdelay $0x1  }
0x215: {  	v3 =	vadd.s32 v1, v3;
	_ =	sdelay $0x4  }
0x216: {  	[tilespmem:s24], [sflag:$0x1] =	stream.indirect_vreg.gather [hbm4b:s4+s2], $0x80, v3, vm0, $0xb8;
	[tilespmem:$0x18100] =	vst v63  }
0x217: {  	s3 =	simm.s32 $0x8900  }
0x218: {  	[tilespmem:s3], [sflag:$0x1] =	stream.indirect_vreg.gather [hbm4b:s5+s2], $0x80, v3, vm0, $0xb8;
	[tilespmem:$0x18100] =	vst v63  }
0x219: {  	s24 =	simm.s32 $0x9100  }
0x21a: {  	[tilespmem:s24], [sflag:$0x1] =	stream.indirect_vreg.gather [hbm4b:s6+s2], $0x80, v3, vm0, $0xb8;
	[tilespmem:$0x18100] =	vst v63  }
0x21b: {  	s1 =	simm.s32 $0x9900  }
0x21c: {  	[tilespmem:s1], [sflag:$0x1] =	stream.indirect_vreg.gather [hbm4b:s7+s2], $0x80, v3, vm0, $0xb8;
	[tilespmem:$0x18100] =	vst v63  }
0x21d: {  	s24 =	simm.s32 $0xA100  }
0x21e: {  	[tilespmem:s24], [sflag:$0x1] =	stream.indirect_vreg.gather [hbm4b:s8+s2], $0x80, v3, vm0, $0xb8;
	[tilespmem:$0x18100] =	vst v63  }
0x21f: {  	s1 =	simm.s32 $0xA900  }
0x220: {  	[tilespmem:s1], [sflag:$0x1] =	stream.indirect_vreg.gather [hbm4b:s9+s2], $0x80, v3, vm0, $0xb8;
	[tilespmem:$0x18100] =	vst v63  }
0x221: {  	_ = 	snop  }
0x222: {  	[tilespmem:s17], [sflag:$0x1] =	stream.indirect_vreg.gather [hbm4b:s10+s2], $0x80, v3, vm0, $0xb8;
	[tilespmem:$0x18100] =	vst v63  }
0x223: {  	s24 =	simm.s32 $0xB900  }
0x224: {  	[tilespmem:s24], [sflag:$0x1] =	stream.indirect_vreg.gather [hbm4b:s11+s2], $0x80, v3, vm0, $0xb8;
	[tilespmem:$0x18100] =	vst v63  }
0x225: {  	v3 =	vld [tilespmem:$0x80];
	_ =	sdelay $0x4  }
0x226: {  	v36 =	vshll.u32 v3, $0x4  }
0x227: {  	v3 =	vand.u32 $0x7, v3;
	v4 =	vand.u32 $0xFFFFFF80, v36  }
0x228: {  	v3 =	vor.u32 v3, v4  }
0x229: {  	v4 =	vperm.xlane v3, v0;
	_ =	sdelay $0x1  }
0x22a: {  	v4 =	vadd.s32 v1, v4;
	_ =	sdelay $0x3  }
0x22b: {  	s31 =	simm.s32 $0xC100  }
0x22c: {  	[tilespmem:s31], [sflag:$0x1] =	stream.indirect_vreg.gather [hbm4b:s4+s2], $0x80, v4, vm0, $0xb8;
	[tilespmem:$0x18100] =	vst v63  }
0x22d: {  	s31 =	simm.s32 $0xC900  }
0x22e: {  	[tilespmem:s31], [sflag:$0x1] =	stream.indirect_vreg.gather [hbm4b:s5+s2], $0x80, v4, vm0, $0xb8;
	[tilespmem:$0x18100] =	vst v63  }
0x22f: {  	s17 =	simm.s32 $0xD100  }
0x230: {  	[tilespmem:s17], [sflag:$0x1] =	stream.indirect_vreg.gather [hbm4b:s6+s2], $0x80, v4, vm0, $0xb8;
	[tilespmem:$0x18100] =	vst v63  }
0x231: {  	s24 =	simm.s32 $0xD900  }
0x232: {  	[tilespmem:s24], [sflag:$0x1] =	stream.indirect_vreg.gather [hbm4b:s7+s2], $0x80, v4, vm0, $0xb8;
	[tilespmem:$0x18100] =	vst v63  }
0x233: {  	_ = 	snop  }
0x234: {  	[tilespmem:s12], [sflag:$0x1] =	stream.indirect_vreg.gather [hbm4b:s8+s2], $0x80, v4, vm0, $0xb8;
	[tilespmem:$0x18100] =	vst v63  }
0x235: {  	v3 =	vperm.xlane v3, v2;
	s12 =	simm.s32 $0xE900  }
0x236: {  	[tilespmem:s12], [sflag:$0x1] =	stream.indirect_vreg.gather [hbm4b:s9+s2], $0x80, v4, vm0, $0xb8;
	[tilespmem:$0x18100] =	vst v63  }
0x237: {  	v3 =	vadd.s32 v1, v3;
	s31 =	simm.s32 $0xF100  }
0x238: {  	[tilespmem:s31], [sflag:$0x1] =	stream.indirect_vreg.gather [hbm4b:s10+s2], $0x80, v4, vm0, $0xb8;
	[tilespmem:$0x18100] =	vst v63  }
0x239: {  	s12 =	simm.s32 $0xF900  }
0x23a: {  	[tilespmem:s12], [sflag:$0x1] =	stream.indirect_vreg.gather [hbm4b:s11+s2], $0x80, v4, vm0, $0xb8;
	[tilespmem:$0x18100] =	vst v63  }
0x23b: {  	s31 =	simm.s32 $0x10100  }
0x23c: {  	[tilespmem:s31], [sflag:$0x1] =	stream.indirect_vreg.gather [hbm4b:s4+s2], $0x80, v3, vm0, $0xb8;
	[tilespmem:$0x18100] =	vst v63  }
0x23d: {  	s12 =	simm.s32 $0x10900  }
0x23e: {  	[tilespmem:s12], [sflag:$0x1] =	stream.indirect_vreg.gather [hbm4b:s5+s2], $0x80, v3, vm0, $0xb8;
	[tilespmem:$0x18100] =	vst v63  }
0x23f: {  	s31 =	simm.s32 $0x11100  }
0x240: {  	[tilespmem:s31], [sflag:$0x1] =	stream.indirect_vreg.gather [hbm4b:s6+s2], $0x80, v3, vm0, $0xb8;
	[tilespmem:$0x18100] =	vst v63  }
0x241: {  	s12 =	simm.s32 $0x11900  }
0x242: {  	[tilespmem:s12], [sflag:$0x1] =	stream.indirect_vreg.gather [hbm4b:s7+s2], $0x80, v3, vm0, $0xb8;
	[tilespmem:$0x18100] =	vst v63  }
0x243: {  	s31 =	simm.s32 $0x12100  }
0x244: {  	[tilespmem:s31], [sflag:$0x1] =	stream.indirect_vreg.gather [hbm4b:s8+s2], $0x80, v3, vm0, $0xb8;
	[tilespmem:$0x18100] =	vst v63  }
0x245: {  	s12 =	simm.s32 $0x12900  }
0x246: {  	[tilespmem:s12], [sflag:$0x1] =	stream.indirect_vreg.gather [hbm4b:s9+s2], $0x80, v3, vm0, $0xb8;
	[tilespmem:$0x18100] =	vst v63  }
0x247: {  	s31 =	simm.s32 $0x13100  }
0x248: {  	[tilespmem:s31], [sflag:$0x1] =	stream.indirect_vreg.gather [hbm4b:s10+s2], $0x80, v3, vm0, $0xb8;
	[tilespmem:$0x18100] =	vst v63  }
0x249: {  	s12 =	simm.s32 $0x13900  }
0x24a: {  	[tilespmem:s12], [sflag:$0x1] =	stream.indirect_vreg.gather [hbm4b:s11+s2], $0x80, v3, vm0, $0xb8;
	[tilespmem:$0x18100] =	vst v63  }
0x24b: {  	v3 =	vld.msk [tilespmem:$0x90], $0xff;
	_ =	sdelay $0x4  }
0x24c: {  	v37 =	vshll.u32 v3, $0x4  }
0x24d: {  	v3 =	vand.u32 $0x7, v3;
	v4 =	vand.u32 $0xFFFFFF80, v37  }
0x24e: {  	v3 =	vor.u32 v3, v4  }
0x24f: {  	v3 =	vperm.xlane v3, v0;
	_ =	sdelay $0x1  }
0x250: {  	v3 =	vadd.s32 v1, v3;
	_ =	sdelay $0x4  }
0x251: {  	[tilespmem:s15], [sflag:$0x1] =	stream.indirect_vreg.gather [hbm4b:s4+s2], $0x80, v3, vm0, $0xb8;
	[tilespmem:$0x18100] =	vst v63  }
0x252: {  	_ = 	snop  }
0x253: {  	[tilespmem:s18], [sflag:$0x1] =	stream.indirect_vreg.gather [hbm4b:s5+s2], $0x80, v3, vm0, $0xb8;
	[tilespmem:$0x18100] =	vst v63  }
0x254: {  	_ = 	snop  }
0x255: {  	[tilespmem:s19], [sflag:$0x1] =	stream.indirect_vreg.gather [hbm4b:s6+s2], $0x80, v3, vm0, $0xb8;
	[tilespmem:$0x18100] =	vst v63  }
0x256: {  	_ = 	snop  }
0x257: {  	[tilespmem:s20], [sflag:$0x1] =	stream.indirect_vreg.gather [hbm4b:s7+s2], $0x80, v3, vm0, $0xb8;
	[tilespmem:$0x18100] =	vst v63  }
0x258: {  	_ = 	snop  }
0x259: {  	[tilespmem:s21], [sflag:$0x1] =	stream.indirect_vreg.gather [hbm4b:s8+s2], $0x80, v3, vm0, $0xb8;
	[tilespmem:$0x18100] =	vst v63  }
0x25a: {  	_ = 	snop  }
0x25b: {  	[tilespmem:s22], [sflag:$0x1] =	stream.indirect_vreg.gather [hbm4b:s9+s2], $0x80, v3, vm0, $0xb8;
	[tilespmem:$0x18100] =	vst v63  }
0x25c: {  	_ = 	snop  }
0x25d: {  	[tilespmem:s23], [sflag:$0x1] =	stream.indirect_vreg.gather [hbm4b:s10+s2], $0x80, v3, vm0, $0xb8;
	[tilespmem:$0x18100] =	vst v63  }
0x25e: {  	_ = 	snop  }
0x25f: {  	[tilespmem:s28], [sflag:$0x1] =	stream.indirect_vreg.gather [hbm4b:s11+s2], $0x80, v3, vm0, $0xb8;
	[tilespmem:$0x18100] =	vst v63  }
0x260: {  	_ =	swait.ge [sflag:s29], $0xC000  }
0x261: {  	[sflag:s29] =	ssyncset.done $0x0  }
0x262: {  	[sflag:s29] =	ssyncadd.s32 $0xFFFF4000  }
0x263: {  	_ =	swait.ge [sflag:s29], $0xC000  }
0x264: {  	[sflag:s29] =	ssyncset.done $0x0  }
0x265: {  	s28 =	simm.s32 $0x100;
	s22 =	rddreg [dreg:$0xf];
	[sflag:s29] =	ssyncadd.s32 $0xFFFF4000  }
0x266: {  	[hbm4b:s22+s2] =	stream.linear.scatter [tilespmem:s28], [sflag:$0x2], $0xC000, $0x38;
	[tilespmem:$0x18100] =	vst v63  }
0x267: {  	s0 =	simm.s32 $0xC100;
	s23 =	rddreg [dreg:$0x10]  }
0x268: {  	[hbm4b:s23+s2] =	stream.linear.scatter [tilespmem:s0], [sflag:$0x2], $0xC000, $0x38;
	[tilespmem:$0x18100] =	vst v63  }
0x269: {  	s12 =	rddreg [dreg:$0x11]  }
0x26a: {  	[tilespmem:s2], [sflag:$0x3] =	stream.linear.gather [hbm4b:s12+s2], $0x18, $0x38;
	[tilespmem:$0x18100] =	vst v63  }
0x26b: {  	_ =	swait.ge [sflag:s13], $0x18  }
0x26c: {  	[sflag:s13] =	ssyncset.done $0x0  }
0x26d: {  	s18 =	rddreg [dreg:$0x12];
	[sflag:s13] =	ssyncadd.s32 $0xFFFFFFE8  }
0x26e: {  	[tilespmem:s25], [sflag:$0x3] =	stream.linear.gather [hbm4b:s18+s2], $0x18, $0x38;
	[tilespmem:$0x18100] =	vst v63  }
0x26f: {  	_ =	swait.ge [sflag:s13], $0x18  }
0x270: {  	[sflag:s13] =	ssyncset.done $0x0  }
0x271: {  	[sflag:s13] =	ssyncadd.s32 $0xFFFFFFE8  }
0x272: {  	_ =	swait.ge [sflag:s30], $0xC000  }
0x273: {  	[sflag:s30] =	ssyncset.done $0x0  }
0x274: {  	[sflag:s30] =	ssyncadd.s32 $0xFFFF4000  }
0x275: {  	_ =	swait.ge [sflag:s30], $0xC000  }
0x276: {  	[sflag:s30] =	ssyncset.done $0x0  }
0x277: {  	[sflag:s30] =	ssyncadd.s32 $0xFFFF4000  }
0x278: {  	v3 =	vld [tilespmem:$0x0];
	_ =	sdelay $0x4  }
0x279: {  	v38 =	vshll.u32 v3, $0x4  }
0x27a: {  	v3 =	vand.u32 $0x7, v3;
	v4 =	vand.u32 $0xFFFFFF80, v38  }
0x27b: {  	v3 =	vor.u32 v3, v4  }
0x27c: {  	v4 =	vperm.xlane v3, v0;
	_ =	sdelay $0x1  }
0x27d: {  	v4 =	vadd.s32 v1, v4;
	_ =	sdelay $0x4  }
0x27e: {  	[tilespmem:s28], [sflag:$0x1] =	stream.indirect_vreg.gather [hbm4b:s4+s2], $0x80, v4, vm0, $0xb8;
	[tilespmem:$0x18100] =	vst v63  }
0x27f: {  	_ = 	snop  }
0x280: {  	[tilespmem:s16], [sflag:$0x1] =	stream.indirect_vreg.gather [hbm4b:s5+s2], $0x80, v4, vm0, $0xb8;
	[tilespmem:$0x18100] =	vst v63  }
0x281: {  	_ = 	snop  }
0x282: {  	[tilespmem:s26], [sflag:$0x1] =	stream.indirect_vreg.gather [hbm4b:s6+s2], $0x80, v4, vm0, $0xb8;
	[tilespmem:$0x18100] =	vst v63  }
0x283: {  	s19 =	simm.s32 $0x1900  }
0x284: {  	[tilespmem:s19], [sflag:$0x1] =	stream.indirect_vreg.gather [hbm4b:s7+s2], $0x80, v4, vm0, $0xb8;
	[tilespmem:$0x18100] =	vst v63  }
0x285: {  	s0 =	simm.s32 $0x2100  }
0x286: {  	[tilespmem:s0], [sflag:$0x1] =	stream.indirect_vreg.gather [hbm4b:s8+s2], $0x80, v4, vm0, $0xb8;
	[tilespmem:$0x18100] =	vst v63  }
0x287: {  	v3 =	vperm.xlane v3, v2;
	s28 =	simm.s32 $0x2900  }
0x288: {  	[tilespmem:s28], [sflag:$0x1] =	stream.indirect_vreg.gather [hbm4b:s9+s2], $0x80, v4, vm0, $0xb8;
	[tilespmem:$0x18100] =	vst v63  }
0x289: {  	v3 =	vadd.s32 v1, v3  }
0x28a: {  	[tilespmem:s14], [sflag:$0x1] =	stream.indirect_vreg.gather [hbm4b:s10+s2], $0x80, v4, vm0, $0xb8;
	[tilespmem:$0x18100] =	vst v63  }
0x28b: {  	s20 =	simm.s32 $0x3900  }
0x28c: {  	[tilespmem:s20], [sflag:$0x1] =	stream.indirect_vreg.gather [hbm4b:s11+s2], $0x80, v4, vm0, $0xb8;
	[tilespmem:$0x18100] =	vst v63  }
0x28d: {  	s21 =	simm.s32 $0x4100  }
0x28e: {  	[tilespmem:s21], [sflag:$0x1] =	stream.indirect_vreg.gather [hbm4b:s4+s2], $0x80, v3, vm0, $0xb8;
	[tilespmem:$0x18100] =	vst v63  }
0x28f: {  	s23 =	simm.s32 $0x4900  }
0x290: {  	[tilespmem:s23], [sflag:$0x1] =	stream.indirect_vreg.gather [hbm4b:s5+s2], $0x80, v3, vm0, $0xb8;
	[tilespmem:$0x18100] =	vst v63  }
0x291: {  	s25 =	simm.s32 $0x5100  }
0x292: {  	[tilespmem:s25], [sflag:$0x1] =	stream.indirect_vreg.gather [hbm4b:s6+s2], $0x80, v3, vm0, $0xb8;
	[tilespmem:$0x18100] =	vst v63  }
0x293: {  	s26 =	simm.s32 $0x5900  }
0x294: {  	[tilespmem:s26], [sflag:$0x1] =	stream.indirect_vreg.gather [hbm4b:s7+s2], $0x80, v3, vm0, $0xb8;
	[tilespmem:$0x18100] =	vst v63  }
0x295: {  	s31 =	simm.s32 $0x6100  }
0x296: {  	[tilespmem:s31], [sflag:$0x1] =	stream.indirect_vreg.gather [hbm4b:s8+s2], $0x80, v3, vm0, $0xb8;
	[tilespmem:$0x18100] =	vst v63  }
0x297: {  	s12 =	simm.s32 $0x6900  }
0x298: {  	[tilespmem:s12], [sflag:$0x1] =	stream.indirect_vreg.gather [hbm4b:s9+s2], $0x80, v3, vm0, $0xb8;
	[tilespmem:$0x18100] =	vst v63  }
0x299: {  	s14 =	simm.s32 $0x7100  }
0x29a: {  	[tilespmem:s14], [sflag:$0x1] =	stream.indirect_vreg.gather [hbm4b:s10+s2], $0x80, v3, vm0, $0xb8;
	[tilespmem:$0x18100] =	vst v63  }
0x29b: {  	s12 =	simm.s32 $0x7900  }
0x29c: {  	[tilespmem:s12], [sflag:$0x1] =	stream.indirect_vreg.gather [hbm4b:s11+s2], $0x80, v3, vm0, $0xb8;
	[tilespmem:$0x18100] =	vst v63  }
0x29d: {  	v3 =	vld.msk [tilespmem:$0x10], $0xff;
	_ =	sdelay $0x4  }
0x29e: {  	v39 =	vshll.u32 v3, $0x4  }
0x29f: {  	v3 =	vand.u32 $0x7, v3;
	v4 =	vand.u32 $0xFFFFFF80, v39  }
0x2a0: {  	v3 =	vor.u32 v3, v4  }
0x2a1: {  	v3 =	vperm.xlane v3, v0;
	_ =	sdelay $0x1  }
0x2a2: {  	v3 =	vadd.s32 v1, v3;
	_ =	sdelay $0x3  }
0x2a3: {  	s16 =	simm.s32 $0x8100  }
0x2a4: {  	[tilespmem:s16], [sflag:$0x1] =	stream.indirect_vreg.gather [hbm4b:s4+s2], $0x80, v3, vm0, $0xb8;
	[tilespmem:$0x18100] =	vst v63  }
0x2a5: {  	_ = 	snop  }
0x2a6: {  	[tilespmem:s3], [sflag:$0x1] =	stream.indirect_vreg.gather [hbm4b:s5+s2], $0x80, v3, vm0, $0xb8;
	[tilespmem:$0x18100] =	vst v63  }
0x2a7: {  	s14 =	simm.s32 $0x9100  }
0x2a8: {  	[tilespmem:s14], [sflag:$0x1] =	stream.indirect_vreg.gather [hbm4b:s6+s2], $0x80, v3, vm0, $0xb8;
	[tilespmem:$0x18100] =	vst v63  }
0x2a9: {  	s18 =	simm.s32 $0x9900  }
0x2aa: {  	[tilespmem:s18], [sflag:$0x1] =	stream.indirect_vreg.gather [hbm4b:s7+s2], $0x80, v3, vm0, $0xb8;
	[tilespmem:$0x18100] =	vst v63  }
0x2ab: {  	s19 =	simm.s32 $0xA100  }
0x2ac: {  	[tilespmem:s19], [sflag:$0x1] =	stream.indirect_vreg.gather [hbm4b:s8+s2], $0x80, v3, vm0, $0xb8;
	[tilespmem:$0x18100] =	vst v63  }
0x2ad: {  	s20 =	simm.s32 $0xA900  }
0x2ae: {  	[tilespmem:s20], [sflag:$0x1] =	stream.indirect_vreg.gather [hbm4b:s9+s2], $0x80, v3, vm0, $0xb8;
	[tilespmem:$0x18100] =	vst v63  }
0x2af: {  	s21 =	simm.s32 $0xB100  }
0x2b0: {  	[tilespmem:s21], [sflag:$0x1] =	stream.indirect_vreg.gather [hbm4b:s10+s2], $0x80, v3, vm0, $0xb8;
	[tilespmem:$0x18100] =	vst v63  }
0x2b1: {  	s15 =	simm.s32 $0xB900  }
0x2b2: {  	[tilespmem:s15], [sflag:$0x1] =	stream.indirect_vreg.gather [hbm4b:s11+s2], $0x80, v3, vm0, $0xb8;
	[tilespmem:$0x18100] =	vst v63  }
0x2b3: {  	v3 =	vld [tilespmem:$0x80];
	_ =	sdelay $0x4  }
0x2b4: {  	v40 =	vshll.u32 v3, $0x4  }
0x2b5: {  	v3 =	vand.u32 $0x7, v3;
	v4 =	vand.u32 $0xFFFFFF80, v40  }
0x2b6: {  	v3 =	vor.u32 v3, v4  }
0x2b7: {  	v4 =	vperm.xlane v3, v0;
	_ =	sdelay $0x1  }
0x2b8: {  	v4 =	vadd.s32 v1, v4;
	_ =	sdelay $0x3  }
0x2b9: {  	s22 =	simm.s32 $0xC100  }
0x2ba: {  	[tilespmem:s22], [sflag:$0x1] =	stream.indirect_vreg.gather [hbm4b:s4+s2], $0x80, v4, vm0, $0xb8;
	[tilespmem:$0x18100] =	vst v63  }
0x2bb: {  	s22 =	simm.s32 $0xC900  }
0x2bc: {  	[tilespmem:s22], [sflag:$0x1] =	stream.indirect_vreg.gather [hbm4b:s5+s2], $0x80, v4, vm0, $0xb8;
	[tilespmem:$0x18100] =	vst v63  }
0x2bd: {  	_ = 	snop  }
0x2be: {  	[tilespmem:s17], [sflag:$0x1] =	stream.indirect_vreg.gather [hbm4b:s6+s2], $0x80, v4, vm0, $0xb8;
	[tilespmem:$0x18100] =	vst v63  }
0x2bf: {  	_ = 	snop  }
0x2c0: {  	[tilespmem:s24], [sflag:$0x1] =	stream.indirect_vreg.gather [hbm4b:s7+s2], $0x80, v4, vm0, $0xb8;
	[tilespmem:$0x18100] =	vst v63  }
0x2c1: {  	s3 =	simm.s32 $0xE100  }
0x2c2: {  	[tilespmem:s3], [sflag:$0x1] =	stream.indirect_vreg.gather [hbm4b:s8+s2], $0x80, v4, vm0, $0xb8;
	[tilespmem:$0x18100] =	vst v63  }
0x2c3: {  	s23 =	simm.s32 $0xE900;
	v3 =	vperm.xlane v3, v2  }
0x2c4: {  	[tilespmem:s23], [sflag:$0x1] =	stream.indirect_vreg.gather [hbm4b:s9+s2], $0x80, v4, vm0, $0xb8;
	[tilespmem:$0x18100] =	vst v63  }
0x2c5: {  	v3 =	vadd.s32 v1, v3;
	s24 =	simm.s32 $0xF100  }
0x2c6: {  	[tilespmem:s24], [sflag:$0x1] =	stream.indirect_vreg.gather [hbm4b:s10+s2], $0x80, v4, vm0, $0xb8;
	[tilespmem:$0x18100] =	vst v63  }
0x2c7: {  	s25 =	simm.s32 $0xF900  }
0x2c8: {  	[tilespmem:s25], [sflag:$0x1] =	stream.indirect_vreg.gather [hbm4b:s11+s2], $0x80, v4, vm0, $0xb8;
	[tilespmem:$0x18100] =	vst v63  }
0x2c9: {  	s26 =	simm.s32 $0x10100  }
0x2ca: {  	[tilespmem:s26], [sflag:$0x1] =	stream.indirect_vreg.gather [hbm4b:s4+s2], $0x80, v3, vm0, $0xb8;
	[tilespmem:$0x18100] =	vst v63  }
0x2cb: {  	s31 =	simm.s32 $0x10900  }
0x2cc: {  	[tilespmem:s31], [sflag:$0x1] =	stream.indirect_vreg.gather [hbm4b:s5+s2], $0x80, v3, vm0, $0xb8;
	[tilespmem:$0x18100] =	vst v63  }
0x2cd: {  	s17 =	simm.s32 $0x11100  }
0x2ce: {  	[tilespmem:s17], [sflag:$0x1] =	stream.indirect_vreg.gather [hbm4b:s6+s2], $0x80, v3, vm0, $0xb8;
	[tilespmem:$0x18100] =	vst v63  }
0x2cf: {  	s22 =	simm.s32 $0x11900  }
0x2d0: {  	[tilespmem:s22], [sflag:$0x1] =	stream.indirect_vreg.gather [hbm4b:s7+s2], $0x80, v3, vm0, $0xb8;
	[tilespmem:$0x18100] =	vst v63  }
0x2d1: {  	s23 =	simm.s32 $0x12100  }
0x2d2: {  	[tilespmem:s23], [sflag:$0x1] =	stream.indirect_vreg.gather [hbm4b:s8+s2], $0x80, v3, vm0, $0xb8;
	[tilespmem:$0x18100] =	vst v63  }
0x2d3: {  	s24 =	simm.s32 $0x12900  }
0x2d4: {  	[tilespmem:s24], [sflag:$0x1] =	stream.indirect_vreg.gather [hbm4b:s9+s2], $0x80, v3, vm0, $0xb8;
	[tilespmem:$0x18100] =	vst v63  }
0x2d5: {  	s25 =	simm.s32 $0x13100  }
0x2d6: {  	[tilespmem:s25], [sflag:$0x1] =	stream.indirect_vreg.gather [hbm4b:s10+s2], $0x80, v3, vm0, $0xb8;
	[tilespmem:$0x18100] =	vst v63  }
0x2d7: {  	s26 =	simm.s32 $0x13900  }
0x2d8: {  	[tilespmem:s26], [sflag:$0x1] =	stream.indirect_vreg.gather [hbm4b:s11+s2], $0x80, v3, vm0, $0xb8;
	[tilespmem:$0x18100] =	vst v63  }
0x2d9: {  	v3 =	vld.msk [tilespmem:$0x90], $0xff;
	_ =	sdelay $0x4  }
0x2da: {  	v41 =	vshll.u32 v3, $0x4  }
0x2db: {  	v3 =	vand.u32 $0x7, v3;
	v4 =	vand.u32 $0xFFFFFF80, v41  }
0x2dc: {  	v3 =	vor.u32 v3, v4  }
0x2dd: {  	v3 =	vperm.xlane v3, v0;
	_ =	sdelay $0x1  }
0x2de: {  	v3 =	vadd.s32 v1, v3;
	_ =	sdelay $0x3  }
0x2df: {  	s17 =	simm.s32 $0x14100  }
0x2e0: {  	[tilespmem:s17], [sflag:$0x1] =	stream.indirect_vreg.gather [hbm4b:s4+s2], $0x80, v3, vm0, $0xb8;
	[tilespmem:$0x18100] =	vst v63  }
0x2e1: {  	s22 =	simm.s32 $0x14900  }
0x2e2: {  	[tilespmem:s22], [sflag:$0x1] =	stream.indirect_vreg.gather [hbm4b:s5+s2], $0x80, v3, vm0, $0xb8;
	[tilespmem:$0x18100] =	vst v63  }
0x2e3: {  	s23 =	simm.s32 $0x15100  }
0x2e4: {  	[tilespmem:s23], [sflag:$0x1] =	stream.indirect_vreg.gather [hbm4b:s6+s2], $0x80, v3, vm0, $0xb8;
	[tilespmem:$0x18100] =	vst v63  }
0x2e5: {  	s24 =	simm.s32 $0x15900  }
0x2e6: {  	[tilespmem:s24], [sflag:$0x1] =	stream.indirect_vreg.gather [hbm4b:s7+s2], $0x80, v3, vm0, $0xb8;
	[tilespmem:$0x18100] =	vst v63  }
0x2e7: {  	s25 =	simm.s32 $0x16100  }
0x2e8: {  	[tilespmem:s25], [sflag:$0x1] =	stream.indirect_vreg.gather [hbm4b:s8+s2], $0x80, v3, vm0, $0xb8;
	[tilespmem:$0x18100] =	vst v63  }
0x2e9: {  	s31 =	simm.s32 $0x16900  }
0x2ea: {  	[tilespmem:s31], [sflag:$0x1] =	stream.indirect_vreg.gather [hbm4b:s9+s2], $0x80, v3, vm0, $0xb8;
	[tilespmem:$0x18100] =	vst v63  }
0x2eb: {  	s26 =	simm.s32 $0x17100  }
0x2ec: {  	[tilespmem:s26], [sflag:$0x1] =	stream.indirect_vreg.gather [hbm4b:s10+s2], $0x80, v3, vm0, $0xb8;
	[tilespmem:$0x18100] =	vst v63  }
0x2ed: {  	s31 =	simm.s32 $0x17900  }
0x2ee: {  	[tilespmem:s31], [sflag:$0x1] =	stream.indirect_vreg.gather [hbm4b:s11+s2], $0x80, v3, vm0, $0xb8;
	[tilespmem:$0x18100] =	vst v63  }
0x2ef: {  	_ =	swait.ge [sflag:s29], $0xC000  }
0x2f0: {  	[sflag:s29] =	ssyncset.done $0x0  }
0x2f1: {  	[sflag:s29] =	ssyncadd.s32 $0xFFFF4000  }
0x2f2: {  	_ =	swait.ge [sflag:s29], $0xC000  }
0x2f3: {  	[sflag:s29] =	ssyncset.done $0x0  }
0x2f4: {  	s26 =	simm.s32 $0x100;
	s1 =	rddreg [dreg:$0x13];
	[sflag:s29] =	ssyncadd.s32 $0xFFFF4000  }
0x2f5: {  	[hbm4b:s1+s2] =	stream.linear.scatter [tilespmem:s26], [sflag:$0x2], $0xC000, $0x38;
	[tilespmem:$0x18100] =	vst v63  }
0x2f6: {  	s15 =	simm.s32 $0xC100;
	s31 =	rddreg [dreg:$0x14]  }
0x2f7: {  	[hbm4b:s31+s2] =	stream.linear.scatter [tilespmem:s15], [sflag:$0x2], $0xC000, $0x38;
	[tilespmem:$0x18100] =	vst v63  }
0x2f8: {  	s1 =	rddreg [dreg:$0x15]  }
0x2f9: {  	[tilespmem:s2], [sflag:$0x3] =	stream.linear.gather [hbm4b:s1+s2], $0x18, $0x38;
	[tilespmem:$0x18100] =	vst v63  }
0x2fa: {  	_ =	swait.ge [sflag:s13], $0x18  }
0x2fb: {  	[sflag:s13] =	ssyncset.done $0x0  }
0x2fc: {  	s15 =	simm.s32 $0x80;
	s1 =	rddreg [dreg:$0x16];
	[sflag:s13] =	ssyncadd.s32 $0xFFFFFFE8  }
0x2fd: {  	[tilespmem:s15], [sflag:$0x3] =	stream.linear.gather [hbm4b:s1+s2], $0x18, $0x38;
	[tilespmem:$0x18100] =	vst v63  }
0x2fe: {  	_ =	swait.ge [sflag:s13], $0x18  }
0x2ff: {  	[sflag:s13] =	ssyncset.done $0x0  }
0x300: {  	[sflag:s13] =	ssyncadd.s32 $0xFFFFFFE8  }
0x301: {  	_ =	swait.ge [sflag:s30], $0xC000  }
0x302: {  	[sflag:s30] =	ssyncset.done $0x0  }
0x303: {  	[sflag:s30] =	ssyncadd.s32 $0xFFFF4000  }
0x304: {  	_ =	swait.ge [sflag:s30], $0xC000  }
0x305: {  	[sflag:s30] =	ssyncset.done $0x0  }
0x306: {  	[sflag:s30] =	ssyncadd.s32 $0xFFFF4000  }
0x307: {  	v3 =	vld [tilespmem:$0x0];
	_ =	sdelay $0x4  }
0x308: {  	v42 =	vshll.u32 v3, $0x4  }
0x309: {  	v3 =	vand.u32 $0x7, v3;
	v4 =	vand.u32 $0xFFFFFF80, v42  }
0x30a: {  	v3 =	vor.u32 v3, v4  }
0x30b: {  	v4 =	vperm.xlane v3, v0;
	_ =	sdelay $0x1  }
0x30c: {  	v4 =	vadd.s32 v1, v4;
	_ =	sdelay $0x4  }
0x30d: {  	[tilespmem:s26], [sflag:$0x1] =	stream.indirect_vreg.gather [hbm4b:s4+s2], $0x80, v4, vm0, $0xb8;
	[tilespmem:$0x18100] =	vst v63  }
0x30e: {  	s15 =	simm.s32 $0x900  }
0x30f: {  	[tilespmem:s15], [sflag:$0x1] =	stream.indirect_vreg.gather [hbm4b:s5+s2], $0x80, v4, vm0, $0xb8;
	[tilespmem:$0x18100] =	vst v63  }
0x310: {  	s26 =	simm.s32 $0x1100  }
0x311: {  	[tilespmem:s26], [sflag:$0x1] =	stream.indirect_vreg.gather [hbm4b:s6+s2], $0x80, v4, vm0, $0xb8;
	[tilespmem:$0x18100] =	vst v63  }
0x312: {  	s1 =	simm.s32 $0x1900  }
0x313: {  	[tilespmem:s1], [sflag:$0x1] =	stream.indirect_vreg.gather [hbm4b:s7+s2], $0x80, v4, vm0, $0xb8;
	[tilespmem:$0x18100] =	vst v63  }
0x314: {  	_ = 	snop  }
0x315: {  	[tilespmem:s0], [sflag:$0x1] =	stream.indirect_vreg.gather [hbm4b:s8+s2], $0x80, v4, vm0, $0xb8;
	[tilespmem:$0x18100] =	vst v63  }
0x316: {  	v3 =	vperm.xlane v3, v2  }
0x317: {  	[tilespmem:s28], [sflag:$0x1] =	stream.indirect_vreg.gather [hbm4b:s9+s2], $0x80, v4, vm0, $0xb8;
	[tilespmem:$0x18100] =	vst v63  }
0x318: {  	v3 =	vadd.s32 v1, v3;
	s28 =	simm.s32 $0x3100  }
0x319: {  	[tilespmem:s28], [sflag:$0x1] =	stream.indirect_vreg.gather [hbm4b:s10+s2], $0x80, v4, vm0, $0xb8;
	[tilespmem:$0x18100] =	vst v63  }
0x31a: {  	s1 =	simm.s32 $0x3900  }
0x31b: {  	[tilespmem:s1], [sflag:$0x1] =	stream.indirect_vreg.gather [hbm4b:s11+s2], $0x80, v4, vm0, $0xb8;
	[tilespmem:$0x18100] =	vst v63  }
0x31c: {  	s1 =	simm.s32 $0x4100  }
0x31d: {  	[tilespmem:s1], [sflag:$0x1] =	stream.indirect_vreg.gather [hbm4b:s4+s2], $0x80, v3, vm0, $0xb8;
	[tilespmem:$0x18100] =	vst v63  }
0x31e: {  	s1 =	simm.s32 $0x4900  }
0x31f: {  	[tilespmem:s1], [sflag:$0x1] =	stream.indirect_vreg.gather [hbm4b:s5+s2], $0x80, v3, vm0, $0xb8;
	[tilespmem:$0x18100] =	vst v63  }
0x320: {  	s1 =	simm.s32 $0x5100  }
0x321: {  	[tilespmem:s1], [sflag:$0x1] =	stream.indirect_vreg.gather [hbm4b:s6+s2], $0x80, v3, vm0, $0xb8;
	[tilespmem:$0x18100] =	vst v63  }
0x322: {  	s1 =	simm.s32 $0x5900  }
0x323: {  	[tilespmem:s1], [sflag:$0x1] =	stream.indirect_vreg.gather [hbm4b:s7+s2], $0x80, v3, vm0, $0xb8;
	[tilespmem:$0x18100] =	vst v63  }
0x324: {  	s1 =	simm.s32 $0x6100  }
0x325: {  	[tilespmem:s1], [sflag:$0x1] =	stream.indirect_vreg.gather [hbm4b:s8+s2], $0x80, v3, vm0, $0xb8;
	[tilespmem:$0x18100] =	vst v63  }
0x326: {  	s1 =	simm.s32 $0x6900  }
0x327: {  	[tilespmem:s1], [sflag:$0x1] =	stream.indirect_vreg.gather [hbm4b:s9+s2], $0x80, v3, vm0, $0xb8;
	[tilespmem:$0x18100] =	vst v63  }
0x328: {  	s1 =	simm.s32 $0x7100  }
0x329: {  	[tilespmem:s1], [sflag:$0x1] =	stream.indirect_vreg.gather [hbm4b:s10+s2], $0x80, v3, vm0, $0xb8;
	[tilespmem:$0x18100] =	vst v63  }
0x32a: {  	_ = 	snop  }
0x32b: {  	[tilespmem:s12], [sflag:$0x1] =	stream.indirect_vreg.gather [hbm4b:s11+s2], $0x80, v3, vm0, $0xb8;
	[tilespmem:$0x18100] =	vst v63  }
0x32c: {  	v3 =	vld.msk [tilespmem:$0x10], $0xff;
	_ =	sdelay $0x4  }
0x32d: {  	v43 =	vshll.u32 v3, $0x4  }
0x32e: {  	v3 =	vand.u32 $0x7, v3;
	v4 =	vand.u32 $0xFFFFFF80, v43  }
0x32f: {  	v3 =	vor.u32 v3, v4  }
0x330: {  	v3 =	vperm.xlane v3, v0;
	_ =	sdelay $0x1  }
0x331: {  	v3 =	vadd.s32 v1, v3;
	_ =	sdelay $0x4  }
0x332: {  	[tilespmem:s16], [sflag:$0x1] =	stream.indirect_vreg.gather [hbm4b:s4+s2], $0x80, v3, vm0, $0xb8;
	[tilespmem:$0x18100] =	vst v63  }
0x333: {  	s16 =	simm.s32 $0x8900  }
0x334: {  	[tilespmem:s16], [sflag:$0x1] =	stream.indirect_vreg.gather [hbm4b:s5+s2], $0x80, v3, vm0, $0xb8;
	[tilespmem:$0x18100] =	vst v63  }
0x335: {  	_ = 	snop  }
0x336: {  	[tilespmem:s14], [sflag:$0x1] =	stream.indirect_vreg.gather [hbm4b:s6+s2], $0x80, v3, vm0, $0xb8;
	[tilespmem:$0x18100] =	vst v63  }
0x337: {  	_ = 	snop  }
0x338: {  	[tilespmem:s18], [sflag:$0x1] =	stream.indirect_vreg.gather [hbm4b:s7+s2], $0x80, v3, vm0, $0xb8;
	[tilespmem:$0x18100] =	vst v63  }
0x339: {  	_ = 	snop  }
0x33a: {  	[tilespmem:s19], [sflag:$0x1] =	stream.indirect_vreg.gather [hbm4b:s8+s2], $0x80, v3, vm0, $0xb8;
	[tilespmem:$0x18100] =	vst v63  }
0x33b: {  	_ = 	snop  }
0x33c: {  	[tilespmem:s20], [sflag:$0x1] =	stream.indirect_vreg.gather [hbm4b:s9+s2], $0x80, v3, vm0, $0xb8;
	[tilespmem:$0x18100] =	vst v63  }
0x33d: {  	_ = 	snop  }
0x33e: {  	[tilespmem:s21], [sflag:$0x1] =	stream.indirect_vreg.gather [hbm4b:s10+s2], $0x80, v3, vm0, $0xb8;
	[tilespmem:$0x18100] =	vst v63  }
0x33f: {  	s12 =	simm.s32 $0xB900  }
0x340: {  	[tilespmem:s12], [sflag:$0x1] =	stream.indirect_vreg.gather [hbm4b:s11+s2], $0x80, v3, vm0, $0xb8;
	[tilespmem:$0x18100] =	vst v63  }
0x341: {  	v3 =	vld [tilespmem:$0x80];
	_ =	sdelay $0x4  }
0x342: {  	v44 =	vshll.u32 v3, $0x4  }
0x343: {  	v3 =	vand.u32 $0x7, v3;
	v4 =	vand.u32 $0xFFFFFF80, v44  }
0x344: {  	v3 =	vor.u32 v3, v4  }
0x345: {  	v4 =	vperm.xlane v3, v0;
	_ =	sdelay $0x1  }
0x346: {  	v4 =	vadd.s32 v1, v4;
	_ =	sdelay $0x3  }
0x347: {  	s31 =	simm.s32 $0xC100  }
0x348: {  	[tilespmem:s31], [sflag:$0x1] =	stream.indirect_vreg.gather [hbm4b:s4+s2], $0x80, v4, vm0, $0xb8;
	[tilespmem:$0x18100] =	vst v63  }
0x349: {  	s20 =	simm.s32 $0xC900  }
0x34a: {  	[tilespmem:s20], [sflag:$0x1] =	stream.indirect_vreg.gather [hbm4b:s5+s2], $0x80, v4, vm0, $0xb8;
	[tilespmem:$0x18100] =	vst v63  }
0x34b: {  	s16 =	simm.s32 $0xD100  }
0x34c: {  	[tilespmem:s16], [sflag:$0x1] =	stream.indirect_vreg.gather [hbm4b:s6+s2], $0x80, v4, vm0, $0xb8;
	[tilespmem:$0x18100] =	vst v63  }
0x34d: {  	s18 =	simm.s32 $0xD900  }
0x34e: {  	[tilespmem:s18], [sflag:$0x1] =	stream.indirect_vreg.gather [hbm4b:s7+s2], $0x80, v4, vm0, $0xb8;
	[tilespmem:$0x18100] =	vst v63  }
0x34f: {  	_ = 	snop  }
0x350: {  	[tilespmem:s3], [sflag:$0x1] =	stream.indirect_vreg.gather [hbm4b:s8+s2], $0x80, v4, vm0, $0xb8;
	[tilespmem:$0x18100] =	vst v63  }
0x351: {  	s21 =	simm.s32 $0xE900;
	v3 =	vperm.xlane v3, v2  }
0x352: {  	[tilespmem:s21], [sflag:$0x1] =	stream.indirect_vreg.gather [hbm4b:s9+s2], $0x80, v4, vm0, $0xb8;
	[tilespmem:$0x18100] =	vst v63  }
0x353: {  	s19 =	simm.s32 $0xF100;
	v3 =	vadd.s32 v1, v3  }
0x354: {  	[tilespmem:s19], [sflag:$0x1] =	stream.indirect_vreg.gather [hbm4b:s10+s2], $0x80, v4, vm0, $0xb8;
	[tilespmem:$0x18100] =	vst v63  }
0x355: {  	s20 =	simm.s32 $0xF900  }
0x356: {  	[tilespmem:s20], [sflag:$0x1] =	stream.indirect_vreg.gather [hbm4b:s11+s2], $0x80, v4, vm0, $0xb8;
	[tilespmem:$0x18100] =	vst v63  }
0x357: {  	s21 =	simm.s32 $0x10100  }
0x358: {  	[tilespmem:s21], [sflag:$0x1] =	stream.indirect_vreg.gather [hbm4b:s4+s2], $0x80, v3, vm0, $0xb8;
	[tilespmem:$0x18100] =	vst v63  }
0x359: {  	s31 =	simm.s32 $0x10900  }
0x35a: {  	[tilespmem:s31], [sflag:$0x1] =	stream.indirect_vreg.gather [hbm4b:s5+s2], $0x80, v3, vm0, $0xb8;
	[tilespmem:$0x18100] =	vst v63  }
0x35b: {  	s3 =	simm.s32 $0x11100  }
0x35c: {  	[tilespmem:s3], [sflag:$0x1] =	stream.indirect_vreg.gather [hbm4b:s6+s2], $0x80, v3, vm0, $0xb8;
	[tilespmem:$0x18100] =	vst v63  }
0x35d: {  	s14 =	simm.s32 $0x11900  }
0x35e: {  	[tilespmem:s14], [sflag:$0x1] =	stream.indirect_vreg.gather [hbm4b:s7+s2], $0x80, v3, vm0, $0xb8;
	[tilespmem:$0x18100] =	vst v63  }
0x35f: {  	s31 =	simm.s32 $0x12100  }
0x360: {  	[tilespmem:s31], [sflag:$0x1] =	stream.indirect_vreg.gather [hbm4b:s8+s2], $0x80, v3, vm0, $0xb8;
	[tilespmem:$0x18100] =	vst v63  }
0x361: {  	s3 =	simm.s32 $0x12900  }
0x362: {  	[tilespmem:s3], [sflag:$0x1] =	stream.indirect_vreg.gather [hbm4b:s9+s2], $0x80, v3, vm0, $0xb8;
	[tilespmem:$0x18100] =	vst v63  }
0x363: {  	s14 =	simm.s32 $0x13100  }
0x364: {  	[tilespmem:s14], [sflag:$0x1] =	stream.indirect_vreg.gather [hbm4b:s10+s2], $0x80, v3, vm0, $0xb8;
	[tilespmem:$0x18100] =	vst v63  }
0x365: {  	s31 =	simm.s32 $0x13900  }
0x366: {  	[tilespmem:s31], [sflag:$0x1] =	stream.indirect_vreg.gather [hbm4b:s11+s2], $0x80, v3, vm0, $0xb8;
	[tilespmem:$0x18100] =	vst v63  }
0x367: {  	v3 =	vld.msk [tilespmem:$0x90], $0xff;
	_ =	sdelay $0x4  }
0x368: {  	v45 =	vshll.u32 v3, $0x4  }
0x369: {  	v3 =	vand.u32 $0x7, v3;
	v4 =	vand.u32 $0xFFFFFF80, v45  }
0x36a: {  	v3 =	vor.u32 v3, v4  }
0x36b: {  	v3 =	vperm.xlane v3, v0;
	_ =	sdelay $0x1  }
0x36c: {  	v3 =	vadd.s32 v1, v3;
	_ =	sdelay $0x4  }
0x36d: {  	[tilespmem:s17], [sflag:$0x1] =	stream.indirect_vreg.gather [hbm4b:s4+s2], $0x80, v3, vm0, $0xb8;
	[tilespmem:$0x18100] =	vst v63  }
0x36e: {  	_ = 	snop  }
0x36f: {  	[tilespmem:s22], [sflag:$0x1] =	stream.indirect_vreg.gather [hbm4b:s5+s2], $0x80, v3, vm0, $0xb8;
	[tilespmem:$0x18100] =	vst v63  }
0x370: {  	_ = 	snop  }
0x371: {  	[tilespmem:s23], [sflag:$0x1] =	stream.indirect_vreg.gather [hbm4b:s6+s2], $0x80, v3, vm0, $0xb8;
	[tilespmem:$0x18100] =	vst v63  }
0x372: {  	_ = 	snop  }
0x373: {  	[tilespmem:s24], [sflag:$0x1] =	stream.indirect_vreg.gather [hbm4b:s7+s2], $0x80, v3, vm0, $0xb8;
	[tilespmem:$0x18100] =	vst v63  }
0x374: {  	_ = 	snop  }
0x375: {  	[tilespmem:s25], [sflag:$0x1] =	stream.indirect_vreg.gather [hbm4b:s8+s2], $0x80, v3, vm0, $0xb8;
	[tilespmem:$0x18100] =	vst v63  }
0x376: {  	s24 =	simm.s32 $0x16900  }
0x377: {  	[tilespmem:s24], [sflag:$0x1] =	stream.indirect_vreg.gather [hbm4b:s9+s2], $0x80, v3, vm0, $0xb8;
	[tilespmem:$0x18100] =	vst v63  }
0x378: {  	s25 =	simm.s32 $0x17100  }
0x379: {  	[tilespmem:s25], [sflag:$0x1] =	stream.indirect_vreg.gather [hbm4b:s10+s2], $0x80, v3, vm0, $0xb8;
	[tilespmem:$0x18100] =	vst v63  }
0x37a: {  	s14 =	simm.s32 $0x17900  }
0x37b: {  	[tilespmem:s14], [sflag:$0x1] =	stream.indirect_vreg.gather [hbm4b:s11+s2], $0x80, v3, vm0, $0xb8;
	[tilespmem:$0x18100] =	vst v63  }
0x37c: {  	_ =	swait.ge [sflag:s29], $0xC000  }
0x37d: {  	[sflag:s29] =	ssyncset.done $0x0  }
0x37e: {  	[sflag:s29] =	ssyncadd.s32 $0xFFFF4000  }
0x37f: {  	_ =	swait.ge [sflag:s29], $0xC000  }
0x380: {  	[sflag:s29] =	ssyncset.done $0x0  }
0x381: {  	s17 =	simm.s32 $0x100;
	s3 =	rddreg [dreg:$0x17];
	[sflag:s29] =	ssyncadd.s32 $0xFFFF4000  }
0x382: {  	[hbm4b:s3+s2] =	stream.linear.scatter [tilespmem:s17], [sflag:$0x2], $0xC000, $0x38;
	[tilespmem:$0x18100] =	vst v63  }
0x383: {  	s0 =	simm.s32 $0xC100;
	s22 =	rddreg [dreg:$0x18]  }
0x384: {  	[hbm4b:s22+s2] =	stream.linear.scatter [tilespmem:s0], [sflag:$0x2], $0xC000, $0x38;
	[tilespmem:$0x18100] =	vst v63  }
0x385: {  	s23 =	rddreg [dreg:$0x19]  }
0x386: {  	[tilespmem:s2], [sflag:$0x3] =	stream.linear.gather [hbm4b:s23+s2], $0x18, $0x38;
	[tilespmem:$0x18100] =	vst v63  }
0x387: {  	_ =	swait.ge [sflag:s13], $0x18  }
0x388: {  	[sflag:s13] =	ssyncset.done $0x0  }
0x389: {  	s22 =	simm.s32 $0x80;
	s3 =	rddreg [dreg:$0x1a];
	[sflag:s13] =	ssyncadd.s32 $0xFFFFFFE8  }
0x38a: {  	[tilespmem:s22], [sflag:$0x3] =	stream.linear.gather [hbm4b:s3+s2], $0x18, $0x38;
	[tilespmem:$0x18100] =	vst v63  }
0x38b: {  	_ =	swait.ge [sflag:s13], $0x18  }
0x38c: {  	[sflag:s13] =	ssyncset.done $0x0  }
0x38d: {  	[sflag:s13] =	ssyncadd.s32 $0xFFFFFFE8  }
0x38e: {  	_ =	swait.ge [sflag:s30], $0xC000  }
0x38f: {  	[sflag:s30] =	ssyncset.done $0x0  }
0x390: {  	[sflag:s30] =	ssyncadd.s32 $0xFFFF4000  }
0x391: {  	_ =	swait.ge [sflag:s30], $0xC000  }
0x392: {  	[sflag:s30] =	ssyncset.done $0x0  }
0x393: {  	[sflag:s30] =	ssyncadd.s32 $0xFFFF4000  }
0x394: {  	v3 =	vld [tilespmem:$0x0];
	_ =	sdelay $0x4  }
0x395: {  	v46 =	vshll.u32 v3, $0x4  }
0x396: {  	v3 =	vand.u32 $0x7, v3;
	v4 =	vand.u32 $0xFFFFFF80, v46  }
0x397: {  	v3 =	vor.u32 v3, v4  }
0x398: {  	v4 =	vperm.xlane v3, v0;
	_ =	sdelay $0x1  }
0x399: {  	v4 =	vadd.s32 v1, v4;
	_ =	sdelay $0x4  }
0x39a: {  	[tilespmem:s17], [sflag:$0x1] =	stream.indirect_vreg.gather [hbm4b:s4+s2], $0x80, v4, vm0, $0xb8;
	[tilespmem:$0x18100] =	vst v63  }
0x39b: {  	_ = 	snop  }
0x39c: {  	[tilespmem:s15], [sflag:$0x1] =	stream.indirect_vreg.gather [hbm4b:s5+s2], $0x80, v4, vm0, $0xb8;
	[tilespmem:$0x18100] =	vst v63  }
0x39d: {  	_ = 	snop  }
0x39e: {  	[tilespmem:s26], [sflag:$0x1] =	stream.indirect_vreg.gather [hbm4b:s6+s2], $0x80, v4, vm0, $0xb8;
	[tilespmem:$0x18100] =	vst v63  }
0x39f: {  	s23 =	simm.s32 $0x1900  }
0x3a0: {  	[tilespmem:s23], [sflag:$0x1] =	stream.indirect_vreg.gather [hbm4b:s7+s2], $0x80, v4, vm0, $0xb8;
	[tilespmem:$0x18100] =	vst v63  }
0x3a1: {  	s0 =	simm.s32 $0x2100  }
0x3a2: {  	[tilespmem:s0], [sflag:$0x1] =	stream.indirect_vreg.gather [hbm4b:s8+s2], $0x80, v4, vm0, $0xb8;
	[tilespmem:$0x18100] =	vst v63  }
0x3a3: {  	v3 =	vperm.xlane v3, v2;
	s17 =	simm.s32 $0x2900  }
0x3a4: {  	[tilespmem:s17], [sflag:$0x1] =	stream.indirect_vreg.gather [hbm4b:s9+s2], $0x80, v4, vm0, $0xb8;
	[tilespmem:$0x18100] =	vst v63  }
0x3a5: {  	v3 =	vadd.s32 v1, v3  }
0x3a6: {  	[tilespmem:s28], [sflag:$0x1] =	stream.indirect_vreg.gather [hbm4b:s10+s2], $0x80, v4, vm0, $0xb8;
	[tilespmem:$0x18100] =	vst v63  }
0x3a7: {  	s26 =	simm.s32 $0x3900  }
0x3a8: {  	[tilespmem:s26], [sflag:$0x1] =	stream.indirect_vreg.gather [hbm4b:s11+s2], $0x80, v4, vm0, $0xb8;
	[tilespmem:$0x18100] =	vst v63  }
0x3a9: {  	s28 =	simm.s32 $0x4100  }
0x3aa: {  	[tilespmem:s28], [sflag:$0x1] =	stream.indirect_vreg.gather [hbm4b:s4+s2], $0x80, v3, vm0, $0xb8;
	[tilespmem:$0x18100] =	vst v63  }
0x3ab: {  	s3 =	simm.s32 $0x4900  }
0x3ac: {  	[tilespmem:s3], [sflag:$0x1] =	stream.indirect_vreg.gather [hbm4b:s5+s2], $0x80, v3, vm0, $0xb8;
	[tilespmem:$0x18100] =	vst v63  }
0x3ad: {  	s15 =	simm.s32 $0x5100  }
0x3ae: {  	[tilespmem:s15], [sflag:$0x1] =	stream.indirect_vreg.gather [hbm4b:s6+s2], $0x80, v3, vm0, $0xb8;
	[tilespmem:$0x18100] =	vst v63  }
0x3af: {  	s23 =	simm.s32 $0x5900  }
0x3b0: {  	[tilespmem:s23], [sflag:$0x1] =	stream.indirect_vreg.gather [hbm4b:s7+s2], $0x80, v3, vm0, $0xb8;
	[tilespmem:$0x18100] =	vst v63  }
0x3b1: {  	s26 =	simm.s32 $0x6100  }
0x3b2: {  	[tilespmem:s26], [sflag:$0x1] =	stream.indirect_vreg.gather [hbm4b:s8+s2], $0x80, v3, vm0, $0xb8;
	[tilespmem:$0x18100] =	vst v63  }
0x3b3: {  	s28 =	simm.s32 $0x6900  }
0x3b4: {  	[tilespmem:s28], [sflag:$0x1] =	stream.indirect_vreg.gather [hbm4b:s9+s2], $0x80, v3, vm0, $0xb8;
	[tilespmem:$0x18100] =	vst v63  }
0x3b5: {  	s3 =	simm.s32 $0x7100  }
0x3b6: {  	[tilespmem:s3], [sflag:$0x1] =	stream.indirect_vreg.gather [hbm4b:s10+s2], $0x80, v3, vm0, $0xb8;
	[tilespmem:$0x18100] =	vst v63  }
0x3b7: {  	s3 =	simm.s32 $0x7900  }
0x3b8: {  	[tilespmem:s3], [sflag:$0x1] =	stream.indirect_vreg.gather [hbm4b:s11+s2], $0x80, v3, vm0, $0xb8;
	[tilespmem:$0x18100] =	vst v63  }
0x3b9: {  	v3 =	vld.msk [tilespmem:$0x10], $0xff;
	_ =	sdelay $0x4  }
0x3ba: {  	v47 =	vshll.u32 v3, $0x4  }
0x3bb: {  	v3 =	vand.u32 $0x7, v3;
	v4 =	vand.u32 $0xFFFFFF80, v47  }
0x3bc: {  	v3 =	vor.u32 v3, v4  }
0x3bd: {  	v3 =	vperm.xlane v3, v0;
	_ =	sdelay $0x1  }
0x3be: {  	v3 =	vadd.s32 v1, v3;
	_ =	sdelay $0x3  }
0x3bf: {  	s15 =	simm.s32 $0x8100  }
0x3c0: {  	[tilespmem:s15], [sflag:$0x1] =	stream.indirect_vreg.gather [hbm4b:s4+s2], $0x80, v3, vm0, $0xb8;
	[tilespmem:$0x18100] =	vst v63  }
0x3c1: {  	s15 =	simm.s32 $0x8900  }
0x3c2: {  	[tilespmem:s15], [sflag:$0x1] =	stream.indirect_vreg.gather [hbm4b:s5+s2], $0x80, v3, vm0, $0xb8;
	[tilespmem:$0x18100] =	vst v63  }
0x3c3: {  	s23 =	simm.s32 $0x9100  }
0x3c4: {  	[tilespmem:s23], [sflag:$0x1] =	stream.indirect_vreg.gather [hbm4b:s6+s2], $0x80, v3, vm0, $0xb8;
	[tilespmem:$0x18100] =	vst v63  }
0x3c5: {  	s26 =	simm.s32 $0x9900  }
0x3c6: {  	[tilespmem:s26], [sflag:$0x1] =	stream.indirect_vreg.gather [hbm4b:s7+s2], $0x80, v3, vm0, $0xb8;
	[tilespmem:$0x18100] =	vst v63  }
0x3c7: {  	s28 =	simm.s32 $0xA100  }
0x3c8: {  	[tilespmem:s28], [sflag:$0x1] =	stream.indirect_vreg.gather [hbm4b:s8+s2], $0x80, v3, vm0, $0xb8;
	[tilespmem:$0x18100] =	vst v63  }
0x3c9: {  	s23 =	simm.s32 $0xA900  }
0x3ca: {  	[tilespmem:s23], [sflag:$0x1] =	stream.indirect_vreg.gather [hbm4b:s9+s2], $0x80, v3, vm0, $0xb8;
	[tilespmem:$0x18100] =	vst v63  }
0x3cb: {  	s26 =	simm.s32 $0xB100  }
0x3cc: {  	[tilespmem:s26], [sflag:$0x1] =	stream.indirect_vreg.gather [hbm4b:s10+s2], $0x80, v3, vm0, $0xb8;
	[tilespmem:$0x18100] =	vst v63  }
0x3cd: {  	_ = 	snop  }
0x3ce: {  	[tilespmem:s12], [sflag:$0x1] =	stream.indirect_vreg.gather [hbm4b:s11+s2], $0x80, v3, vm0, $0xb8;
	[tilespmem:$0x18100] =	vst v63  }
0x3cf: {  	v3 =	vld [tilespmem:$0x80];
	_ =	sdelay $0x4  }
0x3d0: {  	v48 =	vshll.u32 v3, $0x4  }
0x3d1: {  	v3 =	vand.u32 $0x7, v3;
	v4 =	vand.u32 $0xFFFFFF80, v48  }
0x3d2: {  	v3 =	vor.u32 v3, v4  }
0x3d3: {  	v4 =	vperm.xlane v3, v0;
	_ =	sdelay $0x1  }
0x3d4: {  	v4 =	vadd.s32 v1, v4;
	_ =	sdelay $0x3  }
0x3d5: {  	s31 =	simm.s32 $0xC100  }
0x3d6: {  	[tilespmem:s31], [sflag:$0x1] =	stream.indirect_vreg.gather [hbm4b:s4+s2], $0x80, v4, vm0, $0xb8;
	[tilespmem:$0x18100] =	vst v63  }
0x3d7: {  	s12 =	simm.s32 $0xC900  }
0x3d8: {  	[tilespmem:s12], [sflag:$0x1] =	stream.indirect_vreg.gather [hbm4b:s5+s2], $0x80, v4, vm0, $0xb8;
	[tilespmem:$0x18100] =	vst v63  }
0x3d9: {  	_ = 	snop  }
0x3da: {  	[tilespmem:s16], [sflag:$0x1] =	stream.indirect_vreg.gather [hbm4b:s6+s2], $0x80, v4, vm0, $0xb8;
	[tilespmem:$0x18100] =	vst v63  }
0x3db: {  	_ = 	snop  }
0x3dc: {  	[tilespmem:s18], [sflag:$0x1] =	stream.indirect_vreg.gather [hbm4b:s7+s2], $0x80, v4, vm0, $0xb8;
	[tilespmem:$0x18100] =	vst v63  }
0x3dd: {  	s12 =	simm.s32 $0xE100  }
0x3de: {  	[tilespmem:s12], [sflag:$0x1] =	stream.indirect_vreg.gather [hbm4b:s8+s2], $0x80, v4, vm0, $0xb8;
	[tilespmem:$0x18100] =	vst v63  }
0x3df: {  	v3 =	vperm.xlane v3, v2;
	s18 =	simm.s32 $0xE900  }
0x3e0: {  	[tilespmem:s18], [sflag:$0x1] =	stream.indirect_vreg.gather [hbm4b:s9+s2], $0x80, v4, vm0, $0xb8;
	[tilespmem:$0x18100] =	vst v63  }
0x3e1: {  	v3 =	vadd.s32 v1, v3  }
0x3e2: {  	[tilespmem:s19], [sflag:$0x1] =	stream.indirect_vreg.gather [hbm4b:s10+s2], $0x80, v4, vm0, $0xb8;
	[tilespmem:$0x18100] =	vst v63  }
0x3e3: {  	_ = 	snop  }
0x3e4: {  	[tilespmem:s20], [sflag:$0x1] =	stream.indirect_vreg.gather [hbm4b:s11+s2], $0x80, v4, vm0, $0xb8;
	[tilespmem:$0x18100] =	vst v63  }
0x3e5: {  	_ = 	snop  }
0x3e6: {  	[tilespmem:s21], [sflag:$0x1] =	stream.indirect_vreg.gather [hbm4b:s4+s2], $0x80, v3, vm0, $0xb8;
	[tilespmem:$0x18100] =	vst v63  }
0x3e7: {  	s21 =	simm.s32 $0x10900  }
0x3e8: {  	[tilespmem:s21], [sflag:$0x1] =	stream.indirect_vreg.gather [hbm4b:s5+s2], $0x80, v3, vm0, $0xb8;
	[tilespmem:$0x18100] =	vst v63  }
0x3e9: {  	s31 =	simm.s32 $0x11100  }
0x3ea: {  	[tilespmem:s31], [sflag:$0x1] =	stream.indirect_vreg.gather [hbm4b:s6+s2], $0x80, v3, vm0, $0xb8;
	[tilespmem:$0x18100] =	vst v63  }
0x3eb: {  	s16 =	simm.s32 $0x11900  }
0x3ec: {  	[tilespmem:s16], [sflag:$0x1] =	stream.indirect_vreg.gather [hbm4b:s7+s2], $0x80, v3, vm0, $0xb8;
	[tilespmem:$0x18100] =	vst v63  }
0x3ed: {  	s18 =	simm.s32 $0x12100  }
0x3ee: {  	[tilespmem:s18], [sflag:$0x1] =	stream.indirect_vreg.gather [hbm4b:s8+s2], $0x80, v3, vm0, $0xb8;
	[tilespmem:$0x18100] =	vst v63  }
0x3ef: {  	s19 =	simm.s32 $0x12900  }
0x3f0: {  	[tilespmem:s19], [sflag:$0x1] =	stream.indirect_vreg.gather [hbm4b:s9+s2], $0x80, v3, vm0, $0xb8;
	[tilespmem:$0x18100] =	vst v63  }
0x3f1: {  	s20 =	simm.s32 $0x13100  }
0x3f2: {  	[tilespmem:s20], [sflag:$0x1] =	stream.indirect_vreg.gather [hbm4b:s10+s2], $0x80, v3, vm0, $0xb8;
	[tilespmem:$0x18100] =	vst v63  }
0x3f3: {  	s21 =	simm.s32 $0x13900  }
0x3f4: {  	[tilespmem:s21], [sflag:$0x1] =	stream.indirect_vreg.gather [hbm4b:s11+s2], $0x80, v3, vm0, $0xb8;
	[tilespmem:$0x18100] =	vst v63  }
0x3f5: {  	v3 =	vld.msk [tilespmem:$0x90], $0xff;
	_ =	sdelay $0x4  }
0x3f6: {  	v49 =	vshll.u32 v3, $0x4  }
0x3f7: {  	v3 =	vand.u32 $0x7, v3;
	v4 =	vand.u32 $0xFFFFFF80, v49  }
0x3f8: {  	v3 =	vor.u32 v3, v4  }
0x3f9: {  	v3 =	vperm.xlane v3, v0;
	_ =	sdelay $0x1  }
0x3fa: {  	v3 =	vadd.s32 v1, v3;
	_ =	sdelay $0x3  }
0x3fb: {  	s16 =	simm.s32 $0x14100  }
0x3fc: {  	[tilespmem:s16], [sflag:$0x1] =	stream.indirect_vreg.gather [hbm4b:s4+s2], $0x80, v3, vm0, $0xb8;
	[tilespmem:$0x18100] =	vst v63  }
0x3fd: {  	s18 =	simm.s32 $0x14900  }
0x3fe: {  	[tilespmem:s18], [sflag:$0x1] =	stream.indirect_vreg.gather [hbm4b:s5+s2], $0x80, v3, vm0, $0xb8;
	[tilespmem:$0x18100] =	vst v63  }
0x3ff: {  	s19 =	simm.s32 $0x15100  }
0x400: {  	[tilespmem:s19], [sflag:$0x1] =	stream.indirect_vreg.gather [hbm4b:s6+s2], $0x80, v3, vm0, $0xb8;
	[tilespmem:$0x18100] =	vst v63  }
0x401: {  	s20 =	simm.s32 $0x15900  }
0x402: {  	[tilespmem:s20], [sflag:$0x1] =	stream.indirect_vreg.gather [hbm4b:s7+s2], $0x80, v3, vm0, $0xb8;
	[tilespmem:$0x18100] =	vst v63  }
0x403: {  	s21 =	simm.s32 $0x16100  }
0x404: {  	[tilespmem:s21], [sflag:$0x1] =	stream.indirect_vreg.gather [hbm4b:s8+s2], $0x80, v3, vm0, $0xb8;
	[tilespmem:$0x18100] =	vst v63  }
0x405: {  	_ = 	snop  }
0x406: {  	[tilespmem:s24], [sflag:$0x1] =	stream.indirect_vreg.gather [hbm4b:s9+s2], $0x80, v3, vm0, $0xb8;
	[tilespmem:$0x18100] =	vst v63  }
0x407: {  	_ = 	snop  }
0x408: {  	[tilespmem:s25], [sflag:$0x1] =	stream.indirect_vreg.gather [hbm4b:s10+s2], $0x80, v3, vm0, $0xb8;
	[tilespmem:$0x18100] =	vst v63  }
0x409: {  	_ = 	snop  }
0x40a: {  	[tilespmem:s14], [sflag:$0x1] =	stream.indirect_vreg.gather [hbm4b:s11+s2], $0x80, v3, vm0, $0xb8;
	[tilespmem:$0x18100] =	vst v63  }
0x40b: {  	_ =	swait.ge [sflag:s29], $0xC000  }
0x40c: {  	[sflag:s29] =	ssyncset.done $0x0  }
0x40d: {  	[sflag:s29] =	ssyncadd.s32 $0xFFFF4000  }
0x40e: {  	_ =	swait.ge [sflag:s29], $0xC000  }
0x40f: {  	[sflag:s29] =	ssyncset.done $0x0  }
0x410: {  	s24 =	simm.s32 $0x100;
	s25 =	rddreg [dreg:$0x1b];
	[sflag:s29] =	ssyncadd.s32 $0xFFFF4000  }
0x411: {  	[hbm4b:s25+s2] =	stream.linear.scatter [tilespmem:s24], [sflag:$0x2], $0xC000, $0x38;
	[tilespmem:$0x18100] =	vst v63  }
0x412: {  	s28 =	simm.s32 $0xC100;
	s14 =	rddreg [dreg:$0x1c]  }
0x413: {  	[hbm4b:s14+s2] =	stream.linear.scatter [tilespmem:s28], [sflag:$0x2], $0xC000, $0x38;
	[tilespmem:$0x18100] =	vst v63  }
0x414: {  	s25 =	rddreg [dreg:$0x1d]  }
0x415: {  	[tilespmem:s2], [sflag:$0x3] =	stream.linear.gather [hbm4b:s25+s2], $0x18, $0x38;
	[tilespmem:$0x18100] =	vst v63  }
0x416: {  	_ =	swait.ge [sflag:s13], $0x18  }
0x417: {  	[sflag:s13] =	ssyncset.done $0x0  }
0x418: {  	s28 =	rddreg [dreg:$0x1e];
	[sflag:s13] =	ssyncadd.s32 $0xFFFFFFE8  }
0x419: {  	[tilespmem:s22], [sflag:$0x3] =	stream.linear.gather [hbm4b:s28+s2], $0x18, $0x38;
	[tilespmem:$0x18100] =	vst v63  }
0x41a: {  	_ =	swait.ge [sflag:s13], $0x18  }
0x41b: {  	[sflag:s13] =	ssyncset.done $0x0  }
0x41c: {  	[sflag:s13] =	ssyncadd.s32 $0xFFFFFFE8  }
0x41d: {  	_ =	swait.ge [sflag:s30], $0xC000  }
0x41e: {  	[sflag:s30] =	ssyncset.done $0x0  }
0x41f: {  	[sflag:s30] =	ssyncadd.s32 $0xFFFF4000  }
0x420: {  	_ =	swait.ge [sflag:s30], $0xC000  }
0x421: {  	[sflag:s30] =	ssyncset.done $0x0  }
0x422: {  	[sflag:s30] =	ssyncadd.s32 $0xFFFF4000  }
0x423: {  	v3 =	vld [tilespmem:$0x0];
	_ =	sdelay $0x4  }
0x424: {  	v50 =	vshll.u32 v3, $0x4  }
0x425: {  	v3 =	vand.u32 $0x7, v3;
	v4 =	vand.u32 $0xFFFFFF80, v50  }
0x426: {  	v3 =	vor.u32 v3, v4  }
0x427: {  	v4 =	vperm.xlane v3, v0;
	_ =	sdelay $0x1  }
0x428: {  	v4 =	vadd.s32 v1, v4;
	_ =	sdelay $0x4  }
0x429: {  	[tilespmem:s24], [sflag:$0x1] =	stream.indirect_vreg.gather [hbm4b:s4+s2], $0x80, v4, vm0, $0xb8;
	[tilespmem:$0x18100] =	vst v63  }
0x42a: {  	s14 =	simm.s32 $0x900  }
0x42b: {  	[tilespmem:s14], [sflag:$0x1] =	stream.indirect_vreg.gather [hbm4b:s5+s2], $0x80, v4, vm0, $0xb8;
	[tilespmem:$0x18100] =	vst v63  }
0x42c: {  	s22 =	simm.s32 $0x1100  }
0x42d: {  	[tilespmem:s22], [sflag:$0x1] =	stream.indirect_vreg.gather [hbm4b:s6+s2], $0x80, v4, vm0, $0xb8;
	[tilespmem:$0x18100] =	vst v63  }
0x42e: {  	s24 =	simm.s32 $0x1900  }
0x42f: {  	[tilespmem:s24], [sflag:$0x1] =	stream.indirect_vreg.gather [hbm4b:s7+s2], $0x80, v4, vm0, $0xb8;
	[tilespmem:$0x18100] =	vst v63  }
0x430: {  	_ = 	snop  }
0x431: {  	[tilespmem:s0], [sflag:$0x1] =	stream.indirect_vreg.gather [hbm4b:s8+s2], $0x80, v4, vm0, $0xb8;
	[tilespmem:$0x18100] =	vst v63  }
0x432: {  	v3 =	vperm.xlane v3, v2  }
0x433: {  	[tilespmem:s17], [sflag:$0x1] =	stream.indirect_vreg.gather [hbm4b:s9+s2], $0x80, v4, vm0, $0xb8;
	[tilespmem:$0x18100] =	vst v63  }
0x434: {  	s25 =	simm.s32 $0x3100;
	v3 =	vadd.s32 v1, v3  }
0x435: {  	[tilespmem:s25], [sflag:$0x1] =	stream.indirect_vreg.gather [hbm4b:s10+s2], $0x80, v4, vm0, $0xb8;
	[tilespmem:$0x18100] =	vst v63  }
0x436: {  	s28 =	simm.s32 $0x3900  }
0x437: {  	[tilespmem:s28], [sflag:$0x1] =	stream.indirect_vreg.gather [hbm4b:s11+s2], $0x80, v4, vm0, $0xb8;
	[tilespmem:$0x18100] =	vst v63  }
0x438: {  	s17 =	simm.s32 $0x4100  }
0x439: {  	[tilespmem:s17], [sflag:$0x1] =	stream.indirect_vreg.gather [hbm4b:s4+s2], $0x80, v3, vm0, $0xb8;
	[tilespmem:$0x18100] =	vst v63  }
0x43a: {  	s1 =	simm.s32 $0x4900  }
0x43b: {  	[tilespmem:s1], [sflag:$0x1] =	stream.indirect_vreg.gather [hbm4b:s5+s2], $0x80, v3, vm0, $0xb8;
	[tilespmem:$0x18100] =	vst v63  }
0x43c: {  	s17 =	simm.s32 $0x5100  }
0x43d: {  	[tilespmem:s17], [sflag:$0x1] =	stream.indirect_vreg.gather [hbm4b:s6+s2], $0x80, v3, vm0, $0xb8;
	[tilespmem:$0x18100] =	vst v63  }
0x43e: {  	s1 =	simm.s32 $0x5900  }
0x43f: {  	[tilespmem:s1], [sflag:$0x1] =	stream.indirect_vreg.gather [hbm4b:s7+s2], $0x80, v3, vm0, $0xb8;
	[tilespmem:$0x18100] =	vst v63  }
0x440: {  	s17 =	simm.s32 $0x6100  }
0x441: {  	[tilespmem:s17], [sflag:$0x1] =	stream.indirect_vreg.gather [hbm4b:s8+s2], $0x80, v3, vm0, $0xb8;
	[tilespmem:$0x18100] =	vst v63  }
0x442: {  	s1 =	simm.s32 $0x6900  }
0x443: {  	[tilespmem:s1], [sflag:$0x1] =	stream.indirect_vreg.gather [hbm4b:s9+s2], $0x80, v3, vm0, $0xb8;
	[tilespmem:$0x18100] =	vst v63  }
0x444: {  	s17 =	simm.s32 $0x7100  }
0x445: {  	[tilespmem:s17], [sflag:$0x1] =	stream.indirect_vreg.gather [hbm4b:s10+s2], $0x80, v3, vm0, $0xb8;
	[tilespmem:$0x18100] =	vst v63  }
0x446: {  	_ = 	snop  }
0x447: {  	[tilespmem:s3], [sflag:$0x1] =	stream.indirect_vreg.gather [hbm4b:s11+s2], $0x80, v3, vm0, $0xb8;
	[tilespmem:$0x18100] =	vst v63  }
0x448: {  	v3 =	vld.msk [tilespmem:$0x10], $0xff;
	_ =	sdelay $0x4  }
0x449: {  	v51 =	vshll.u32 v3, $0x4  }
0x44a: {  	v3 =	vand.u32 $0x7, v3;
	v4 =	vand.u32 $0xFFFFFF80, v51  }
0x44b: {  	v3 =	vor.u32 v3, v4  }
0x44c: {  	v3 =	vperm.xlane v3, v0;
	_ =	sdelay $0x1  }
0x44d: {  	v3 =	vadd.s32 v1, v3;
	_ =	sdelay $0x3  }
0x44e: {  	s1 =	simm.s32 $0x8100  }
0x44f: {  	[tilespmem:s1], [sflag:$0x1] =	stream.indirect_vreg.gather [hbm4b:s4+s2], $0x80, v3, vm0, $0xb8;
	[tilespmem:$0x18100] =	vst v63  }
0x450: {  	_ = 	snop  }
0x451: {  	[tilespmem:s15], [sflag:$0x1] =	stream.indirect_vreg.gather [hbm4b:s5+s2], $0x80, v3, vm0, $0xb8;
	[tilespmem:$0x18100] =	vst v63  }
0x452: {  	s15 =	simm.s32 $0x9100  }
0x453: {  	[tilespmem:s15], [sflag:$0x1] =	stream.indirect_vreg.gather [hbm4b:s6+s2], $0x80, v3, vm0, $0xb8;
	[tilespmem:$0x18100] =	vst v63  }
0x454: {  	s3 =	simm.s32 $0x9900  }
0x455: {  	[tilespmem:s3], [sflag:$0x1] =	stream.indirect_vreg.gather [hbm4b:s7+s2], $0x80, v3, vm0, $0xb8;
	[tilespmem:$0x18100] =	vst v63  }
0x456: {  	s17 =	simm.s32 $0xA100  }
0x457: {  	[tilespmem:s17], [sflag:$0x1] =	stream.indirect_vreg.gather [hbm4b:s8+s2], $0x80, v3, vm0, $0xb8;
	[tilespmem:$0x18100] =	vst v63  }
0x458: {  	_ = 	snop  }
0x459: {  	[tilespmem:s23], [sflag:$0x1] =	stream.indirect_vreg.gather [hbm4b:s9+s2], $0x80, v3, vm0, $0xb8;
	[tilespmem:$0x18100] =	vst v63  }
0x45a: {  	_ = 	snop  }
0x45b: {  	[tilespmem:s26], [sflag:$0x1] =	stream.indirect_vreg.gather [hbm4b:s10+s2], $0x80, v3, vm0, $0xb8;
	[tilespmem:$0x18100] =	vst v63  }
0x45c: {  	s17 =	simm.s32 $0xB900  }
0x45d: {  	[tilespmem:s17], [sflag:$0x1] =	stream.indirect_vreg.gather [hbm4b:s11+s2], $0x80, v3, vm0, $0xb8;
	[tilespmem:$0x18100] =	vst v63  }
0x45e: {  	v3 =	vld [tilespmem:$0x80];
	_ =	sdelay $0x4  }
0x45f: {  	v52 =	vshll.u32 v3, $0x4  }
0x460: {  	v3 =	vand.u32 $0x7, v3;
	v4 =	vand.u32 $0xFFFFFF80, v52  }
0x461: {  	v3 =	vor.u32 v3, v4  }
0x462: {  	v4 =	vperm.xlane v3, v0;
	_ =	sdelay $0x1  }
0x463: {  	v4 =	vadd.s32 v1, v4;
	_ =	sdelay $0x3  }
0x464: {  	s31 =	simm.s32 $0xC100  }
0x465: {  	[tilespmem:s31], [sflag:$0x1] =	stream.indirect_vreg.gather [hbm4b:s4+s2], $0x80, v4, vm0, $0xb8;
	[tilespmem:$0x18100] =	vst v63  }
0x466: {  	s23 =	simm.s32 $0xC900  }
0x467: {  	[tilespmem:s23], [sflag:$0x1] =	stream.indirect_vreg.gather [hbm4b:s5+s2], $0x80, v4, vm0, $0xb8;
	[tilespmem:$0x18100] =	vst v63  }
0x468: {  	s26 =	simm.s32 $0xD100  }
0x469: {  	[tilespmem:s26], [sflag:$0x1] =	stream.indirect_vreg.gather [hbm4b:s6+s2], $0x80, v4, vm0, $0xb8;
	[tilespmem:$0x18100] =	vst v63  }
0x46a: {  	s31 =	simm.s32 $0xD900  }
0x46b: {  	[tilespmem:s31], [sflag:$0x1] =	stream.indirect_vreg.gather [hbm4b:s7+s2], $0x80, v4, vm0, $0xb8;
	[tilespmem:$0x18100] =	vst v63  }
0x46c: {  	_ = 	snop  }
0x46d: {  	[tilespmem:s12], [sflag:$0x1] =	stream.indirect_vreg.gather [hbm4b:s8+s2], $0x80, v4, vm0, $0xb8;
	[tilespmem:$0x18100] =	vst v63  }
0x46e: {  	s3 =	simm.s32 $0xE900;
	v3 =	vperm.xlane v3, v2  }
0x46f: {  	[tilespmem:s3], [sflag:$0x1] =	stream.indirect_vreg.gather [hbm4b:s9+s2], $0x80, v4, vm0, $0xb8;
	[tilespmem:$0x18100] =	vst v63  }
0x470: {  	v3 =	vadd.s32 v1, v3;
	s12 =	simm.s32 $0xF100  }
0x471: {  	[tilespmem:s12], [sflag:$0x1] =	stream.indirect_vreg.gather [hbm4b:s10+s2], $0x80, v4, vm0, $0xb8;
	[tilespmem:$0x18100] =	vst v63  }
0x472: {  	s31 =	simm.s32 $0xF900  }
0x473: {  	[tilespmem:s31], [sflag:$0x1] =	stream.indirect_vreg.gather [hbm4b:s11+s2], $0x80, v4, vm0, $0xb8;
	[tilespmem:$0x18100] =	vst v63  }
0x474: {  	s3 =	simm.s32 $0x10100  }
0x475: {  	[tilespmem:s3], [sflag:$0x1] =	stream.indirect_vreg.gather [hbm4b:s4+s2], $0x80, v3, vm0, $0xb8;
	[tilespmem:$0x18100] =	vst v63  }
0x476: {  	s12 =	simm.s32 $0x10900  }
0x477: {  	[tilespmem:s12], [sflag:$0x1] =	stream.indirect_vreg.gather [hbm4b:s5+s2], $0x80, v3, vm0, $0xb8;
	[tilespmem:$0x18100] =	vst v63  }
0x478: {  	s31 =	simm.s32 $0x11100  }
0x479: {  	[tilespmem:s31], [sflag:$0x1] =	stream.indirect_vreg.gather [hbm4b:s6+s2], $0x80, v3, vm0, $0xb8;
	[tilespmem:$0x18100] =	vst v63  }
0x47a: {  	s3 =	simm.s32 $0x11900  }
0x47b: {  	[tilespmem:s3], [sflag:$0x1] =	stream.indirect_vreg.gather [hbm4b:s7+s2], $0x80, v3, vm0, $0xb8;
	[tilespmem:$0x18100] =	vst v63  }
0x47c: {  	s12 =	simm.s32 $0x12100  }
0x47d: {  	[tilespmem:s12], [sflag:$0x1] =	stream.indirect_vreg.gather [hbm4b:s8+s2], $0x80, v3, vm0, $0xb8;
	[tilespmem:$0x18100] =	vst v63  }
0x47e: {  	s31 =	simm.s32 $0x12900  }
0x47f: {  	[tilespmem:s31], [sflag:$0x1] =	stream.indirect_vreg.gather [hbm4b:s9+s2], $0x80, v3, vm0, $0xb8;
	[tilespmem:$0x18100] =	vst v63  }
0x480: {  	s3 =	simm.s32 $0x13100  }
0x481: {  	[tilespmem:s3], [sflag:$0x1] =	stream.indirect_vreg.gather [hbm4b:s10+s2], $0x80, v3, vm0, $0xb8;
	[tilespmem:$0x18100] =	vst v63  }
0x482: {  	s12 =	simm.s32 $0x13900  }
0x483: {  	[tilespmem:s12], [sflag:$0x1] =	stream.indirect_vreg.gather [hbm4b:s11+s2], $0x80, v3, vm0, $0xb8;
	[tilespmem:$0x18100] =	vst v63  }
0x484: {  	v3 =	vld.msk [tilespmem:$0x90], $0xff;
	_ =	sdelay $0x4  }
0x485: {  	v53 =	vshll.u32 v3, $0x4  }
0x486: {  	v3 =	vand.u32 $0x7, v3;
	v4 =	vand.u32 $0xFFFFFF80, v53  }
0x487: {  	v3 =	vor.u32 v3, v4  }
0x488: {  	v3 =	vperm.xlane v3, v0;
	_ =	sdelay $0x1  }
0x489: {  	v3 =	vadd.s32 v1, v3;
	_ =	sdelay $0x4  }
0x48a: {  	[tilespmem:s16], [sflag:$0x1] =	stream.indirect_vreg.gather [hbm4b:s4+s2], $0x80, v3, vm0, $0xb8;
	[tilespmem:$0x18100] =	vst v63  }
0x48b: {  	_ = 	snop  }
0x48c: {  	[tilespmem:s18], [sflag:$0x1] =	stream.indirect_vreg.gather [hbm4b:s5+s2], $0x80, v3, vm0, $0xb8;
	[tilespmem:$0x18100] =	vst v63  }
0x48d: {  	_ = 	snop  }
0x48e: {  	[tilespmem:s19], [sflag:$0x1] =	stream.indirect_vreg.gather [hbm4b:s6+s2], $0x80, v3, vm0, $0xb8;
	[tilespmem:$0x18100] =	vst v63  }
0x48f: {  	_ = 	snop  }
0x490: {  	[tilespmem:s20], [sflag:$0x1] =	stream.indirect_vreg.gather [hbm4b:s7+s2], $0x80, v3, vm0, $0xb8;
	[tilespmem:$0x18100] =	vst v63  }
0x491: {  	_ = 	snop  }
0x492: {  	[tilespmem:s21], [sflag:$0x1] =	stream.indirect_vreg.gather [hbm4b:s8+s2], $0x80, v3, vm0, $0xb8;
	[tilespmem:$0x18100] =	vst v63  }
0x493: {  	s3 =	simm.s32 $0x16900  }
0x494: {  	[tilespmem:s3], [sflag:$0x1] =	stream.indirect_vreg.gather [hbm4b:s9+s2], $0x80, v3, vm0, $0xb8;
	[tilespmem:$0x18100] =	vst v63  }
0x495: {  	s18 =	simm.s32 $0x17100  }
0x496: {  	[tilespmem:s18], [sflag:$0x1] =	stream.indirect_vreg.gather [hbm4b:s10+s2], $0x80, v3, vm0, $0xb8;
	[tilespmem:$0x18100] =	vst v63  }
0x497: {  	s19 =	simm.s32 $0x17900  }
0x498: {  	[tilespmem:s19], [sflag:$0x1] =	stream.indirect_vreg.gather [hbm4b:s11+s2], $0x80, v3, vm0, $0xb8;
	[tilespmem:$0x18100] =	vst v63  }
0x499: {  	_ =	swait.ge [sflag:s29], $0xC000  }
0x49a: {  	[sflag:s29] =	ssyncset.done $0x0  }
0x49b: {  	[sflag:s29] =	ssyncadd.s32 $0xFFFF4000  }
0x49c: {  	_ =	swait.ge [sflag:s29], $0xC000  }
0x49d: {  	s21 =	rddreg [dreg:$0x1f];
	[sflag:s29] =	ssyncset.done $0x0  }
0x49e: {  	s16 =	simm.s32 $0x100;
	s12 =	sld [smem:$0x7F0];
	[sflag:s29] =	ssyncadd.s32 $0xFFFF4000  }
0x49f: {  	[hbm4b:s21+s2] =	stream.linear.scatter [tilespmem:s16], [sflag:$0x2], $0xC000, $0x38;
	[tilespmem:$0x18100] =	vst v63  }
0x4a0: {  	s0 =	simm.s32 $0xC100;
	s20 =	sld [smem:$0x7F1]  }
0x4a1: {  	[hbm4b:s12+s2] =	stream.linear.scatter [tilespmem:s0], [sflag:$0x2], $0xC000, $0x38;
	[tilespmem:$0x18100] =	vst v63  }
0x4a2: {  	_ = 	snop  }
0x4a3: {  	[tilespmem:s2], [sflag:$0x3] =	stream.linear.gather [hbm4b:s20+s2], $0x18, $0x38;
	[tilespmem:$0x18100] =	vst v63  }
0x4a4: {  	_ =	swait.ge [sflag:s13], $0x18  }
0x4a5: {  	s12 =	sld [smem:$0x7F2]  }
0x4a6: {  	[sflag:s13] =	ssyncset.done $0x0  }
0x4a7: {  	s20 =	simm.s32 $0x80;
	[sflag:s13] =	ssyncadd.s32 $0xFFFFFFE8  }
0x4a8: {  	[tilespmem:s20], [sflag:$0x3] =	stream.linear.gather [hbm4b:s12+s2], $0x18, $0x38;
	[tilespmem:$0x18100] =	vst v63  }
0x4a9: {  	_ =	swait.ge [sflag:s13], $0x18  }
0x4aa: {  	[sflag:s13] =	ssyncset.done $0x0  }
0x4ab: {  	[sflag:s13] =	ssyncadd.s32 $0xFFFFFFE8  }
0x4ac: {  	_ =	swait.ge [sflag:s30], $0xC000  }
0x4ad: {  	[sflag:s30] =	ssyncset.done $0x0  }
0x4ae: {  	[sflag:s30] =	ssyncadd.s32 $0xFFFF4000  }
0x4af: {  	_ =	swait.ge [sflag:s30], $0xC000  }
0x4b0: {  	[sflag:s30] =	ssyncset.done $0x0  }
0x4b1: {  	[sflag:s30] =	ssyncadd.s32 $0xFFFF4000  }
0x4b2: {  	v3 =	vld [tilespmem:$0x0];
	_ =	sdelay $0x4  }
0x4b3: {  	v54 =	vshll.u32 v3, $0x4  }
0x4b4: {  	v3 =	vand.u32 $0x7, v3;
	v4 =	vand.u32 $0xFFFFFF80, v54  }
0x4b5: {  	v3 =	vor.u32 v3, v4  }
0x4b6: {  	v4 =	vperm.xlane v3, v0;
	_ =	sdelay $0x1  }
0x4b7: {  	v4 =	vadd.s32 v1, v4;
	_ =	sdelay $0x4  }
0x4b8: {  	[tilespmem:s16], [sflag:$0x1] =	stream.indirect_vreg.gather [hbm4b:s4+s2], $0x80, v4, vm0, $0xb8;
	[tilespmem:$0x18100] =	vst v63  }
0x4b9: {  	_ = 	snop  }
0x4ba: {  	[tilespmem:s14], [sflag:$0x1] =	stream.indirect_vreg.gather [hbm4b:s5+s2], $0x80, v4, vm0, $0xb8;
	[tilespmem:$0x18100] =	vst v63  }
0x4bb: {  	_ = 	snop  }
0x4bc: {  	[tilespmem:s22], [sflag:$0x1] =	stream.indirect_vreg.gather [hbm4b:s6+s2], $0x80, v4, vm0, $0xb8;
	[tilespmem:$0x18100] =	vst v63  }
0x4bd: {  	_ = 	snop  }
0x4be: {  	[tilespmem:s24], [sflag:$0x1] =	stream.indirect_vreg.gather [hbm4b:s7+s2], $0x80, v4, vm0, $0xb8;
	[tilespmem:$0x18100] =	vst v63  }
0x4bf: {  	s0 =	simm.s32 $0x2100  }
0x4c0: {  	[tilespmem:s0], [sflag:$0x1] =	stream.indirect_vreg.gather [hbm4b:s8+s2], $0x80, v4, vm0, $0xb8;
	[tilespmem:$0x18100] =	vst v63  }
0x4c1: {  	v3 =	vperm.xlane v3, v2;
	s16 =	simm.s32 $0x2900  }
0x4c2: {  	[tilespmem:s16], [sflag:$0x1] =	stream.indirect_vreg.gather [hbm4b:s9+s2], $0x80, v4, vm0, $0xb8;
	[tilespmem:$0x18100] =	vst v63  }
0x4c3: {  	v3 =	vadd.s32 v1, v3  }
0x4c4: {  	[tilespmem:s25], [sflag:$0x1] =	stream.indirect_vreg.gather [hbm4b:s10+s2], $0x80, v4, vm0, $0xb8;
	[tilespmem:$0x18100] =	vst v63  }
0x4c5: {  	_ = 	snop  }
0x4c6: {  	[tilespmem:s28], [sflag:$0x1] =	stream.indirect_vreg.gather [hbm4b:s11+s2], $0x80, v4, vm0, $0xb8;
	[tilespmem:$0x18100] =	vst v63  }
0x4c7: {  	s14 =	simm.s32 $0x4100  }
0x4c8: {  	[tilespmem:s14], [sflag:$0x1] =	stream.indirect_vreg.gather [hbm4b:s4+s2], $0x80, v3, vm0, $0xb8;
	[tilespmem:$0x18100] =	vst v63  }
0x4c9: {  	s22 =	simm.s32 $0x4900  }
0x4ca: {  	[tilespmem:s22], [sflag:$0x1] =	stream.indirect_vreg.gather [hbm4b:s5+s2], $0x80, v3, vm0, $0xb8;
	[tilespmem:$0x18100] =	vst v63  }
0x4cb: {  	s24 =	simm.s32 $0x5100  }
0x4cc: {  	[tilespmem:s24], [sflag:$0x1] =	stream.indirect_vreg.gather [hbm4b:s6+s2], $0x80, v3, vm0, $0xb8;
	[tilespmem:$0x18100] =	vst v63  }
0x4cd: {  	s25 =	simm.s32 $0x5900  }
0x4ce: {  	[tilespmem:s25], [sflag:$0x1] =	stream.indirect_vreg.gather [hbm4b:s7+s2], $0x80, v3, vm0, $0xb8;
	[tilespmem:$0x18100] =	vst v63  }
0x4cf: {  	s28 =	simm.s32 $0x6100  }
0x4d0: {  	[tilespmem:s28], [sflag:$0x1] =	stream.indirect_vreg.gather [hbm4b:s8+s2], $0x80, v3, vm0, $0xb8;
	[tilespmem:$0x18100] =	vst v63  }
0x4d1: {  	s31 =	simm.s32 $0x6900  }
0x4d2: {  	[tilespmem:s31], [sflag:$0x1] =	stream.indirect_vreg.gather [hbm4b:s9+s2], $0x80, v3, vm0, $0xb8;
	[tilespmem:$0x18100] =	vst v63  }
0x4d3: {  	s12 =	simm.s32 $0x7100  }
0x4d4: {  	[tilespmem:s12], [sflag:$0x1] =	stream.indirect_vreg.gather [hbm4b:s10+s2], $0x80, v3, vm0, $0xb8;
	[tilespmem:$0x18100] =	vst v63  }
0x4d5: {  	s12 =	simm.s32 $0x7900  }
0x4d6: {  	[tilespmem:s12], [sflag:$0x1] =	stream.indirect_vreg.gather [hbm4b:s11+s2], $0x80, v3, vm0, $0xb8;
	[tilespmem:$0x18100] =	vst v63  }
0x4d7: {  	v3 =	vld.msk [tilespmem:$0x10], $0xff;
	_ =	sdelay $0x4  }
0x4d8: {  	v55 =	vshll.u32 v3, $0x4  }
0x4d9: {  	v3 =	vand.u32 $0x7, v3;
	v4 =	vand.u32 $0xFFFFFF80, v55  }
0x4da: {  	v3 =	vor.u32 v3, v4  }
0x4db: {  	v3 =	vperm.xlane v3, v0;
	_ =	sdelay $0x1  }
0x4dc: {  	v3 =	vadd.s32 v1, v3;
	_ =	sdelay $0x3  }
0x4dd: {  	s14 =	simm.s32 $0x8100  }
0x4de: {  	[tilespmem:s14], [sflag:$0x1] =	stream.indirect_vreg.gather [hbm4b:s4+s2], $0x80, v3, vm0, $0xb8;
	[tilespmem:$0x18100] =	vst v63  }
0x4df: {  	s22 =	simm.s32 $0x8900  }
0x4e0: {  	[tilespmem:s22], [sflag:$0x1] =	stream.indirect_vreg.gather [hbm4b:s5+s2], $0x80, v3, vm0, $0xb8;
	[tilespmem:$0x18100] =	vst v63  }
0x4e1: {  	_ = 	snop  }
0x4e2: {  	[tilespmem:s15], [sflag:$0x1] =	stream.indirect_vreg.gather [hbm4b:s6+s2], $0x80, v3, vm0, $0xb8;
	[tilespmem:$0x18100] =	vst v63  }
0x4e3: {  	s25 =	simm.s32 $0x9900  }
0x4e4: {  	[tilespmem:s25], [sflag:$0x1] =	stream.indirect_vreg.gather [hbm4b:s7+s2], $0x80, v3, vm0, $0xb8;
	[tilespmem:$0x18100] =	vst v63  }
0x4e5: {  	s31 =	simm.s32 $0xA100  }
0x4e6: {  	[tilespmem:s31], [sflag:$0x1] =	stream.indirect_vreg.gather [hbm4b:s8+s2], $0x80, v3, vm0, $0xb8;
	[tilespmem:$0x18100] =	vst v63  }
0x4e7: {  	s14 =	simm.s32 $0xA900  }
0x4e8: {  	[tilespmem:s14], [sflag:$0x1] =	stream.indirect_vreg.gather [hbm4b:s9+s2], $0x80, v3, vm0, $0xb8;
	[tilespmem:$0x18100] =	vst v63  }
0x4e9: {  	s15 =	simm.s32 $0xB100  }
0x4ea: {  	[tilespmem:s15], [sflag:$0x1] =	stream.indirect_vreg.gather [hbm4b:s10+s2], $0x80, v3, vm0, $0xb8;
	[tilespmem:$0x18100] =	vst v63  }
0x4eb: {  	_ = 	snop  }
0x4ec: {  	[tilespmem:s17], [sflag:$0x1] =	stream.indirect_vreg.gather [hbm4b:s11+s2], $0x80, v3, vm0, $0xb8;
	[tilespmem:$0x18100] =	vst v63  }
0x4ed: {  	v3 =	vld [tilespmem:$0x80];
	_ =	sdelay $0x4  }
0x4ee: {  	v56 =	vshll.u32 v3, $0x4  }
0x4ef: {  	v3 =	vand.u32 $0x7, v3;
	v4 =	vand.u32 $0xFFFFFF80, v56  }
0x4f0: {  	v3 =	vor.u32 v3, v4  }
0x4f1: {  	v4 =	vperm.xlane v3, v0;
	_ =	sdelay $0x1  }
0x4f2: {  	v4 =	vadd.s32 v1, v4;
	_ =	sdelay $0x3  }
0x4f3: {  	s21 =	simm.s32 $0xC100  }
0x4f4: {  	[tilespmem:s21], [sflag:$0x1] =	stream.indirect_vreg.gather [hbm4b:s4+s2], $0x80, v4, vm0, $0xb8;
	[tilespmem:$0x18100] =	vst v63  }
0x4f5: {  	_ = 	snop  }
0x4f6: {  	[tilespmem:s23], [sflag:$0x1] =	stream.indirect_vreg.gather [hbm4b:s5+s2], $0x80, v4, vm0, $0xb8;
	[tilespmem:$0x18100] =	vst v63  }
0x4f7: {  	_ = 	snop  }
0x4f8: {  	[tilespmem:s26], [sflag:$0x1] =	stream.indirect_vreg.gather [hbm4b:s6+s2], $0x80, v4, vm0, $0xb8;
	[tilespmem:$0x18100] =	vst v63  }
0x4f9: {  	s26 =	simm.s32 $0xD900  }
0x4fa: {  	[tilespmem:s26], [sflag:$0x1] =	stream.indirect_vreg.gather [hbm4b:s7+s2], $0x80, v4, vm0, $0xb8;
	[tilespmem:$0x18100] =	vst v63  }
0x4fb: {  	s14 =	simm.s32 $0xE100  }
0x4fc: {  	[tilespmem:s14], [sflag:$0x1] =	stream.indirect_vreg.gather [hbm4b:s8+s2], $0x80, v4, vm0, $0xb8;
	[tilespmem:$0x18100] =	vst v63  }
0x4fd: {  	s31 =	simm.s32 $0xE900;
	v3 =	vperm.xlane v3, v2  }
0x4fe: {  	[tilespmem:s31], [sflag:$0x1] =	stream.indirect_vreg.gather [hbm4b:s9+s2], $0x80, v4, vm0, $0xb8;
	[tilespmem:$0x18100] =	vst v63  }
0x4ff: {  	s15 =	simm.s32 $0xF100;
	v3 =	vadd.s32 v1, v3  }
0x500: {  	[tilespmem:s15], [sflag:$0x1] =	stream.indirect_vreg.gather [hbm4b:s10+s2], $0x80, v4, vm0, $0xb8;
	[tilespmem:$0x18100] =	vst v63  }
0x501: {  	s26 =	simm.s32 $0xF900  }
0x502: {  	[tilespmem:s26], [sflag:$0x1] =	stream.indirect_vreg.gather [hbm4b:s11+s2], $0x80, v4, vm0, $0xb8;
	[tilespmem:$0x18100] =	vst v63  }
0x503: {  	s31 =	simm.s32 $0x10100  }
0x504: {  	[tilespmem:s31], [sflag:$0x1] =	stream.indirect_vreg.gather [hbm4b:s4+s2], $0x80, v3, vm0, $0xb8;
	[tilespmem:$0x18100] =	vst v63  }
0x505: {  	s15 =	simm.s32 $0x10900  }
0x506: {  	[tilespmem:s15], [sflag:$0x1] =	stream.indirect_vreg.gather [hbm4b:s5+s2], $0x80, v3, vm0, $0xb8;
	[tilespmem:$0x18100] =	vst v63  }
0x507: {  	s26 =	simm.s32 $0x11100  }
0x508: {  	[tilespmem:s26], [sflag:$0x1] =	stream.indirect_vreg.gather [hbm4b:s6+s2], $0x80, v3, vm0, $0xb8;
	[tilespmem:$0x18100] =	vst v63  }
0x509: {  	s31 =	simm.s32 $0x11900  }
0x50a: {  	[tilespmem:s31], [sflag:$0x1] =	stream.indirect_vreg.gather [hbm4b:s7+s2], $0x80, v3, vm0, $0xb8;
	[tilespmem:$0x18100] =	vst v63  }
0x50b: {  	s15 =	simm.s32 $0x12100  }
0x50c: {  	[tilespmem:s15], [sflag:$0x1] =	stream.indirect_vreg.gather [hbm4b:s8+s2], $0x80, v3, vm0, $0xb8;
	[tilespmem:$0x18100] =	vst v63  }
0x50d: {  	s26 =	simm.s32 $0x12900  }
0x50e: {  	[tilespmem:s26], [sflag:$0x1] =	stream.indirect_vreg.gather [hbm4b:s9+s2], $0x80, v3, vm0, $0xb8;
	[tilespmem:$0x18100] =	vst v63  }
0x50f: {  	s31 =	simm.s32 $0x13100  }
0x510: {  	[tilespmem:s31], [sflag:$0x1] =	stream.indirect_vreg.gather [hbm4b:s10+s2], $0x80, v3, vm0, $0xb8;
	[tilespmem:$0x18100] =	vst v63  }
0x511: {  	s15 =	simm.s32 $0x13900  }
0x512: {  	[tilespmem:s15], [sflag:$0x1] =	stream.indirect_vreg.gather [hbm4b:s11+s2], $0x80, v3, vm0, $0xb8;
	[tilespmem:$0x18100] =	vst v63  }
0x513: {  	v3 =	vld.msk [tilespmem:$0x90], $0xff;
	_ =	sdelay $0x4  }
0x514: {  	v57 =	vshll.u32 v3, $0x4  }
0x515: {  	v3 =	vand.u32 $0x7, v3;
	v4 =	vand.u32 $0xFFFFFF80, v57  }
0x516: {  	v3 =	vor.u32 v3, v4  }
0x517: {  	v3 =	vperm.xlane v3, v0;
	_ =	sdelay $0x1  }
0x518: {  	v3 =	vadd.s32 v1, v3;
	_ =	sdelay $0x3  }
0x519: {  	s26 =	simm.s32 $0x14100  }
0x51a: {  	[tilespmem:s26], [sflag:$0x1] =	stream.indirect_vreg.gather [hbm4b:s4+s2], $0x80, v3, vm0, $0xb8;
	[tilespmem:$0x18100] =	vst v63  }
0x51b: {  	s31 =	simm.s32 $0x14900  }
0x51c: {  	[tilespmem:s31], [sflag:$0x1] =	stream.indirect_vreg.gather [hbm4b:s5+s2], $0x80, v3, vm0, $0xb8;
	[tilespmem:$0x18100] =	vst v63  }
0x51d: {  	s15 =	simm.s32 $0x15100  }
0x51e: {  	[tilespmem:s15], [sflag:$0x1] =	stream.indirect_vreg.gather [hbm4b:s6+s2], $0x80, v3, vm0, $0xb8;
	[tilespmem:$0x18100] =	vst v63  }
0x51f: {  	s26 =	simm.s32 $0x15900  }
0x520: {  	[tilespmem:s26], [sflag:$0x1] =	stream.indirect_vreg.gather [hbm4b:s7+s2], $0x80, v3, vm0, $0xb8;
	[tilespmem:$0x18100] =	vst v63  }
0x521: {  	s31 =	simm.s32 $0x16100  }
0x522: {  	[tilespmem:s31], [sflag:$0x1] =	stream.indirect_vreg.gather [hbm4b:s8+s2], $0x80, v3, vm0, $0xb8;
	[tilespmem:$0x18100] =	vst v63  }
0x523: {  	_ = 	snop  }
0x524: {  	[tilespmem:s3], [sflag:$0x1] =	stream.indirect_vreg.gather [hbm4b:s9+s2], $0x80, v3, vm0, $0xb8;
	[tilespmem:$0x18100] =	vst v63  }
0x525: {  	_ = 	snop  }
0x526: {  	[tilespmem:s18], [sflag:$0x1] =	stream.indirect_vreg.gather [hbm4b:s10+s2], $0x80, v3, vm0, $0xb8;
	[tilespmem:$0x18100] =	vst v63  }
0x527: {  	_ = 	snop  }
0x528: {  	[tilespmem:s19], [sflag:$0x1] =	stream.indirect_vreg.gather [hbm4b:s11+s2], $0x80, v3, vm0, $0xb8;
	[tilespmem:$0x18100] =	vst v63  }
0x529: {  	_ =	swait.ge [sflag:s29], $0xC000  }
0x52a: {  	[sflag:s29] =	ssyncset.done $0x0  }
0x52b: {  	[sflag:s29] =	ssyncadd.s32 $0xFFFF4000  }
0x52c: {  	_ =	swait.ge [sflag:s29], $0xC000  }
0x52d: {  	s3 =	sld [smem:$0x7F3]  }
0x52e: {  	[sflag:s29] =	ssyncset.done $0x0  }
0x52f: {  	s18 =	simm.s32 $0x100;
	s15 =	sld [smem:$0x7F4];
	[sflag:s29] =	ssyncadd.s32 $0xFFFF4000  }
0x530: {  	[hbm4b:s3+s2] =	stream.linear.scatter [tilespmem:s18], [sflag:$0x2], $0xC000, $0x38;
	[tilespmem:$0x18100] =	vst v63  }
0x531: {  	s19 =	sld [smem:$0x7F5]  }
0x532: {  	[hbm4b:s15+s2] =	stream.linear.scatter [tilespmem:s21], [sflag:$0x2], $0xC000, $0x38;
	[tilespmem:$0x18100] =	vst v63  }
0x533: {  	_ = 	snop  }
0x534: {  	[tilespmem:s2], [sflag:$0x3] =	stream.linear.gather [hbm4b:s19+s2], $0x18, $0x38;
	[tilespmem:$0x18100] =	vst v63  }
0x535: {  	_ =	swait.ge [sflag:s13], $0x18  }
0x536: {  	s26 =	sld [smem:$0x7F6]  }
0x537: {  	[sflag:s13] =	ssyncset.done $0x0  }
0x538: {  	[sflag:s13] =	ssyncadd.s32 $0xFFFFFFE8  }
0x539: {  	[tilespmem:s20], [sflag:$0x3] =	stream.linear.gather [hbm4b:s26+s2], $0x18, $0x38;
	[tilespmem:$0x18100] =	vst v63  }
0x53a: {  	_ =	swait.ge [sflag:s13], $0x18  }
0x53b: {  	[sflag:s13] =	ssyncset.done $0x0  }
0x53c: {  	[sflag:s13] =	ssyncadd.s32 $0xFFFFFFE8  }
0x53d: {  	_ =	swait.ge [sflag:s30], $0xC000  }
0x53e: {  	[sflag:s30] =	ssyncset.done $0x0  }
0x53f: {  	[sflag:s30] =	ssyncadd.s32 $0xFFFF4000  }
0x540: {  	_ =	swait.ge [sflag:s30], $0xC000  }
0x541: {  	[sflag:s30] =	ssyncset.done $0x0  }
0x542: {  	[sflag:s30] =	ssyncadd.s32 $0xFFFF4000  }
0x543: {  	v3 =	vld [tilespmem:$0x0];
	_ =	sdelay $0x4  }
0x544: {  	v58 =	vshll.u32 v3, $0x4  }
0x545: {  	v3 =	vand.u32 $0x7, v3;
	v4 =	vand.u32 $0xFFFFFF80, v58  }
0x546: {  	v3 =	vor.u32 v3, v4  }
0x547: {  	v4 =	vperm.xlane v3, v0;
	_ =	sdelay $0x1  }
0x548: {  	v4 =	vadd.s32 v1, v4;
	_ =	sdelay $0x4  }
0x549: {  	[tilespmem:s18], [sflag:$0x1] =	stream.indirect_vreg.gather [hbm4b:s4+s2], $0x80, v4, vm0, $0xb8;
	[tilespmem:$0x18100] =	vst v63  }
0x54a: {  	s31 =	simm.s32 $0x900  }
0x54b: {  	[tilespmem:s31], [sflag:$0x1] =	stream.indirect_vreg.gather [hbm4b:s5+s2], $0x80, v4, vm0, $0xb8;
	[tilespmem:$0x18100] =	vst v63  }
0x54c: {  	s3 =	simm.s32 $0x1100  }
0x54d: {  	[tilespmem:s3], [sflag:$0x1] =	stream.indirect_vreg.gather [hbm4b:s6+s2], $0x80, v4, vm0, $0xb8;
	[tilespmem:$0x18100] =	vst v63  }
0x54e: {  	s18 =	simm.s32 $0x1900  }
0x54f: {  	[tilespmem:s18], [sflag:$0x1] =	stream.indirect_vreg.gather [hbm4b:s7+s2], $0x80, v4, vm0, $0xb8;
	[tilespmem:$0x18100] =	vst v63  }
0x550: {  	_ = 	snop  }
0x551: {  	[tilespmem:s0], [sflag:$0x1] =	stream.indirect_vreg.gather [hbm4b:s8+s2], $0x80, v4, vm0, $0xb8;
	[tilespmem:$0x18100] =	vst v63  }
0x552: {  	v3 =	vperm.xlane v3, v2  }
0x553: {  	[tilespmem:s16], [sflag:$0x1] =	stream.indirect_vreg.gather [hbm4b:s9+s2], $0x80, v4, vm0, $0xb8;
	[tilespmem:$0x18100] =	vst v63  }
0x554: {  	s19 =	simm.s32 $0x3100;
	v3 =	vadd.s32 v1, v3  }
0x555: {  	[tilespmem:s19], [sflag:$0x1] =	stream.indirect_vreg.gather [hbm4b:s10+s2], $0x80, v4, vm0, $0xb8;
	[tilespmem:$0x18100] =	vst v63  }
0x556: {  	s20 =	simm.s32 $0x3900  }
0x557: {  	[tilespmem:s20], [sflag:$0x1] =	stream.indirect_vreg.gather [hbm4b:s11+s2], $0x80, v4, vm0, $0xb8;
	[tilespmem:$0x18100] =	vst v63  }
0x558: {  	s26 =	simm.s32 $0x4100  }
0x559: {  	[tilespmem:s26], [sflag:$0x1] =	stream.indirect_vreg.gather [hbm4b:s4+s2], $0x80, v3, vm0, $0xb8;
	[tilespmem:$0x18100] =	vst v63  }
0x55a: {  	s31 =	simm.s32 $0x4900  }
0x55b: {  	[tilespmem:s31], [sflag:$0x1] =	stream.indirect_vreg.gather [hbm4b:s5+s2], $0x80, v3, vm0, $0xb8;
	[tilespmem:$0x18100] =	vst v63  }
0x55c: {  	s1 =	simm.s32 $0x5100  }
0x55d: {  	[tilespmem:s1], [sflag:$0x1] =	stream.indirect_vreg.gather [hbm4b:s6+s2], $0x80, v3, vm0, $0xb8;
	[tilespmem:$0x18100] =	vst v63  }
0x55e: {  	s3 =	simm.s32 $0x5900  }
0x55f: {  	[tilespmem:s3], [sflag:$0x1] =	stream.indirect_vreg.gather [hbm4b:s7+s2], $0x80, v3, vm0, $0xb8;
	[tilespmem:$0x18100] =	vst v63  }
0x560: {  	s16 =	simm.s32 $0x6100  }
0x561: {  	[tilespmem:s16], [sflag:$0x1] =	stream.indirect_vreg.gather [hbm4b:s8+s2], $0x80, v3, vm0, $0xb8;
	[tilespmem:$0x18100] =	vst v63  }
0x562: {  	s18 =	simm.s32 $0x6900  }
0x563: {  	[tilespmem:s18], [sflag:$0x1] =	stream.indirect_vreg.gather [hbm4b:s9+s2], $0x80, v3, vm0, $0xb8;
	[tilespmem:$0x18100] =	vst v63  }
0x564: {  	s19 =	simm.s32 $0x7100  }
0x565: {  	[tilespmem:s19], [sflag:$0x1] =	stream.indirect_vreg.gather [hbm4b:s10+s2], $0x80, v3, vm0, $0xb8;
	[tilespmem:$0x18100] =	vst v63  }
0x566: {  	_ = 	snop  }
0x567: {  	[tilespmem:s12], [sflag:$0x1] =	stream.indirect_vreg.gather [hbm4b:s11+s2], $0x80, v3, vm0, $0xb8;
	[tilespmem:$0x18100] =	vst v63  }
0x568: {  	v3 =	vld.msk [tilespmem:$0x10], $0xff;
	_ =	sdelay $0x4  }
0x569: {  	v59 =	vshll.u32 v3, $0x4  }
0x56a: {  	v3 =	vand.u32 $0x7, v3;
	v4 =	vand.u32 $0xFFFFFF80, v59  }
0x56b: {  	v3 =	vor.u32 v3, v4  }
0x56c: {  	v3 =	vperm.xlane v3, v0;
	_ =	sdelay $0x1  }
0x56d: {  	v3 =	vadd.s32 v1, v3;
	_ =	sdelay $0x3  }
0x56e: {  	s24 =	simm.s32 $0x8100  }
0x56f: {  	[tilespmem:s24], [sflag:$0x1] =	stream.indirect_vreg.gather [hbm4b:s4+s2], $0x80, v3, vm0, $0xb8;
	[tilespmem:$0x18100] =	vst v63  }
0x570: {  	s28 =	simm.s32 $0x8900  }
0x571: {  	[tilespmem:s28], [sflag:$0x1] =	stream.indirect_vreg.gather [hbm4b:s5+s2], $0x80, v3, vm0, $0xb8;
	[tilespmem:$0x18100] =	vst v63  }
0x572: {  	s20 =	simm.s32 $0x9100  }
0x573: {  	[tilespmem:s20], [sflag:$0x1] =	stream.indirect_vreg.gather [hbm4b:s6+s2], $0x80, v3, vm0, $0xb8;
	[tilespmem:$0x18100] =	vst v63  }
0x574: {  	s22 =	simm.s32 $0x9900  }
0x575: {  	[tilespmem:s22], [sflag:$0x1] =	stream.indirect_vreg.gather [hbm4b:s7+s2], $0x80, v3, vm0, $0xb8;
	[tilespmem:$0x18100] =	vst v63  }
0x576: {  	s25 =	simm.s32 $0xA100  }
0x577: {  	[tilespmem:s25], [sflag:$0x1] =	stream.indirect_vreg.gather [hbm4b:s8+s2], $0x80, v3, vm0, $0xb8;
	[tilespmem:$0x18100] =	vst v63  }
0x578: {  	s24 =	simm.s32 $0xA900  }
0x579: {  	[tilespmem:s24], [sflag:$0x1] =	stream.indirect_vreg.gather [hbm4b:s9+s2], $0x80, v3, vm0, $0xb8;
	[tilespmem:$0x18100] =	vst v63  }
0x57a: {  	s25 =	simm.s32 $0xB100  }
0x57b: {  	[tilespmem:s25], [sflag:$0x1] =	stream.indirect_vreg.gather [hbm4b:s10+s2], $0x80, v3, vm0, $0xb8;
	[tilespmem:$0x18100] =	vst v63  }
0x57c: {  	s17 =	simm.s32 $0xB900  }
0x57d: {  	[tilespmem:s17], [sflag:$0x1] =	stream.indirect_vreg.gather [hbm4b:s11+s2], $0x80, v3, vm0, $0xb8;
	[tilespmem:$0x18100] =	vst v63  }
0x57e: {  	v3 =	vld [tilespmem:$0x80];
	_ =	sdelay $0x4  }
0x57f: {  	v60 =	vshll.u32 v3, $0x4  }
0x580: {  	v3 =	vand.u32 $0x7, v3;
	v4 =	vand.u32 $0xFFFFFF80, v60  }
0x581: {  	v3 =	vor.u32 v3, v4  }
0x582: {  	v4 =	vperm.xlane v3, v0;
	_ =	sdelay $0x1  }
0x583: {  	v4 =	vadd.s32 v1, v4;
	_ =	sdelay $0x4  }
0x584: {  	[tilespmem:s21], [sflag:$0x1] =	stream.indirect_vreg.gather [hbm4b:s4+s2], $0x80, v4, vm0, $0xb8;
	[tilespmem:$0x18100] =	vst v63  }
0x585: {  	s26 =	simm.s32 $0xC900  }
0x586: {  	[tilespmem:s26], [sflag:$0x1] =	stream.indirect_vreg.gather [hbm4b:s5+s2], $0x80, v4, vm0, $0xb8;
	[tilespmem:$0x18100] =	vst v63  }
0x587: {  	s28 =	simm.s32 $0xD100  }
0x588: {  	[tilespmem:s28], [sflag:$0x1] =	stream.indirect_vreg.gather [hbm4b:s6+s2], $0x80, v4, vm0, $0xb8;
	[tilespmem:$0x18100] =	vst v63  }
0x589: {  	s31 =	simm.s32 $0xD900  }
0x58a: {  	[tilespmem:s31], [sflag:$0x1] =	stream.indirect_vreg.gather [hbm4b:s7+s2], $0x80, v4, vm0, $0xb8;
	[tilespmem:$0x18100] =	vst v63  }
0x58b: {  	_ = 	snop  }
0x58c: {  	[tilespmem:s14], [sflag:$0x1] =	stream.indirect_vreg.gather [hbm4b:s8+s2], $0x80, v4, vm0, $0xb8;
	[tilespmem:$0x18100] =	vst v63  }
0x58d: {  	s23 =	simm.s32 $0xE900;
	v3 =	vperm.xlane v3, v2  }
0x58e: {  	[tilespmem:s23], [sflag:$0x1] =	stream.indirect_vreg.gather [hbm4b:s9+s2], $0x80, v4, vm0, $0xb8;
	[tilespmem:$0x18100] =	vst v63  }
0x58f: {  	s1 =	simm.s32 $0xF100;
	v3 =	vadd.s32 v1, v3  }
0x590: {  	[tilespmem:s1], [sflag:$0x1] =	stream.indirect_vreg.gather [hbm4b:s10+s2], $0x80, v4, vm0, $0xb8;
	[tilespmem:$0x18100] =	vst v63  }
0x591: {  	s3 =	simm.s32 $0xF900  }
0x592: {  	[tilespmem:s3], [sflag:$0x1] =	stream.indirect_vreg.gather [hbm4b:s11+s2], $0x80, v4, vm0, $0xb8;
	[tilespmem:$0x18100] =	vst v63  }
0x593: {  	s12 =	simm.s32 $0x10100  }
0x594: {  	[tilespmem:s12], [sflag:$0x1] =	stream.indirect_vreg.gather [hbm4b:s4+s2], $0x80, v3, vm0, $0xb8;
	[tilespmem:$0x18100] =	vst v63  }
0x595: {  	s16 =	simm.s32 $0x10900  }
0x596: {  	[tilespmem:s16], [sflag:$0x1] =	stream.indirect_vreg.gather [hbm4b:s5+s2], $0x80, v3, vm0, $0xb8;
	[tilespmem:$0x18100] =	vst v63  }
0x597: {  	s18 =	simm.s32 $0x11100  }
0x598: {  	[tilespmem:s18], [sflag:$0x1] =	stream.indirect_vreg.gather [hbm4b:s6+s2], $0x80, v3, vm0, $0xb8;
	[tilespmem:$0x18100] =	vst v63  }
0x599: {  	s19 =	simm.s32 $0x11900  }
0x59a: {  	[tilespmem:s19], [sflag:$0x1] =	stream.indirect_vreg.gather [hbm4b:s7+s2], $0x80, v3, vm0, $0xb8;
	[tilespmem:$0x18100] =	vst v63  }
0x59b: {  	s20 =	simm.s32 $0x12100  }
0x59c: {  	[tilespmem:s20], [sflag:$0x1] =	stream.indirect_vreg.gather [hbm4b:s8+s2], $0x80, v3, vm0, $0xb8;
	[tilespmem:$0x18100] =	vst v63  }
0x59d: {  	s23 =	simm.s32 $0x12900  }
0x59e: {  	[tilespmem:s23], [sflag:$0x1] =	stream.indirect_vreg.gather [hbm4b:s9+s2], $0x80, v3, vm0, $0xb8;
	[tilespmem:$0x18100] =	vst v63  }
0x59f: {  	s31 =	simm.s32 $0x13100  }
0x5a0: {  	[tilespmem:s31], [sflag:$0x1] =	stream.indirect_vreg.gather [hbm4b:s10+s2], $0x80, v3, vm0, $0xb8;
	[tilespmem:$0x18100] =	vst v63  }
0x5a1: {  	s3 =	simm.s32 $0x13900  }
0x5a2: {  	[tilespmem:s3], [sflag:$0x1] =	stream.indirect_vreg.gather [hbm4b:s11+s2], $0x80, v3, vm0, $0xb8;
	[tilespmem:$0x18100] =	vst v63  }
0x5a3: {  	v3 =	vld.msk [tilespmem:$0x90], $0xff;
	_ =	sdelay $0x4  }
0x5a4: {  	v61 =	vshll.u32 v3, $0x4  }
0x5a5: {  	v3 =	vand.u32 $0x7, v3;
	v4 =	vand.u32 $0xFFFFFF80, v61  }
0x5a6: {  	v3 =	vor.u32 v3, v4  }
0x5a7: {  	v3 =	vperm.xlane v3, v0;
	_ =	sdelay $0x1  }
0x5a8: {  	v3 =	vadd.s32 v1, v3;
	_ =	sdelay $0x3  }
0x5a9: {  	s1 =	simm.s32 $0x14100  }
0x5aa: {  	[tilespmem:s1], [sflag:$0x1] =	stream.indirect_vreg.gather [hbm4b:s4+s2], $0x80, v3, vm0, $0xb8;
	[tilespmem:$0x18100] =	vst v63  }
0x5ab: {  	s31 =	simm.s32 $0x14900  }
0x5ac: {  	[tilespmem:s31], [sflag:$0x1] =	stream.indirect_vreg.gather [hbm4b:s5+s2], $0x80, v3, vm0, $0xb8;
	[tilespmem:$0x18100] =	vst v63  }
0x5ad: {  	s1 =	simm.s32 $0x15100  }
0x5ae: {  	[tilespmem:s1], [sflag:$0x1] =	stream.indirect_vreg.gather [hbm4b:s6+s2], $0x80, v3, vm0, $0xb8;
	[tilespmem:$0x18100] =	vst v63  }
0x5af: {  	s31 =	simm.s32 $0x15900  }
0x5b0: {  	[tilespmem:s31], [sflag:$0x1] =	stream.indirect_vreg.gather [hbm4b:s7+s2], $0x80, v3, vm0, $0xb8;
	[tilespmem:$0x18100] =	vst v63  }
0x5b1: {  	s1 =	simm.s32 $0x16100  }
0x5b2: {  	[tilespmem:s1], [sflag:$0x1] =	stream.indirect_vreg.gather [hbm4b:s8+s2], $0x80, v3, vm0, $0xb8;
	[tilespmem:$0x18100] =	vst v63  }
0x5b3: {  	s31 =	simm.s32 $0x16900  }
0x5b4: {  	[tilespmem:s31], [sflag:$0x1] =	stream.indirect_vreg.gather [hbm4b:s9+s2], $0x80, v3, vm0, $0xb8;
	[tilespmem:$0x18100] =	vst v63  }
0x5b5: {  	s1 =	simm.s32 $0x17100  }
0x5b6: {  	[tilespmem:s1], [sflag:$0x1] =	stream.indirect_vreg.gather [hbm4b:s10+s2], $0x80, v3, vm0, $0xb8;
	[tilespmem:$0x18100] =	vst v63  }
0x5b7: {  	s31 =	simm.s32 $0x17900  }
0x5b8: {  	[tilespmem:s31], [sflag:$0x1] =	stream.indirect_vreg.gather [hbm4b:s11+s2], $0x80, v3, vm0, $0xb8;
	[tilespmem:$0x18100] =	vst v63  }
0x5b9: {  	_ =	swait.ge [sflag:s29], $0xC000  }
0x5ba: {  	[sflag:s29] =	ssyncset.done $0x0  }
0x5bb: {  	[sflag:s29] =	ssyncadd.s32 $0xFFFF4000  }
0x5bc: {  	_ =	swait.ge [sflag:s29], $0xC000  }
0x5bd: {  	s0 =	sld [smem:$0x7F7]  }
0x5be: {  	[sflag:s29] =	ssyncset.done $0x0  }
0x5bf: {  	s15 =	simm.s32 $0x100;
	s31 =	sld [smem:$0x7F8];
	[sflag:s29] =	ssyncadd.s32 $0xFFFF4000  }
0x5c0: {  	[hbm4b:s0+s2] =	stream.linear.scatter [tilespmem:s15], [sflag:$0x2], $0xC000, $0x38;
	[tilespmem:$0x18100] =	vst v63  }
0x5c1: {  	s0 =	sld [smem:$0x7F9]  }
0x5c2: {  	[hbm4b:s31+s2] =	stream.linear.scatter [tilespmem:s21], [sflag:$0x2], $0xC000, $0x38;
	[tilespmem:$0x18100] =	vst v63  }
0x5c3: {  	_ = 	snop  }
0x5c4: {  	[tilespmem:s2], [sflag:$0x3] =	stream.linear.gather [hbm4b:s0+s2], $0x10, $0x38;
	[tilespmem:$0x18100] =	vst v63  }
0x5c5: {  	_ =	swait.ge [sflag:s13], $0x10  }
0x5c6: {  	s0 =	sld [smem:$0x7FB]  }
0x5c7: {  	[sflag:s13] =	ssyncset.done $0x0  }
0x5c8: {  	s31 =	simm.s32 $0x80;
	[sflag:s13] =	ssyncadd.s32 $0xFFFFFFF0  }
0x5c9: {  	[tilespmem:s31], [sflag:$0x3] =	stream.linear.gather [hbm4b:s0+s2], $0x10, $0x38;
	[tilespmem:$0x18100] =	vst v63  }
0x5ca: {  	_ =	swait.ge [sflag:s13], $0x10  }
0x5cb: {  	[sflag:s13] =	ssyncset.done $0x0  }
0x5cc: {  	[sflag:s13] =	ssyncadd.s32 $0xFFFFFFF0  }
0x5cd: {  	_ =	swait.ge [sflag:s30], $0xC000  }
0x5ce: {  	[sflag:s30] =	ssyncset.done $0x0  }
0x5cf: {  	[sflag:s30] =	ssyncadd.s32 $0xFFFF4000  }
0x5d0: {  	_ =	swait.ge [sflag:s30], $0xC000  }
0x5d1: {  	[sflag:s30] =	ssyncset.done $0x0  }
0x5d2: {  	[sflag:s30] =	ssyncadd.s32 $0xFFFF4000  }
0x5d3: {  	v3 =	vld [tilespmem:$0x0];
	_ =	sdelay $0x4  }
0x5d4: {  	v62 =	vshll.u32 v3, $0x4  }
0x5d5: {  	v3 =	vand.u32 $0x7, v3;
	v4 =	vand.u32 $0xFFFFFF80, v62  }
0x5d6: {  	v3 =	vor.u32 v3, v4  }
0x5d7: {  	v4 =	vperm.xlane v3, v0;
	_ =	sdelay $0x1  }
0x5d8: {  	v4 =	vadd.s32 v1, v4;
	_ =	sdelay $0x4  }
0x5d9: {  	[tilespmem:s15], [sflag:$0x1] =	stream.indirect_vreg.gather [hbm4b:s4+s2], $0x80, v4, vm0, $0xb8;
	[tilespmem:$0x18100] =	vst v63  }
0x5da: {  	s31 =	simm.s32 $0x900  }
0x5db: {  	[tilespmem:s31], [sflag:$0x1] =	stream.indirect_vreg.gather [hbm4b:s5+s2], $0x80, v4, vm0, $0xb8;
	[tilespmem:$0x18100] =	vst v63  }
0x5dc: {  	s1 =	simm.s32 $0x1100  }
0x5dd: {  	[tilespmem:s1], [sflag:$0x1] =	stream.indirect_vreg.gather [hbm4b:s6+s2], $0x80, v4, vm0, $0xb8;
	[tilespmem:$0x18100] =	vst v63  }
0x5de: {  	s31 =	simm.s32 $0x1900  }
0x5df: {  	[tilespmem:s31], [sflag:$0x1] =	stream.indirect_vreg.gather [hbm4b:s7+s2], $0x80, v4, vm0, $0xb8;
	[tilespmem:$0x18100] =	vst v63  }
0x5e0: {  	s31 =	simm.s32 $0x2100  }
0x5e1: {  	[tilespmem:s31], [sflag:$0x1] =	stream.indirect_vreg.gather [hbm4b:s8+s2], $0x80, v4, vm0, $0xb8;
	[tilespmem:$0x18100] =	vst v63  }
0x5e2: {  	v3 =	vperm.xlane v3, v2;
	s31 =	simm.s32 $0x2900  }
0x5e3: {  	[tilespmem:s31], [sflag:$0x1] =	stream.indirect_vreg.gather [hbm4b:s9+s2], $0x80, v4, vm0, $0xb8;
	[tilespmem:$0x18100] =	vst v63  }
0x5e4: {  	v3 =	vadd.s32 v1, v3;
	s31 =	simm.s32 $0x3100  }
0x5e5: {  	[tilespmem:s31], [sflag:$0x1] =	stream.indirect_vreg.gather [hbm4b:s10+s2], $0x80, v4, vm0, $0xb8;
	[tilespmem:$0x18100] =	vst v63  }
0x5e6: {  	s31 =	simm.s32 $0x3900  }
0x5e7: {  	[tilespmem:s31], [sflag:$0x1] =	stream.indirect_vreg.gather [hbm4b:s11+s2], $0x80, v4, vm0, $0xb8;
	[tilespmem:$0x18100] =	vst v63  }
0x5e8: {  	s31 =	simm.s32 $0x4100  }
0x5e9: {  	[tilespmem:s31], [sflag:$0x1] =	stream.indirect_vreg.gather [hbm4b:s4+s2], $0x80, v3, vm0, $0xb8;
	[tilespmem:$0x18100] =	vst v63  }
0x5ea: {  	s31 =	simm.s32 $0x4900  }
0x5eb: {  	[tilespmem:s31], [sflag:$0x1] =	stream.indirect_vreg.gather [hbm4b:s5+s2], $0x80, v3, vm0, $0xb8;
	[tilespmem:$0x18100] =	vst v63  }
0x5ec: {  	s31 =	simm.s32 $0x5100  }
0x5ed: {  	[tilespmem:s31], [sflag:$0x1] =	stream.indirect_vreg.gather [hbm4b:s6+s2], $0x80, v3, vm0, $0xb8;
	[tilespmem:$0x18100] =	vst v63  }
0x5ee: {  	s31 =	simm.s32 $0x5900  }
0x5ef: {  	[tilespmem:s31], [sflag:$0x1] =	stream.indirect_vreg.gather [hbm4b:s7+s2], $0x80, v3, vm0, $0xb8;
	[tilespmem:$0x18100] =	vst v63  }
0x5f0: {  	s31 =	simm.s32 $0x6100  }
0x5f1: {  	[tilespmem:s31], [sflag:$0x1] =	stream.indirect_vreg.gather [hbm4b:s8+s2], $0x80, v3, vm0, $0xb8;
	[tilespmem:$0x18100] =	vst v63  }
0x5f2: {  	s31 =	simm.s32 $0x6900  }
0x5f3: {  	[tilespmem:s31], [sflag:$0x1] =	stream.indirect_vreg.gather [hbm4b:s9+s2], $0x80, v3, vm0, $0xb8;
	[tilespmem:$0x18100] =	vst v63  }
0x5f4: {  	s31 =	simm.s32 $0x7100  }
0x5f5: {  	[tilespmem:s31], [sflag:$0x1] =	stream.indirect_vreg.gather [hbm4b:s10+s2], $0x80, v3, vm0, $0xb8;
	[tilespmem:$0x18100] =	vst v63  }
0x5f6: {  	s31 =	simm.s32 $0x7900  }
0x5f7: {  	[tilespmem:s31], [sflag:$0x1] =	stream.indirect_vreg.gather [hbm4b:s11+s2], $0x80, v3, vm0, $0xb8;
	[tilespmem:$0x18100] =	vst v63  }
0x5f8: {  	v3 =	vld [tilespmem:$0x80];
	_ =	sdelay $0x4  }
0x5f9: {  	v63 =	vshll.u32 v3, $0x4  }
0x5fa: {  	v3 =	vand.u32 $0x7, v3;
	v4 =	vand.u32 $0xFFFFFF80, v63  }
0x5fb: {  	v3 =	vor.u32 v3, v4  }
0x5fc: {  	v4 =	vperm.xlane v3, v0;
	_ =	sdelay $0x1  }
0x5fd: {  	v4 =	vadd.s32 v1, v4;
	_ =	sdelay $0x4  }
0x5fe: {  	[tilespmem:s21], [sflag:$0x1] =	stream.indirect_vreg.gather [hbm4b:s4+s2], $0x80, v4, vm0, $0xb8;
	[tilespmem:$0x18100] =	vst v63  }
0x5ff: {  	s31 =	simm.s32 $0xC900  }
0x600: {  	[tilespmem:s31], [sflag:$0x1] =	stream.indirect_vreg.gather [hbm4b:s5+s2], $0x80, v4, vm0, $0xb8;
	[tilespmem:$0x18100] =	vst v63  }
0x601: {  	s17 =	simm.s32 $0xD100  }
0x602: {  	[tilespmem:s17], [sflag:$0x1] =	stream.indirect_vreg.gather [hbm4b:s6+s2], $0x80, v4, vm0, $0xb8;
	[tilespmem:$0x18100] =	vst v63  }
0x603: {  	s22 =	simm.s32 $0xD900  }
0x604: {  	[tilespmem:s22], [sflag:$0x1] =	stream.indirect_vreg.gather [hbm4b:s7+s2], $0x80, v4, vm0, $0xb8;
	[tilespmem:$0x18100] =	vst v63  }
0x605: {  	s14 =	simm.s32 $0xE100  }
0x606: {  	[tilespmem:s14], [sflag:$0x1] =	stream.indirect_vreg.gather [hbm4b:s8+s2], $0x80, v4, vm0, $0xb8;
	[tilespmem:$0x18100] =	vst v63  }
0x607: {  	s26 =	simm.s32 $0xE900;
	v3 =	vperm.xlane v3, v2  }
0x608: {  	[tilespmem:s26], [sflag:$0x1] =	stream.indirect_vreg.gather [hbm4b:s9+s2], $0x80, v4, vm0, $0xb8;
	[tilespmem:$0x18100] =	vst v63  }
0x609: {  	s24 =	simm.s32 $0xF100;
	v3 =	vadd.s32 v1, v3  }
0x60a: {  	[tilespmem:s24], [sflag:$0x1] =	stream.indirect_vreg.gather [hbm4b:s10+s2], $0x80, v4, vm0, $0xb8;
	[tilespmem:$0x18100] =	vst v63  }
0x60b: {  	s25 =	simm.s32 $0xF900  }
0x60c: {  	[tilespmem:s25], [sflag:$0x1] =	stream.indirect_vreg.gather [hbm4b:s11+s2], $0x80, v4, vm0, $0xb8;
	[tilespmem:$0x18100] =	vst v63  }
0x60d: {  	s28 =	simm.s32 $0x10100  }
0x60e: {  	[tilespmem:s28], [sflag:$0x1] =	stream.indirect_vreg.gather [hbm4b:s4+s2], $0x80, v3, vm0, $0xb8;
	[tilespmem:$0x18100] =	vst v63  }
0x60f: {  	s12 =	simm.s32 $0x10900  }
0x610: {  	[tilespmem:s12], [sflag:$0x1] =	stream.indirect_vreg.gather [hbm4b:s5+s2], $0x80, v3, vm0, $0xb8;
	[tilespmem:$0x18100] =	vst v63  }
0x611: {  	s16 =	simm.s32 $0x11100  }
0x612: {  	[tilespmem:s16], [sflag:$0x1] =	stream.indirect_vreg.gather [hbm4b:s6+s2], $0x80, v3, vm0, $0xb8;
	[tilespmem:$0x18100] =	vst v63  }
0x613: {  	s18 =	simm.s32 $0x11900  }
0x614: {  	[tilespmem:s18], [sflag:$0x1] =	stream.indirect_vreg.gather [hbm4b:s7+s2], $0x80, v3, vm0, $0xb8;
	[tilespmem:$0x18100] =	vst v63  }
0x615: {  	s19 =	simm.s32 $0x12100  }
0x616: {  	[tilespmem:s19], [sflag:$0x1] =	stream.indirect_vreg.gather [hbm4b:s8+s2], $0x80, v3, vm0, $0xb8;
	[tilespmem:$0x18100] =	vst v63  }
0x617: {  	s20 =	simm.s32 $0x12900  }
0x618: {  	[tilespmem:s20], [sflag:$0x1] =	stream.indirect_vreg.gather [hbm4b:s9+s2], $0x80, v3, vm0, $0xb8;
	[tilespmem:$0x18100] =	vst v63  }
0x619: {  	s23 =	simm.s32 $0x13100  }
0x61a: {  	[tilespmem:s23], [sflag:$0x1] =	stream.indirect_vreg.gather [hbm4b:s10+s2], $0x80, v3, vm0, $0xb8;
	[tilespmem:$0x18100] =	vst v63  }
0x61b: {  	_ = 	snop  }
0x61c: {  	[tilespmem:s3], [sflag:$0x1] =	stream.indirect_vreg.gather [hbm4b:s11+s2], $0x80, v3, vm0, $0xb8;
	[tilespmem:$0x18100] =	vst v63  }
0x61d: {  	s0 =	sld [smem:$0x7EF];
	_ =	swait.ge [sflag:s29], $0x8000  }
0x61e: {  	[sflag:s29] =	ssyncset.done $0x0  }
0x61f: {  	[sflag:s29] =	ssyncadd.s32 $0xFFFF8000  }
0x620: {  	_ =	swait.ge [sflag:s29], $0x8000  }
0x621: {  	s26 =	sld [smem:$0x7FC]  }
0x622: {  	[sflag:s29] =	ssyncset.done $0x0  }
0x623: {  	s28 =	sld [smem:$0x7FD];
	[sflag:s29] =	ssyncadd.s32 $0xFFFF8000  }
0x624: {  	[hbm4b:s26+s2] =	stream.linear.scatter [tilespmem:s15], [sflag:$0x2], $0x8000, $0x38;
	[tilespmem:$0x18100] =	vst v63  }
0x625: {  	_ = 	snop  }
0x626: {  	[hbm4b:s28+s2] =	stream.linear.scatter [tilespmem:s21], [sflag:$0x2], $0x8000, $0x38;
	[tilespmem:$0x18100] =	vst v63  }
0x627: {  	p0 =	sne.s32 s0, $0x1;
	_ =	swait.ge [sflag:s30], $0x8000  }
.Ltmp0:
0x628: {  	[sflag:s30] =	ssyncset.done $0x0;
	(pc) =	sbr.rel @p0 .LBB2_1-.Ltmp0, $4  }
0x629: {  	[sflag:s30] =	ssyncadd.s32 $0xFFFF8000  }
0x62a: {  	_ =	swait.ge [sflag:s30], $0x8000  }
0x62b: {  	[sflag:s30] =	ssyncset.done $0x0  }
0x62c: {  	s0 =	sadd.s32 $0xFFFFFFFF, s0;
	[sflag:s30] =	ssyncadd.s32 $0xFFFF8000  }
0x62d: {  	_ =	sfence.sel $0x180000  }
0x62e: {  	[bflag:$0x0] =	sbarrier.arrive $0xFFFF  }
0x62f: {  	_ =	strace $0x9000004A  }
0x630: {  	s0 =	stileid.u32;
	[bflag:$0x2] =	sbarrier.arrive $0xFFFF  }
0x631: {  	p0 =	sne.s32 s0, $0x0;
	s0 =	rddreg [dreg:$0x1]  }
0x632: {  	s0 =	sadd.s32 @!p0 $0x100000, s0  }
0x633: {  	[sflag:s0] =	ssyncadd.tile.s32 @!p0 $0x1;
	_ =	shalt  }
.Lfunc_end2:
_tile_overlayer_lowered:
.L_overlay_start_2:
0x634: {  	(tag) =	ssettag $0x2  }
0x635: {  	s0 =	rddreg [dreg:$0x0];
	s2 =	stileid.u32  }
0x636: {  	s1 =	rddreg [dreg:$0x1];
	p0 =	sne.s32 s2, $0x0  }
0x637: {  	s3 =	rddreg [dreg:$0x2];
	[bflag:$0x3] =	sbarrier.arrive $0xFFFF;
	s2 =	simm.s32 @!p0 $0x1C03  }
0x638: {  	[timem:s3], [sflag:s2] =	dma.local @!p0 [hbm:s0], s1  }
0x639: {  	s0 =	simm.s32 @!p0 $0x3  }
0x63a: {  	_ =	swait.ge @!p0 [sflag:s0], s1  }
0x63b: {  	s1 =	ssub.s32 @!p0 $0x0, s1;
	[sflag:s0] =	ssyncset.done @!p0 $0x0  }
0x63c: {  	[sflag:s0] =	ssyncadd.s32 @!p0 s1  }
0x63d: {  	[bflag:$0x3] =	sbarrier.arrive $0xFFFF  }
0x63e: {  	_ =	shalt  }

// kernel: kernel.8.cloned.1.call-start
scs
__scs_entry_jumppad:
0x0: {  	(pc) =	sbr.rel $0x88, $3  }
0x1: {  	(tag) =	ssettag $0x0;
	lr =	simm.s32 $0x1  }
0x2: {  	[smem:$0x3F9C] =	sst lr;
	_ =	strace $0xD0000000  }
0x3: {  	_ = 	snop  }
0x4: {  	_ = 	snop  }
0x5: {  	_ = 	snop  }
0x6: {  	_ = 	snop  }
0x7: {  	_ = 	snop  }
__scs_overlays_trampoline_lowered:
0x8: {  	[smem:$0x3FAB] =	sst s0  }
0x9: {  	[smem:$0x3FAC] =	sst s1  }
0xa: {  	[smem:$0x3FAD] =	sst s2  }
0xb: {  	[smem:$0x3FAE] =	sst s3  }
0xc: {  	[smem:$0x3FAF] =	sst s4  }
0xd: {  	[smem:$0x3FB0] =	sst s5  }
0xe: {  	[smem:$0x3FB1] =	sst s6  }
0xf: {  	[smem:$0x3FB2] =	sst s7  }
0x10: {  	[smem:$0x3FB3] =	sst s8  }
0x11: {  	[smem:$0x3FB4] =	sst s9;
	s0 =	simm.s32 @!p0 $0x0  }
0x12: {  	s1 =	sld [smem:$0x3F9A];
	s0 =	simm.s32 @p0 $0x1  }
0x13: {  	[smem:$0x3FB5] =	sst s0;
	s0 =	simm.s32 @!p1 $0x0  }
0x14: {  	s2 =	sld [smem:$0x3F99];
	s0 =	simm.s32 @p1 $0x1  }
0x15: {  	[smem:$0x3FB6] =	sst s0;
	s0 =	simm.s32 @!p2 $0x0  }
0x16: {  	s3 =	sld [smem:$0x3FDB];
	s0 =	simm.s32 @p2 $0x1  }
0x17: {  	s4 =	simm.s32 $0x1BF5;
	[smem:$0x3FB8] =	sst s0  }
0x18: {  	s0 =	sld [smem:$0x3F9B];
	_ =	swait.ge [sflag:s4], $0x0  }
0x19: {  	s7 =	sld [smem:$0x3F9C]  }
0x1a: {  	s8 =	sadd.s32 $0xFFFFE003, lr  }
0x1b: {  	s9 =	sadd.s32 $0xFFFFFEF7, lr;
	s5 =	simm.s32 $0xFFFFFFFF;
	p2 =	slt.u32 s8, $0xFFFFF086  }
0x1c: {  	p1 =	slt.u32 s9, $0xF7A;
	s5 =	simm.s32 @!p2 $0x0  }
0x1d: {  	s5 =	simm.s32 @p1 $0x1;
	p0 =	seq.s32 s7, s2  }
0x1e: {  	s7 =	smul.u32 @!p0 $0xF7A, s2;
	p2 =	seq.s32 @!p0 s5, $0x0  }
0x1f: {  	s9 =	smul.u32 $0xF7A, s1;
	s8 =	simm.s32 @!p0 $0x1BF5;
	p2 =	por !p2, p0  }
0x20: {  	[sflag:s8] =	ssyncset.s32 @!p0 $0xFFFFF086;
	s6 =	sadd.s32 @!p0 s3, s7;
	s7 =	simm.s32 @!p0 $0x108  }
0x21: {  	s3 =	sadd.s32 s3, s9;
	s6 =	sadd.s32 @!p0 $0x88, s6;
	s7 =	simm.s32 @p2 $0x1082  }
0x22: {  	[simem:s7], [sflag:s8] =	dma.local @!p0 [hbm:s6], $0xF7A  }
0x23: {  	s9 =	sor.u32 $0xD0000000, s2;
	s6 =	simm.s32 $0x108;
	_ =	swait.ge @!p0 [sflag:s8], $0x0  }
0x24: {  	s3 =	sadd.s32 $0x88, s3;
	s6 =	simm.s32 @!p1 $0x1082;
	[sflag:s4] =	ssyncset.s32 $0xFFFFF086  }
0x25: {  	[simem:s6], [sflag:s4] =	dma.local [hbm:s3], $0xF7A  }
0x26: {  	[smem:$0x3F9C] =	sst s1;
	(tag) =	ssettag s2;
	_ =	strace s9  }
0x27: {  	s1 =	sld [smem:$0x3FAC]  }
0x28: {  	s2 =	sld [smem:$0x3FAD]  }
0x29: {  	s4 =	sld [smem:$0x3FAF]  }
0x2a: {  	p0 =	seq.s32 s5, $0x0;
	s5 =	sld [smem:$0x3FB0]  }
0x2b: {  	s6 =	sld [smem:$0x3FB1]  }
0x2c: {  	s7 =	sld [smem:$0x3FB2]  }
0x2d: {  	s3 =	simm.s32 $0x108;
	s8 =	sld [smem:$0x3FB3]  }
0x2e: {  	s3 =	simm.s32 @!p0 $0x1082;
	s9 =	sld [smem:$0x3FB4]  }
0x2f: {  	lr =	sadd.s32 s0, s3;
	s0 =	sld [smem:$0x3FAB]  }
0x30: {  	s3 =	sld [smem:$0x3FAE]  }
0x31: {  	[smem:$0x3FB7] =	sst s10  }
0x32: {  	s10 =	sld [smem:$0x3FB5];
	_ =	sdelay $0x3  }
0x33: {  	p0 =	seq.s32 s10, $0x1;
	s10 =	sld [smem:$0x3FB7];
	_ =	sdelay $0x3  }
0x34: {  	[smem:$0x3FB7] =	sst s10  }
0x35: {  	s10 =	sld [smem:$0x3FB6];
	_ =	sdelay $0x3  }
0x36: {  	p1 =	seq.s32 s10, $0x1;
	s10 =	sld [smem:$0x3FB7];
	_ =	sdelay $0x3  }
0x37: {  	[smem:$0x3FB7] =	sst s10  }
0x38: {  	s10 =	sld [smem:$0x3FB8]  }
0x39: {  	_ = 	snop;
	(pc) =	sbr.ind lr, $3  }
0x3a: {  	_ = 	snop  }
0x3b: {  	_ = 	snop  }
0x3c: {  	p2 =	seq.s32 s10, $0x1;
	s10 =	sld [smem:$0x3FB7]  }
0x3d: {  	_ =	shalt  }
0x3e: {  	_ =	shalt  }
0x3f: {  	_ =	shalt  }
0x40: {  	_ =	shalt  }
0x41: {  	_ =	shalt  }
0x42: {  	_ =	shalt  }
0x43: {  	_ =	shalt  }
0x44: {  	_ =	shalt  }
0x45: {  	_ =	shalt  }
0x46: {  	_ =	shalt  }
0x47: {  	_ =	shalt  }
0x48: {  	_ =	shalt  }
0x49: {  	_ =	shalt  }
0x4a: {  	_ =	shalt  }
0x4b: {  	_ =	shalt  }
0x4c: {  	_ =	shalt  }
0x4d: {  	_ =	shalt  }
0x4e: {  	_ =	shalt  }
0x4f: {  	_ =	shalt  }
0x50: {  	_ =	shalt  }
0x51: {  	_ =	shalt  }
0x52: {  	_ =	shalt  }
0x53: {  	_ =	shalt  }
0x54: {  	_ =	shalt  }
0x55: {  	_ =	shalt  }
0x56: {  	_ =	shalt  }
0x57: {  	_ =	shalt  }
0x58: {  	_ =	shalt  }
0x59: {  	_ =	shalt  }
0x5a: {  	_ =	shalt  }
0x5b: {  	_ =	shalt  }
0x5c: {  	_ =	shalt  }
0x5d: {  	_ =	shalt  }
0x5e: {  	_ =	shalt  }
0x5f: {  	_ =	shalt  }
0x60: {  	_ =	shalt  }
0x61: {  	_ =	shalt  }
0x62: {  	_ =	shalt  }
0x63: {  	_ =	shalt  }
0x64: {  	_ =	shalt  }
0x65: {  	_ =	shalt  }
0x66: {  	_ =	shalt  }
0x67: {  	_ =	shalt  }
0x68: {  	_ =	shalt  }
0x69: {  	_ =	shalt  }
0x6a: {  	_ =	shalt  }
0x6b: {  	_ =	shalt  }
0x6c: {  	_ =	shalt  }
0x6d: {  	_ =	shalt  }
0x6e: {  	_ =	shalt  }
0x6f: {  	_ =	shalt  }
0x70: {  	_ =	shalt  }
0x71: {  	_ =	shalt  }
0x72: {  	_ =	shalt  }
0x73: {  	_ =	shalt  }
0x74: {  	_ =	shalt  }
0x75: {  	_ =	shalt  }
0x76: {  	_ =	shalt  }
0x77: {  	_ =	shalt  }
0x78: {  	_ =	shalt  }
0x79: {  	_ =	shalt  }
0x7a: {  	_ =	shalt  }
0x7b: {  	_ =	shalt  }
0x7c: {  	_ =	shalt  }
0x7d: {  	_ =	shalt  }
0x7e: {  	_ =	shalt  }
0x7f: {  	_ =	shalt  }
0x80: {  	_ =	shalt  }
0x81: {  	_ =	shalt  }
0x82: {  	_ =	shalt  }
0x83: {  	_ =	shalt  }
0x84: {  	_ =	shalt  }
0x85: {  	_ =	shalt  }
0x86: {  	_ =	shalt  }
0x87: {  	_ =	shalt  }
.Lfunc_end0:
.L_simem_size_0:
called_computation_lowered:
.L_overlay_start_0:
0x88: {  	s2 =	sld [smem:$0x3FD9]  }
0x89: {  	s3 =	sld [smem:$0x3FFE];
	_ =	sdelay $0x1  }
0x8a: {  	s1 =	srdreg.scid  }
0x8b: {  	s0 =	sand.u32 $0x1, s1  }
0x8c: {  	s16 =	sshll.u32 s0, $0xA;
	s2 =	sadd.s32 s3, s2  }
0x8d: {  	s2 =	sadd.s32 s2, s16  }
0x8e: {  	[smem:$0x3FC3] =	sst s2  }
0x8f: {  	_ = 	snop  }
0x90: {  	(tm) =	ssettm $0x1  }
0x91: {  	s17 =	sld [smem:$0x3FFB];
	_ =	sdelay $0x3  }
0x92: {  	_ =	strace s17  }
0x93: {  	s2 =	sld [smem:$0x3FFC];
	_ =	sdelay $0x3  }
0x94: {  	_ =	strace s2  }
0x95: {  	s2 =	sld [smem:$0x3FFD];
	_ =	sdelay $0x3  }
0x96: {  	_ =	strace s2  }
0x97: {  	_ =	strace $0x8FFFFFFF  }
0x98: {  	s18 =	sld [smem:$0x3FDB];
	_ =	sdelay $0x1  }
0x99: {  	s19 =	simm.s32 $_scs_section_size  }
0x9a: {  	s4 =	simm.s32 $_size__tile_overlayer_lowered;
	s5 =	simm.s32 $_tile_overlayer_lowered  }
0x9b: {  	s22 =	simm.s32 $0x1BFF;
	s21 =	sshll.u32 s5, $0x1;
	s2 =	sadd.s32 s19, s18  }
0x9c: {  	s6 =	simm.s32 $0x0;
	s20 =	sshll.u32 s4, $0x1;
	s4 =	sadd.s32 s21, s2  }
0x9d: {  	[timem:s6], [sflag:s22] =	dma.local [hbm:s4], s20  }
0x9e: {  	_ =	swait.ge [sflag:s22], s20  }
0x9f: {  	s3 =	ssub.s32 $0x0, s20;
	[sflag:s22] =	ssyncset.done $0x0  }
0xa0: {  	[sflag:s22] =	ssyncadd.s32 s3;
	_ =	sdelay $0x1  }
0xa1: {  	s23 =	simm.s32 $0x1B8B  }
0xa2: {  	_ =	swait.ge [sflag:s23], $0x1  }
0xa3: {  	[sflag:s23] =	ssyncset.done $0x0  }
0xa4: {  	s25 =	simm.s32 $0x1B8E;
	s24 =	sld [smem:$0x3FFE];
	[sflag:s23] =	ssyncadd.s32 $0xFFFFFFFF  }
0xa5: {  	s26 =	simm.s32 $execute0_lowered;
	[smem:$0x3FD2] =	sst s25  }
0xa6: {  	s4 =	sshll.u32 s26, $0x1;
	_ =	strace $0x80000046;
	[dreg:$0x1] =	wrdreg $0xFFFFFFFF  }
0xa7: {  	s28 =	simm.s32 $_size_execute0_lowered;
	s2 =	sadd.s32 s2, s4;
	[dreg:$0x0] =	wrdreg $0x0  }
0xa8: {  	s4 =	sshll.u32 s28, $0x1;
	[dreg:$0x2] =	wrdreg s2  }
0xa9: {  	[dreg:$0x3] =	wrdreg s4  }
0xaa: {  	[dreg:$0x4] =	wrdreg $0xC0  }
0xab: {  	_ =	task [dreg:s6], $0x5FFFF  }
0xac: {  	[dreg:$0x1] =	wrdreg $0xFFFFFFFF  }
0xad: {  	[dreg:$0x0] =	wrdreg $0x60  }
0xae: {  	[dreg:$0x2] =	wrdreg s24  }
0xaf: {  	[dreg:$0x3] =	wrdreg $0x9  }
0xb0: {  	_ =	task.clear_ibuf [dreg:s6], $0x4FFFF;
	_ =	strace $0x90000046  }
0xb1: {  	s29 =	simm.s32 $0x9;
	_ =	strace $0x80000048  }
0xb2: {  	_ =	swait.ge [sflag:s29], $0x1  }
0xb3: {  	[sflag:s29] =	ssyncadd.s32 $0xFFFFFFFF  }
0xb4: {  	_ =	strace $0x90000048  }
0xb5: {  	_ =	sfence  }
0xb6: {  	s30 =	sld [smem:$0x0];
	_ =	sdelay $0x2  }
0xb7: {  	s31 =	sshll.u32 s1, $0xD;
	s1 =	sshrl.u32 s1, $0x2  }
0xb8: {  	s3 =	sand.u32 $0x4000, s31;
	s1 =	sadd.s32 s1, s30  }
0xb9: {  	s0 =	sor.u32 s3, s0;
	s1 =	sshll.u32 s1, $0x11  }
0xba: {  	s0 =	sor.u32 s1, s0  }
0xbb: {  	s0 =	sadd.s32 $0x8F2B, s0  }
0xbc: {  	[sflag:s0] =	ssyncadd.remote.s32 $0x1  }
0xbd: {  	_ =	sfence.sel $0xFFFF  }
0xbe: {  	[dreg:$0x0] =	wrdreg $0xFFFFFFFF;
	(pc) =	sbr.abs _section_cstart, $3  }
0xbf: {  	[dreg:$0x1] =	wrdreg $0xFFFFFFFF  }
0xc0: {  	_ =	task.clear_ibuf [dreg:s6], $0x2FFFF;
	_ =	strace $0x9FFFFFFF  }
0xc1: {  	(tm) =	ssettm $0x7FFFFFFF  }
tec
execute0_lowered:
.L_overlay_start_1:
0x0: {  	(tag) =	ssettag $0x1  }
0x1: {  	s0 =	rddreg [dreg:$0x0];
	s2 =	simm.s32 $0x0  }
0x2: {  	s8 =	stileid.u32;
	s5 =	srdreg.scid;
	s31 =	simm.s32 $0x100  }
0x3: {  	[smem:$0x7FF] =	sst s2;
	s4 =	sadd.s32 $0xA00, s0;
	s1 =	sadd.s32 $0x80A00, s0  }
0x4: {  	s6 =	sshll.u32 s8, $0x1;
	s3 =	sadd.s32 $0x81200, s0;
	s7 =	sand.u32 $0x1, s5  }
0x5: {  	s22 =	sshll.u32 s8, $0xA;
	_ =	strace $0x80000047;
	s6 =	sand.u32 $0xE, s6  }
0x6: {  	s5 =	ssub.s32 $0x2, s7;
	s6 =	sor.u32 s7, s6;
	s7 =	sand.u32 $0x2000, s22  }
0x7: {  	s9 =	sshrl.u32 s5, $0x1;
	s8 =	sshll.u32 s6, $0x9;
	s6 =	sshll.u32 s6, $0xF  }
0x8: {  	s5 =	ssub.s32 s5, s9;
	s6 =	sadd.s32 s4, s6;
	s10 =	sor.u32 s7, s8  }
0x9: {  	s24 =	sor.u32 $0x40, s8;
	s28 =	sor.u32 $0x80, s8;
	s30 =	sor.u32 $0xC0, s8  }
0xa: {  	s16 =	sor.u32 $0x100, s8;
	s20 =	sor.u32 $0x140, s8;
	s22 =	sor.u32 $0x180, s8  }
0xb: {  	s8 =	sor.u32 $0x1C0, s8;
	s5 =	smax.u32 s5, $0x1;
	[dreg:$0x2] =	wrdreg s6  }
0xc: {  	s23 =	sshrl.u32 s10, $0x3;
	s11 =	sshll.u32 s24, $0x6;
	s10 =	sor.u32 s7, s24  }
0xd: {  	s29 =	sshll.u32 s28, $0x6;
	s12 =	sshll.u32 s30, $0x6;
	s14 =	sor.u32 s7, s30  }
0xe: {  	s17 =	sshll.u32 s16, $0x6;
	s21 =	sshll.u32 s20, $0x6;
	s6 =	sadd.s32 s1, s23  }
0xf: {  	s24 =	sshll.u32 s22, $0x6;
	s25 =	sadd.s32 s4, s11;
	[dreg:$0x3] =	wrdreg s6  }
0x10: {  	s10 =	sshrl.u32 s10, $0x3;
	s13 =	sadd.s32 s4, s12;
	[dreg:$0x4] =	wrdreg s25  }
0x11: {  	s15 =	sshrl.u32 s14, $0x3;
	s18 =	sadd.s32 s4, s17;
	[dreg:$0x8] =	wrdreg s13  }
0x12: {  	s26 =	sadd.s32 s1, s10;
	s10 =	sor.u32 s7, s28;
	[dreg:$0xa] =	wrdreg s18  }
0x13: {  	s6 =	sadd.s32 s4, s29;
	s25 =	sadd.s32 s4, s24;
	[dreg:$0x5] =	wrdreg s26  }
0x14: {  	s29 =	sshll.u32 s8, $0x6;
	s10 =	sshrl.u32 s10, $0x3;
	[dreg:$0x6] =	wrdreg s6  }
0x15: {  	s6 =	sadd.s32 s1, s15;
	s26 =	sor.u32 s7, s22;
	[dreg:$0xe] =	wrdreg s25  }
0x16: {  	s15 =	simm.s32 $0x1;
	s10 =	sadd.s32 s1, s10;
	[dreg:$0x9] =	wrdreg s6  }
0x17: {  	s6 =	sadd.s32 s4, s21;
	s28 =	sshrl.u32 s26, $0x3;
	[dreg:$0x7] =	wrdreg s10  }
0x18: {  	s4 =	sadd.s32 s4, s29;
	s10 =	sor.u32 s7, s16;
	[dreg:$0xc] =	wrdreg s6  }
0x19: {  	s6 =	sadd.s32 s1, s28;
	[dreg:$0x10] =	wrdreg s4;
	s10 =	sshrl.u32 s10, $0x3  }
0x1a: {  	s4 =	sadd.s32 $0x81300, s0;
	s19 =	sadd.s32 s1, s10;
	s10 =	sor.u32 s7, s20  }
0x1b: {  	[dreg:$0xf] =	wrdreg s6;
	s7 =	sor.u32 s7, s8;
	s10 =	sshrl.u32 s10, $0x3  }
0x1c: {  	v2 =	vlaneseq.u32;
	[dreg:$0xb] =	wrdreg s19;
	s30 =	sshrl.u32 s7, $0x3;
	s23 =	sadd.s32 s1, s10  }
0x1d: {  	vm0 =	vmmov $0xffff;
	v1 =	vshrl.u32 v2, $0x3;
	s16 =	simm.s32 $0x2;
	s1 =	sadd.s32 s1, s30;
	[dreg:$0xd] =	wrdreg s23  }
0x1e: {  	v0 =	vand.u32 $0x7, v2;
	v2 =	vor.u32 $0x8, v2;
	v1 =	vmul.u32 $0x8, v1;
	s7 =	simm.s32 $0x3;
	[dreg:$0x11] =	wrdreg s1;
	s23 =	simm.s32 $0x8100  }
.LBB2_1:
0x1f: {  	s17 =	rddreg [dreg:$0x2]  }
0x20: {  	[tilespmem:s31], [sflag:$0x3] =	stream.linear.gather [hbm4b:s17+s2], $0x8000, $0x38;
	[tilespmem:$0x10100] =	vst v63  }
0x21: {  	_ =	swait.ge [sflag:s7], $0x8000  }
0x22: {  	[sflag:s7] =	ssyncset.done $0x0  }
0x23: {  	s14 =	rddreg [dreg:$0x3];
	[sflag:s7] =	ssyncadd.s32 $0xFFFF8000  }
0x24: {  	[tilespmem:s2], [sflag:$0x3] =	stream.linear.gather [hbm4b:s14+s2], $0x40, $0x38;
	[tilespmem:$0x10100] =	vst v63  }
0x25: {  	_ =	swait.ge [sflag:s7], $0x40  }
0x26: {  	[sflag:s7] =	ssyncset.done $0x0  }
0x27: {  	[sflag:s7] =	ssyncadd.s32 $0xFFFFFFC0  }
0x28: {  	v3 =	vld [tilespmem:$0x0];
	_ =	sdelay $0x4  }
0x29: {  	v4 =	vshll.u32 v3, $0x2  }
0x2a: {  	v3 =	vand.u32 $0x7, v3;
	v4 =	vand.u32 $0xFFFFFFE0, v4  }
0x2b: {  	v3 =	vor.u32 v3, v4  }
0x2c: {  	v4 =	vperm.xlane v3, v0;
	_ =	sdelay $0x1  }
0x2d: {  	v4 =	vadd.s32 v1, v4;
	_ =	sdelay $0x1  }
0x2e: {  	v3 =	vperm.xlane v3, v2;
	_ =	sdelay $0x1  }
0x2f: {  	v3 =	vadd.s32 v1, v3  }
0x30: {  	[hbm4b:s3+s2] =	stream.indirect_vreg.scatter [tilespmem:s31], [sflag:$0x1], $0x80, v4, vm0, $0xb8;
	[tilespmem:$0x10100] =	vst v63  }
0x31: {  	s0 =	simm.s32 $0x900  }
0x32: {  	[hbm4b:s4+s2] =	stream.indirect_vreg.scatter [tilespmem:s0], [sflag:$0x1], $0x80, v4, vm0, $0xb8;
	[tilespmem:$0x10100] =	vst v63  }
0x33: {  	s18 =	simm.s32 $0x1100  }
0x34: {  	[hbm4b:s3+s2] =	stream.indirect_vreg.scatter [tilespmem:s18], [sflag:$0x1], $0x80, v3, vm0, $0xb8;
	[tilespmem:$0x10100] =	vst v63  }
0x35: {  	s19 =	simm.s32 $0x1900  }
0x36: {  	[hbm4b:s4+s2] =	stream.indirect_vreg.scatter [tilespmem:s19], [sflag:$0x1], $0x80, v3, vm0, $0xb8;
	[tilespmem:$0x10100] =	vst v63  }
0x37: {  	v3 =	vld [tilespmem:$0x10];
	_ =	sdelay $0x4  }
0x38: {  	v33 =	vshll.u32 v3, $0x2  }
0x39: {  	v3 =	vand.u32 $0x7, v3;
	v4 =	vand.u32 $0xFFFFFFE0, v33  }
0x3a: {  	v3 =	vor.u32 v3, v4  }
0x3b: {  	v4 =	vperm.xlane v3, v0;
	_ =	sdelay $0x1  }
0x3c: {  	v4 =	vadd.s32 v1, v4;
	_ =	sdelay $0x1  }
0x3d: {  	v3 =	vperm.xlane v3, v2;
	_ =	sdelay $0x1  }
0x3e: {  	s20 =	simm.s32 $0x2100;
	v3 =	vadd.s32 v1, v3  }
0x3f: {  	[hbm4b:s3+s2] =	stream.indirect_vreg.scatter [tilespmem:s20], [sflag:$0x1], $0x80, v4, vm0, $0xb8;
	[tilespmem:$0x10100] =	vst v63  }
0x40: {  	s21 =	simm.s32 $0x2900  }
0x41: {  	[hbm4b:s4+s2] =	stream.indirect_vreg.scatter [tilespmem:s21], [sflag:$0x1], $0x80, v4, vm0, $0xb8;
	[tilespmem:$0x10100] =	vst v63  }
0x42: {  	s22 =	simm.s32 $0x3100  }
0x43: {  	[hbm4b:s3+s2] =	stream.indirect_vreg.scatter [tilespmem:s22], [sflag:$0x1], $0x80, v3, vm0, $0xb8;
	[tilespmem:$0x10100] =	vst v63  }
0x44: {  	s24 =	simm.s32 $0x3900  }
0x45: {  	[hbm4b:s4+s2] =	stream.indirect_vreg.scatter [tilespmem:s24], [sflag:$0x1], $0x80, v3, vm0, $0xb8;
	[tilespmem:$0x10100] =	vst v63  }
0x46: {  	v3 =	vld [tilespmem:$0x20];
	_ =	sdelay $0x4  }
0x47: {  	v34 =	vshll.u32 v3, $0x2  }
0x48: {  	v3 =	vand.u32 $0x7, v3;
	v4 =	vand.u32 $0xFFFFFFE0, v34  }
0x49: {  	v3 =	vor.u32 v3, v4  }
0x4a: {  	v4 =	vperm.xlane v3, v0;
	_ =	sdelay $0x1  }
0x4b: {  	v4 =	vadd.s32 v1, v4;
	_ =	sdelay $0x1  }
0x4c: {  	v3 =	vperm.xlane v3, v2;
	_ =	sdelay $0x1  }
0x4d: {  	s25 =	simm.s32 $0x4100;
	v3 =	vadd.s32 v1, v3  }
0x4e: {  	[hbm4b:s3+s2] =	stream.indirect_vreg.scatter [tilespmem:s25], [sflag:$0x1], $0x80, v4, vm0, $0xb8;
	[tilespmem:$0x10100] =	vst v63  }
0x4f: {  	s26 =	simm.s32 $0x4900  }
0x50: {  	[hbm4b:s4+s2] =	stream.indirect_vreg.scatter [tilespmem:s26], [sflag:$0x1], $0x80, v4, vm0, $0xb8;
	[tilespmem:$0x10100] =	vst v63  }
0x51: {  	s28 =	simm.s32 $0x5100  }
0x52: {  	[hbm4b:s3+s2] =	stream.indirect_vreg.scatter [tilespmem:s28], [sflag:$0x1], $0x80, v3, vm0, $0xb8;
	[tilespmem:$0x10100] =	vst v63  }
0x53: {  	s29 =	simm.s32 $0x5900  }
0x54: {  	[hbm4b:s4+s2] =	stream.indirect_vreg.scatter [tilespmem:s29], [sflag:$0x1], $0x80, v3, vm0, $0xb8;
	[tilespmem:$0x10100] =	vst v63  }
0x55: {  	v3 =	vld [tilespmem:$0x30];
	_ =	sdelay $0x4  }
0x56: {  	v35 =	vshll.u32 v3, $0x2  }
0x57: {  	v3 =	vand.u32 $0x7, v3;
	v4 =	vand.u32 $0xFFFFFFE0, v35  }
0x58: {  	v3 =	vor.u32 v3, v4  }
0x59: {  	v4 =	vperm.xlane v3, v0;
	_ =	sdelay $0x1  }
0x5a: {  	v4 =	vadd.s32 v1, v4;
	_ =	sdelay $0x1  }
0x5b: {  	v3 =	vperm.xlane v3, v2;
	_ =	sdelay $0x1  }
0x5c: {  	s30 =	simm.s32 $0x6100;
	v3 =	vadd.s32 v1, v3  }
0x5d: {  	[hbm4b:s3+s2] =	stream.indirect_vreg.scatter [tilespmem:s30], [sflag:$0x1], $0x80, v4, vm0, $0xb8;
	[tilespmem:$0x10100] =	vst v63  }
0x5e: {  	s1 =	simm.s32 $0x6900  }
0x5f: {  	[hbm4b:s4+s2] =	stream.indirect_vreg.scatter [tilespmem:s1], [sflag:$0x1], $0x80, v4, vm0, $0xb8;
	[tilespmem:$0x10100] =	vst v63  }
0x60: {  	s6 =	simm.s32 $0x7100  }
0x61: {  	[hbm4b:s3+s2] =	stream.indirect_vreg.scatter [tilespmem:s6], [sflag:$0x1], $0x80, v3, vm0, $0xb8;
	[tilespmem:$0x10100] =	vst v63  }
0x62: {  	s9 =	simm.s32 $0x7900  }
0x63: {  	[hbm4b:s4+s2] =	stream.indirect_vreg.scatter [tilespmem:s9], [sflag:$0x1], $0x80, v3, vm0, $0xb8;
	[tilespmem:$0x10100] =	vst v63  }
0x64: {  	s8 =	rddreg [dreg:$0x4]  }
0x65: {  	[tilespmem:s23], [sflag:$0x3] =	stream.linear.gather [hbm4b:s8+s2], $0x8000, $0x38;
	[tilespmem:$0x10100] =	vst v63  }
0x66: {  	_ =	swait.ge [sflag:s7], $0x8000  }
0x67: {  	[sflag:s7] =	ssyncset.done $0x0  }
0x68: {  	s12 =	simm.s32 $0x80;
	s11 =	rddreg [dreg:$0x5];
	[sflag:s7] =	ssyncadd.s32 $0xFFFF8000  }
0x69: {  	[tilespmem:s12], [sflag:$0x3] =	stream.linear.gather [hbm4b:s11+s2], $0x40, $0x38;
	[tilespmem:$0x10100] =	vst v63  }
0x6a: {  	_ =	swait.ge [sflag:s7], $0x40  }
0x6b: {  	[sflag:s7] =	ssyncset.done $0x0  }
0x6c: {  	[sflag:s7] =	ssyncadd.s32 $0xFFFFFFC0  }
0x6d: {  	v3 =	vld [tilespmem:$0x80];
	_ =	sdelay $0x4  }
0x6e: {  	v36 =	vshll.u32 v3, $0x2  }
0x6f: {  	v3 =	vand.u32 $0x7, v3;
	v4 =	vand.u32 $0xFFFFFFE0, v36  }
0x70: {  	v3 =	vor.u32 v3, v4  }
0x71: {  	v4 =	vperm.xlane v3, v0;
	_ =	sdelay $0x1  }
0x72: {  	v4 =	vadd.s32 v1, v4;
	_ =	sdelay $0x1  }
0x73: {  	v3 =	vperm.xlane v3, v2;
	_ =	sdelay $0x1  }
0x74: {  	v3 =	vadd.s32 v1, v3  }
0x75: {  	[hbm4b:s3+s2] =	stream.indirect_vreg.scatter [tilespmem:s23], [sflag:$0x2], $0x80, v4, vm0, $0xb8;
	[tilespmem:$0x10100] =	vst v63  }
0x76: {  	s17 =	simm.s32 $0x8900  }
0x77: {  	[hbm4b:s4+s2] =	stream.indirect_vreg.scatter [tilespmem:s17], [sflag:$0x2], $0x80, v4, vm0, $0xb8;
	[tilespmem:$0x10100] =	vst v63  }
0x78: {  	s19 =	simm.s32 $0x9100  }
0x79: {  	[hbm4b:s3+s2] =	stream.indirect_vreg.scatter [tilespmem:s19], [sflag:$0x2], $0x80, v3, vm0, $0xb8;
	[tilespmem:$0x10100] =	vst v63  }
0x7a: {  	s20 =	simm.s32 $0x9900  }
0x7b: {  	[hbm4b:s4+s2] =	stream.indirect_vreg.scatter [tilespmem:s20], [sflag:$0x2], $0x80, v3, vm0, $0xb8;
	[tilespmem:$0x10100] =	vst v63  }
0x7c: {  	v3 =	vld [tilespmem:$0x90];
	_ =	sdelay $0x4  }
0x7d: {  	v37 =	vshll.u32 v3, $0x2  }
0x7e: {  	v3 =	vand.u32 $0x7, v3;
	v4 =	vand.u32 $0xFFFFFFE0, v37  }
0x7f: {  	v3 =	vor.u32 v3, v4  }
0x80: {  	v4 =	vperm.xlane v3, v0;
	_ =	sdelay $0x1  }
0x81: {  	v4 =	vadd.s32 v1, v4;
	_ =	sdelay $0x1  }
0x82: {  	v3 =	vperm.xlane v3, v2;
	_ =	sdelay $0x1  }
0x83: {  	s21 =	simm.s32 $0xA100;
	v3 =	vadd.s32 v1, v3  }
0x84: {  	[hbm4b:s3+s2] =	stream.indirect_vreg.scatter [tilespmem:s21], [sflag:$0x2], $0x80, v4, vm0, $0xb8;
	[tilespmem:$0x10100] =	vst v63  }
0x85: {  	s22 =	simm.s32 $0xA900  }
0x86: {  	[hbm4b:s4+s2] =	stream.indirect_vreg.scatter [tilespmem:s22], [sflag:$0x2], $0x80, v4, vm0, $0xb8;
	[tilespmem:$0x10100] =	vst v63  }
0x87: {  	s24 =	simm.s32 $0xB100  }
0x88: {  	[hbm4b:s3+s2] =	stream.indirect_vreg.scatter [tilespmem:s24], [sflag:$0x2], $0x80, v3, vm0, $0xb8;
	[tilespmem:$0x10100] =	vst v63  }
0x89: {  	s25 =	simm.s32 $0xB900  }
0x8a: {  	[hbm4b:s4+s2] =	stream.indirect_vreg.scatter [tilespmem:s25], [sflag:$0x2], $0x80, v3, vm0, $0xb8;
	[tilespmem:$0x10100] =	vst v63  }
0x8b: {  	v3 =	vld [tilespmem:$0xA0];
	_ =	sdelay $0x4  }
0x8c: {  	v38 =	vshll.u32 v3, $0x2  }
0x8d: {  	v3 =	vand.u32 $0x7, v3;
	v4 =	vand.u32 $0xFFFFFFE0, v38  }
0x8e: {  	v3 =	vor.u32 v3, v4  }
0x8f: {  	v4 =	vperm.xlane v3, v0;
	_ =	sdelay $0x1  }
0x90: {  	v4 =	vadd.s32 v1, v4;
	_ =	sdelay $0x1  }
0x91: {  	v3 =	vperm.xlane v3, v2;
	_ =	sdelay $0x1  }
0x92: {  	s28 =	simm.s32 $0xC100;
	v3 =	vadd.s32 v1, v3  }
0x93: {  	[hbm4b:s3+s2] =	stream.indirect_vreg.scatter [tilespmem:s28], [sflag:$0x2], $0x80, v4, vm0, $0xb8;
	[tilespmem:$0x10100] =	vst v63  }
0x94: {  	s30 =	simm.s32 $0xC900  }
0x95: {  	[hbm4b:s4+s2] =	stream.indirect_vreg.scatter [tilespmem:s30], [sflag:$0x2], $0x80, v4, vm0, $0xb8;
	[tilespmem:$0x10100] =	vst v63  }
0x96: {  	s0 =	simm.s32 $0xD100  }
0x97: {  	[hbm4b:s3+s2] =	stream.indirect_vreg.scatter [tilespmem:s0], [sflag:$0x2], $0x80, v3, vm0, $0xb8;
	[tilespmem:$0x10100] =	vst v63  }
0x98: {  	s8 =	simm.s32 $0xD900  }
0x99: {  	[hbm4b:s4+s2] =	stream.indirect_vreg.scatter [tilespmem:s8], [sflag:$0x2], $0x80, v3, vm0, $0xb8;
	[tilespmem:$0x10100] =	vst v63  }
0x9a: {  	v3 =	vld [tilespmem:$0xB0];
	_ =	sdelay $0x4  }
0x9b: {  	v39 =	vshll.u32 v3, $0x2  }
0x9c: {  	v3 =	vand.u32 $0x7, v3;
	v4 =	vand.u32 $0xFFFFFFE0, v39  }
0x9d: {  	v3 =	vor.u32 v3, v4  }
0x9e: {  	v4 =	vperm.xlane v3, v0;
	_ =	sdelay $0x1  }
0x9f: {  	v4 =	vadd.s32 v1, v4;
	_ =	sdelay $0x1  }
0xa0: {  	v3 =	vperm.xlane v3, v2;
	_ =	sdelay $0x1  }
0xa1: {  	s9 =	simm.s32 $0xE100;
	v3 =	vadd.s32 v1, v3  }
0xa2: {  	[hbm4b:s3+s2] =	stream.indirect_vreg.scatter [tilespmem:s9], [sflag:$0x2], $0x80, v4, vm0, $0xb8;
	[tilespmem:$0x10100] =	vst v63  }
0xa3: {  	s11 =	simm.s32 $0xE900  }
0xa4: {  	[hbm4b:s4+s2] =	stream.indirect_vreg.scatter [tilespmem:s11], [sflag:$0x2], $0x80, v4, vm0, $0xb8;
	[tilespmem:$0x10100] =	vst v63  }
0xa5: {  	s12 =	simm.s32 $0xF100  }
0xa6: {  	[hbm4b:s3+s2] =	stream.indirect_vreg.scatter [tilespmem:s12], [sflag:$0x2], $0x80, v3, vm0, $0xb8;
	[tilespmem:$0x10100] =	vst v63  }
0xa7: {  	s19 =	simm.s32 $0xF900  }
0xa8: {  	[hbm4b:s4+s2] =	stream.indirect_vreg.scatter [tilespmem:s19], [sflag:$0x2], $0x80, v3, vm0, $0xb8;
	[tilespmem:$0x10100] =	vst v63  }
0xa9: {  	_ =	swait.ge [sflag:s15], $0x8000  }
0xaa: {  	[sflag:s15] =	ssyncset.done $0x0  }
0xab: {  	s20 =	rddreg [dreg:$0x6];
	[sflag:s15] =	ssyncadd.s32 $0xFFFF8000  }
0xac: {  	[tilespmem:s31], [sflag:$0x3] =	stream.linear.gather [hbm4b:s20+s2], $0x8000, $0x38;
	[tilespmem:$0x10100] =	vst v63  }
0xad: {  	_ =	swait.ge [sflag:s7], $0x8000  }
0xae: {  	[sflag:s7] =	ssyncset.done $0x0  }
0xaf: {  	s21 =	rddreg [dreg:$0x7];
	[sflag:s7] =	ssyncadd.s32 $0xFFFF8000  }
0xb0: {  	[tilespmem:s2], [sflag:$0x3] =	stream.linear.gather [hbm4b:s21+s2], $0x40, $0x38;
	[tilespmem:$0x10100] =	vst v63  }
0xb1: {  	_ =	swait.ge [sflag:s7], $0x40  }
0xb2: {  	[sflag:s7] =	ssyncset.done $0x0  }
0xb3: {  	[sflag:s7] =	ssyncadd.s32 $0xFFFFFFC0  }
0xb4: {  	v3 =	vld [tilespmem:$0x0];
	_ =	sdelay $0x4  }
0xb5: {  	v40 =	vshll.u32 v3, $0x2  }
0xb6: {  	v3 =	vand.u32 $0x7, v3;
	v4 =	vand.u32 $0xFFFFFFE0, v40  }
0xb7: {  	v3 =	vor.u32 v3, v4  }
0xb8: {  	v4 =	vperm.xlane v3, v0;
	_ =	sdelay $0x1  }
0xb9: {  	v4 =	vadd.s32 v1, v4;
	_ =	sdelay $0x1  }
0xba: {  	v3 =	vperm.xlane v3, v2;
	_ =	sdelay $0x1  }
0xbb: {  	v3 =	vadd.s32 v1, v3  }
0xbc: {  	[hbm4b:s3+s2] =	stream.indirect_vreg.scatter [tilespmem:s31], [sflag:$0x1], $0x80, v4, vm0, $0xb8;
	[tilespmem:$0x10100] =	vst v63  }
0xbd: {  	s8 =	simm.s32 $0x900  }
0xbe: {  	[hbm4b:s4+s2] =	stream.indirect_vreg.scatter [tilespmem:s8], [sflag:$0x1], $0x80, v4, vm0, $0xb8;
	[tilespmem:$0x10100] =	vst v63  }
0xbf: {  	s9 =	simm.s32 $0x1100  }
0xc0: {  	[hbm4b:s3+s2] =	stream.indirect_vreg.scatter [tilespmem:s9], [sflag:$0x1], $0x80, v3, vm0, $0xb8;
	[tilespmem:$0x10100] =	vst v63  }
0xc1: {  	s10 =	simm.s32 $0x1900  }
0xc2: {  	[hbm4b:s4+s2] =	stream.indirect_vreg.scatter [tilespmem:s10], [sflag:$0x1], $0x80, v3, vm0, $0xb8;
	[tilespmem:$0x10100] =	vst v63  }
0xc3: {  	v3 =	vld [tilespmem:$0x10];
	_ =	sdelay $0x4  }
0xc4: {  	v41 =	vshll.u32 v3, $0x2  }
0xc5: {  	v3 =	vand.u32 $0x7, v3;
	v4 =	vand.u32 $0xFFFFFFE0, v41  }
0xc6: {  	v3 =	vor.u32 v3, v4  }
0xc7: {  	v4 =	vperm.xlane v3, v0;
	_ =	sdelay $0x1  }
0xc8: {  	v4 =	vadd.s32 v1, v4;
	_ =	sdelay $0x1  }
0xc9: {  	v3 =	vperm.xlane v3, v2;
	_ =	sdelay $0x1  }
0xca: {  	s10 =	simm.s32 $0x2100;
	v3 =	vadd.s32 v1, v3  }
0xcb: {  	[hbm4b:s3+s2] =	stream.indirect_vreg.scatter [tilespmem:s10], [sflag:$0x1], $0x80, v4, vm0, $0xb8;
	[tilespmem:$0x10100] =	vst v63  }
0xcc: {  	s11 =	simm.s32 $0x2900  }
0xcd: {  	[hbm4b:s4+s2] =	stream.indirect_vreg.scatter [tilespmem:s11], [sflag:$0x1], $0x80, v4, vm0, $0xb8;
	[tilespmem:$0x10100] =	vst v63  }
0xce: {  	s12 =	simm.s32 $0x3100  }
0xcf: {  	[hbm4b:s3+s2] =	stream.indirect_vreg.scatter [tilespmem:s12], [sflag:$0x1], $0x80, v3, vm0, $0xb8;
	[tilespmem:$0x10100] =	vst v63  }
0xd0: {  	s14 =	simm.s32 $0x3900  }
0xd1: {  	[hbm4b:s4+s2] =	stream.indirect_vreg.scatter [tilespmem:s14], [sflag:$0x1], $0x80, v3, vm0, $0xb8;
	[tilespmem:$0x10100] =	vst v63  }
0xd2: {  	v3 =	vld [tilespmem:$0x20];
	_ =	sdelay $0x4  }
0xd3: {  	v42 =	vshll.u32 v3, $0x2  }
0xd4: {  	v3 =	vand.u32 $0x7, v3;
	v4 =	vand.u32 $0xFFFFFFE0, v42  }
0xd5: {  	v3 =	vor.u32 v3, v4  }
0xd6: {  	v4 =	vperm.xlane v3, v0;
	_ =	sdelay $0x1  }
0xd7: {  	v4 =	vadd.s32 v1, v4;
	_ =	sdelay $0x1  }
0xd8: {  	v3 =	vperm.xlane v3, v2;
	_ =	sdelay $0x1  }
0xd9: {  	s13 =	simm.s32 $0x4100;
	v3 =	vadd.s32 v1, v3  }
0xda: {  	[hbm4b:s3+s2] =	stream.indirect_vreg.scatter [tilespmem:s13], [sflag:$0x1], $0x80, v4, vm0, $0xb8;
	[tilespmem:$0x10100] =	vst v63  }
0xdb: {  	s19 =	simm.s32 $0x4900  }
0xdc: {  	[hbm4b:s4+s2] =	stream.indirect_vreg.scatter [tilespmem:s19], [sflag:$0x1], $0x80, v4, vm0, $0xb8;
	[tilespmem:$0x10100] =	vst v63  }
0xdd: {  	s14 =	simm.s32 $0x5100  }
0xde: {  	[hbm4b:s3+s2] =	stream.indirect_vreg.scatter [tilespmem:s14], [sflag:$0x1], $0x80, v3, vm0, $0xb8;
	[tilespmem:$0x10100] =	vst v63  }
0xdf: {  	s18 =	simm.s32 $0x5900  }
0xe0: {  	[hbm4b:s4+s2] =	stream.indirect_vreg.scatter [tilespmem:s18], [sflag:$0x1], $0x80, v3, vm0, $0xb8;
	[tilespmem:$0x10100] =	vst v63  }
0xe1: {  	v3 =	vld [tilespmem:$0x30];
	_ =	sdelay $0x4  }
0xe2: {  	v43 =	vshll.u32 v3, $0x2  }
0xe3: {  	v3 =	vand.u32 $0x7, v3;
	v4 =	vand.u32 $0xFFFFFFE0, v43  }
0xe4: {  	v3 =	vor.u32 v3, v4  }
0xe5: {  	v4 =	vperm.xlane v3, v0;
	_ =	sdelay $0x1  }
0xe6: {  	v4 =	vadd.s32 v1, v4;
	_ =	sdelay $0x1  }
0xe7: {  	v3 =	vperm.xlane v3, v2;
	_ =	sdelay $0x1  }
0xe8: {  	s18 =	simm.s32 $0x6100;
	v3 =	vadd.s32 v1, v3  }
0xe9: {  	[hbm4b:s3+s2] =	stream.indirect_vreg.scatter [tilespmem:s18], [sflag:$0x1], $0x80, v4, vm0, $0xb8;
	[tilespmem:$0x10100] =	vst v63  }
0xea: {  	s13 =	simm.s32 $0x6900  }
0xeb: {  	[hbm4b:s4+s2] =	stream.indirect_vreg.scatter [tilespmem:s13], [sflag:$0x1], $0x80, v4, vm0, $0xb8;
	[tilespmem:$0x10100] =	vst v63  }
0xec: {  	s20 =	simm.s32 $0x7100  }
0xed: {  	[hbm4b:s3+s2] =	stream.indirect_vreg.scatter [tilespmem:s20], [sflag:$0x1], $0x80, v3, vm0, $0xb8;
	[tilespmem:$0x10100] =	vst v63  }
0xee: {  	s21 =	simm.s32 $0x7900  }
0xef: {  	[hbm4b:s4+s2] =	stream.indirect_vreg.scatter [tilespmem:s21], [sflag:$0x1], $0x80, v3, vm0, $0xb8;
	[tilespmem:$0x10100] =	vst v63  }
0xf0: {  	_ =	swait.ge [sflag:s16], $0x8000  }
0xf1: {  	[sflag:s16] =	ssyncset.done $0x0  }
0xf2: {  	s0 =	rddreg [dreg:$0x8];
	[sflag:s16] =	ssyncadd.s32 $0xFFFF8000  }
0xf3: {  	[tilespmem:s23], [sflag:$0x3] =	stream.linear.gather [hbm4b:s0+s2], $0x8000, $0x38;
	[tilespmem:$0x10100] =	vst v63  }
0xf4: {  	_ =	swait.ge [sflag:s7], $0x8000  }
0xf5: {  	[sflag:s7] =	ssyncset.done $0x0  }
0xf6: {  	s1 =	simm.s32 $0x80;
	s0 =	rddreg [dreg:$0x9];
	[sflag:s7] =	ssyncadd.s32 $0xFFFF8000  }
0xf7: {  	[tilespmem:s1], [sflag:$0x3] =	stream.linear.gather [hbm4b:s0+s2], $0x40, $0x38;
	[tilespmem:$0x10100] =	vst v63  }
0xf8: {  	_ =	swait.ge [sflag:s7], $0x40  }
0xf9: {  	[sflag:s7] =	ssyncset.done $0x0  }
0xfa: {  	[sflag:s7] =	ssyncadd.s32 $0xFFFFFFC0  }
0xfb: {  	v3 =	vld [tilespmem:$0x80];
	_ =	sdelay $0x4  }
0xfc: {  	v44 =	vshll.u32 v3, $0x2  }
0xfd: {  	v3 =	vand.u32 $0x7, v3;
	v4 =	vand.u32 $0xFFFFFFE0, v44  }
0xfe: {  	v3 =	vor.u32 v3, v4  }
0xff: {  	v4 =	vperm.xlane v3, v0;
	_ =	sdelay $0x1  }
0x100: {  	v4 =	vadd.s32 v1, v4;
	_ =	sdelay $0x1  }
0x101: {  	v3 =	vperm.xlane v3, v2;
	_ =	sdelay $0x1  }
0x102: {  	v3 =	vadd.s32 v1, v3  }
0x103: {  	[hbm4b:s3+s2] =	stream.indirect_vreg.scatter [tilespmem:s23], [sflag:$0x2], $0x80, v4, vm0, $0xb8;
	[tilespmem:$0x10100] =	vst v63  }
0x104: {  	s0 =	simm.s32 $0x8900  }
0x105: {  	[hbm4b:s4+s2] =	stream.indirect_vreg.scatter [tilespmem:s0], [sflag:$0x2], $0x80, v4, vm0, $0xb8;
	[tilespmem:$0x10100] =	vst v63  }
0x106: {  	s1 =	simm.s32 $0x9100  }
0x107: {  	[hbm4b:s3+s2] =	stream.indirect_vreg.scatter [tilespmem:s1], [sflag:$0x2], $0x80, v3, vm0, $0xb8;
	[tilespmem:$0x10100] =	vst v63  }
0x108: {  	s6 =	simm.s32 $0x9900  }
0x109: {  	[hbm4b:s4+s2] =	stream.indirect_vreg.scatter [tilespmem:s6], [sflag:$0x2], $0x80, v3, vm0, $0xb8;
	[tilespmem:$0x10100] =	vst v63  }
0x10a: {  	v3 =	vld [tilespmem:$0x90];
	_ =	sdelay $0x4  }
0x10b: {  	v45 =	vshll.u32 v3, $0x2  }
0x10c: {  	v3 =	vand.u32 $0x7, v3;
	v4 =	vand.u32 $0xFFFFFFE0, v45  }
0x10d: {  	v3 =	vor.u32 v3, v4  }
0x10e: {  	v4 =	vperm.xlane v3, v0;
	_ =	sdelay $0x1  }
0x10f: {  	v4 =	vadd.s32 v1, v4;
	_ =	sdelay $0x1  }
0x110: {  	v3 =	vperm.xlane v3, v2;
	_ =	sdelay $0x1  }
0x111: {  	s6 =	simm.s32 $0xA100;
	v3 =	vadd.s32 v1, v3  }
0x112: {  	[hbm4b:s3+s2] =	stream.indirect_vreg.scatter [tilespmem:s6], [sflag:$0x2], $0x80, v4, vm0, $0xb8;
	[tilespmem:$0x10100] =	vst v63  }
0x113: {  	s29 =	simm.s32 $0xA900  }
0x114: {  	[hbm4b:s4+s2] =	stream.indirect_vreg.scatter [tilespmem:s29], [sflag:$0x2], $0x80, v4, vm0, $0xb8;
	[tilespmem:$0x10100] =	vst v63  }
0x115: {  	s26 =	simm.s32 $0xB100  }
0x116: {  	[hbm4b:s3+s2] =	stream.indirect_vreg.scatter [tilespmem:s26], [sflag:$0x2], $0x80, v3, vm0, $0xb8;
	[tilespmem:$0x10100] =	vst v63  }
0x117: {  	s25 =	simm.s32 $0xB900  }
0x118: {  	[hbm4b:s4+s2] =	stream.indirect_vreg.scatter [tilespmem:s25], [sflag:$0x2], $0x80, v3, vm0, $0xb8;
	[tilespmem:$0x10100] =	vst v63  }
0x119: {  	v3 =	vld [tilespmem:$0xA0];
	_ =	sdelay $0x4  }
0x11a: {  	v46 =	vshll.u32 v3, $0x2  }
0x11b: {  	v3 =	vand.u32 $0x7, v3;
	v4 =	vand.u32 $0xFFFFFFE0, v46  }
0x11c: {  	v3 =	vor.u32 v3, v4  }
0x11d: {  	v4 =	vperm.xlane v3, v0;
	_ =	sdelay $0x1  }
0x11e: {  	v4 =	vadd.s32 v1, v4;
	_ =	sdelay $0x1  }
0x11f: {  	v3 =	vperm.xlane v3, v2;
	_ =	sdelay $0x1  }
0x120: {  	s28 =	simm.s32 $0xC100;
	v3 =	vadd.s32 v1, v3  }
0x121: {  	[hbm4b:s3+s2] =	stream.indirect_vreg.scatter [tilespmem:s28], [sflag:$0x2], $0x80, v4, vm0, $0xb8;
	[tilespmem:$0x10100] =	vst v63  }
0x122: {  	s30 =	simm.s32 $0xC900  }
0x123: {  	[hbm4b:s4+s2] =	stream.indirect_vreg.scatter [tilespmem:s30], [sflag:$0x2], $0x80, v4, vm0, $0xb8;
	[tilespmem:$0x10100] =	vst v63  }
0x124: {  	s29 =	simm.s32 $0xD100  }
0x125: {  	[hbm4b:s3+s2] =	stream.indirect_vreg.scatter [tilespmem:s29], [sflag:$0x2], $0x80, v3, vm0, $0xb8;
	[tilespmem:$0x10100] =	vst v63  }
0x126: {  	s22 =	simm.s32 $0xD900  }
0x127: {  	[hbm4b:s4+s2] =	stream.indirect_vreg.scatter [tilespmem:s22], [sflag:$0x2], $0x80, v3, vm0, $0xb8;
	[tilespmem:$0x10100] =	vst v63  }
0x128: {  	v3 =	vld [tilespmem:$0xB0];
	_ =	sdelay $0x4  }
0x129: {  	v47 =	vshll.u32 v3, $0x2  }
0x12a: {  	v3 =	vand.u32 $0x7, v3;
	v4 =	vand.u32 $0xFFFFFFE0, v47  }
0x12b: {  	v3 =	vor.u32 v3, v4  }
0x12c: {  	v4 =	vperm.xlane v3, v0;
	_ =	sdelay $0x1  }
0x12d: {  	v4 =	vadd.s32 v1, v4;
	_ =	sdelay $0x1  }
0x12e: {  	v3 =	vperm.xlane v3, v2;
	_ =	sdelay $0x1  }
0x12f: {  	s30 =	simm.s32 $0xE100;
	v3 =	vadd.s32 v1, v3  }
0x130: {  	[hbm4b:s3+s2] =	stream.indirect_vreg.scatter [tilespmem:s30], [sflag:$0x2], $0x80, v4, vm0, $0xb8;
	[tilespmem:$0x10100] =	vst v63  }
0x131: {  	s22 =	simm.s32 $0xE900  }
0x132: {  	[hbm4b:s4+s2] =	stream.indirect_vreg.scatter [tilespmem:s22], [sflag:$0x2], $0x80, v4, vm0, $0xb8;
	[tilespmem:$0x10100] =	vst v63  }
0x133: {  	s17 =	simm.s32 $0xF100  }
0x134: {  	[hbm4b:s3+s2] =	stream.indirect_vreg.scatter [tilespmem:s17], [sflag:$0x2], $0x80, v3, vm0, $0xb8;
	[tilespmem:$0x10100] =	vst v63  }
0x135: {  	s24 =	simm.s32 $0xF900  }
0x136: {  	[hbm4b:s4+s2] =	stream.indirect_vreg.scatter [tilespmem:s24], [sflag:$0x2], $0x80, v3, vm0, $0xb8;
	[tilespmem:$0x10100] =	vst v63  }
0x137: {  	_ =	swait.ge [sflag:s15], $0x8000  }
0x138: {  	[sflag:s15] =	ssyncset.done $0x0  }
0x139: {  	s24 =	rddreg [dreg:$0xa];
	[sflag:s15] =	ssyncadd.s32 $0xFFFF8000  }
0x13a: {  	[tilespmem:s31], [sflag:$0x3] =	stream.linear.gather [hbm4b:s24+s2], $0x8000, $0x38;
	[tilespmem:$0x10100] =	vst v63  }
0x13b: {  	_ =	swait.ge [sflag:s7], $0x8000  }
0x13c: {  	[sflag:s7] =	ssyncset.done $0x0  }
0x13d: {  	s24 =	rddreg [dreg:$0xb];
	[sflag:s7] =	ssyncadd.s32 $0xFFFF8000  }
0x13e: {  	[tilespmem:s2], [sflag:$0x3] =	stream.linear.gather [hbm4b:s24+s2], $0x40, $0x38;
	[tilespmem:$0x10100] =	vst v63  }
0x13f: {  	_ =	swait.ge [sflag:s7], $0x40  }
0x140: {  	[sflag:s7] =	ssyncset.done $0x0  }
0x141: {  	[sflag:s7] =	ssyncadd.s32 $0xFFFFFFC0  }
0x142: {  	v3 =	vld [tilespmem:$0x0];
	_ =	sdelay $0x4  }
0x143: {  	v48 =	vshll.u32 v3, $0x2  }
0x144: {  	v3 =	vand.u32 $0x7, v3;
	v4 =	vand.u32 $0xFFFFFFE0, v48  }
0x145: {  	v3 =	vor.u32 v3, v4  }
0x146: {  	v4 =	vperm.xlane v3, v0;
	_ =	sdelay $0x1  }
0x147: {  	v4 =	vadd.s32 v1, v4;
	_ =	sdelay $0x1  }
0x148: {  	v3 =	vperm.xlane v3, v2;
	_ =	sdelay $0x1  }
0x149: {  	v3 =	vadd.s32 v1, v3  }
0x14a: {  	[hbm4b:s3+s2] =	stream.indirect_vreg.scatter [tilespmem:s31], [sflag:$0x1], $0x80, v4, vm0, $0xb8;
	[tilespmem:$0x10100] =	vst v63  }
0x14b: {  	_ = 	snop  }
0x14c: {  	[hbm4b:s4+s2] =	stream.indirect_vreg.scatter [tilespmem:s8], [sflag:$0x1], $0x80, v4, vm0, $0xb8;
	[tilespmem:$0x10100] =	vst v63  }
0x14d: {  	_ = 	snop  }
0x14e: {  	[hbm4b:s3+s2] =	stream.indirect_vreg.scatter [tilespmem:s9], [sflag:$0x1], $0x80, v3, vm0, $0xb8;
	[tilespmem:$0x10100] =	vst v63  }
0x14f: {  	s24 =	simm.s32 $0x1900  }
0x150: {  	[hbm4b:s4+s2] =	stream.indirect_vreg.scatter [tilespmem:s24], [sflag:$0x1], $0x80, v3, vm0, $0xb8;
	[tilespmem:$0x10100] =	vst v63  }
0x151: {  	v3 =	vld [tilespmem:$0x10];
	_ =	sdelay $0x4  }
0x152: {  	v49 =	vshll.u32 v3, $0x2  }
0x153: {  	v3 =	vand.u32 $0x7, v3;
	v4 =	vand.u32 $0xFFFFFFE0, v49  }
0x154: {  	v3 =	vor.u32 v3, v4  }
0x155: {  	v4 =	vperm.xlane v3, v0;
	_ =	sdelay $0x1  }
0x156: {  	v4 =	vadd.s32 v1, v4;
	_ =	sdelay $0x1  }
0x157: {  	v3 =	vperm.xlane v3, v2;
	_ =	sdelay $0x1  }
0x158: {  	v3 =	vadd.s32 v1, v3  }
0x159: {  	[hbm4b:s3+s2] =	stream.indirect_vreg.scatter [tilespmem:s10], [sflag:$0x1], $0x80, v4, vm0, $0xb8;
	[tilespmem:$0x10100] =	vst v63  }
0x15a: {  	_ = 	snop  }
0x15b: {  	[hbm4b:s4+s2] =	stream.indirect_vreg.scatter [tilespmem:s11], [sflag:$0x1], $0x80, v4, vm0, $0xb8;
	[tilespmem:$0x10100] =	vst v63  }
0x15c: {  	_ = 	snop  }
0x15d: {  	[hbm4b:s3+s2] =	stream.indirect_vreg.scatter [tilespmem:s12], [sflag:$0x1], $0x80, v3, vm0, $0xb8;
	[tilespmem:$0x10100] =	vst v63  }
0x15e: {  	s24 =	simm.s32 $0x3900  }
0x15f: {  	[hbm4b:s4+s2] =	stream.indirect_vreg.scatter [tilespmem:s24], [sflag:$0x1], $0x80, v3, vm0, $0xb8;
	[tilespmem:$0x10100] =	vst v63  }
0x160: {  	v3 =	vld [tilespmem:$0x20];
	_ =	sdelay $0x4  }
0x161: {  	v50 =	vshll.u32 v3, $0x2  }
0x162: {  	v3 =	vand.u32 $0x7, v3;
	v4 =	vand.u32 $0xFFFFFFE0, v50  }
0x163: {  	v3 =	vor.u32 v3, v4  }
0x164: {  	v4 =	vperm.xlane v3, v0;
	_ =	sdelay $0x1  }
0x165: {  	v4 =	vadd.s32 v1, v4;
	_ =	sdelay $0x1  }
0x166: {  	v3 =	vperm.xlane v3, v2;
	_ =	sdelay $0x1  }
0x167: {  	s24 =	simm.s32 $0x4100;
	v3 =	vadd.s32 v1, v3  }
0x168: {  	[hbm4b:s3+s2] =	stream.indirect_vreg.scatter [tilespmem:s24], [sflag:$0x1], $0x80, v4, vm0, $0xb8;
	[tilespmem:$0x10100] =	vst v63  }
0x169: {  	_ = 	snop  }
0x16a: {  	[hbm4b:s4+s2] =	stream.indirect_vreg.scatter [tilespmem:s19], [sflag:$0x1], $0x80, v4, vm0, $0xb8;
	[tilespmem:$0x10100] =	vst v63  }
0x16b: {  	_ = 	snop  }
0x16c: {  	[hbm4b:s3+s2] =	stream.indirect_vreg.scatter [tilespmem:s14], [sflag:$0x1], $0x80, v3, vm0, $0xb8;
	[tilespmem:$0x10100] =	vst v63  }
0x16d: {  	s24 =	simm.s32 $0x5900  }
0x16e: {  	[hbm4b:s4+s2] =	stream.indirect_vreg.scatter [tilespmem:s24], [sflag:$0x1], $0x80, v3, vm0, $0xb8;
	[tilespmem:$0x10100] =	vst v63  }
0x16f: {  	v3 =	vld [tilespmem:$0x30];
	_ =	sdelay $0x4  }
0x170: {  	v51 =	vshll.u32 v3, $0x2  }
0x171: {  	v3 =	vand.u32 $0x7, v3;
	v4 =	vand.u32 $0xFFFFFFE0, v51  }
0x172: {  	v3 =	vor.u32 v3, v4  }
0x173: {  	v4 =	vperm.xlane v3, v0;
	_ =	sdelay $0x1  }
0x174: {  	v4 =	vadd.s32 v1, v4;
	_ =	sdelay $0x1  }
0x175: {  	v3 =	vperm.xlane v3, v2;
	_ =	sdelay $0x1  }
0x176: {  	v3 =	vadd.s32 v1, v3  }
0x177: {  	[hbm4b:s3+s2] =	stream.indirect_vreg.scatter [tilespmem:s18], [sflag:$0x1], $0x80, v4, vm0, $0xb8;
	[tilespmem:$0x10100] =	vst v63  }
0x178: {  	_ = 	snop  }
0x179: {  	[hbm4b:s4+s2] =	stream.indirect_vreg.scatter [tilespmem:s13], [sflag:$0x1], $0x80, v4, vm0, $0xb8;
	[tilespmem:$0x10100] =	vst v63  }
0x17a: {  	_ = 	snop  }
0x17b: {  	[hbm4b:s3+s2] =	stream.indirect_vreg.scatter [tilespmem:s20], [sflag:$0x1], $0x80, v3, vm0, $0xb8;
	[tilespmem:$0x10100] =	vst v63  }
0x17c: {  	_ = 	snop  }
0x17d: {  	[hbm4b:s4+s2] =	stream.indirect_vreg.scatter [tilespmem:s21], [sflag:$0x1], $0x80, v3, vm0, $0xb8;
	[tilespmem:$0x10100] =	vst v63  }
0x17e: {  	_ =	swait.ge [sflag:s16], $0x8000  }
0x17f: {  	[sflag:s16] =	ssyncset.done $0x0  }
0x180: {  	s24 =	rddreg [dreg:$0xc];
	[sflag:s16] =	ssyncadd.s32 $0xFFFF8000  }
0x181: {  	[tilespmem:s23], [sflag:$0x3] =	stream.linear.gather [hbm4b:s24+s2], $0x8000, $0x38;
	[tilespmem:$0x10100] =	vst v63  }
0x182: {  	_ =	swait.ge [sflag:s7], $0x8000  }
0x183: {  	[sflag:s7] =	ssyncset.done $0x0  }
0x184: {  	s24 =	simm.s32 $0x80;
	s17 =	rddreg [dreg:$0xd];
	[sflag:s7] =	ssyncadd.s32 $0xFFFF8000  }
0x185: {  	[tilespmem:s24], [sflag:$0x3] =	stream.linear.gather [hbm4b:s17+s2], $0x40, $0x38;
	[tilespmem:$0x10100] =	vst v63  }
0x186: {  	_ =	swait.ge [sflag:s7], $0x40  }
0x187: {  	[sflag:s7] =	ssyncset.done $0x0  }
0x188: {  	[sflag:s7] =	ssyncadd.s32 $0xFFFFFFC0  }
0x189: {  	v3 =	vld [tilespmem:$0x80];
	_ =	sdelay $0x4  }
0x18a: {  	v52 =	vshll.u32 v3, $0x2  }
0x18b: {  	v3 =	vand.u32 $0x7, v3;
	v4 =	vand.u32 $0xFFFFFFE0, v52  }
0x18c: {  	v3 =	vor.u32 v3, v4  }
0x18d: {  	v4 =	vperm.xlane v3, v0;
	_ =	sdelay $0x1  }
0x18e: {  	v4 =	vadd.s32 v1, v4;
	_ =	sdelay $0x1  }
0x18f: {  	v3 =	vperm.xlane v3, v2;
	_ =	sdelay $0x1  }
0x190: {  	v3 =	vadd.s32 v1, v3  }
0x191: {  	[hbm4b:s3+s2] =	stream.indirect_vreg.scatter [tilespmem:s23], [sflag:$0x2], $0x80, v4, vm0, $0xb8;
	[tilespmem:$0x10100] =	vst v63  }
0x192: {  	_ = 	snop  }
0x193: {  	[hbm4b:s4+s2] =	stream.indirect_vreg.scatter [tilespmem:s0], [sflag:$0x2], $0x80, v4, vm0, $0xb8;
	[tilespmem:$0x10100] =	vst v63  }
0x194: {  	_ = 	snop  }
0x195: {  	[hbm4b:s3+s2] =	stream.indirect_vreg.scatter [tilespmem:s1], [sflag:$0x2], $0x80, v3, vm0, $0xb8;
	[tilespmem:$0x10100] =	vst v63  }
0x196: {  	s24 =	simm.s32 $0x9900  }
0x197: {  	[hbm4b:s4+s2] =	stream.indirect_vreg.scatter [tilespmem:s24], [sflag:$0x2], $0x80, v3, vm0, $0xb8;
	[tilespmem:$0x10100] =	vst v63  }
0x198: {  	v3 =	vld [tilespmem:$0x90];
	_ =	sdelay $0x4  }
0x199: {  	v53 =	vshll.u32 v3, $0x2  }
0x19a: {  	v3 =	vand.u32 $0x7, v3;
	v4 =	vand.u32 $0xFFFFFFE0, v53  }
0x19b: {  	v3 =	vor.u32 v3, v4  }
0x19c: {  	v4 =	vperm.xlane v3, v0;
	_ =	sdelay $0x1  }
0x19d: {  	v4 =	vadd.s32 v1, v4;
	_ =	sdelay $0x1  }
0x19e: {  	v3 =	vperm.xlane v3, v2;
	_ =	sdelay $0x1  }
0x19f: {  	v3 =	vadd.s32 v1, v3  }
0x1a0: {  	[hbm4b:s3+s2] =	stream.indirect_vreg.scatter [tilespmem:s6], [sflag:$0x2], $0x80, v4, vm0, $0xb8;
	[tilespmem:$0x10100] =	vst v63  }
0x1a1: {  	s24 =	simm.s32 $0xA900  }
0x1a2: {  	[hbm4b:s4+s2] =	stream.indirect_vreg.scatter [tilespmem:s24], [sflag:$0x2], $0x80, v4, vm0, $0xb8;
	[tilespmem:$0x10100] =	vst v63  }
0x1a3: {  	s26 =	simm.s32 $0xB100  }
0x1a4: {  	[hbm4b:s3+s2] =	stream.indirect_vreg.scatter [tilespmem:s26], [sflag:$0x2], $0x80, v3, vm0, $0xb8;
	[tilespmem:$0x10100] =	vst v63  }
0x1a5: {  	s26 =	simm.s32 $0xB900  }
0x1a6: {  	[hbm4b:s4+s2] =	stream.indirect_vreg.scatter [tilespmem:s26], [sflag:$0x2], $0x80, v3, vm0, $0xb8;
	[tilespmem:$0x10100] =	vst v63  }
0x1a7: {  	v3 =	vld [tilespmem:$0xA0];
	_ =	sdelay $0x4  }
0x1a8: {  	v54 =	vshll.u32 v3, $0x2  }
0x1a9: {  	v3 =	vand.u32 $0x7, v3;
	v4 =	vand.u32 $0xFFFFFFE0, v54  }
0x1aa: {  	v3 =	vor.u32 v3, v4  }
0x1ab: {  	v4 =	vperm.xlane v3, v0;
	_ =	sdelay $0x1  }
0x1ac: {  	v4 =	vadd.s32 v1, v4;
	_ =	sdelay $0x1  }
0x1ad: {  	v3 =	vperm.xlane v3, v2;
	_ =	sdelay $0x1  }
0x1ae: {  	s25 =	simm.s32 $0xC100;
	v3 =	vadd.s32 v1, v3  }
0x1af: {  	[hbm4b:s3+s2] =	stream.indirect_vreg.scatter [tilespmem:s25], [sflag:$0x2], $0x80, v4, vm0, $0xb8;
	[tilespmem:$0x10100] =	vst v63  }
0x1b0: {  	s28 =	simm.s32 $0xC900  }
0x1b1: {  	[hbm4b:s4+s2] =	stream.indirect_vreg.scatter [tilespmem:s28], [sflag:$0x2], $0x80, v4, vm0, $0xb8;
	[tilespmem:$0x10100] =	vst v63  }
0x1b2: {  	s29 =	simm.s32 $0xD100  }
0x1b3: {  	[hbm4b:s3+s2] =	stream.indirect_vreg.scatter [tilespmem:s29], [sflag:$0x2], $0x80, v3, vm0, $0xb8;
	[tilespmem:$0x10100] =	vst v63  }
0x1b4: {  	s29 =	simm.s32 $0xD900  }
0x1b5: {  	[hbm4b:s4+s2] =	stream.indirect_vreg.scatter [tilespmem:s29], [sflag:$0x2], $0x80, v3, vm0, $0xb8;
	[tilespmem:$0x10100] =	vst v63  }
0x1b6: {  	v3 =	vld [tilespmem:$0xB0];
	_ =	sdelay $0x4  }
0x1b7: {  	v55 =	vshll.u32 v3, $0x2  }
0x1b8: {  	v3 =	vand.u32 $0x7, v3;
	v4 =	vand.u32 $0xFFFFFFE0, v55  }
0x1b9: {  	v3 =	vor.u32 v3, v4  }
0x1ba: {  	v4 =	vperm.xlane v3, v0;
	_ =	sdelay $0x1  }
0x1bb: {  	v4 =	vadd.s32 v1, v4;
	_ =	sdelay $0x1  }
0x1bc: {  	v3 =	vperm.xlane v3, v2;
	_ =	sdelay $0x1  }
0x1bd: {  	s30 =	simm.s32 $0xE100;
	v3 =	vadd.s32 v1, v3  }
0x1be: {  	[hbm4b:s3+s2] =	stream.indirect_vreg.scatter [tilespmem:s30], [sflag:$0x2], $0x80, v4, vm0, $0xb8;
	[tilespmem:$0x10100] =	vst v63  }
0x1bf: {  	s22 =	simm.s32 $0xE900  }
0x1c0: {  	[hbm4b:s4+s2] =	stream.indirect_vreg.scatter [tilespmem:s22], [sflag:$0x2], $0x80, v4, vm0, $0xb8;
	[tilespmem:$0x10100] =	vst v63  }
0x1c1: {  	s22 =	simm.s32 $0xF100  }
0x1c2: {  	[hbm4b:s3+s2] =	stream.indirect_vreg.scatter [tilespmem:s22], [sflag:$0x2], $0x80, v3, vm0, $0xb8;
	[tilespmem:$0x10100] =	vst v63  }
0x1c3: {  	s17 =	simm.s32 $0xF900  }
0x1c4: {  	[hbm4b:s4+s2] =	stream.indirect_vreg.scatter [tilespmem:s17], [sflag:$0x2], $0x80, v3, vm0, $0xb8;
	[tilespmem:$0x10100] =	vst v63  }
0x1c5: {  	_ =	swait.ge [sflag:s15], $0x8000  }
0x1c6: {  	[sflag:s15] =	ssyncset.done $0x0  }
0x1c7: {  	s17 =	rddreg [dreg:$0xe];
	[sflag:s15] =	ssyncadd.s32 $0xFFFF8000  }
0x1c8: {  	[tilespmem:s31], [sflag:$0x3] =	stream.linear.gather [hbm4b:s17+s2], $0x8000, $0x38;
	[tilespmem:$0x10100] =	vst v63  }
0x1c9: {  	_ =	swait.ge [sflag:s7], $0x8000  }
0x1ca: {  	[sflag:s7] =	ssyncset.done $0x0  }
0x1cb: {  	s17 =	rddreg [dreg:$0xf];
	[sflag:s7] =	ssyncadd.s32 $0xFFFF8000  }
0x1cc: {  	[tilespmem:s2], [sflag:$0x3] =	stream.linear.gather [hbm4b:s17+s2], $0x40, $0x38;
	[tilespmem:$0x10100] =	vst v63  }
0x1cd: {  	_ =	swait.ge [sflag:s7], $0x40  }
0x1ce: {  	[sflag:s7] =	ssyncset.done $0x0  }
0x1cf: {  	[sflag:s7] =	ssyncadd.s32 $0xFFFFFFC0  }
0x1d0: {  	v3 =	vld [tilespmem:$0x0];
	_ =	sdelay $0x4  }
0x1d1: {  	v56 =	vshll.u32 v3, $0x2  }
0x1d2: {  	v3 =	vand.u32 $0x7, v3;
	v4 =	vand.u32 $0xFFFFFFE0, v56  }
0x1d3: {  	v3 =	vor.u32 v3, v4  }
0x1d4: {  	v4 =	vperm.xlane v3, v0;
	_ =	sdelay $0x1  }
0x1d5: {  	v4 =	vadd.s32 v1, v4;
	_ =	sdelay $0x1  }
0x1d6: {  	v3 =	vperm.xlane v3, v2;
	_ =	sdelay $0x1  }
0x1d7: {  	v3 =	vadd.s32 v1, v3  }
0x1d8: {  	[hbm4b:s3+s2] =	stream.indirect_vreg.scatter [tilespmem:s31], [sflag:$0x1], $0x80, v4, vm0, $0xb8;
	[tilespmem:$0x10100] =	vst v63  }
0x1d9: {  	s8 =	simm.s32 $0x900  }
0x1da: {  	[hbm4b:s4+s2] =	stream.indirect_vreg.scatter [tilespmem:s8], [sflag:$0x1], $0x80, v4, vm0, $0xb8;
	[tilespmem:$0x10100] =	vst v63  }
0x1db: {  	s9 =	simm.s32 $0x1100  }
0x1dc: {  	[hbm4b:s3+s2] =	stream.indirect_vreg.scatter [tilespmem:s9], [sflag:$0x1], $0x80, v3, vm0, $0xb8;
	[tilespmem:$0x10100] =	vst v63  }
0x1dd: {  	s9 =	simm.s32 $0x1900  }
0x1de: {  	[hbm4b:s4+s2] =	stream.indirect_vreg.scatter [tilespmem:s9], [sflag:$0x1], $0x80, v3, vm0, $0xb8;
	[tilespmem:$0x10100] =	vst v63  }
0x1df: {  	v3 =	vld [tilespmem:$0x10];
	_ =	sdelay $0x4  }
0x1e0: {  	v57 =	vshll.u32 v3, $0x2  }
0x1e1: {  	v3 =	vand.u32 $0x7, v3;
	v4 =	vand.u32 $0xFFFFFFE0, v57  }
0x1e2: {  	v3 =	vor.u32 v3, v4  }
0x1e3: {  	v4 =	vperm.xlane v3, v0;
	_ =	sdelay $0x1  }
0x1e4: {  	v4 =	vadd.s32 v1, v4;
	_ =	sdelay $0x1  }
0x1e5: {  	v3 =	vperm.xlane v3, v2;
	_ =	sdelay $0x1  }
0x1e6: {  	s10 =	simm.s32 $0x2100;
	v3 =	vadd.s32 v1, v3  }
0x1e7: {  	[hbm4b:s3+s2] =	stream.indirect_vreg.scatter [tilespmem:s10], [sflag:$0x1], $0x80, v4, vm0, $0xb8;
	[tilespmem:$0x10100] =	vst v63  }
0x1e8: {  	s11 =	simm.s32 $0x2900  }
0x1e9: {  	[hbm4b:s4+s2] =	stream.indirect_vreg.scatter [tilespmem:s11], [sflag:$0x1], $0x80, v4, vm0, $0xb8;
	[tilespmem:$0x10100] =	vst v63  }
0x1ea: {  	s12 =	simm.s32 $0x3100  }
0x1eb: {  	[hbm4b:s3+s2] =	stream.indirect_vreg.scatter [tilespmem:s12], [sflag:$0x1], $0x80, v3, vm0, $0xb8;
	[tilespmem:$0x10100] =	vst v63  }
0x1ec: {  	s10 =	simm.s32 $0x3900  }
0x1ed: {  	[hbm4b:s4+s2] =	stream.indirect_vreg.scatter [tilespmem:s10], [sflag:$0x1], $0x80, v3, vm0, $0xb8;
	[tilespmem:$0x10100] =	vst v63  }
0x1ee: {  	v3 =	vld [tilespmem:$0x20];
	_ =	sdelay $0x4  }
0x1ef: {  	v58 =	vshll.u32 v3, $0x2  }
0x1f0: {  	v3 =	vand.u32 $0x7, v3;
	v4 =	vand.u32 $0xFFFFFFE0, v58  }
0x1f1: {  	v3 =	vor.u32 v3, v4  }
0x1f2: {  	v4 =	vperm.xlane v3, v0;
	_ =	sdelay $0x1  }
0x1f3: {  	v4 =	vadd.s32 v1, v4;
	_ =	sdelay $0x1  }
0x1f4: {  	v3 =	vperm.xlane v3, v2;
	_ =	sdelay $0x1  }
0x1f5: {  	s11 =	simm.s32 $0x4100;
	v3 =	vadd.s32 v1, v3  }
0x1f6: {  	[hbm4b:s3+s2] =	stream.indirect_vreg.scatter [tilespmem:s11], [sflag:$0x1], $0x80, v4, vm0, $0xb8;
	[tilespmem:$0x10100] =	vst v63  }
0x1f7: {  	s19 =	simm.s32 $0x4900  }
0x1f8: {  	[hbm4b:s4+s2] =	stream.indirect_vreg.scatter [tilespmem:s19], [sflag:$0x1], $0x80, v4, vm0, $0xb8;
	[tilespmem:$0x10100] =	vst v63  }
0x1f9: {  	s14 =	simm.s32 $0x5100  }
0x1fa: {  	[hbm4b:s3+s2] =	stream.indirect_vreg.scatter [tilespmem:s14], [sflag:$0x1], $0x80, v3, vm0, $0xb8;
	[tilespmem:$0x10100] =	vst v63  }
0x1fb: {  	s12 =	simm.s32 $0x5900  }
0x1fc: {  	[hbm4b:s4+s2] =	stream.indirect_vreg.scatter [tilespmem:s12], [sflag:$0x1], $0x80, v3, vm0, $0xb8;
	[tilespmem:$0x10100] =	vst v63  }
0x1fd: {  	v3 =	vld [tilespmem:$0x30];
	_ =	sdelay $0x4  }
0x1fe: {  	v59 =	vshll.u32 v3, $0x2  }
0x1ff: {  	v3 =	vand.u32 $0x7, v3;
	v4 =	vand.u32 $0xFFFFFFE0, v59  }
0x200: {  	v3 =	vor.u32 v3, v4  }
0x201: {  	v4 =	vperm.xlane v3, v0;
	_ =	sdelay $0x1  }
0x202: {  	v4 =	vadd.s32 v1, v4;
	_ =	sdelay $0x1  }
0x203: {  	v3 =	vperm.xlane v3, v2;
	_ =	sdelay $0x1  }
0x204: {  	s18 =	simm.s32 $0x6100;
	v3 =	vadd.s32 v1, v3  }
0x205: {  	[hbm4b:s3+s2] =	stream.indirect_vreg.scatter [tilespmem:s18], [sflag:$0x1], $0x80, v4, vm0, $0xb8;
	[tilespmem:$0x10100] =	vst v63  }
0x206: {  	s13 =	simm.s32 $0x6900  }
0x207: {  	[hbm4b:s4+s2] =	stream.indirect_vreg.scatter [tilespmem:s13], [sflag:$0x1], $0x80, v4, vm0, $0xb8;
	[tilespmem:$0x10100] =	vst v63  }
0x208: {  	s20 =	simm.s32 $0x7100  }
0x209: {  	[hbm4b:s3+s2] =	stream.indirect_vreg.scatter [tilespmem:s20], [sflag:$0x1], $0x80, v3, vm0, $0xb8;
	[tilespmem:$0x10100] =	vst v63  }
0x20a: {  	s21 =	simm.s32 $0x7900  }
0x20b: {  	[hbm4b:s4+s2] =	stream.indirect_vreg.scatter [tilespmem:s21], [sflag:$0x1], $0x80, v3, vm0, $0xb8;
	[tilespmem:$0x10100] =	vst v63  }
0x20c: {  	_ =	swait.ge [sflag:s16], $0x8000  }
0x20d: {  	[sflag:s16] =	ssyncset.done $0x0  }
0x20e: {  	s14 =	rddreg [dreg:$0x10];
	[sflag:s16] =	ssyncadd.s32 $0xFFFF8000  }
0x20f: {  	[tilespmem:s23], [sflag:$0x3] =	stream.linear.gather [hbm4b:s14+s2], $0x8000, $0x38;
	[tilespmem:$0x10100] =	vst v63  }
0x210: {  	_ =	swait.ge [sflag:s7], $0x8000  }
0x211: {  	[sflag:s7] =	ssyncset.done $0x0  }
0x212: {  	s19 =	simm.s32 $0x80;
	s18 =	rddreg [dreg:$0x11];
	[sflag:s7] =	ssyncadd.s32 $0xFFFF8000  }
0x213: {  	[tilespmem:s19], [sflag:$0x3] =	stream.linear.gather [hbm4b:s18+s2], $0x40, $0x38;
	[tilespmem:$0x10100] =	vst v63  }
0x214: {  	_ =	swait.ge [sflag:s7], $0x40  }
0x215: {  	[sflag:s7] =	ssyncset.done $0x0  }
0x216: {  	[sflag:s7] =	ssyncadd.s32 $0xFFFFFFC0  }
0x217: {  	v3 =	vld [tilespmem:$0x80];
	_ =	sdelay $0x4  }
0x218: {  	v60 =	vshll.u32 v3, $0x2  }
0x219: {  	v3 =	vand.u32 $0x7, v3;
	v4 =	vand.u32 $0xFFFFFFE0, v60  }
0x21a: {  	v3 =	vor.u32 v3, v4  }
0x21b: {  	v4 =	vperm.xlane v3, v0;
	_ =	sdelay $0x1  }
0x21c: {  	v4 =	vadd.s32 v1, v4;
	_ =	sdelay $0x1  }
0x21d: {  	v3 =	vperm.xlane v3, v2;
	_ =	sdelay $0x1  }
0x21e: {  	v3 =	vadd.s32 v1, v3  }
0x21f: {  	[hbm4b:s3+s2] =	stream.indirect_vreg.scatter [tilespmem:s23], [sflag:$0x2], $0x80, v4, vm0, $0xb8;
	[tilespmem:$0x10100] =	vst v63  }
0x220: {  	s0 =	simm.s32 $0x8900  }
0x221: {  	[hbm4b:s4+s2] =	stream.indirect_vreg.scatter [tilespmem:s0], [sflag:$0x2], $0x80, v4, vm0, $0xb8;
	[tilespmem:$0x10100] =	vst v63  }
0x222: {  	s1 =	simm.s32 $0x9100  }
0x223: {  	[hbm4b:s3+s2] =	stream.indirect_vreg.scatter [tilespmem:s1], [sflag:$0x2], $0x80, v3, vm0, $0xb8;
	[tilespmem:$0x10100] =	vst v63  }
0x224: {  	s20 =	simm.s32 $0x9900  }
0x225: {  	[hbm4b:s4+s2] =	stream.indirect_vreg.scatter [tilespmem:s20], [sflag:$0x2], $0x80, v3, vm0, $0xb8;
	[tilespmem:$0x10100] =	vst v63  }
0x226: {  	v3 =	vld [tilespmem:$0x90];
	_ =	sdelay $0x4  }
0x227: {  	v61 =	vshll.u32 v3, $0x2  }
0x228: {  	v3 =	vand.u32 $0x7, v3;
	v4 =	vand.u32 $0xFFFFFFE0, v61  }
0x229: {  	v3 =	vor.u32 v3, v4  }
0x22a: {  	v4 =	vperm.xlane v3, v0;
	_ =	sdelay $0x1  }
0x22b: {  	v4 =	vadd.s32 v1, v4;
	_ =	sdelay $0x1  }
0x22c: {  	v3 =	vperm.xlane v3, v2;
	_ =	sdelay $0x1  }
0x22d: {  	s6 =	simm.s32 $0xA100;
	v3 =	vadd.s32 v1, v3  }
0x22e: {  	[hbm4b:s3+s2] =	stream.indirect_vreg.scatter [tilespmem:s6], [sflag:$0x2], $0x80, v4, vm0, $0xb8;
	[tilespmem:$0x10100] =	vst v63  }
0x22f: {  	s21 =	simm.s32 $0xA900  }
0x230: {  	[hbm4b:s4+s2] =	stream.indirect_vreg.scatter [tilespmem:s21], [sflag:$0x2], $0x80, v4, vm0, $0xb8;
	[tilespmem:$0x10100] =	vst v63  }
0x231: {  	s24 =	simm.s32 $0xB100  }
0x232: {  	[hbm4b:s3+s2] =	stream.indirect_vreg.scatter [tilespmem:s24], [sflag:$0x2], $0x80, v3, vm0, $0xb8;
	[tilespmem:$0x10100] =	vst v63  }
0x233: {  	s24 =	simm.s32 $0xB900  }
0x234: {  	[hbm4b:s4+s2] =	stream.indirect_vreg.scatter [tilespmem:s24], [sflag:$0x2], $0x80, v3, vm0, $0xb8;
	[tilespmem:$0x10100] =	vst v63  }
0x235: {  	v3 =	vld [tilespmem:$0xA0];
	_ =	sdelay $0x4  }
0x236: {  	v62 =	vshll.u32 v3, $0x2  }
0x237: {  	v3 =	vand.u32 $0x7, v3;
	v4 =	vand.u32 $0xFFFFFFE0, v62  }
0x238: {  	v3 =	vor.u32 v3, v4  }
0x239: {  	v4 =	vperm.xlane v3, v0;
	_ =	sdelay $0x1  }
0x23a: {  	v4 =	vadd.s32 v1, v4;
	_ =	sdelay $0x1  }
0x23b: {  	v3 =	vperm.xlane v3, v2;
	_ =	sdelay $0x1  }
0x23c: {  	s26 =	simm.s32 $0xC100;
	v3 =	vadd.s32 v1, v3  }
0x23d: {  	[hbm4b:s3+s2] =	stream.indirect_vreg.scatter [tilespmem:s26], [sflag:$0x2], $0x80, v4, vm0, $0xb8;
	[tilespmem:$0x10100] =	vst v63  }
0x23e: {  	s25 =	simm.s32 $0xC900  }
0x23f: {  	[hbm4b:s4+s2] =	stream.indirect_vreg.scatter [tilespmem:s25], [sflag:$0x2], $0x80, v4, vm0, $0xb8;
	[tilespmem:$0x10100] =	vst v63  }
0x240: {  	s28 =	simm.s32 $0xD100  }
0x241: {  	[hbm4b:s3+s2] =	stream.indirect_vreg.scatter [tilespmem:s28], [sflag:$0x2], $0x80, v3, vm0, $0xb8;
	[tilespmem:$0x10100] =	vst v63  }
0x242: {  	s28 =	simm.s32 $0xD900  }
0x243: {  	[hbm4b:s4+s2] =	stream.indirect_vreg.scatter [tilespmem:s28], [sflag:$0x2], $0x80, v3, vm0, $0xb8;
	[tilespmem:$0x10100] =	vst v63  }
0x244: {  	v3 =	vld [tilespmem:$0xB0];
	_ =	sdelay $0x4  }
0x245: {  	v63 =	vshll.u32 v3, $0x2  }
0x246: {  	v3 =	vand.u32 $0x7, v3;
	v4 =	vand.u32 $0xFFFFFFE0, v63  }
0x247: {  	v3 =	vor.u32 v3, v4  }
0x248: {  	v4 =	vperm.xlane v3, v0;
	_ =	sdelay $0x1  }
0x249: {  	v4 =	vadd.s32 v1, v4;
	_ =	sdelay $0x1  }
0x24a: {  	v3 =	vperm.xlane v3, v2;
	_ =	sdelay $0x1  }
0x24b: {  	s30 =	simm.s32 $0xE100;
	v3 =	vadd.s32 v1, v3  }
0x24c: {  	[hbm4b:s3+s2] =	stream.indirect_vreg.scatter [tilespmem:s30], [sflag:$0x2], $0x80, v4, vm0, $0xb8;
	[tilespmem:$0x10100] =	vst v63  }
0x24d: {  	s29 =	simm.s32 $0xE900  }
0x24e: {  	[hbm4b:s4+s2] =	stream.indirect_vreg.scatter [tilespmem:s29], [sflag:$0x2], $0x80, v4, vm0, $0xb8;
	[tilespmem:$0x10100] =	vst v63  }
0x24f: {  	s22 =	simm.s32 $0xF100  }
0x250: {  	[hbm4b:s3+s2] =	stream.indirect_vreg.scatter [tilespmem:s22], [sflag:$0x2], $0x80, v3, vm0, $0xb8;
	[tilespmem:$0x10100] =	vst v63  }
0x251: {  	s30 =	simm.s32 $0xF900  }
0x252: {  	[hbm4b:s4+s2] =	stream.indirect_vreg.scatter [tilespmem:s30], [sflag:$0x2], $0x80, v3, vm0, $0xb8;
	[tilespmem:$0x10100] =	vst v63  }
0x253: {  	p0 =	sne.s32 s5, $0x1;
	_ =	swait.ge [sflag:s16], $0x8000  }
.Ltmp0:
0x254: {  	[sflag:s16] =	ssyncset.done $0x0;
	(pc) =	sbr.rel @p0 .LBB2_1-.Ltmp0, $4  }
0x255: {  	[sflag:s16] =	ssyncadd.s32 $0xFFFF8000  }
0x256: {  	_ =	swait.ge [sflag:s15], $0x8000  }
0x257: {  	[sflag:s15] =	ssyncset.done $0x0  }
0x258: {  	s5 =	sadd.s32 $0xFFFFFFFF, s5;
	[sflag:s15] =	ssyncadd.s32 $0xFFFF8000  }
0x259: {  	_ =	sfence.sel $0x180000  }
0x25a: {  	[bflag:$0x0] =	sbarrier.arrive $0xFFFF  }
0x25b: {  	_ =	strace $0x90000047  }
0x25c: {  	s0 =	stileid.u32;
	[bflag:$0x2] =	sbarrier.arrive $0xFFFF  }
0x25d: {  	p0 =	sne.s32 s0, $0x0;
	s0 =	rddreg [dreg:$0x1]  }
0x25e: {  	s0 =	sadd.s32 @!p0 $0x100000, s0  }
0x25f: {  	[sflag:s0] =	ssyncadd.tile.s32 @!p0 $0x1;
	_ =	shalt  }
.Lfunc_end2:
_tile_overlayer_lowered:
.L_overlay_start_2:
0x260: {  	(tag) =	ssettag $0x2  }
0x261: {  	s0 =	rddreg [dreg:$0x0];
	s2 =	stileid.u32  }
0x262: {  	s1 =	rddreg [dreg:$0x1];
	p0 =	sne.s32 s2, $0x0  }
0x263: {  	s3 =	rddreg [dreg:$0x2];
	[bflag:$0x3] =	sbarrier.arrive $0xFFFF;
	s2 =	simm.s32 @!p0 $0x1C03  }
0x264: {  	[timem:s3], [sflag:s2] =	dma.local @!p0 [hbm:s0], s1  }
0x265: {  	s0 =	simm.s32 @!p0 $0x3  }
0x266: {  	_ =	swait.ge @!p0 [sflag:s0], s1  }
0x267: {  	s1 =	ssub.s32 @!p0 $0x0, s1;
	[sflag:s0] =	ssyncset.done @!p0 $0x0  }
0x268: {  	[sflag:s0] =	ssyncadd.s32 @!p0 s1  }
0x269: {  	[bflag:$0x3] =	sbarrier.arrive $0xFFFF  }
0x26a: {  	_ =	shalt  }

</sc_bundles>
